<compile_context>
chip_gen: v7x
topology: tpu7x:2x2x1
jax: 0.10.2.dev20260603
libtpu: 0.0.44.dev20260713+nightly
codegen_flags: <defaults>
</compile_context>

<pallas_src>
import math

import jax
import jax.numpy as jnp
from jax import lax
from jax.experimental import pallas as pl
from jax.experimental.pallas import tpu as pltpu
from jax.experimental.pallas import tpu_sc as plsc

_T = 10.0
_NUM = 10
_ALPHA = 0.05
_N = 2048
_F = 384
_K = 64
_BLK = 512
_KPAD = 16
_SCALE = math.sqrt(_T / _N)


def _topk_body(hf_ref, hfall_ref, m1_ref, psi_ref,
               vals_ref, idx_ref, g12_ref, rs_scr, t_scr):
    i = pl.program_id(0)
    ng = pl.num_programs(0)
    hfb = hf_ref[...]
    hfall = hfall_ref[...]
    rss = jnp.sum(hfb * hfb, axis=1, keepdims=True)
    rnb = 1.0 / jnp.maximum(jnp.sqrt(rss), 1e-12)
    hfnb = hfb * rnb
    css = jnp.sum(hfall * hfall, axis=1, keepdims=True)
    rnc = 1.0 / jnp.maximum(jnp.sqrt(css), 1e-12)
    hfnall = hfall * rnc
    s = lax.dot_general(hfnb, hfnall, (((1,), (1,)), ((), ())),
                        preferred_element_type=jnp.float32)
    col = lax.broadcasted_iota(jnp.int32, (_BLK, _N), 1)
    rowg = lax.broadcasted_iota(jnp.int32, (_BLK, _N), 0) + i * _BLK
    s = jnp.maximum(s, 0.0)
    s = jnp.where(col == rowg, 0.0, s)
    sorig = s
    colk = 0x7FF - col
    vlist = []
    ilist = []
    for _ in range(_NUM):
        m = jnp.max(s, axis=1, keepdims=True)
        amk = jnp.max(jnp.where(s == m, colk, -1), axis=1, keepdims=True)
        vlist.append(m)
        ilist.append(0x7FF - amk)
        s = jnp.where(colk == amk, -1.0, s)
    selval = jnp.where(s == -1.0, sorig, 0.0)
    dn0 = (((0,), (0,)), ((), ()))
    tcol = lax.dot_general(selval, jnp.ones((_BLK, 1), jnp.float32), dn0,
                           preferred_element_type=jnp.float32)
    selfcol = lax.broadcasted_iota(jnp.int32, (_BLK, 1), 0) + i * _BLK
    vlist.append(jnp.zeros((_BLK, _KPAD - _NUM), jnp.float32))
    ilist.extend([selfcol] * (_KPAD - _NUM))
    vals16 = jnp.concatenate(vlist, axis=1)
    vals_ref[...] = vals16
    idx_ref[...] = jnp.concatenate(ilist, axis=1)
    rs_scr[pl.ds(i * _BLK, _BLK), :] = jnp.sum(vals16, axis=1, keepdims=True)

    @pl.when(i == 0)
    def _():
        t_scr[...] = tcol

    @pl.when(i > 0)
    def _():
        t_scr[...] = t_scr[...] + tcol

    @pl.when(i == ng - 1)
    def _():
        d = 0.5 * (rs_scr[...] + t_scr[...])
        dv = 1.0 / jnp.sqrt(d)
        a1 = _SCALE * m1_ref[...] * dv
        a2 = _SCALE * dv - a1
        psi = psi_ref[...]
        g12_ref[...] = jnp.concatenate([psi * a1, psi * a2], axis=1)


def _topk(hf, m1, psi):
    grid = _N // _BLK
    return pl.pallas_call(
        _topk_body,
        grid=(grid,),
        in_specs=[
            pl.BlockSpec((_BLK, _F), lambda i: (i, 0)),
            pl.BlockSpec((_N, _F), lambda i: (0, 0)),
            pl.BlockSpec((_N, 1), lambda i: (0, 0)),
            pl.BlockSpec((_N, _K), lambda i: (0, 0)),
        ],
        out_specs=[
            pl.BlockSpec((_BLK, _KPAD), lambda i: (i, 0)),
            pl.BlockSpec((_BLK, _KPAD), lambda i: (i, 0)),
            pl.BlockSpec((_N, 2 * _K), lambda i: (0, 0)),
        ],
        out_shape=[
            jax.ShapeDtypeStruct((_N, _KPAD), jnp.float32),
            jax.ShapeDtypeStruct((_N, _KPAD), jnp.int32),
            jax.ShapeDtypeStruct((_N, 2 * _K), jnp.float32),
        ],
        scratch_shapes=[
            pltpu.VMEM((_N, 1), jnp.float32),
            pltpu.VMEM((_N, 1), jnp.float32),
        ],
        interpret=False,
    )(hf, hf, m1, psi)


def _sc_body(vals_hbm, idxf_hbm, g12_hbm, z1_hbm, z2_hbm,
             valsb, idxcb, gbuf, z1b, z2b, *sems):
    cid = lax.axis_index("c")
    sid = lax.axis_index("s")
    wid = cid * 16 + sid
    base = wid * 64

    pltpu.sync_copy(vals_hbm.at[pl.ds(base, 64)], valsb)
    pltpu.sync_copy(idxf_hbm.at[wid], idxcb)

    copies = [
        pltpu.async_copy(g12_hbm.at[idxcb.at[c]],
                         gbuf.at[pl.ds(c * 128, 128)], sems[c])
        for c in range(5)
    ]

    def s4(r, carry):
        v16 = valsb[r]
        acc = [jnp.zeros((16,), jnp.float32) for _ in range(8)]
        for j in range(_NUM):
            w = v16[j]
            e = r * _NUM + j
            for jj in range(8):
                acc[jj] = acc[jj] + w * gbuf[e, pl.ds(jj * 16, 16)]
        for jj in range(4):
            z1b[r, pl.ds(jj * 16, 16)] = acc[jj]
            z2b[r, pl.ds(jj * 16, 16)] = acc[jj + 4]
        return carry

    bounds = [0, 12, 25, 38, 51, 64]
    for c in range(5):
        copies[c].wait()
        lax.fori_loop(bounds[c], bounds[c + 1], s4, 0)
    pltpu.sync_copy(z1b, z1_hbm.at[pl.ds(base, 64)])
    pltpu.sync_copy(z2b, z2_hbm.at[pl.ds(base, 64)])


def _sparse_sc(vals, idxf, g12):
    mesh = plsc.VectorSubcoreMesh(core_axis_name="c", subcore_axis_name="s")
    f32 = jnp.float32
    kern = pl.kernel(
        _sc_body,
        out_type=[
            jax.ShapeDtypeStruct((_N, _K), f32),
            jax.ShapeDtypeStruct((_N, _K), f32),
        ],
        mesh=mesh,
        scratch_types=[
            pltpu.VMEM((64, 16), f32),
            pltpu.VMEM((5, 128), jnp.int32),
            pltpu.VMEM((640, 128), f32),
            pltpu.VMEM((64, 64), f32),
            pltpu.VMEM((64, 64), f32),
            pltpu.SemaphoreType.DMA,
            pltpu.SemaphoreType.DMA,
            pltpu.SemaphoreType.DMA,
            pltpu.SemaphoreType.DMA,
            pltpu.SemaphoreType.DMA,
        ],
        interpret=False,
    )
    return kern(vals, idxf, g12)


def _finish_body(g12_ref, z1_ref, z2_ref, out_ref):
    g12 = g12_ref[...]
    g1 = g12[:, :_K]
    g2 = g12[:, _K:]
    z1 = z1_ref[...]
    z2 = z2_ref[...]
    dn = (((0,), (0,)), ((), ()))
    u = lax.dot_general(g1, z2, dn, preferred_element_type=jnp.float32,
                        precision=lax.Precision.HIGHEST)
    v = lax.dot_general(g2, z1, dn, preferred_element_type=jnp.float32,
                        precision=lax.Precision.HIGHEST)
    r = 0.5 * (u + v.T)
    ii = lax.broadcasted_iota(jnp.int32, (_K, _K), 0)
    jj = lax.broadcasted_iota(jnp.int32, (_K, _K), 1)
    diag = jnp.where(ii == jj, r, 0.0)
    tr = jnp.sum(diag)
    total = jnp.sum(r * r)
    dd = jnp.sum(diag * diag)
    loss = -tr / float(_K)
    reg = (total - dd) / float(_K) / 2.0 * _ALPHA
    colo = lax.broadcasted_iota(jnp.int32, (1, 2), 1)
    out_ref[...] = jnp.where(colo == 0, loss, reg)


def _finish(g12, z1, z2):
    return pl.pallas_call(
        _finish_body,
        out_shape=jax.ShapeDtypeStruct((1, 2), jnp.float32),
        interpret=False,
    )(g12, z1, z2)


def kernel(lowlevel_feature, midlevel_feature, highlevel_feature, Psi, im):
    hf = highlevel_feature.reshape(-1, highlevel_feature.shape[-1])
    perm = jax.random.permutation(jax.random.key(1), _N)
    m1 = jnp.zeros((_N,), jnp.float32).at[perm[: _N // 2]].set(1.0)
    psi = Psi.reshape(-1, _K)

    vals, idx, g12 = _topk(hf, m1.reshape(_N, 1), psi)

    idxf = idx[:, :_NUM].reshape(32, 5, 128)
    z1, z2 = _sparse_sc(vals, idxf, g12)
    out = _finish(g12, z1, z2)
    return out.reshape(2)

# --- scband reference (transcript-rebuilt; emitter-appended) ---
"""Pipeline reference for scband-segmenter-87299505258749 (READ-ONLY COPY).

The authoritative reference and input builder live on the scoring server;
editing this copy changes nothing except your own understanding.
"""

import jax, jax.numpy as jnp
import numpy as np
import math
from jax.scipy.linalg import block_diag

T = 10.0
NUM = 10
W_HIGH = 1.0
W_MID = 0.05
NUM2 = 2
NUM3 = 1
DIV = 16.0
ALPHA = 0.05


def _build_grams(highlevel_feature, im):
    hf = highlevel_feature.reshape(-1, highlevel_feature.shape[-1])
    nrm = jnp.linalg.norm(hf, axis=-1, keepdims=True)
    hf = hf / jnp.maximum(nrm, 1e-12)
    A = hf @ hf.T
    N = A.shape[0]
    di = jnp.arange(N)
    A = A.at[di, di].set(-jnp.inf)
    A = jnp.clip(A, 0.0, None)
    vals, idx = jax.lax.top_k(A, NUM)
    res = jnp.zeros_like(A).at[di[:, None], idx].set(vals)
    A = (res + res.T) / 2.0
    im2 = (im + 1.0) / 2.0
    bs, c, h, w = im.shape
    m = h * w
    x_ = jnp.broadcast_to(jnp.tile(jnp.linspace(0.0, 1.0, w), h).reshape(1, -1, 1), (bs, m, 1))
    y_ = jnp.broadcast_to(jnp.repeat(jnp.linspace(0.0, 1.0, h), w).reshape(1, -1, 1), (bs, m, 1))
    imf = im2.reshape(bs, c, m).transpose(0, 2, 1) / DIV
    A_p = None
    for k, dw in zip([NUM2, NUM3], [2.0, 0.1]):
        if k == 0:
            continue
        f2 = jnp.concatenate([imf, x_ * dw, y_ * dw], -1)
        d = jnp.sqrt(jnp.maximum(jnp.sum((f2[:, :, None, :] - f2[:, None, :, :]) ** 2, -1), 0.0))
        euc = -d
        dj = jnp.arange(m)
        euc = euc.at[:, dj, dj].set(-jnp.inf)
        _, ki = jax.lax.top_k(euc, k)
        bi = jnp.arange(bs)[:, None, None]
        ri = jnp.arange(m)[None, :, None]
        resb = jnp.zeros((bs, m, m), dtype=bool).at[bi, ri, ki].set(True)
        sym = jnp.logical_or(resb, jnp.transpose(resb, (0, 2, 1)))
        A_p = sym if A_p is None else jnp.logical_or(A_p, sym)
    A2 = block_diag(*[A_p[i].astype(jnp.float32) for i in range(bs)])
    D = 1.0 / jnp.sqrt(A.sum(-1))
    gram = A * D.reshape(1, -1) * D.reshape(-1, 1)
    D2 = 1.0 / jnp.sqrt(A2.sum(-1))
    gram2 = A2 * D2.reshape(1, -1) * D2.reshape(-1, 1)
    return gram, gram2


def setup_inputs(seed: int = 0) -> dict:
    key = jax.random.key(seed)
    k1, k2, k3, k4, k5 = jax.random.split(key, 5)
    return {
        "lowlevel_feature": jax.random.normal(k1, (2, 1024, 384), dtype=jnp.float32),
        "midlevel_feature": jax.random.normal(k2, (2, 1024, 384), dtype=jnp.float32),
        "highlevel_feature": jax.random.normal(k3, (2, 1024, 384), dtype=jnp.float32),
        "Psi": jax.random.normal(k4, (2, 1024, 64), dtype=jnp.float32),
        "im": jax.random.uniform(k5, (2, 3, 32, 32), dtype=jnp.float32) * 2.0 - 1.0,
    }


def reference(lowlevel_feature, midlevel_feature, highlevel_feature, Psi, im):
    Psi = Psi.reshape(-1, Psi.shape[-1])
    Psi = Psi * math.sqrt(T / Psi.shape[0])
    gram, gram2 = _build_grams(highlevel_feature, im)
    N = Psi.shape[0]
    perm = jax.random.permutation(jax.random.key(1), N)
    idx1 = perm[: N // 2]
    idx2 = perm[N // 2 :]
    Psi1 = Psi[idx1]
    Psi2 = Psi[idx2]
    gm = gram[idx1][:, idx2]
    R = Psi1.T @ gm @ Psi2
    R_hat1 = jax.lax.stop_gradient(Psi1).T @ gm @ Psi2
    R_hat2 = jax.lax.stop_gradient(Psi2).T @ gm.T @ Psi1
    loss = -jnp.trace(R) / Psi1.shape[1]
    reg = (jnp.sum(jnp.triu(R_hat1 ** 2, 1)) + jnp.sum(jnp.triu(R_hat2 ** 2, 1))) / Psi1.shape[1] / 2.0
    return jnp.stack([loss, reg * ALPHA])

if __name__ == "__main__":
    import jax
    _d = setup_inputs()
    print(jax.jit(kernel)(*tuple(_d.values())))

</pallas_src>

<mosaic_0001>
#map = affine_map<(d0, d1) -> (0, 0)>
#map1 = affine_map<(d0, d1) -> (0, 0, 0)>
module attributes {stable_mosaic.version = 14 : i64} {
  func.func @_sc_body(%arg0: i32, %arg1: i32, %arg2: memref<2048x16xf32, #tpu.memory_space<hbm>>, %arg3: memref<32x5x128xi32, #tpu.memory_space<hbm>>, %arg4: memref<2048x128xf32, #tpu.memory_space<hbm>>, %arg5: memref<2048x64xf32, #tpu.memory_space<hbm>>, %arg6: memref<2048x64xf32, #tpu.memory_space<hbm>>, %arg7: memref<64x16xf32, #tpu.memory_space<vmem>>, %arg8: memref<5x128xi32, #tpu.memory_space<vmem>>, %arg9: memref<640x128xf32, #tpu.memory_space<vmem>>, %arg10: memref<64x64xf32, #tpu.memory_space<vmem>>, %arg11: memref<64x64xf32, #tpu.memory_space<vmem>>, %arg12: memref<!tpu.dma_semaphore, #tpu.memory_space<semaphore_mem>>, %arg13: memref<!tpu.dma_semaphore, #tpu.memory_space<semaphore_mem>>, %arg14: memref<!tpu.dma_semaphore, #tpu.memory_space<semaphore_mem>>, %arg15: memref<!tpu.dma_semaphore, #tpu.memory_space<semaphore_mem>>, %arg16: memref<!tpu.dma_semaphore, #tpu.memory_space<semaphore_mem>>) attributes {dimension_semantics = [#tpu.dimension_semantics<core_parallel>, #tpu.dimension_semantics<subcore_parallel>], iteration_bounds = array<i64: 2, 16>, scalar_prefetch = 0 : i64, scratch_operands = 10 : i64, tpu.core_type = #tpu.core_type<sc_vector_subcore>, window_params = [{transform_indices = #map}, {transform_indices = #map1}, {transform_indices = #map}, {transform_indices = #map}, {transform_indices = #map}]} {
    %mul3A = arith.constant 16 : i32
    %mul3A_0 = arith.muli %arg0, %mul3A : i32
    %add3A = arith.addi %mul3A_0, %arg1 : i32
    %mul3A_1 = arith.constant 64 : i32
    %mul3A_2 = arith.muli %add3A, %mul3A_1 : i32
    "tpu.region"() ({
      %run_scoped3A = tpu.sem_alloc : memref<!tpu.dma_semaphore, #tpu.memory_space<semaphore_mem>>
      %dma_start3A_130 = arith.constant 0 : i32
      %dma_start3A_131 = tpu.memref_slice %arg2[%mul3A_2, %dma_start3A_130] : memref<2048x16xf32, #tpu.memory_space<hbm>> -> memref<64x16xf32, #tpu.memory_space<hbm>>
      %dma_start3A_132 = arith.constant 0 : i32
      %dma_start3A_133 = tpu.memref_slice %arg2[%mul3A_2, %dma_start3A_132] : memref<2048x16xf32, #tpu.memory_space<hbm>> -> memref<64x16xf32, #tpu.memory_space<hbm>>
      tpu.enqueue_dma source(%dma_start3A_133 : memref<64x16xf32, #tpu.memory_space<hbm>>) target(%arg7 : memref<64x16xf32, #tpu.memory_space<vmem>>) target_semaphore(%run_scoped3A : memref<!tpu.dma_semaphore, #tpu.memory_space<semaphore_mem>>)
      %dma_wait3A_134 = arith.constant 0 : i32
      %dma_wait3A_135 = tpu.memref_slice %arg2[%mul3A_2, %dma_wait3A_134] : memref<2048x16xf32, #tpu.memory_space<hbm>> -> memref<64x16xf32, #tpu.memory_space<hbm>>
      %dma_wait3A_136 = arith.constant 0 : i32
      %dma_wait3A_137 = tpu.memref_slice %arg2[%mul3A_2, %dma_wait3A_136] : memref<2048x16xf32, #tpu.memory_space<hbm>> -> memref<64x16xf32, #tpu.memory_space<hbm>>
      tpu.wait_dma2 semaphore(%run_scoped3A : memref<!tpu.dma_semaphore, #tpu.memory_space<semaphore_mem>>) src(%dma_wait3A_137 : memref<64x16xf32, #tpu.memory_space<hbm>>) dst(%arg7 : memref<64x16xf32, #tpu.memory_space<vmem>>)
      tpu.yield
    }) : () -> ()
    "tpu.region"() ({
      %run_scoped3A = tpu.sem_alloc : memref<!tpu.dma_semaphore, #tpu.memory_space<semaphore_mem>>
      %dma_start3A_130 = arith.constant 0 : i32
      %dma_start3A_131 = arith.constant 0 : i32
      %dma_start3A_132 = tpu.memref_slice %arg3[%add3A, %dma_start3A_130, %dma_start3A_131] : memref<32x5x128xi32, #tpu.memory_space<hbm>> -> memref<1x5x128xi32, #tpu.memory_space<hbm>>
      %dma_start3A_133 = tpu.memref_squeeze %dma_start3A_132 : memref<1x5x128xi32, #tpu.memory_space<hbm>> -> memref<5x128xi32, #tpu.memory_space<hbm>>
      %dma_start3A_134 = arith.constant 0 : i32
      %dma_start3A_135 = arith.constant 0 : i32
      %dma_start3A_136 = tpu.memref_slice %arg3[%add3A, %dma_start3A_134, %dma_start3A_135] : memref<32x5x128xi32, #tpu.memory_space<hbm>> -> memref<1x5x128xi32, #tpu.memory_space<hbm>>
      %dma_start3A_137 = tpu.memref_squeeze %dma_start3A_136 : memref<1x5x128xi32, #tpu.memory_space<hbm>> -> memref<5x128xi32, #tpu.memory_space<hbm>>
      tpu.enqueue_dma source(%dma_start3A_137 : memref<5x128xi32, #tpu.memory_space<hbm>>) target(%arg8 : memref<5x128xi32, #tpu.memory_space<vmem>>) target_semaphore(%run_scoped3A : memref<!tpu.dma_semaphore, #tpu.memory_space<semaphore_mem>>)
      %dma_wait3A_138 = arith.constant 0 : i32
      %dma_wait3A_139 = arith.constant 0 : i32
      %dma_wait3A_140 = tpu.memref_slice %arg3[%add3A, %dma_wait3A_138, %dma_wait3A_139] : memref<32x5x128xi32, #tpu.memory_space<hbm>> -> memref<1x5x128xi32, #tpu.memory_space<hbm>>
      %dma_wait3A_141 = tpu.memref_squeeze %dma_wait3A_140 : memref<1x5x128xi32, #tpu.memory_space<hbm>> -> memref<5x128xi32, #tpu.memory_space<hbm>>
      %dma_wait3A_142 = arith.constant 0 : i32
      %dma_wait3A_143 = arith.constant 0 : i32
      %dma_wait3A_144 = tpu.memref_slice %arg3[%add3A, %dma_wait3A_142, %dma_wait3A_143] : memref<32x5x128xi32, #tpu.memory_space<hbm>> -> memref<1x5x128xi32, #tpu.memory_space<hbm>>
      %dma_wait3A_145 = tpu.memref_squeeze %dma_wait3A_144 : memref<1x5x128xi32, #tpu.memory_space<hbm>> -> memref<5x128xi32, #tpu.memory_space<hbm>>
      tpu.wait_dma2 semaphore(%run_scoped3A : memref<!tpu.dma_semaphore, #tpu.memory_space<semaphore_mem>>) src(%dma_wait3A_145 : memref<5x128xi32, #tpu.memory_space<hbm>>) dst(%arg8 : memref<5x128xi32, #tpu.memory_space<vmem>>)
      tpu.yield
    }) : () -> ()
    %dma_start3A = arith.constant 0 : i32
    %dma_start3A_3 = arith.constant 0 : i32
    %dma_start3A_4 = arith.constant 0 : i32
    %dma_start3A_5 = tpu.memref_slice %arg9[%dma_start3A_3, %dma_start3A_4] : memref<640x128xf32, #tpu.memory_space<vmem>> -> memref<128x128xf32, #tpu.memory_space<vmem>>
    %dma_start3A_6 = arith.constant 0 : i32
    %dma_start3A_7 = tpu.memref_slice %arg8[%dma_start3A, %dma_start3A_6] : memref<5x128xi32, #tpu.memory_space<vmem>> -> memref<1x128xi32, #tpu.memory_space<vmem>>
    %dma_start3A_8 = tpu.memref_squeeze %dma_start3A_7 : memref<1x128xi32, #tpu.memory_space<vmem>> -> memref<128xi32, #tpu.memory_space<vmem>>
    %dma_start3A_9 = arith.constant 0 : i32
    %dma_start3A_10 = arith.constant 0 : i32
    %dma_start3A_11 = tpu.memref_slice %arg4[%dma_start3A_9, %dma_start3A_10] : memref<2048x128xf32, #tpu.memory_space<hbm>> -> memref<2048x128xf32, #tpu.memory_space<hbm>>
    tpu.enqueue_indirect_dma source(%dma_start3A_11 : memref<2048x128xf32, #tpu.memory_space<hbm>>) target(%dma_start3A_5 : memref<128x128xf32, #tpu.memory_space<vmem>>) offsets(%dma_start3A_8 : memref<128xi32, #tpu.memory_space<vmem>>) semaphore(%arg12 : memref<!tpu.dma_semaphore, #tpu.memory_space<semaphore_mem>>)
    %dma_start3A_12 = arith.constant 1 : i32
    %dma_start3A_13 = arith.constant 128 : i32
    %dma_start3A_14 = arith.constant 0 : i32
    %dma_start3A_15 = tpu.memref_slice %arg9[%dma_start3A_13, %dma_start3A_14] : memref<640x128xf32, #tpu.memory_space<vmem>> -> memref<128x128xf32, #tpu.memory_space<vmem>>
    %dma_start3A_16 = arith.constant 0 : i32
    %dma_start3A_17 = tpu.memref_slice %arg8[%dma_start3A_12, %dma_start3A_16] : memref<5x128xi32, #tpu.memory_space<vmem>> -> memref<1x128xi32, #tpu.memory_space<vmem>>
    %dma_start3A_18 = tpu.memref_squeeze %dma_start3A_17 : memref<1x128xi32, #tpu.memory_space<vmem>> -> memref<128xi32, #tpu.memory_space<vmem>>
    %dma_start3A_19 = arith.constant 0 : i32
    %dma_start3A_20 = arith.constant 0 : i32
    %dma_start3A_21 = tpu.memref_slice %arg4[%dma_start3A_19, %dma_start3A_20] : memref<2048x128xf32, #tpu.memory_space<hbm>> -> memref<2048x128xf32, #tpu.memory_space<hbm>>
    tpu.enqueue_indirect_dma source(%dma_start3A_21 : memref<2048x128xf32, #tpu.memory_space<hbm>>) target(%dma_start3A_15 : memref<128x128xf32, #tpu.memory_space<vmem>>) offsets(%dma_start3A_18 : memref<128xi32, #tpu.memory_space<vmem>>) semaphore(%arg13 : memref<!tpu.dma_semaphore, #tpu.memory_space<semaphore_mem>>)
    %dma_start3A_22 = arith.constant 2 : i32
    %dma_start3A_23 = arith.constant 256 : i32
    %dma_start3A_24 = arith.constant 0 : i32
    %dma_start3A_25 = tpu.memref_slice %arg9[%dma_start3A_23, %dma_start3A_24] : memref<640x128xf32, #tpu.memory_space<vmem>> -> memref<128x128xf32, #tpu.memory_space<vmem>>
    %dma_start3A_26 = arith.constant 0 : i32
    %dma_start3A_27 = tpu.memref_slice %arg8[%dma_start3A_22, %dma_start3A_26] : memref<5x128xi32, #tpu.memory_space<vmem>> -> memref<1x128xi32, #tpu.memory_space<vmem>>
    %dma_start3A_28 = tpu.memref_squeeze %dma_start3A_27 : memref<1x128xi32, #tpu.memory_space<vmem>> -> memref<128xi32, #tpu.memory_space<vmem>>
    %dma_start3A_29 = arith.constant 0 : i32
    %dma_start3A_30 = arith.constant 0 : i32
    %dma_start3A_31 = tpu.memref_slice %arg4[%dma_start3A_29, %dma_start3A_30] : memref<2048x128xf32, #tpu.memory_space<hbm>> -> memref<2048x128xf32, #tpu.memory_space<hbm>>
    tpu.enqueue_indirect_dma source(%dma_start3A_31 : memref<2048x128xf32, #tpu.memory_space<hbm>>) target(%dma_start3A_25 : memref<128x128xf32, #tpu.memory_space<vmem>>) offsets(%dma_start3A_28 : memref<128xi32, #tpu.memory_space<vmem>>) semaphore(%arg14 : memref<!tpu.dma_semaphore, #tpu.memory_space<semaphore_mem>>)
    %dma_start3A_32 = arith.constant 3 : i32
    %dma_start3A_33 = arith.constant 384 : i32
    %dma_start3A_34 = arith.constant 0 : i32
    %dma_start3A_35 = tpu.memref_slice %arg9[%dma_start3A_33, %dma_start3A_34] : memref<640x128xf32, #tpu.memory_space<vmem>> -> memref<128x128xf32, #tpu.memory_space<vmem>>
    %dma_start3A_36 = arith.constant 0 : i32
    %dma_start3A_37 = tpu.memref_slice %arg8[%dma_start3A_32, %dma_start3A_36] : memref<5x128xi32, #tpu.memory_space<vmem>> -> memref<1x128xi32, #tpu.memory_space<vmem>>
    %dma_start3A_38 = tpu.memref_squeeze %dma_start3A_37 : memref<1x128xi32, #tpu.memory_space<vmem>> -> memref<128xi32, #tpu.memory_space<vmem>>
    %dma_start3A_39 = arith.constant 0 : i32
    %dma_start3A_40 = arith.constant 0 : i32
    %dma_start3A_41 = tpu.memref_slice %arg4[%dma_start3A_39, %dma_start3A_40] : memref<2048x128xf32, #tpu.memory_space<hbm>> -> memref<2048x128xf32, #tpu.memory_space<hbm>>
    tpu.enqueue_indirect_dma source(%dma_start3A_41 : memref<2048x128xf32, #tpu.memory_space<hbm>>) target(%dma_start3A_35 : memref<128x128xf32, #tpu.memory_space<vmem>>) offsets(%dma_start3A_38 : memref<128xi32, #tpu.memory_space<vmem>>) semaphore(%arg15 : memref<!tpu.dma_semaphore, #tpu.memory_space<semaphore_mem>>)
    %dma_start3A_42 = arith.constant 4 : i32
    %dma_start3A_43 = arith.constant 512 : i32
    %dma_start3A_44 = arith.constant 0 : i32
    %dma_start3A_45 = tpu.memref_slice %arg9[%dma_start3A_43, %dma_start3A_44] : memref<640x128xf32, #tpu.memory_space<vmem>> -> memref<128x128xf32, #tpu.memory_space<vmem>>
    %dma_start3A_46 = arith.constant 0 : i32
    %dma_start3A_47 = tpu.memref_slice %arg8[%dma_start3A_42, %dma_start3A_46] : memref<5x128xi32, #tpu.memory_space<vmem>> -> memref<1x128xi32, #tpu.memory_space<vmem>>
    %dma_start3A_48 = tpu.memref_squeeze %dma_start3A_47 : memref<1x128xi32, #tpu.memory_space<vmem>> -> memref<128xi32, #tpu.memory_space<vmem>>
    %dma_start3A_49 = arith.constant 0 : i32
    %dma_start3A_50 = arith.constant 0 : i32
    %dma_start3A_51 = tpu.memref_slice %arg4[%dma_start3A_49, %dma_start3A_50] : memref<2048x128xf32, #tpu.memory_space<hbm>> -> memref<2048x128xf32, #tpu.memory_space<hbm>>
    tpu.enqueue_indirect_dma source(%dma_start3A_51 : memref<2048x128xf32, #tpu.memory_space<hbm>>) target(%dma_start3A_45 : memref<128x128xf32, #tpu.memory_space<vmem>>) offsets(%dma_start3A_48 : memref<128xi32, #tpu.memory_space<vmem>>) semaphore(%arg16 : memref<!tpu.dma_semaphore, #tpu.memory_space<semaphore_mem>>)
    %dma_wait3A = arith.constant 0 : i32
    %dma_wait3A_52 = arith.constant 0 : i32
    %dma_wait3A_53 = arith.constant 0 : i32
    %dma_wait3A_54 = tpu.memref_slice %arg9[%dma_wait3A_52, %dma_wait3A_53] : memref<640x128xf32, #tpu.memory_space<vmem>> -> memref<128x128xf32, #tpu.memory_space<vmem>>
    %dma_wait3A_55 = arith.constant 0 : i32
    %dma_wait3A_56 = tpu.memref_slice %arg8[%dma_wait3A, %dma_wait3A_55] : memref<5x128xi32, #tpu.memory_space<vmem>> -> memref<1x128xi32, #tpu.memory_space<vmem>>
    %dma_wait3A_57 = tpu.memref_squeeze %dma_wait3A_56 : memref<1x128xi32, #tpu.memory_space<vmem>> -> memref<128xi32, #tpu.memory_space<vmem>>
    %dma_wait3A_58 = arith.constant 0 : i32
    %dma_wait3A_59 = arith.constant 0 : i32
    %dma_wait3A_60 = tpu.memref_slice %arg4[%dma_wait3A_58, %dma_wait3A_59] : memref<2048x128xf32, #tpu.memory_space<hbm>> -> memref<2048x128xf32, #tpu.memory_space<hbm>>
    tpu.wait_indirect_dma semaphore(%arg12 : memref<!tpu.dma_semaphore, #tpu.memory_space<semaphore_mem>>) src(%dma_wait3A_60 : memref<2048x128xf32, #tpu.memory_space<hbm>>) dst(%dma_wait3A_54 : memref<128x128xf32, #tpu.memory_space<vmem>>)
    %scan3A = arith.constant 0 : i32
    %scan3A_61 = arith.constant 0 : i32
    %scan3A_62 = arith.constant 12 : i32
    %scan3A_63 = arith.addi %scan3A_61, %scan3A_62 : i32
    %scan3A_64 = arith.constant 1 : i32
    scf.for %scan3A_130 = %scan3A_61 to %scan3A_63 step %scan3A_64  : i32 {
      %get3A = arith.index_cast %scan3A_130 : i32 to index
      %get3A_131 = arith.constant 0 : index
      %get3A_132 = tpu.vector_load %arg7[%get3A, %get3A_131] {strides = array<i32>} : memref<64x16xf32, #tpu.memory_space<vmem>>, vector<1x16xf32>,
      %get3A_133 = vector.shape_cast %get3A_132 : vector<1x16xf32> to vector<16xf32>
      %broadcast_in_dim3A = arith.constant 0.000000e+00 : f32
      %broadcast_in_dim3A_134 = vector.broadcast %broadcast_in_dim3A : f32 to vector<16xf32>
      %broadcast_in_dim3A_135 = arith.constant 0.000000e+00 : f32
      %broadcast_in_dim3A_136 = vector.broadcast %broadcast_in_dim3A_135 : f32 to vector<16xf32>
      %broadcast_in_dim3A_137 = arith.constant 0.000000e+00 : f32
      %broadcast_in_dim3A_138 = vector.broadcast %broadcast_in_dim3A_137 : f32 to vector<16xf32>
      %broadcast_in_dim3A_139 = arith.constant 0.000000e+00 : f32
      %broadcast_in_dim3A_140 = vector.broadcast %broadcast_in_dim3A_139 : f32 to vector<16xf32>
      %broadcast_in_dim3A_141 = arith.constant 0.000000e+00 : f32
      %broadcast_in_dim3A_142 = vector.broadcast %broadcast_in_dim3A_141 : f32 to vector<16xf32>
      %broadcast_in_dim3A_143 = arith.constant 0.000000e+00 : f32
      %broadcast_in_dim3A_144 = vector.broadcast %broadcast_in_dim3A_143 : f32 to vector<16xf32>
      %broadcast_in_dim3A_145 = arith.constant 0.000000e+00 : f32
      %broadcast_in_dim3A_146 = vector.broadcast %broadcast_in_dim3A_145 : f32 to vector<16xf32>
      %broadcast_in_dim3A_147 = arith.constant 0.000000e+00 : f32
      %broadcast_in_dim3A_148 = vector.broadcast %broadcast_in_dim3A_147 : f32 to vector<16xf32>
      %slice3A = vector.extract_strided_slice %get3A_133 {offsets = [0], sizes = [1], strides = [1]} : vector<16xf32> to vector<1xf32>
      %squeeze3A = vector.extract %slice3A[0] : f32 from vector<1xf32>
      %mul3A_149 = arith.constant 10 : i32
      %mul3A_150 = arith.muli %scan3A_130, %mul3A_149 : i32
      %add3A_151 = arith.constant 0 : i32
      %add3A_152 = arith.addi %mul3A_150, %add3A_151 : i32
      %get3A_153 = arith.index_cast %add3A_152 : i32 to index
      %get3A_154 = arith.constant 0 : index
      %get3A_155 = tpu.vector_load %arg9[%get3A_153, %get3A_154] {strides = array<i32>} : memref<640x128xf32, #tpu.memory_space<vmem>>, vector<1x16xf32>,
      %get3A_156 = vector.shape_cast %get3A_155 : vector<1x16xf32> to vector<16xf32>
      %mul3A_157 = vector.broadcast %squeeze3A : f32 to vector<16xf32>
      %mul3A_158 = arith.mulf %mul3A_157, %get3A_156 : vector<16xf32>
      %add3A_159 = arith.addf %broadcast_in_dim3A_134, %mul3A_158 : vector<16xf32>
      %get3A_160 = arith.index_cast %add3A_152 : i32 to index
      %get3A_161 = arith.constant 16 : index
      %get3A_162 = tpu.vector_load %arg9[%get3A_160, %get3A_161] {strides = array<i32>} : memref<640x128xf32, #tpu.memory_space<vmem>>, vector<1x16xf32>,
      %get3A_163 = vector.shape_cast %get3A_162 : vector<1x16xf32> to vector<16xf32>
      %mul3A_164 = vector.broadcast %squeeze3A : f32 to vector<16xf32>
      %mul3A_165 = arith.mulf %mul3A_164, %get3A_163 : vector<16xf32>
      %add3A_166 = arith.addf %broadcast_in_dim3A_136, %mul3A_165 : vector<16xf32>
      %get3A_167 = arith.index_cast %add3A_152 : i32 to index
      %get3A_168 = arith.constant 32 : index
      %get3A_169 = tpu.vector_load %arg9[%get3A_167, %get3A_168] {strides = array<i32>} : memref<640x128xf32, #tpu.memory_space<vmem>>, vector<1x16xf32>,
      %get3A_170 = vector.shape_cast %get3A_169 : vector<1x16xf32> to vector<16xf32>
      %mul3A_171 = vector.broadcast %squeeze3A : f32 to vector<16xf32>
      %mul3A_172 = arith.mulf %mul3A_171, %get3A_170 : vector<16xf32>
      %add3A_173 = arith.addf %broadcast_in_dim3A_138, %mul3A_172 : vector<16xf32>
      %get3A_174 = arith.index_cast %add3A_152 : i32 to index
      %get3A_175 = arith.constant 48 : index
      %get3A_176 = tpu.vector_load %arg9[%get3A_174, %get3A_175] {strides = array<i32>} : memref<640x128xf32, #tpu.memory_space<vmem>>, vector<1x16xf32>,
      %get3A_177 = vector.shape_cast %get3A_176 : vector<1x16xf32> to vector<16xf32>
      %mul3A_178 = vector.broadcast %squeeze3A : f32 to vector<16xf32>
      %mul3A_179 = arith.mulf %mul3A_178, %get3A_177 : vector<16xf32>
      %add3A_180 = arith.addf %broadcast_in_dim3A_140, %mul3A_179 : vector<16xf32>
      %get3A_181 = arith.index_cast %add3A_152 : i32 to index
      %get3A_182 = arith.constant 64 : index
      %get3A_183 = tpu.vector_load %arg9[%get3A_181, %get3A_182] {strides = array<i32>} : memref<640x128xf32, #tpu.memory_space<vmem>>, vector<1x16xf32>,
      %get3A_184 = vector.shape_cast %get3A_183 : vector<1x16xf32> to vector<16xf32>
      %mul3A_185 = vector.broadcast %squeeze3A : f32 to vector<16xf32>
      %mul3A_186 = arith.mulf %mul3A_185, %get3A_184 : vector<16xf32>
      %add3A_187 = arith.addf %broadcast_in_dim3A_142, %mul3A_186 : vector<16xf32>
      %get3A_188 = arith.index_cast %add3A_152 : i32 to index
      %get3A_189 = arith.constant 80 : index
      %get3A_190 = tpu.vector_load %arg9[%get3A_188, %get3A_189] {strides = array<i32>} : memref<640x128xf32, #tpu.memory_space<vmem>>, vector<1x16xf32>,
      %get3A_191 = vector.shape_cast %get3A_190 : vector<1x16xf32> to vector<16xf32>
      %mul3A_192 = vector.broadcast %squeeze3A : f32 to vector<16xf32>
      %mul3A_193 = arith.mulf %mul3A_192, %get3A_191 : vector<16xf32>
      %add3A_194 = arith.addf %broadcast_in_dim3A_144, %mul3A_193 : vector<16xf32>
      %get3A_195 = arith.index_cast %add3A_152 : i32 to index
      %get3A_196 = arith.constant 96 : index
      %get3A_197 = tpu.vector_load %arg9[%get3A_195, %get3A_196] {strides = array<i32>} : memref<640x128xf32, #tpu.memory_space<vmem>>, vector<1x16xf32>,
      %get3A_198 = vector.shape_cast %get3A_197 : vector<1x16xf32> to vector<16xf32>
      %mul3A_199 = vector.broadcast %squeeze3A : f32 to vector<16xf32>
      %mul3A_200 = arith.mulf %mul3A_199, %get3A_198 : vector<16xf32>
      %add3A_201 = arith.addf %broadcast_in_dim3A_146, %mul3A_200 : vector<16xf32>
      %get3A_202 = arith.index_cast %add3A_152 : i32 to index
      %get3A_203 = arith.constant 112 : index
      %get3A_204 = tpu.vector_load %arg9[%get3A_202, %get3A_203] {strides = array<i32>} : memref<640x128xf32, #tpu.memory_space<vmem>>, vector<1x16xf32>,
      %get3A_205 = vector.shape_cast %get3A_204 : vector<1x16xf32> to vector<16xf32>
      %mul3A_206 = vector.broadcast %squeeze3A : f32 to vector<16xf32>
      %mul3A_207 = arith.mulf %mul3A_206, %get3A_205 : vector<16xf32>
      %add3A_208 = arith.addf %broadcast_in_dim3A_148, %mul3A_207 : vector<16xf32>
      %slice3A_209 = vector.extract_strided_slice %get3A_133 {offsets = [1], sizes = [1], strides = [1]} : vector<16xf32> to vector<1xf32>
      %squeeze3A_210 = vector.extract %slice3A_209[0] : f32 from vector<1xf32>
      %mul3A_211 = arith.constant 10 : i32
      %mul3A_212 = arith.muli %scan3A_130, %mul3A_211 : i32
      %add3A_213 = arith.constant 1 : i32
      %add3A_214 = arith.addi %mul3A_212, %add3A_213 : i32
      %get3A_215 = arith.index_cast %add3A_214 : i32 to index
      %get3A_216 = arith.constant 0 : index
      %get3A_217 = tpu.vector_load %arg9[%get3A_215, %get3A_216] {strides = array<i32>} : memref<640x128xf32, #tpu.memory_space<vmem>>, vector<1x16xf32>,
      %get3A_218 = vector.shape_cast %get3A_217 : vector<1x16xf32> to vector<16xf32>
      %mul3A_219 = vector.broadcast %squeeze3A_210 : f32 to vector<16xf32>
      %mul3A_220 = arith.mulf %mul3A_219, %get3A_218 : vector<16xf32>
      %add3A_221 = arith.addf %add3A_159, %mul3A_220 : vector<16xf32>
      %get3A_222 = arith.index_cast %add3A_214 : i32 to index
      %get3A_223 = arith.constant 16 : index
      %get3A_224 = tpu.vector_load %arg9[%get3A_222, %get3A_223] {strides = array<i32>} : memref<640x128xf32, #tpu.memory_space<vmem>>, vector<1x16xf32>,
      %get3A_225 = vector.shape_cast %get3A_224 : vector<1x16xf32> to vector<16xf32>
      %mul3A_226 = vector.broadcast %squeeze3A_210 : f32 to vector<16xf32>
      %mul3A_227 = arith.mulf %mul3A_226, %get3A_225 : vector<16xf32>
      %add3A_228 = arith.addf %add3A_166, %mul3A_227 : vector<16xf32>
      %get3A_229 = arith.index_cast %add3A_214 : i32 to index
      %get3A_230 = arith.constant 32 : index
      %get3A_231 = tpu.vector_load %arg9[%get3A_229, %get3A_230] {strides = array<i32>} : memref<640x128xf32, #tpu.memory_space<vmem>>, vector<1x16xf32>,
      %get3A_232 = vector.shape_cast %get3A_231 : vector<1x16xf32> to vector<16xf32>
      %mul3A_233 = vector.broadcast %squeeze3A_210 : f32 to vector<16xf32>
      %mul3A_234 = arith.mulf %mul3A_233, %get3A_232 : vector<16xf32>
      %add3A_235 = arith.addf %add3A_173, %mul3A_234 : vector<16xf32>
      %get3A_236 = arith.index_cast %add3A_214 : i32 to index
      %get3A_237 = arith.constant 48 : index
      %get3A_238 = tpu.vector_load %arg9[%get3A_236, %get3A_237] {strides = array<i32>} : memref<640x128xf32, #tpu.memory_space<vmem>>, vector<1x16xf32>,
      %get3A_239 = vector.shape_cast %get3A_238 : vector<1x16xf32> to vector<16xf32>
      %mul3A_240 = vector.broadcast %squeeze3A_210 : f32 to vector<16xf32>
      %mul3A_241 = arith.mulf %mul3A_240, %get3A_239 : vector<16xf32>
      %add3A_242 = arith.addf %add3A_180, %mul3A_241 : vector<16xf32>
      %get3A_243 = arith.index_cast %add3A_214 : i32 to index
      %get3A_244 = arith.constant 64 : index
      %get3A_245 = tpu.vector_load %arg9[%get3A_243, %get3A_244] {strides = array<i32>} : memref<640x128xf32, #tpu.memory_space<vmem>>, vector<1x16xf32>,
      %get3A_246 = vector.shape_cast %get3A_245 : vector<1x16xf32> to vector<16xf32>
      %mul3A_247 = vector.broadcast %squeeze3A_210 : f32 to vector<16xf32>
      %mul3A_248 = arith.mulf %mul3A_247, %get3A_246 : vector<16xf32>
      %add3A_249 = arith.addf %add3A_187, %mul3A_248 : vector<16xf32>
      %get3A_250 = arith.index_cast %add3A_214 : i32 to index
      %get3A_251 = arith.constant 80 : index
      %get3A_252 = tpu.vector_load %arg9[%get3A_250, %get3A_251] {strides = array<i32>} : memref<640x128xf32, #tpu.memory_space<vmem>>, vector<1x16xf32>,
      %get3A_253 = vector.shape_cast %get3A_252 : vector<1x16xf32> to vector<16xf32>
      %mul3A_254 = vector.broadcast %squeeze3A_210 : f32 to vector<16xf32>
      %mul3A_255 = arith.mulf %mul3A_254, %get3A_253 : vector<16xf32>
      %add3A_256 = arith.addf %add3A_194, %mul3A_255 : vector<16xf32>
      %get3A_257 = arith.index_cast %add3A_214 : i32 to index
      %get3A_258 = arith.constant 96 : index
      %get3A_259 = tpu.vector_load %arg9[%get3A_257, %get3A_258] {strides = array<i32>} : memref<640x128xf32, #tpu.memory_space<vmem>>, vector<1x16xf32>,
      %get3A_260 = vector.shape_cast %get3A_259 : vector<1x16xf32> to vector<16xf32>
      %mul3A_261 = vector.broadcast %squeeze3A_210 : f32 to vector<16xf32>
      %mul3A_262 = arith.mulf %mul3A_261, %get3A_260 : vector<16xf32>
      %add3A_263 = arith.addf %add3A_201, %mul3A_262 : vector<16xf32>
      %get3A_264 = arith.index_cast %add3A_214 : i32 to index
      %get3A_265 = arith.constant 112 : index
      %get3A_266 = tpu.vector_load %arg9[%get3A_264, %get3A_265] {strides = array<i32>} : memref<640x128xf32, #tpu.memory_space<vmem>>, vector<1x16xf32>,
      %get3A_267 = vector.shape_cast %get3A_266 : vector<1x16xf32> to vector<16xf32>
      %mul3A_268 = vector.broadcast %squeeze3A_210 : f32 to vector<16xf32>
      %mul3A_269 = arith.mulf %mul3A_268, %get3A_267 : vector<16xf32>
      %add3A_270 = arith.addf %add3A_208, %mul3A_269 : vector<16xf32>
      %slice3A_271 = vector.extract_strided_slice %get3A_133 {offsets = [2], sizes = [1], strides = [1]} : vector<16xf32> to vector<1xf32>
      %squeeze3A_272 = vector.extract %slice3A_271[0] : f32 from vector<1xf32>
      %mul3A_273 = arith.constant 10 : i32
      %mul3A_274 = arith.muli %scan3A_130, %mul3A_273 : i32
      %add3A_275 = arith.constant 2 : i32
      %add3A_276 = arith.addi %mul3A_274, %add3A_275 : i32
      %get3A_277 = arith.index_cast %add3A_276 : i32 to index
      %get3A_278 = arith.constant 0 : index
      %get3A_279 = tpu.vector_load %arg9[%get3A_277, %get3A_278] {strides = array<i32>} : memref<640x128xf32, #tpu.memory_space<vmem>>, vector<1x16xf32>,
      %get3A_280 = vector.shape_cast %get3A_279 : vector<1x16xf32> to vector<16xf32>
      %mul3A_281 = vector.broadcast %squeeze3A_272 : f32 to vector<16xf32>
      %mul3A_282 = arith.mulf %mul3A_281, %get3A_280 : vector<16xf32>
      %add3A_283 = arith.addf %add3A_221, %mul3A_282 : vector<16xf32>
      %get3A_284 = arith.index_cast %add3A_276 : i32 to index
      %get3A_285 = arith.constant 16 : index
      %get3A_286 = tpu.vector_load %arg9[%get3A_284, %get3A_285] {strides = array<i32>} : memref<640x128xf32, #tpu.memory_space<vmem>>, vector<1x16xf32>,
      %get3A_287 = vector.shape_cast %get3A_286 : vector<1x16xf32> to vector<16xf32>
      %mul3A_288 = vector.broadcast %squeeze3A_272 : f32 to vector<16xf32>
      %mul3A_289 = arith.mulf %mul3A_288, %get3A_287 : vector<16xf32>
      %add3A_290 = arith.addf %add3A_228, %mul3A_289 : vector<16xf32>
      %get3A_291 = arith.index_cast %add3A_276 : i32 to index
      %get3A_292 = arith.constant 32 : index
      %get3A_293 = tpu.vector_load %arg9[%get3A_291, %get3A_292] {strides = array<i32>} : memref<640x128xf32, #tpu.memory_space<vmem>>, vector<1x16xf32>,
      %get3A_294 = vector.shape_cast %get3A_293 : vector<1x16xf32> to vector<16xf32>
      %mul3A_295 = vector.broadcast %squeeze3A_272 : f32 to vector<16xf32>
      %mul3A_296 = arith.mulf %mul3A_295, %get3A_294 : vector<16xf32>
      %add3A_297 = arith.addf %add3A_235, %mul3A_296 : vector<16xf32>
      %get3A_298 = arith.index_cast %add3A_276 : i32 to index
      %get3A_299 = arith.constant 48 : index
      %get3A_300 = tpu.vector_load %arg9[%get3A_298, %get3A_299] {strides = array<i32>} : memref<640x128xf32, #tpu.memory_space<vmem>>, vector<1x16xf32>,
      %get3A_301 = vector.shape_cast %get3A_300 : vector<1x16xf32> to vector<16xf32>
      %mul3A_302 = vector.broadcast %squeeze3A_272 : f32 to vector<16xf32>
      %mul3A_303 = arith.mulf %mul3A_302, %get3A_301 : vector<16xf32>
      %add3A_304 = arith.addf %add3A_242, %mul3A_303 : vector<16xf32>
      %get3A_305 = arith.index_cast %add3A_276 : i32 to index
      %get3A_306 = arith.constant 64 : index
      %get3A_307 = tpu.vector_load %arg9[%get3A_305, %get3A_306] {strides = array<i32>} : memref<640x128xf32, #tpu.memory_space<vmem>>, vector<1x16xf32>,
      %get3A_308 = vector.shape_cast %get3A_307 : vector<1x16xf32> to vector<16xf32>
      %mul3A_309 = vector.broadcast %squeeze3A_272 : f32 to vector<16xf32>
      %mul3A_310 = arith.mulf %mul3A_309, %get3A_308 : vector<16xf32>
      %add3A_311 = arith.addf %add3A_249, %mul3A_310 : vector<16xf32>
      %get3A_312 = arith.index_cast %add3A_276 : i32 to index
      %get3A_313 = arith.constant 80 : index
      %get3A_314 = tpu.vector_load %arg9[%get3A_312, %get3A_313] {strides = array<i32>} : memref<640x128xf32, #tpu.memory_space<vmem>>, vector<1x16xf32>,
      %get3A_315 = vector.shape_cast %get3A_314 : vector<1x16xf32> to vector<16xf32>
      %mul3A_316 = vector.broadcast %squeeze3A_272 : f32 to vector<16xf32>
      %mul3A_317 = arith.mulf %mul3A_316, %get3A_315 : vector<16xf32>
      %add3A_318 = arith.addf %add3A_256, %mul3A_317 : vector<16xf32>
      %get3A_319 = arith.index_cast %add3A_276 : i32 to index
      %get3A_320 = arith.constant 96 : index
      %get3A_321 = tpu.vector_load %arg9[%get3A_319, %get3A_320] {strides = array<i32>} : memref<640x128xf32, #tpu.memory_space<vmem>>, vector<1x16xf32>,
      %get3A_322 = vector.shape_cast %get3A_321 : vector<1x16xf32> to vector<16xf32>
      %mul3A_323 = vector.broadcast %squeeze3A_272 : f32 to vector<16xf32>
      %mul3A_324 = arith.mulf %mul3A_323, %get3A_322 : vector<16xf32>
      %add3A_325 = arith.addf %add3A_263, %mul3A_324 : vector<16xf32>
      %get3A_326 = arith.index_cast %add3A_276 : i32 to index
      %get3A_327 = arith.constant 112 : index
      %get3A_328 = tpu.vector_load %arg9[%get3A_326, %get3A_327] {strides = array<i32>} : memref<640x128xf32, #tpu.memory_space<vmem>>, vector<1x16xf32>,
      %get3A_329 = vector.shape_cast %get3A_328 : vector<1x16xf32> to vector<16xf32>
      %mul3A_330 = vector.broadcast %squeeze3A_272 : f32 to vector<16xf32>
      %mul3A_331 = arith.mulf %mul3A_330, %get3A_329 : vector<16xf32>
      %add3A_332 = arith.addf %add3A_270, %mul3A_331 : vector<16xf32>
      %slice3A_333 = vector.extract_strided_slice %get3A_133 {offsets = [3], sizes = [1], strides = [1]} : vector<16xf32> to vector<1xf32>
      %squeeze3A_334 = vector.extract %slice3A_333[0] : f32 from vector<1xf32>
      %mul3A_335 = arith.constant 10 : i32
      %mul3A_336 = arith.muli %scan3A_130, %mul3A_335 : i32
      %add3A_337 = arith.constant 3 : i32
      %add3A_338 = arith.addi %mul3A_336, %add3A_337 : i32
      %get3A_339 = arith.index_cast %add3A_338 : i32 to index
      %get3A_340 = arith.constant 0 : index
      %get3A_341 = tpu.vector_load %arg9[%get3A_339, %get3A_340] {strides = array<i32>} : memref<640x128xf32, #tpu.memory_space<vmem>>, vector<1x16xf32>,
      %get3A_342 = vector.shape_cast %get3A_341 : vector<1x16xf32> to vector<16xf32>
      %mul3A_343 = vector.broadcast %squeeze3A_334 : f32 to vector<16xf32>
      %mul3A_344 = arith.mulf %mul3A_343, %get3A_342 : vector<16xf32>
      %add3A_345 = arith.addf %add3A_283, %mul3A_344 : vector<16xf32>
      %get3A_346 = arith.index_cast %add3A_338 : i32 to index
      %get3A_347 = arith.constant 16 : index
      %get3A_348 = tpu.vector_load %arg9[%get3A_346, %get3A_347] {strides = array<i32>} : memref<640x128xf32, #tpu.memory_space<vmem>>, vector<1x16xf32>,
      %get3A_349 = vector.shape_cast %get3A_348 : vector<1x16xf32> to vector<16xf32>
      %mul3A_350 = vector.broadcast %squeeze3A_334 : f32 to vector<16xf32>
      %mul3A_351 = arith.mulf %mul3A_350, %get3A_349 : vector<16xf32>
      %add3A_352 = arith.addf %add3A_290, %mul3A_351 : vector<16xf32>
      %get3A_353 = arith.index_cast %add3A_338 : i32 to index
      %get3A_354 = arith.constant 32 : index
      %get3A_355 = tpu.vector_load %arg9[%get3A_353, %get3A_354] {strides = array<i32>} : memref<640x128xf32, #tpu.memory_space<vmem>>, vector<1x16xf32>,
      %get3A_356 = vector.shape_cast %get3A_355 : vector<1x16xf32> to vector<16xf32>
      %mul3A_357 = vector.broadcast %squeeze3A_334 : f32 to vector<16xf32>
      %mul3A_358 = arith.mulf %mul3A_357, %get3A_356 : vector<16xf32>
      %add3A_359 = arith.addf %add3A_297, %mul3A_358 : vector<16xf32>
      %get3A_360 = arith.index_cast %add3A_338 : i32 to index
      %get3A_361 = arith.constant 48 : index
      %get3A_362 = tpu.vector_load %arg9[%get3A_360, %get3A_361] {strides = array<i32>} : memref<640x128xf32, #tpu.memory_space<vmem>>, vector<1x16xf32>,
      %get3A_363 = vector.shape_cast %get3A_362 : vector<1x16xf32> to vector<16xf32>
      %mul3A_364 = vector.broadcast %squeeze3A_334 : f32 to vector<16xf32>
      %mul3A_365 = arith.mulf %mul3A_364, %get3A_363 : vector<16xf32>
      %add3A_366 = arith.addf %add3A_304, %mul3A_365 : vector<16xf32>
      %get3A_367 = arith.index_cast %add3A_338 : i32 to index
      %get3A_368 = arith.constant 64 : index
      %get3A_369 = tpu.vector_load %arg9[%get3A_367, %get3A_368] {strides = array<i32>} : memref<640x128xf32, #tpu.memory_space<vmem>>, vector<1x16xf32>,
      %get3A_370 = vector.shape_cast %get3A_369 : vector<1x16xf32> to vector<16xf32>
      %mul3A_371 = vector.broadcast %squeeze3A_334 : f32 to vector<16xf32>
      %mul3A_372 = arith.mulf %mul3A_371, %get3A_370 : vector<16xf32>
      %add3A_373 = arith.addf %add3A_311, %mul3A_372 : vector<16xf32>
      %get3A_374 = arith.index_cast %add3A_338 : i32 to index
      %get3A_375 = arith.constant 80 : index
      %get3A_376 = tpu.vector_load %arg9[%get3A_374, %get3A_375] {strides = array<i32>} : memref<640x128xf32, #tpu.memory_space<vmem>>, vector<1x16xf32>,
      %get3A_377 = vector.shape_cast %get3A_376 : vector<1x16xf32> to vector<16xf32>
      %mul3A_378 = vector.broadcast %squeeze3A_334 : f32 to vector<16xf32>
      %mul3A_379 = arith.mulf %mul3A_378, %get3A_377 : vector<16xf32>
      %add3A_380 = arith.addf %add3A_318, %mul3A_379 : vector<16xf32>
      %get3A_381 = arith.index_cast %add3A_338 : i32 to index
      %get3A_382 = arith.constant 96 : index
      %get3A_383 = tpu.vector_load %arg9[%get3A_381, %get3A_382] {strides = array<i32>} : memref<640x128xf32, #tpu.memory_space<vmem>>, vector<1x16xf32>,
      %get3A_384 = vector.shape_cast %get3A_383 : vector<1x16xf32> to vector<16xf32>
      %mul3A_385 = vector.broadcast %squeeze3A_334 : f32 to vector<16xf32>
      %mul3A_386 = arith.mulf %mul3A_385, %get3A_384 : vector<16xf32>
      %add3A_387 = arith.addf %add3A_325, %mul3A_386 : vector<16xf32>
      %get3A_388 = arith.index_cast %add3A_338 : i32 to index
      %get3A_389 = arith.constant 112 : index
      %get3A_390 = tpu.vector_load %arg9[%get3A_388, %get3A_389] {strides = array<i32>} : memref<640x128xf32, #tpu.memory_space<vmem>>, vector<1x16xf32>,
      %get3A_391 = vector.shape_cast %get3A_390 : vector<1x16xf32> to vector<16xf32>
      %mul3A_392 = vector.broadcast %squeeze3A_334 : f32 to vector<16xf32>
      %mul3A_393 = arith.mulf %mul3A_392, %get3A_391 : vector<16xf32>
      %add3A_394 = arith.addf %add3A_332, %mul3A_393 : vector<16xf32>
      %slice3A_395 = vector.extract_strided_slice %get3A_133 {offsets = [4], sizes = [1], strides = [1]} : vector<16xf32> to vector<1xf32>
      %squeeze3A_396 = vector.extract %slice3A_395[0] : f32 from vector<1xf32>
      %mul3A_397 = arith.constant 10 : i32
      %mul3A_398 = arith.muli %scan3A_130, %mul3A_397 : i32
      %add3A_399 = arith.constant 4 : i32
      %add3A_400 = arith.addi %mul3A_398, %add3A_399 : i32
      %get3A_401 = arith.index_cast %add3A_400 : i32 to index
      %get3A_402 = arith.constant 0 : index
      %get3A_403 = tpu.vector_load %arg9[%get3A_401, %get3A_402] {strides = array<i32>} : memref<640x128xf32, #tpu.memory_space<vmem>>, vector<1x16xf32>,
      %get3A_404 = vector.shape_cast %get3A_403 : vector<1x16xf32> to vector<16xf32>
      %mul3A_405 = vector.broadcast %squeeze3A_396 : f32 to vector<16xf32>
      %mul3A_406 = arith.mulf %mul3A_405, %get3A_404 : vector<16xf32>
      %add3A_407 = arith.addf %add3A_345, %mul3A_406 : vector<16xf32>
      %get3A_408 = arith.index_cast %add3A_400 : i32 to index
      %get3A_409 = arith.constant 16 : index
      %get3A_410 = tpu.vector_load %arg9[%get3A_408, %get3A_409] {strides = array<i32>} : memref<640x128xf32, #tpu.memory_space<vmem>>, vector<1x16xf32>,
      %get3A_411 = vector.shape_cast %get3A_410 : vector<1x16xf32> to vector<16xf32>
      %mul3A_412 = vector.broadcast %squeeze3A_396 : f32 to vector<16xf32>
      %mul3A_413 = arith.mulf %mul3A_412, %get3A_411 : vector<16xf32>
      %add3A_414 = arith.addf %add3A_352, %mul3A_413 : vector<16xf32>
      %get3A_415 = arith.index_cast %add3A_400 : i32 to index
      %get3A_416 = arith.constant 32 : index
      %get3A_417 = tpu.vector_load %arg9[%get3A_415, %get3A_416] {strides = array<i32>} : memref<640x128xf32, #tpu.memory_space<vmem>>, vector<1x16xf32>,
      %get3A_418 = vector.shape_cast %get3A_417 : vector<1x16xf32> to vector<16xf32>
      %mul3A_419 = vector.broadcast %squeeze3A_396 : f32 to vector<16xf32>
      %mul3A_420 = arith.mulf %mul3A_419, %get3A_418 : vector<16xf32>
      %add3A_421 = arith.addf %add3A_359, %mul3A_420 : vector<16xf32>
      %get3A_422 = arith.index_cast %add3A_400 : i32 to index
      %get3A_423 = arith.constant 48 : index
      %get3A_424 = tpu.vector_load %arg9[%get3A_422, %get3A_423] {strides = array<i32>} : memref<640x128xf32, #tpu.memory_space<vmem>>, vector<1x16xf32>,
      %get3A_425 = vector.shape_cast %get3A_424 : vector<1x16xf32> to vector<16xf32>
      %mul3A_426 = vector.broadcast %squeeze3A_396 : f32 to vector<16xf32>
      %mul3A_427 = arith.mulf %mul3A_426, %get3A_425 : vector<16xf32>
      %add3A_428 = arith.addf %add3A_366, %mul3A_427 : vector<16xf32>
      %get3A_429 = arith.index_cast %add3A_400 : i32 to index
      %get3A_430 = arith.constant 64 : index
      %get3A_431 = tpu.vector_load %arg9[%get3A_429, %get3A_430] {strides = array<i32>} : memref<640x128xf32, #tpu.memory_space<vmem>>, vector<1x16xf32>,
      %get3A_432 = vector.shape_cast %get3A_431 : vector<1x16xf32> to vector<16xf32>
      %mul3A_433 = vector.broadcast %squeeze3A_396 : f32 to vector<16xf32>
      %mul3A_434 = arith.mulf %mul3A_433, %get3A_432 : vector<16xf32>
      %add3A_435 = arith.addf %add3A_373, %mul3A_434 : vector<16xf32>
      %get3A_436 = arith.index_cast %add3A_400 : i32 to index
      %get3A_437 = arith.constant 80 : index
      %get3A_438 = tpu.vector_load %arg9[%get3A_436, %get3A_437] {strides = array<i32>} : memref<640x128xf32, #tpu.memory_space<vmem>>, vector<1x16xf32>,
      %get3A_439 = vector.shape_cast %get3A_438 : vector<1x16xf32> to vector<16xf32>
      %mul3A_440 = vector.broadcast %squeeze3A_396 : f32 to vector<16xf32>
      %mul3A_441 = arith.mulf %mul3A_440, %get3A_439 : vector<16xf32>
      %add3A_442 = arith.addf %add3A_380, %mul3A_441 : vector<16xf32>
      %get3A_443 = arith.index_cast %add3A_400 : i32 to index
      %get3A_444 = arith.constant 96 : index
      %get3A_445 = tpu.vector_load %arg9[%get3A_443, %get3A_444] {strides = array<i32>} : memref<640x128xf32, #tpu.memory_space<vmem>>, vector<1x16xf32>,
      %get3A_446 = vector.shape_cast %get3A_445 : vector<1x16xf32> to vector<16xf32>
      %mul3A_447 = vector.broadcast %squeeze3A_396 : f32 to vector<16xf32>
      %mul3A_448 = arith.mulf %mul3A_447, %get3A_446 : vector<16xf32>
      %add3A_449 = arith.addf %add3A_387, %mul3A_448 : vector<16xf32>
      %get3A_450 = arith.index_cast %add3A_400 : i32 to index
      %get3A_451 = arith.constant 112 : index
      %get3A_452 = tpu.vector_load %arg9[%get3A_450, %get3A_451] {strides = array<i32>} : memref<640x128xf32, #tpu.memory_space<vmem>>, vector<1x16xf32>,
      %get3A_453 = vector.shape_cast %get3A_452 : vector<1x16xf32> to vector<16xf32>
      %mul3A_454 = vector.broadcast %squeeze3A_396 : f32 to vector<16xf32>
      %mul3A_455 = arith.mulf %mul3A_454, %get3A_453 : vector<16xf32>
      %add3A_456 = arith.addf %add3A_394, %mul3A_455 : vector<16xf32>
      %slice3A_457 = vector.extract_strided_slice %get3A_133 {offsets = [5], sizes = [1], strides = [1]} : vector<16xf32> to vector<1xf32>
      %squeeze3A_458 = vector.extract %slice3A_457[0] : f32 from vector<1xf32>
      %mul3A_459 = arith.constant 10 : i32
      %mul3A_460 = arith.muli %scan3A_130, %mul3A_459 : i32
      %add3A_461 = arith.constant 5 : i32
      %add3A_462 = arith.addi %mul3A_460, %add3A_461 : i32
      %get3A_463 = arith.index_cast %add3A_462 : i32 to index
      %get3A_464 = arith.constant 0 : index
      %get3A_465 = tpu.vector_load %arg9[%get3A_463, %get3A_464] {strides = array<i32>} : memref<640x128xf32, #tpu.memory_space<vmem>>, vector<1x16xf32>,
      %get3A_466 = vector.shape_cast %get3A_465 : vector<1x16xf32> to vector<16xf32>
      %mul3A_467 = vector.broadcast %squeeze3A_458 : f32 to vector<16xf32>
      %mul3A_468 = arith.mulf %mul3A_467, %get3A_466 : vector<16xf32>
      %add3A_469 = arith.addf %add3A_407, %mul3A_468 : vector<16xf32>
      %get3A_470 = arith.index_cast %add3A_462 : i32 to index
      %get3A_471 = arith.constant 16 : index
      %get3A_472 = tpu.vector_load %arg9[%get3A_470, %get3A_471] {strides = array<i32>} : memref<640x128xf32, #tpu.memory_space<vmem>>, vector<1x16xf32>,
      %get3A_473 = vector.shape_cast %get3A_472 : vector<1x16xf32> to vector<16xf32>
      %mul3A_474 = vector.broadcast %squeeze3A_458 : f32 to vector<16xf32>
      %mul3A_475 = arith.mulf %mul3A_474, %get3A_473 : vector<16xf32>
      %add3A_476 = arith.addf %add3A_414, %mul3A_475 : vector<16xf32>
      %get3A_477 = arith.index_cast %add3A_462 : i32 to index
      %get3A_478 = arith.constant 32 : index
      %get3A_479 = tpu.vector_load %arg9[%get3A_477, %get3A_478] {strides = array<i32>} : memref<640x128xf32, #tpu.memory_space<vmem>>, vector<1x16xf32>,
      %get3A_480 = vector.shape_cast %get3A_479 : vector<1x16xf32> to vector<16xf32>
      %mul3A_481 = vector.broadcast %squeeze3A_458 : f32 to vector<16xf32>
      %mul3A_482 = arith.mulf %mul3A_481, %get3A_480 : vector<16xf32>
      %add3A_483 = arith.addf %add3A_421, %mul3A_482 : vector<16xf32>
      %get3A_484 = arith.index_cast %add3A_462 : i32 to index
      %get3A_485 = arith.constant 48 : index
      %get3A_486 = tpu.vector_load %arg9[%get3A_484, %get3A_485] {strides = array<i32>} : memref<640x128xf32, #tpu.memory_space<vmem>>, vector<1x16xf32>,
      %get3A_487 = vector.shape_cast %get3A_486 : vector<1x16xf32> to vector<16xf32>
      %mul3A_488 = vector.broadcast %squeeze3A_458 : f32 to vector<16xf32>
      %mul3A_489 = arith.mulf %mul3A_488, %get3A_487 : vector<16xf32>
      %add3A_490 = arith.addf %add3A_428, %mul3A_489 : vector<16xf32>
      %get3A_491 = arith.index_cast %add3A_462 : i32 to index
      %get3A_492 = arith.constant 64 : index
      %get3A_493 = tpu.vector_load %arg9[%get3A_491, %get3A_492] {strides = array<i32>} : memref<640x128xf32, #tpu.memory_space<vmem>>, vector<1x16xf32>,
      %get3A_494 = vector.shape_cast %get3A_493 : vector<1x16xf32> to vector<16xf32>
      %mul3A_495 = vector.broadcast %squeeze3A_458 : f32 to vector<16xf32>
      %mul3A_496 = arith.mulf %mul3A_495, %get3A_494 : vector<16xf32>
      %add3A_497 = arith.addf %add3A_435, %mul3A_496 : vector<16xf32>
      %get3A_498 = arith.index_cast %add3A_462 : i32 to index
      %get3A_499 = arith.constant 80 : index
      %get3A_500 = tpu.vector_load %arg9[%get3A_498, %get3A_499] {strides = array<i32>} : memref<640x128xf32, #tpu.memory_space<vmem>>, vector<1x16xf32>,
      %get3A_501 = vector.shape_cast %get3A_500 : vector<1x16xf32> to vector<16xf32>
      %mul3A_502 = vector.broadcast %squeeze3A_458 : f32 to vector<16xf32>
      %mul3A_503 = arith.mulf %mul3A_502, %get3A_501 : vector<16xf32>
      %add3A_504 = arith.addf %add3A_442, %mul3A_503 : vector<16xf32>
      %get3A_505 = arith.index_cast %add3A_462 : i32 to index
      %get3A_506 = arith.constant 96 : index
      %get3A_507 = tpu.vector_load %arg9[%get3A_505, %get3A_506] {strides = array<i32>} : memref<640x128xf32, #tpu.memory_space<vmem>>, vector<1x16xf32>,
      %get3A_508 = vector.shape_cast %get3A_507 : vector<1x16xf32> to vector<16xf32>
      %mul3A_509 = vector.broadcast %squeeze3A_458 : f32 to vector<16xf32>
      %mul3A_510 = arith.mulf %mul3A_509, %get3A_508 : vector<16xf32>
      %add3A_511 = arith.addf %add3A_449, %mul3A_510 : vector<16xf32>
      %get3A_512 = arith.index_cast %add3A_462 : i32 to index
      %get3A_513 = arith.constant 112 : index
      %get3A_514 = tpu.vector_load %arg9[%get3A_512, %get3A_513] {strides = array<i32>} : memref<640x128xf32, #tpu.memory_space<vmem>>, vector<1x16xf32>,
      %get3A_515 = vector.shape_cast %get3A_514 : vector<1x16xf32> to vector<16xf32>
      %mul3A_516 = vector.broadcast %squeeze3A_458 : f32 to vector<16xf32>
      %mul3A_517 = arith.mulf %mul3A_516, %get3A_515 : vector<16xf32>
      %add3A_518 = arith.addf %add3A_456, %mul3A_517 : vector<16xf32>
      %slice3A_519 = vector.extract_strided_slice %get3A_133 {offsets = [6], sizes = [1], strides = [1]} : vector<16xf32> to vector<1xf32>
      %squeeze3A_520 = vector.extract %slice3A_519[0] : f32 from vector<1xf32>
      %mul3A_521 = arith.constant 10 : i32
      %mul3A_522 = arith.muli %scan3A_130, %mul3A_521 : i32
      %add3A_523 = arith.constant 6 : i32
      %add3A_524 = arith.addi %mul3A_522, %add3A_523 : i32
      %get3A_525 = arith.index_cast %add3A_524 : i32 to index
      %get3A_526 = arith.constant 0 : index
      %get3A_527 = tpu.vector_load %arg9[%get3A_525, %get3A_526] {strides = array<i32>} : memref<640x128xf32, #tpu.memory_space<vmem>>, vector<1x16xf32>,
      %get3A_528 = vector.shape_cast %get3A_527 : vector<1x16xf32> to vector<16xf32>
      %mul3A_529 = vector.broadcast %squeeze3A_520 : f32 to vector<16xf32>
      %mul3A_530 = arith.mulf %mul3A_529, %get3A_528 : vector<16xf32>
      %add3A_531 = arith.addf %add3A_469, %mul3A_530 : vector<16xf32>
      %get3A_532 = arith.index_cast %add3A_524 : i32 to index
      %get3A_533 = arith.constant 16 : index
      %get3A_534 = tpu.vector_load %arg9[%get3A_532, %get3A_533] {strides = array<i32>} : memref<640x128xf32, #tpu.memory_space<vmem>>, vector<1x16xf32>,
      %get3A_535 = vector.shape_cast %get3A_534 : vector<1x16xf32> to vector<16xf32>
      %mul3A_536 = vector.broadcast %squeeze3A_520 : f32 to vector<16xf32>
      %mul3A_537 = arith.mulf %mul3A_536, %get3A_535 : vector<16xf32>
      %add3A_538 = arith.addf %add3A_476, %mul3A_537 : vector<16xf32>
      %get3A_539 = arith.index_cast %add3A_524 : i32 to index
      %get3A_540 = arith.constant 32 : index
      %get3A_541 = tpu.vector_load %arg9[%get3A_539, %get3A_540] {strides = array<i32>} : memref<640x128xf32, #tpu.memory_space<vmem>>, vector<1x16xf32>,
      %get3A_542 = vector.shape_cast %get3A_541 : vector<1x16xf32> to vector<16xf32>
      %mul3A_543 = vector.broadcast %squeeze3A_520 : f32 to vector<16xf32>
      %mul3A_544 = arith.mulf %mul3A_543, %get3A_542 : vector<16xf32>
      %add3A_545 = arith.addf %add3A_483, %mul3A_544 : vector<16xf32>
      %get3A_546 = arith.index_cast %add3A_524 : i32 to index
      %get3A_547 = arith.constant 48 : index
      %get3A_548 = tpu.vector_load %arg9[%get3A_546, %get3A_547] {strides = array<i32>} : memref<640x128xf32, #tpu.memory_space<vmem>>, vector<1x16xf32>,
      %get3A_549 = vector.shape_cast %get3A_548 : vector<1x16xf32> to vector<16xf32>
      %mul3A_550 = vector.broadcast %squeeze3A_520 : f32 to vector<16xf32>
      %mul3A_551 = arith.mulf %mul3A_550, %get3A_549 : vector<16xf32>
      %add3A_552 = arith.addf %add3A_490, %mul3A_551 : vector<16xf32>
      %get3A_553 = arith.index_cast %add3A_524 : i32 to index
      %get3A_554 = arith.constant 64 : index
      %get3A_555 = tpu.vector_load %arg9[%get3A_553, %get3A_554] {strides = array<i32>} : memref<640x128xf32, #tpu.memory_space<vmem>>, vector<1x16xf32>,
      %get3A_556 = vector.shape_cast %get3A_555 : vector<1x16xf32> to vector<16xf32>
      %mul3A_557 = vector.broadcast %squeeze3A_520 : f32 to vector<16xf32>
      %mul3A_558 = arith.mulf %mul3A_557, %get3A_556 : vector<16xf32>
      %add3A_559 = arith.addf %add3A_497, %mul3A_558 : vector<16xf32>
      %get3A_560 = arith.index_cast %add3A_524 : i32 to index
      %get3A_561 = arith.constant 80 : index
      %get3A_562 = tpu.vector_load %arg9[%get3A_560, %get3A_561] {strides = array<i32>} : memref<640x128xf32, #tpu.memory_space<vmem>>, vector<1x16xf32>,
      %get3A_563 = vector.shape_cast %get3A_562 : vector<1x16xf32> to vector<16xf32>
      %mul3A_564 = vector.broadcast %squeeze3A_520 : f32 to vector<16xf32>
      %mul3A_565 = arith.mulf %mul3A_564, %get3A_563 : vector<16xf32>
      %add3A_566 = arith.addf %add3A_504, %mul3A_565 : vector<16xf32>
      %get3A_567 = arith.index_cast %add3A_524 : i32 to index
      %get3A_568 = arith.constant 96 : index
      %get3A_569 = tpu.vector_load %arg9[%get3A_567, %get3A_568] {strides = array<i32>} : memref<640x128xf32, #tpu.memory_space<vmem>>, vector<1x16xf32>,
      %get3A_570 = vector.shape_cast %get3A_569 : vector<1x16xf32> to vector<16xf32>
      %mul3A_571 = vector.broadcast %squeeze3A_520 : f32 to vector<16xf32>
      %mul3A_572 = arith.mulf %mul3A_571, %get3A_570 : vector<16xf32>
      %add3A_573 = arith.addf %add3A_511, %mul3A_572 : vector<16xf32>
      %get3A_574 = arith.index_cast %add3A_524 : i32 to index
      %get3A_575 = arith.constant 112 : index
      %get3A_576 = tpu.vector_load %arg9[%get3A_574, %get3A_575] {strides = array<i32>} : memref<640x128xf32, #tpu.memory_space<vmem>>, vector<1x16xf32>,
      %get3A_577 = vector.shape_cast %get3A_576 : vector<1x16xf32> to vector<16xf32>
      %mul3A_578 = vector.broadcast %squeeze3A_520 : f32 to vector<16xf32>
      %mul3A_579 = arith.mulf %mul3A_578, %get3A_577 : vector<16xf32>
      %add3A_580 = arith.addf %add3A_518, %mul3A_579 : vector<16xf32>
      %slice3A_581 = vector.extract_strided_slice %get3A_133 {offsets = [7], sizes = [1], strides = [1]} : vector<16xf32> to vector<1xf32>
      %squeeze3A_582 = vector.extract %slice3A_581[0] : f32 from vector<1xf32>
      %mul3A_583 = arith.constant 10 : i32
      %mul3A_584 = arith.muli %scan3A_130, %mul3A_583 : i32
      %add3A_585 = arith.constant 7 : i32
      %add3A_586 = arith.addi %mul3A_584, %add3A_585 : i32
      %get3A_587 = arith.index_cast %add3A_586 : i32 to index
      %get3A_588 = arith.constant 0 : index
      %get3A_589 = tpu.vector_load %arg9[%get3A_587, %get3A_588] {strides = array<i32>} : memref<640x128xf32, #tpu.memory_space<vmem>>, vector<1x16xf32>,
      %get3A_590 = vector.shape_cast %get3A_589 : vector<1x16xf32> to vector<16xf32>
      %mul3A_591 = vector.broadcast %squeeze3A_582 : f32 to vector<16xf32>
      %mul3A_592 = arith.mulf %mul3A_591, %get3A_590 : vector<16xf32>
      %add3A_593 = arith.addf %add3A_531, %mul3A_592 : vector<16xf32>
      %get3A_594 = arith.index_cast %add3A_586 : i32 to index
      %get3A_595 = arith.constant 16 : index
      %get3A_596 = tpu.vector_load %arg9[%get3A_594, %get3A_595] {strides = array<i32>} : memref<640x128xf32, #tpu.memory_space<vmem>>, vector<1x16xf32>,
      %get3A_597 = vector.shape_cast %get3A_596 : vector<1x16xf32> to vector<16xf32>
      %mul3A_598 = vector.broadcast %squeeze3A_582 : f32 to vector<16xf32>
      %mul3A_599 = arith.mulf %mul3A_598, %get3A_597 : vector<16xf32>
      %add3A_600 = arith.addf %add3A_538, %mul3A_599 : vector<16xf32>
      %get3A_601 = arith.index_cast %add3A_586 : i32 to index
      %get3A_602 = arith.constant 32 : index
      %get3A_603 = tpu.vector_load %arg9[%get3A_601, %get3A_602] {strides = array<i32>} : memref<640x128xf32, #tpu.memory_space<vmem>>, vector<1x16xf32>,
      %get3A_604 = vector.shape_cast %get3A_603 : vector<1x16xf32> to vector<16xf32>
      %mul3A_605 = vector.broadcast %squeeze3A_582 : f32 to vector<16xf32>
      %mul3A_606 = arith.mulf %mul3A_605, %get3A_604 : vector<16xf32>
      %add3A_607 = arith.addf %add3A_545, %mul3A_606 : vector<16xf32>
      %get3A_608 = arith.index_cast %add3A_586 : i32 to index
      %get3A_609 = arith.constant 48 : index
      %get3A_610 = tpu.vector_load %arg9[%get3A_608, %get3A_609] {strides = array<i32>} : memref<640x128xf32, #tpu.memory_space<vmem>>, vector<1x16xf32>,
      %get3A_611 = vector.shape_cast %get3A_610 : vector<1x16xf32> to vector<16xf32>
      %mul3A_612 = vector.broadcast %squeeze3A_582 : f32 to vector<16xf32>
      %mul3A_613 = arith.mulf %mul3A_612, %get3A_611 : vector<16xf32>
      %add3A_614 = arith.addf %add3A_552, %mul3A_613 : vector<16xf32>
      %get3A_615 = arith.index_cast %add3A_586 : i32 to index
      %get3A_616 = arith.constant 64 : index
      %get3A_617 = tpu.vector_load %arg9[%get3A_615, %get3A_616] {strides = array<i32>} : memref<640x128xf32, #tpu.memory_space<vmem>>, vector<1x16xf32>,
      %get3A_618 = vector.shape_cast %get3A_617 : vector<1x16xf32> to vector<16xf32>
      %mul3A_619 = vector.broadcast %squeeze3A_582 : f32 to vector<16xf32>
      %mul3A_620 = arith.mulf %mul3A_619, %get3A_618 : vector<16xf32>
      %add3A_621 = arith.addf %add3A_559, %mul3A_620 : vector<16xf32>
      %get3A_622 = arith.index_cast %add3A_586 : i32 to index
      %get3A_623 = arith.constant 80 : index
      %get3A_624 = tpu.vector_load %arg9[%get3A_622, %get3A_623] {strides = array<i32>} : memref<640x128xf32, #tpu.memory_space<vmem>>, vector<1x16xf32>,
      %get3A_625 = vector.shape_cast %get3A_624 : vector<1x16xf32> to vector<16xf32>
      %mul3A_626 = vector.broadcast %squeeze3A_582 : f32 to vector<16xf32>
      %mul3A_627 = arith.mulf %mul3A_626, %get3A_625 : vector<16xf32>
      %add3A_628 = arith.addf %add3A_566, %mul3A_627 : vector<16xf32>
      %get3A_629 = arith.index_cast %add3A_586 : i32 to index
      %get3A_630 = arith.constant 96 : index
      %get3A_631 = tpu.vector_load %arg9[%get3A_629, %get3A_630] {strides = array<i32>} : memref<640x128xf32, #tpu.memory_space<vmem>>, vector<1x16xf32>,
      %get3A_632 = vector.shape_cast %get3A_631 : vector<1x16xf32> to vector<16xf32>
      %mul3A_633 = vector.broadcast %squeeze3A_582 : f32 to vector<16xf32>
      %mul3A_634 = arith.mulf %mul3A_633, %get3A_632 : vector<16xf32>
      %add3A_635 = arith.addf %add3A_573, %mul3A_634 : vector<16xf32>
      %get3A_636 = arith.index_cast %add3A_586 : i32 to index
      %get3A_637 = arith.constant 112 : index
      %get3A_638 = tpu.vector_load %arg9[%get3A_636, %get3A_637] {strides = array<i32>} : memref<640x128xf32, #tpu.memory_space<vmem>>, vector<1x16xf32>,
      %get3A_639 = vector.shape_cast %get3A_638 : vector<1x16xf32> to vector<16xf32>
      %mul3A_640 = vector.broadcast %squeeze3A_582 : f32 to vector<16xf32>
      %mul3A_641 = arith.mulf %mul3A_640, %get3A_639 : vector<16xf32>
      %add3A_642 = arith.addf %add3A_580, %mul3A_641 : vector<16xf32>
      %slice3A_643 = vector.extract_strided_slice %get3A_133 {offsets = [8], sizes = [1], strides = [1]} : vector<16xf32> to vector<1xf32>
      %squeeze3A_644 = vector.extract %slice3A_643[0] : f32 from vector<1xf32>
      %mul3A_645 = arith.constant 10 : i32
      %mul3A_646 = arith.muli %scan3A_130, %mul3A_645 : i32
      %add3A_647 = arith.constant 8 : i32
      %add3A_648 = arith.addi %mul3A_646, %add3A_647 : i32
      %get3A_649 = arith.index_cast %add3A_648 : i32 to index
      %get3A_650 = arith.constant 0 : index
      %get3A_651 = tpu.vector_load %arg9[%get3A_649, %get3A_650] {strides = array<i32>} : memref<640x128xf32, #tpu.memory_space<vmem>>, vector<1x16xf32>,
      %get3A_652 = vector.shape_cast %get3A_651 : vector<1x16xf32> to vector<16xf32>
      %mul3A_653 = vector.broadcast %squeeze3A_644 : f32 to vector<16xf32>
      %mul3A_654 = arith.mulf %mul3A_653, %get3A_652 : vector<16xf32>
      %add3A_655 = arith.addf %add3A_593, %mul3A_654 : vector<16xf32>
      %get3A_656 = arith.index_cast %add3A_648 : i32 to index
      %get3A_657 = arith.constant 16 : index
      %get3A_658 = tpu.vector_load %arg9[%get3A_656, %get3A_657] {strides = array<i32>} : memref<640x128xf32, #tpu.memory_space<vmem>>, vector<1x16xf32>,
      %get3A_659 = vector.shape_cast %get3A_658 : vector<1x16xf32> to vector<16xf32>
      %mul3A_660 = vector.broadcast %squeeze3A_644 : f32 to vector<16xf32>
      %mul3A_661 = arith.mulf %mul3A_660, %get3A_659 : vector<16xf32>
      %add3A_662 = arith.addf %add3A_600, %mul3A_661 : vector<16xf32>
      %get3A_663 = arith.index_cast %add3A_648 : i32 to index
      %get3A_664 = arith.constant 32 : index
      %get3A_665 = tpu.vector_load %arg9[%get3A_663, %get3A_664] {strides = array<i32>} : memref<640x128xf32, #tpu.memory_space<vmem>>, vector<1x16xf32>,
      %get3A_666 = vector.shape_cast %get3A_665 : vector<1x16xf32> to vector<16xf32>
      %mul3A_667 = vector.broadcast %squeeze3A_644 : f32 to vector<16xf32>
      %mul3A_668 = arith.mulf %mul3A_667, %get3A_666 : vector<16xf32>
      %add3A_669 = arith.addf %add3A_607, %mul3A_668 : vector<16xf32>
      %get3A_670 = arith.index_cast %add3A_648 : i32 to index
      %get3A_671 = arith.constant 48 : index
      %get3A_672 = tpu.vector_load %arg9[%get3A_670, %get3A_671] {strides = array<i32>} : memref<640x128xf32, #tpu.memory_space<vmem>>, vector<1x16xf32>,
      %get3A_673 = vector.shape_cast %get3A_672 : vector<1x16xf32> to vector<16xf32>
      %mul3A_674 = vector.broadcast %squeeze3A_644 : f32 to vector<16xf32>
      %mul3A_675 = arith.mulf %mul3A_674, %get3A_673 : vector<16xf32>
      %add3A_676 = arith.addf %add3A_614, %mul3A_675 : vector<16xf32>
      %get3A_677 = arith.index_cast %add3A_648 : i32 to index
      %get3A_678 = arith.constant 64 : index
      %get3A_679 = tpu.vector_load %arg9[%get3A_677, %get3A_678] {strides = array<i32>} : memref<640x128xf32, #tpu.memory_space<vmem>>, vector<1x16xf32>,
      %get3A_680 = vector.shape_cast %get3A_679 : vector<1x16xf32> to vector<16xf32>
      %mul3A_681 = vector.broadcast %squeeze3A_644 : f32 to vector<16xf32>
      %mul3A_682 = arith.mulf %mul3A_681, %get3A_680 : vector<16xf32>
      %add3A_683 = arith.addf %add3A_621, %mul3A_682 : vector<16xf32>
      %get3A_684 = arith.index_cast %add3A_648 : i32 to index
      %get3A_685 = arith.constant 80 : index
      %get3A_686 = tpu.vector_load %arg9[%get3A_684, %get3A_685] {strides = array<i32>} : memref<640x128xf32, #tpu.memory_space<vmem>>, vector<1x16xf32>,
      %get3A_687 = vector.shape_cast %get3A_686 : vector<1x16xf32> to vector<16xf32>
      %mul3A_688 = vector.broadcast %squeeze3A_644 : f32 to vector<16xf32>
      %mul3A_689 = arith.mulf %mul3A_688, %get3A_687 : vector<16xf32>
      %add3A_690 = arith.addf %add3A_628, %mul3A_689 : vector<16xf32>
      %get3A_691 = arith.index_cast %add3A_648 : i32 to index
      %get3A_692 = arith.constant 96 : index
      %get3A_693 = tpu.vector_load %arg9[%get3A_691, %get3A_692] {strides = array<i32>} : memref<640x128xf32, #tpu.memory_space<vmem>>, vector<1x16xf32>,
      %get3A_694 = vector.shape_cast %get3A_693 : vector<1x16xf32> to vector<16xf32>
      %mul3A_695 = vector.broadcast %squeeze3A_644 : f32 to vector<16xf32>
      %mul3A_696 = arith.mulf %mul3A_695, %get3A_694 : vector<16xf32>
      %add3A_697 = arith.addf %add3A_635, %mul3A_696 : vector<16xf32>
      %get3A_698 = arith.index_cast %add3A_648 : i32 to index
      %get3A_699 = arith.constant 112 : index
      %get3A_700 = tpu.vector_load %arg9[%get3A_698, %get3A_699] {strides = array<i32>} : memref<640x128xf32, #tpu.memory_space<vmem>>, vector<1x16xf32>,
      %get3A_701 = vector.shape_cast %get3A_700 : vector<1x16xf32> to vector<16xf32>
      %mul3A_702 = vector.broadcast %squeeze3A_644 : f32 to vector<16xf32>
      %mul3A_703 = arith.mulf %mul3A_702, %get3A_701 : vector<16xf32>
      %add3A_704 = arith.addf %add3A_642, %mul3A_703 : vector<16xf32>
      %slice3A_705 = vector.extract_strided_slice %get3A_133 {offsets = [9], sizes = [1], strides = [1]} : vector<16xf32> to vector<1xf32>
      %squeeze3A_706 = vector.extract %slice3A_705[0] : f32 from vector<1xf32>
      %mul3A_707 = arith.constant 10 : i32
      %mul3A_708 = arith.muli %scan3A_130, %mul3A_707 : i32
      %add3A_709 = arith.constant 9 : i32
      %add3A_710 = arith.addi %mul3A_708, %add3A_709 : i32
      %get3A_711 = arith.index_cast %add3A_710 : i32 to index
      %get3A_712 = arith.constant 0 : index
      %get3A_713 = tpu.vector_load %arg9[%get3A_711, %get3A_712] {strides = array<i32>} : memref<640x128xf32, #tpu.memory_space<vmem>>, vector<1x16xf32>,
      %get3A_714 = vector.shape_cast %get3A_713 : vector<1x16xf32> to vector<16xf32>
      %mul3A_715 = vector.broadcast %squeeze3A_706 : f32 to vector<16xf32>
      %mul3A_716 = arith.mulf %mul3A_715, %get3A_714 : vector<16xf32>
      %add3A_717 = arith.addf %add3A_655, %mul3A_716 : vector<16xf32>
      %get3A_718 = arith.index_cast %add3A_710 : i32 to index
      %get3A_719 = arith.constant 16 : index
      %get3A_720 = tpu.vector_load %arg9[%get3A_718, %get3A_719] {strides = array<i32>} : memref<640x128xf32, #tpu.memory_space<vmem>>, vector<1x16xf32>,
      %get3A_721 = vector.shape_cast %get3A_720 : vector<1x16xf32> to vector<16xf32>
      %mul3A_722 = vector.broadcast %squeeze3A_706 : f32 to vector<16xf32>
      %mul3A_723 = arith.mulf %mul3A_722, %get3A_721 : vector<16xf32>
      %add3A_724 = arith.addf %add3A_662, %mul3A_723 : vector<16xf32>
      %get3A_725 = arith.index_cast %add3A_710 : i32 to index
      %get3A_726 = arith.constant 32 : index
      %get3A_727 = tpu.vector_load %arg9[%get3A_725, %get3A_726] {strides = array<i32>} : memref<640x128xf32, #tpu.memory_space<vmem>>, vector<1x16xf32>,
      %get3A_728 = vector.shape_cast %get3A_727 : vector<1x16xf32> to vector<16xf32>
      %mul3A_729 = vector.broadcast %squeeze3A_706 : f32 to vector<16xf32>
      %mul3A_730 = arith.mulf %mul3A_729, %get3A_728 : vector<16xf32>
      %add3A_731 = arith.addf %add3A_669, %mul3A_730 : vector<16xf32>
      %get3A_732 = arith.index_cast %add3A_710 : i32 to index
      %get3A_733 = arith.constant 48 : index
      %get3A_734 = tpu.vector_load %arg9[%get3A_732, %get3A_733] {strides = array<i32>} : memref<640x128xf32, #tpu.memory_space<vmem>>, vector<1x16xf32>,
      %get3A_735 = vector.shape_cast %get3A_734 : vector<1x16xf32> to vector<16xf32>
      %mul3A_736 = vector.broadcast %squeeze3A_706 : f32 to vector<16xf32>
      %mul3A_737 = arith.mulf %mul3A_736, %get3A_735 : vector<16xf32>
      %add3A_738 = arith.addf %add3A_676, %mul3A_737 : vector<16xf32>
      %get3A_739 = arith.index_cast %add3A_710 : i32 to index
      %get3A_740 = arith.constant 64 : index
      %get3A_741 = tpu.vector_load %arg9[%get3A_739, %get3A_740] {strides = array<i32>} : memref<640x128xf32, #tpu.memory_space<vmem>>, vector<1x16xf32>,
      %get3A_742 = vector.shape_cast %get3A_741 : vector<1x16xf32> to vector<16xf32>
      %mul3A_743 = vector.broadcast %squeeze3A_706 : f32 to vector<16xf32>
      %mul3A_744 = arith.mulf %mul3A_743, %get3A_742 : vector<16xf32>
      %add3A_745 = arith.addf %add3A_683, %mul3A_744 : vector<16xf32>
      %get3A_746 = arith.index_cast %add3A_710 : i32 to index
      %get3A_747 = arith.constant 80 : index
      %get3A_748 = tpu.vector_load %arg9[%get3A_746, %get3A_747] {strides = array<i32>} : memref<640x128xf32, #tpu.memory_space<vmem>>, vector<1x16xf32>,
      %get3A_749 = vector.shape_cast %get3A_748 : vector<1x16xf32> to vector<16xf32>
      %mul3A_750 = vector.broadcast %squeeze3A_706 : f32 to vector<16xf32>
      %mul3A_751 = arith.mulf %mul3A_750, %get3A_749 : vector<16xf32>
      %add3A_752 = arith.addf %add3A_690, %mul3A_751 : vector<16xf32>
      %get3A_753 = arith.index_cast %add3A_710 : i32 to index
      %get3A_754 = arith.constant 96 : index
      %get3A_755 = tpu.vector_load %arg9[%get3A_753, %get3A_754] {strides = array<i32>} : memref<640x128xf32, #tpu.memory_space<vmem>>, vector<1x16xf32>,
      %get3A_756 = vector.shape_cast %get3A_755 : vector<1x16xf32> to vector<16xf32>
      %mul3A_757 = vector.broadcast %squeeze3A_706 : f32 to vector<16xf32>
      %mul3A_758 = arith.mulf %mul3A_757, %get3A_756 : vector<16xf32>
      %add3A_759 = arith.addf %add3A_697, %mul3A_758 : vector<16xf32>
      %get3A_760 = arith.index_cast %add3A_710 : i32 to index
      %get3A_761 = arith.constant 112 : index
      %get3A_762 = tpu.vector_load %arg9[%get3A_760, %get3A_761] {strides = array<i32>} : memref<640x128xf32, #tpu.memory_space<vmem>>, vector<1x16xf32>,
      %get3A_763 = vector.shape_cast %get3A_762 : vector<1x16xf32> to vector<16xf32>
      %mul3A_764 = vector.broadcast %squeeze3A_706 : f32 to vector<16xf32>
      %mul3A_765 = arith.mulf %mul3A_764, %get3A_763 : vector<16xf32>
      %add3A_766 = arith.addf %add3A_704, %mul3A_765 : vector<16xf32>
      %swap3A = arith.index_cast %scan3A_130 : i32 to index
      %swap3A_767 = arith.constant 0 : index
      %swap3A_768 = tpu.vector_load %arg10[%swap3A, %swap3A_767] {strides = array<i32>} : memref<64x64xf32, #tpu.memory_space<vmem>>, vector<1x16xf32>,
      %swap3A_769 = vector.shape_cast %swap3A_768 : vector<1x16xf32> to vector<16xf32>
      %swap3A_770 = vector.shape_cast %add3A_717 : vector<16xf32> to vector<1x16xf32>
      tpu.vector_store %arg10[%swap3A, %swap3A_767], %swap3A_770 {strides = array<i32>} : memref<64x64xf32, #tpu.memory_space<vmem>>, vector<1x16xf32>,
      %swap3A_771 = arith.index_cast %scan3A_130 : i32 to index
      %swap3A_772 = arith.constant 0 : index
      %swap3A_773 = tpu.vector_load %arg11[%swap3A_771, %swap3A_772] {strides = array<i32>} : memref<64x64xf32, #tpu.memory_space<vmem>>, vector<1x16xf32>,
      %swap3A_774 = vector.shape_cast %swap3A_773 : vector<1x16xf32> to vector<16xf32>
      %swap3A_775 = vector.shape_cast %add3A_745 : vector<16xf32> to vector<1x16xf32>
      tpu.vector_store %arg11[%swap3A_771, %swap3A_772], %swap3A_775 {strides = array<i32>} : memref<64x64xf32, #tpu.memory_space<vmem>>, vector<1x16xf32>,
      %swap3A_776 = arith.index_cast %scan3A_130 : i32 to index
      %swap3A_777 = arith.constant 16 : index
      %swap3A_778 = tpu.vector_load %arg10[%swap3A_776, %swap3A_777] {strides = array<i32>} : memref<64x64xf32, #tpu.memory_space<vmem>>, vector<1x16xf32>,
      %swap3A_779 = vector.shape_cast %swap3A_778 : vector<1x16xf32> to vector<16xf32>
      %swap3A_780 = vector.shape_cast %add3A_724 : vector<16xf32> to vector<1x16xf32>
      tpu.vector_store %arg10[%swap3A_776, %swap3A_777], %swap3A_780 {strides = array<i32>} : memref<64x64xf32, #tpu.memory_space<vmem>>, vector<1x16xf32>,
      %swap3A_781 = arith.index_cast %scan3A_130 : i32 to index
      %swap3A_782 = arith.constant 16 : index
      %swap3A_783 = tpu.vector_load %arg11[%swap3A_781, %swap3A_782] {strides = array<i32>} : memref<64x64xf32, #tpu.memory_space<vmem>>, vector<1x16xf32>,
      %swap3A_784 = vector.shape_cast %swap3A_783 : vector<1x16xf32> to vector<16xf32>
      %swap3A_785 = vector.shape_cast %add3A_752 : vector<16xf32> to vector<1x16xf32>
      tpu.vector_store %arg11[%swap3A_781, %swap3A_782], %swap3A_785 {strides = array<i32>} : memref<64x64xf32, #tpu.memory_space<vmem>>, vector<1x16xf32>,
      %swap3A_786 = arith.index_cast %scan3A_130 : i32 to index
      %swap3A_787 = arith.constant 32 : index
      %swap3A_788 = tpu.vector_load %arg10[%swap3A_786, %swap3A_787] {strides = array<i32>} : memref<64x64xf32, #tpu.memory_space<vmem>>, vector<1x16xf32>,
      %swap3A_789 = vector.shape_cast %swap3A_788 : vector<1x16xf32> to vector<16xf32>
      %swap3A_790 = vector.shape_cast %add3A_731 : vector<16xf32> to vector<1x16xf32>
      tpu.vector_store %arg10[%swap3A_786, %swap3A_787], %swap3A_790 {strides = array<i32>} : memref<64x64xf32, #tpu.memory_space<vmem>>, vector<1x16xf32>,
      %swap3A_791 = arith.index_cast %scan3A_130 : i32 to index
      %swap3A_792 = arith.constant 32 : index
      %swap3A_793 = tpu.vector_load %arg11[%swap3A_791, %swap3A_792] {strides = array<i32>} : memref<64x64xf32, #tpu.memory_space<vmem>>, vector<1x16xf32>,
      %swap3A_794 = vector.shape_cast %swap3A_793 : vector<1x16xf32> to vector<16xf32>
      %swap3A_795 = vector.shape_cast %add3A_759 : vector<16xf32> to vector<1x16xf32>
      tpu.vector_store %arg11[%swap3A_791, %swap3A_792], %swap3A_795 {strides = array<i32>} : memref<64x64xf32, #tpu.memory_space<vmem>>, vector<1x16xf32>,
      %swap3A_796 = arith.index_cast %scan3A_130 : i32 to index
      %swap3A_797 = arith.constant 48 : index
      %swap3A_798 = tpu.vector_load %arg10[%swap3A_796, %swap3A_797] {strides = array<i32>} : memref<64x64xf32, #tpu.memory_space<vmem>>, vector<1x16xf32>,
      %swap3A_799 = vector.shape_cast %swap3A_798 : vector<1x16xf32> to vector<16xf32>
      %swap3A_800 = vector.shape_cast %add3A_738 : vector<16xf32> to vector<1x16xf32>
      tpu.vector_store %arg10[%swap3A_796, %swap3A_797], %swap3A_800 {strides = array<i32>} : memref<64x64xf32, #tpu.memory_space<vmem>>, vector<1x16xf32>,
      %swap3A_801 = arith.index_cast %scan3A_130 : i32 to index
      %swap3A_802 = arith.constant 48 : index
      %swap3A_803 = tpu.vector_load %arg11[%swap3A_801, %swap3A_802] {strides = array<i32>} : memref<64x64xf32, #tpu.memory_space<vmem>>, vector<1x16xf32>,
      %swap3A_804 = vector.shape_cast %swap3A_803 : vector<1x16xf32> to vector<16xf32>
      %swap3A_805 = vector.shape_cast %add3A_766 : vector<16xf32> to vector<1x16xf32>
      tpu.vector_store %arg11[%swap3A_801, %swap3A_802], %swap3A_805 {strides = array<i32>} : memref<64x64xf32, #tpu.memory_space<vmem>>, vector<1x16xf32>,
    }
    %scan3A_65 = arith.constant 12 : i32
    %dma_wait3A_66 = arith.constant 1 : i32
    %dma_wait3A_67 = arith.constant 128 : i32
    %dma_wait3A_68 = arith.constant 0 : i32
    %dma_wait3A_69 = tpu.memref_slice %arg9[%dma_wait3A_67, %dma_wait3A_68] : memref<640x128xf32, #tpu.memory_space<vmem>> -> memref<128x128xf32, #tpu.memory_space<vmem>>
    %dma_wait3A_70 = arith.constant 0 : i32
    %dma_wait3A_71 = tpu.memref_slice %arg8[%dma_wait3A_66, %dma_wait3A_70] : memref<5x128xi32, #tpu.memory_space<vmem>> -> memref<1x128xi32, #tpu.memory_space<vmem>>
    %dma_wait3A_72 = tpu.memref_squeeze %dma_wait3A_71 : memref<1x128xi32, #tpu.memory_space<vmem>> -> memref<128xi32, #tpu.memory_space<vmem>>
    %dma_wait3A_73 = arith.constant 0 : i32
    %dma_wait3A_74 = arith.constant 0 : i32
    %dma_wait3A_75 = tpu.memref_slice %arg4[%dma_wait3A_73, %dma_wait3A_74] : memref<2048x128xf32, #tpu.memory_space<hbm>> -> memref<2048x128xf32, #tpu.memory_space<hbm>>
    tpu.wait_indirect_dma semaphore(%arg13 : memref<!tpu.dma_semaphore, #tpu.memory_space<semaphore_mem>>) src(%dma_wait3A_75 : memref<2048x128xf32, #tpu.memory_space<hbm>>) dst(%dma_wait3A_69 : memref<128x128xf32, #tpu.memory_space<vmem>>)
    %scan3A_76 = arith.constant 0 : i32
    %scan3A_77 = arith.constant 12 : i32
    %scan3A_78 = arith.constant 13 : i32
    %scan3A_79 = arith.addi %scan3A_77, %scan3A_78 : i32
    %scan3A_80 = arith.constant 1 : i32
    scf.for %scan3A_130 = %scan3A_77 to %scan3A_79 step %scan3A_80  : i32 {
      %get3A = arith.index_cast %scan3A_130 : i32 to index
      %get3A_131 = arith.constant 0 : index
      %get3A_132 = tpu.vector_load %arg7[%get3A, %get3A_131] {strides = array<i32>} : memref<64x16xf32, #tpu.memory_space<vmem>>, vector<1x16xf32>,
      %get3A_133 = vector.shape_cast %get3A_132 : vector<1x16xf32> to vector<16xf32>
      %broadcast_in_dim3A = arith.constant 0.000000e+00 : f32
      %broadcast_in_dim3A_134 = vector.broadcast %broadcast_in_dim3A : f32 to vector<16xf32>
      %broadcast_in_dim3A_135 = arith.constant 0.000000e+00 : f32
      %broadcast_in_dim3A_136 = vector.broadcast %broadcast_in_dim3A_135 : f32 to vector<16xf32>
      %broadcast_in_dim3A_137 = arith.constant 0.000000e+00 : f32
      %broadcast_in_dim3A_138 = vector.broadcast %broadcast_in_dim3A_137 : f32 to vector<16xf32>
      %broadcast_in_dim3A_139 = arith.constant 0.000000e+00 : f32
      %broadcast_in_dim3A_140 = vector.broadcast %broadcast_in_dim3A_139 : f32 to vector<16xf32>
      %broadcast_in_dim3A_141 = arith.constant 0.000000e+00 : f32
      %broadcast_in_dim3A_142 = vector.broadcast %broadcast_in_dim3A_141 : f32 to vector<16xf32>
      %broadcast_in_dim3A_143 = arith.constant 0.000000e+00 : f32
      %broadcast_in_dim3A_144 = vector.broadcast %broadcast_in_dim3A_143 : f32 to vector<16xf32>
      %broadcast_in_dim3A_145 = arith.constant 0.000000e+00 : f32
      %broadcast_in_dim3A_146 = vector.broadcast %broadcast_in_dim3A_145 : f32 to vector<16xf32>
      %broadcast_in_dim3A_147 = arith.constant 0.000000e+00 : f32
      %broadcast_in_dim3A_148 = vector.broadcast %broadcast_in_dim3A_147 : f32 to vector<16xf32>
      %slice3A = vector.extract_strided_slice %get3A_133 {offsets = [0], sizes = [1], strides = [1]} : vector<16xf32> to vector<1xf32>
      %squeeze3A = vector.extract %slice3A[0] : f32 from vector<1xf32>
      %mul3A_149 = arith.constant 10 : i32
      %mul3A_150 = arith.muli %scan3A_130, %mul3A_149 : i32
      %add3A_151 = arith.constant 0 : i32
      %add3A_152 = arith.addi %mul3A_150, %add3A_151 : i32
      %get3A_153 = arith.index_cast %add3A_152 : i32 to index
      %get3A_154 = arith.constant 0 : index
      %get3A_155 = tpu.vector_load %arg9[%get3A_153, %get3A_154] {strides = array<i32>} : memref<640x128xf32, #tpu.memory_space<vmem>>, vector<1x16xf32>,
      %get3A_156 = vector.shape_cast %get3A_155 : vector<1x16xf32> to vector<16xf32>
      %mul3A_157 = vector.broadcast %squeeze3A : f32 to vector<16xf32>
      %mul3A_158 = arith.mulf %mul3A_157, %get3A_156 : vector<16xf32>
      %add3A_159 = arith.addf %broadcast_in_dim3A_134, %mul3A_158 : vector<16xf32>
      %get3A_160 = arith.index_cast %add3A_152 : i32 to index
      %get3A_161 = arith.constant 16 : index
      %get3A_162 = tpu.vector_load %arg9[%get3A_160, %get3A_161] {strides = array<i32>} : memref<640x128xf32, #tpu.memory_space<vmem>>, vector<1x16xf32>,
      %get3A_163 = vector.shape_cast %get3A_162 : vector<1x16xf32> to vector<16xf32>
      %mul3A_164 = vector.broadcast %squeeze3A : f32 to vector<16xf32>
      %mul3A_165 = arith.mulf %mul3A_164, %get3A_163 : vector<16xf32>
      %add3A_166 = arith.addf %broadcast_in_dim3A_136, %mul3A_165 : vector<16xf32>
      %get3A_167 = arith.index_cast %add3A_152 : i32 to index
      %get3A_168 = arith.constant 32 : index
      %get3A_169 = tpu.vector_load %arg9[%get3A_167, %get3A_168] {strides = array<i32>} : memref<640x128xf32, #tpu.memory_space<vmem>>, vector<1x16xf32>,
      %get3A_170 = vector.shape_cast %get3A_169 : vector<1x16xf32> to vector<16xf32>
      %mul3A_171 = vector.broadcast %squeeze3A : f32 to vector<16xf32>
      %mul3A_172 = arith.mulf %mul3A_171, %get3A_170 : vector<16xf32>
      %add3A_173 = arith.addf %broadcast_in_dim3A_138, %mul3A_172 : vector<16xf32>
      %get3A_174 = arith.index_cast %add3A_152 : i32 to index
      %get3A_175 = arith.constant 48 : index
      %get3A_176 = tpu.vector_load %arg9[%get3A_174, %get3A_175] {strides = array<i32>} : memref<640x128xf32, #tpu.memory_space<vmem>>, vector<1x16xf32>,
      %get3A_177 = vector.shape_cast %get3A_176 : vector<1x16xf32> to vector<16xf32>
      %mul3A_178 = vector.broadcast %squeeze3A : f32 to vector<16xf32>
      %mul3A_179 = arith.mulf %mul3A_178, %get3A_177 : vector<16xf32>
      %add3A_180 = arith.addf %broadcast_in_dim3A_140, %mul3A_179 : vector<16xf32>
      %get3A_181 = arith.index_cast %add3A_152 : i32 to index
      %get3A_182 = arith.constant 64 : index
      %get3A_183 = tpu.vector_load %arg9[%get3A_181, %get3A_182] {strides = array<i32>} : memref<640x128xf32, #tpu.memory_space<vmem>>, vector<1x16xf32>,
      %get3A_184 = vector.shape_cast %get3A_183 : vector<1x16xf32> to vector<16xf32>
      %mul3A_185 = vector.broadcast %squeeze3A : f32 to vector<16xf32>
      %mul3A_186 = arith.mulf %mul3A_185, %get3A_184 : vector<16xf32>
      %add3A_187 = arith.addf %broadcast_in_dim3A_142, %mul3A_186 : vector<16xf32>
      %get3A_188 = arith.index_cast %add3A_152 : i32 to index
      %get3A_189 = arith.constant 80 : index
      %get3A_190 = tpu.vector_load %arg9[%get3A_188, %get3A_189] {strides = array<i32>} : memref<640x128xf32, #tpu.memory_space<vmem>>, vector<1x16xf32>,
      %get3A_191 = vector.shape_cast %get3A_190 : vector<1x16xf32> to vector<16xf32>
      %mul3A_192 = vector.broadcast %squeeze3A : f32 to vector<16xf32>
      %mul3A_193 = arith.mulf %mul3A_192, %get3A_191 : vector<16xf32>
      %add3A_194 = arith.addf %broadcast_in_dim3A_144, %mul3A_193 : vector<16xf32>
      %get3A_195 = arith.index_cast %add3A_152 : i32 to index
      %get3A_196 = arith.constant 96 : index
      %get3A_197 = tpu.vector_load %arg9[%get3A_195, %get3A_196] {strides = array<i32>} : memref<640x128xf32, #tpu.memory_space<vmem>>, vector<1x16xf32>,
      %get3A_198 = vector.shape_cast %get3A_197 : vector<1x16xf32> to vector<16xf32>
      %mul3A_199 = vector.broadcast %squeeze3A : f32 to vector<16xf32>
      %mul3A_200 = arith.mulf %mul3A_199, %get3A_198 : vector<16xf32>
      %add3A_201 = arith.addf %broadcast_in_dim3A_146, %mul3A_200 : vector<16xf32>
      %get3A_202 = arith.index_cast %add3A_152 : i32 to index
      %get3A_203 = arith.constant 112 : index
      %get3A_204 = tpu.vector_load %arg9[%get3A_202, %get3A_203] {strides = array<i32>} : memref<640x128xf32, #tpu.memory_space<vmem>>, vector<1x16xf32>,
      %get3A_205 = vector.shape_cast %get3A_204 : vector<1x16xf32> to vector<16xf32>
      %mul3A_206 = vector.broadcast %squeeze3A : f32 to vector<16xf32>
      %mul3A_207 = arith.mulf %mul3A_206, %get3A_205 : vector<16xf32>
      %add3A_208 = arith.addf %broadcast_in_dim3A_148, %mul3A_207 : vector<16xf32>
      %slice3A_209 = vector.extract_strided_slice %get3A_133 {offsets = [1], sizes = [1], strides = [1]} : vector<16xf32> to vector<1xf32>
      %squeeze3A_210 = vector.extract %slice3A_209[0] : f32 from vector<1xf32>
      %mul3A_211 = arith.constant 10 : i32
      %mul3A_212 = arith.muli %scan3A_130, %mul3A_211 : i32
      %add3A_213 = arith.constant 1 : i32
      %add3A_214 = arith.addi %mul3A_212, %add3A_213 : i32
      %get3A_215 = arith.index_cast %add3A_214 : i32 to index
      %get3A_216 = arith.constant 0 : index
      %get3A_217 = tpu.vector_load %arg9[%get3A_215, %get3A_216] {strides = array<i32>} : memref<640x128xf32, #tpu.memory_space<vmem>>, vector<1x16xf32>,
      %get3A_218 = vector.shape_cast %get3A_217 : vector<1x16xf32> to vector<16xf32>
      %mul3A_219 = vector.broadcast %squeeze3A_210 : f32 to vector<16xf32>
      %mul3A_220 = arith.mulf %mul3A_219, %get3A_218 : vector<16xf32>
      %add3A_221 = arith.addf %add3A_159, %mul3A_220 : vector<16xf32>
      %get3A_222 = arith.index_cast %add3A_214 : i32 to index
      %get3A_223 = arith.constant 16 : index
      %get3A_224 = tpu.vector_load %arg9[%get3A_222, %get3A_223] {strides = array<i32>} : memref<640x128xf32, #tpu.memory_space<vmem>>, vector<1x16xf32>,
      %get3A_225 = vector.shape_cast %get3A_224 : vector<1x16xf32> to vector<16xf32>
      %mul3A_226 = vector.broadcast %squeeze3A_210 : f32 to vector<16xf32>
      %mul3A_227 = arith.mulf %mul3A_226, %get3A_225 : vector<16xf32>
      %add3A_228 = arith.addf %add3A_166, %mul3A_227 : vector<16xf32>
      %get3A_229 = arith.index_cast %add3A_214 : i32 to index
      %get3A_230 = arith.constant 32 : index
      %get3A_231 = tpu.vector_load %arg9[%get3A_229, %get3A_230] {strides = array<i32>} : memref<640x128xf32, #tpu.memory_space<vmem>>, vector<1x16xf32>,
      %get3A_232 = vector.shape_cast %get3A_231 : vector<1x16xf32> to vector<16xf32>
      %mul3A_233 = vector.broadcast %squeeze3A_210 : f32 to vector<16xf32>
      %mul3A_234 = arith.mulf %mul3A_233, %get3A_232 : vector<16xf32>
      %add3A_235 = arith.addf %add3A_173, %mul3A_234 : vector<16xf32>
      %get3A_236 = arith.index_cast %add3A_214 : i32 to index
      %get3A_237 = arith.constant 48 : index
      %get3A_238 = tpu.vector_load %arg9[%get3A_236, %get3A_237] {strides = array<i32>} : memref<640x128xf32, #tpu.memory_space<vmem>>, vector<1x16xf32>,
      %get3A_239 = vector.shape_cast %get3A_238 : vector<1x16xf32> to vector<16xf32>
      %mul3A_240 = vector.broadcast %squeeze3A_210 : f32 to vector<16xf32>
      %mul3A_241 = arith.mulf %mul3A_240, %get3A_239 : vector<16xf32>
      %add3A_242 = arith.addf %add3A_180, %mul3A_241 : vector<16xf32>
      %get3A_243 = arith.index_cast %add3A_214 : i32 to index
      %get3A_244 = arith.constant 64 : index
      %get3A_245 = tpu.vector_load %arg9[%get3A_243, %get3A_244] {strides = array<i32>} : memref<640x128xf32, #tpu.memory_space<vmem>>, vector<1x16xf32>,
      %get3A_246 = vector.shape_cast %get3A_245 : vector<1x16xf32> to vector<16xf32>
      %mul3A_247 = vector.broadcast %squeeze3A_210 : f32 to vector<16xf32>
      %mul3A_248 = arith.mulf %mul3A_247, %get3A_246 : vector<16xf32>
      %add3A_249 = arith.addf %add3A_187, %mul3A_248 : vector<16xf32>
      %get3A_250 = arith.index_cast %add3A_214 : i32 to index
      %get3A_251 = arith.constant 80 : index
      %get3A_252 = tpu.vector_load %arg9[%get3A_250, %get3A_251] {strides = array<i32>} : memref<640x128xf32, #tpu.memory_space<vmem>>, vector<1x16xf32>,
      %get3A_253 = vector.shape_cast %get3A_252 : vector<1x16xf32> to vector<16xf32>
      %mul3A_254 = vector.broadcast %squeeze3A_210 : f32 to vector<16xf32>
      %mul3A_255 = arith.mulf %mul3A_254, %get3A_253 : vector<16xf32>
      %add3A_256 = arith.addf %add3A_194, %mul3A_255 : vector<16xf32>
      %get3A_257 = arith.index_cast %add3A_214 : i32 to index
      %get3A_258 = arith.constant 96 : index
      %get3A_259 = tpu.vector_load %arg9[%get3A_257, %get3A_258] {strides = array<i32>} : memref<640x128xf32, #tpu.memory_space<vmem>>, vector<1x16xf32>,
      %get3A_260 = vector.shape_cast %get3A_259 : vector<1x16xf32> to vector<16xf32>
      %mul3A_261 = vector.broadcast %squeeze3A_210 : f32 to vector<16xf32>
      %mul3A_262 = arith.mulf %mul3A_261, %get3A_260 : vector<16xf32>
      %add3A_263 = arith.addf %add3A_201, %mul3A_262 : vector<16xf32>
      %get3A_264 = arith.index_cast %add3A_214 : i32 to index
      %get3A_265 = arith.constant 112 : index
      %get3A_266 = tpu.vector_load %arg9[%get3A_264, %get3A_265] {strides = array<i32>} : memref<640x128xf32, #tpu.memory_space<vmem>>, vector<1x16xf32>,
      %get3A_267 = vector.shape_cast %get3A_266 : vector<1x16xf32> to vector<16xf32>
      %mul3A_268 = vector.broadcast %squeeze3A_210 : f32 to vector<16xf32>
      %mul3A_269 = arith.mulf %mul3A_268, %get3A_267 : vector<16xf32>
      %add3A_270 = arith.addf %add3A_208, %mul3A_269 : vector<16xf32>
      %slice3A_271 = vector.extract_strided_slice %get3A_133 {offsets = [2], sizes = [1], strides = [1]} : vector<16xf32> to vector<1xf32>
      %squeeze3A_272 = vector.extract %slice3A_271[0] : f32 from vector<1xf32>
      %mul3A_273 = arith.constant 10 : i32
      %mul3A_274 = arith.muli %scan3A_130, %mul3A_273 : i32
      %add3A_275 = arith.constant 2 : i32
      %add3A_276 = arith.addi %mul3A_274, %add3A_275 : i32
      %get3A_277 = arith.index_cast %add3A_276 : i32 to index
      %get3A_278 = arith.constant 0 : index
      %get3A_279 = tpu.vector_load %arg9[%get3A_277, %get3A_278] {strides = array<i32>} : memref<640x128xf32, #tpu.memory_space<vmem>>, vector<1x16xf32>,
      %get3A_280 = vector.shape_cast %get3A_279 : vector<1x16xf32> to vector<16xf32>
      %mul3A_281 = vector.broadcast %squeeze3A_272 : f32 to vector<16xf32>
      %mul3A_282 = arith.mulf %mul3A_281, %get3A_280 : vector<16xf32>
      %add3A_283 = arith.addf %add3A_221, %mul3A_282 : vector<16xf32>
      %get3A_284 = arith.index_cast %add3A_276 : i32 to index
      %get3A_285 = arith.constant 16 : index
      %get3A_286 = tpu.vector_load %arg9[%get3A_284, %get3A_285] {strides = array<i32>} : memref<640x128xf32, #tpu.memory_space<vmem>>, vector<1x16xf32>,
      %get3A_287 = vector.shape_cast %get3A_286 : vector<1x16xf32> to vector<16xf32>
      %mul3A_288 = vector.broadcast %squeeze3A_272 : f32 to vector<16xf32>
      %mul3A_289 = arith.mulf %mul3A_288, %get3A_287 : vector<16xf32>
      %add3A_290 = arith.addf %add3A_228, %mul3A_289 : vector<16xf32>
      %get3A_291 = arith.index_cast %add3A_276 : i32 to index
      %get3A_292 = arith.constant 32 : index
      %get3A_293 = tpu.vector_load %arg9[%get3A_291, %get3A_292] {strides = array<i32>} : memref<640x128xf32, #tpu.memory_space<vmem>>, vector<1x16xf32>,
      %get3A_294 = vector.shape_cast %get3A_293 : vector<1x16xf32> to vector<16xf32>
      %mul3A_295 = vector.broadcast %squeeze3A_272 : f32 to vector<16xf32>
      %mul3A_296 = arith.mulf %mul3A_295, %get3A_294 : vector<16xf32>
      %add3A_297 = arith.addf %add3A_235, %mul3A_296 : vector<16xf32>
      %get3A_298 = arith.index_cast %add3A_276 : i32 to index
      %get3A_299 = arith.constant 48 : index
      %get3A_300 = tpu.vector_load %arg9[%get3A_298, %get3A_299] {strides = array<i32>} : memref<640x128xf32, #tpu.memory_space<vmem>>, vector<1x16xf32>,
      %get3A_301 = vector.shape_cast %get3A_300 : vector<1x16xf32> to vector<16xf32>
      %mul3A_302 = vector.broadcast %squeeze3A_272 : f32 to vector<16xf32>
      %mul3A_303 = arith.mulf %mul3A_302, %get3A_301 : vector<16xf32>
      %add3A_304 = arith.addf %add3A_242, %mul3A_303 : vector<16xf32>
      %get3A_305 = arith.index_cast %add3A_276 : i32 to index
      %get3A_306 = arith.constant 64 : index
      %get3A_307 = tpu.vector_load %arg9[%get3A_305, %get3A_306] {strides = array<i32>} : memref<640x128xf32, #tpu.memory_space<vmem>>, vector<1x16xf32>,
      %get3A_308 = vector.shape_cast %get3A_307 : vector<1x16xf32> to vector<16xf32>
      %mul3A_309 = vector.broadcast %squeeze3A_272 : f32 to vector<16xf32>
      %mul3A_310 = arith.mulf %mul3A_309, %get3A_308 : vector<16xf32>
      %add3A_311 = arith.addf %add3A_249, %mul3A_310 : vector<16xf32>
      %get3A_312 = arith.index_cast %add3A_276 : i32 to index
      %get3A_313 = arith.constant 80 : index
      %get3A_314 = tpu.vector_load %arg9[%get3A_312, %get3A_313] {strides = array<i32>} : memref<640x128xf32, #tpu.memory_space<vmem>>, vector<1x16xf32>,
      %get3A_315 = vector.shape_cast %get3A_314 : vector<1x16xf32> to vector<16xf32>
      %mul3A_316 = vector.broadcast %squeeze3A_272 : f32 to vector<16xf32>
      %mul3A_317 = arith.mulf %mul3A_316, %get3A_315 : vector<16xf32>
      %add3A_318 = arith.addf %add3A_256, %mul3A_317 : vector<16xf32>
      %get3A_319 = arith.index_cast %add3A_276 : i32 to index
      %get3A_320 = arith.constant 96 : index
      %get3A_321 = tpu.vector_load %arg9[%get3A_319, %get3A_320] {strides = array<i32>} : memref<640x128xf32, #tpu.memory_space<vmem>>, vector<1x16xf32>,
      %get3A_322 = vector.shape_cast %get3A_321 : vector<1x16xf32> to vector<16xf32>
      %mul3A_323 = vector.broadcast %squeeze3A_272 : f32 to vector<16xf32>
      %mul3A_324 = arith.mulf %mul3A_323, %get3A_322 : vector<16xf32>
      %add3A_325 = arith.addf %add3A_263, %mul3A_324 : vector<16xf32>
      %get3A_326 = arith.index_cast %add3A_276 : i32 to index
      %get3A_327 = arith.constant 112 : index
      %get3A_328 = tpu.vector_load %arg9[%get3A_326, %get3A_327] {strides = array<i32>} : memref<640x128xf32, #tpu.memory_space<vmem>>, vector<1x16xf32>,
      %get3A_329 = vector.shape_cast %get3A_328 : vector<1x16xf32> to vector<16xf32>
      %mul3A_330 = vector.broadcast %squeeze3A_272 : f32 to vector<16xf32>
      %mul3A_331 = arith.mulf %mul3A_330, %get3A_329 : vector<16xf32>
      %add3A_332 = arith.addf %add3A_270, %mul3A_331 : vector<16xf32>
      %slice3A_333 = vector.extract_strided_slice %get3A_133 {offsets = [3], sizes = [1], strides = [1]} : vector<16xf32> to vector<1xf32>
      %squeeze3A_334 = vector.extract %slice3A_333[0] : f32 from vector<1xf32>
      %mul3A_335 = arith.constant 10 : i32
      %mul3A_336 = arith.muli %scan3A_130, %mul3A_335 : i32
      %add3A_337 = arith.constant 3 : i32
      %add3A_338 = arith.addi %mul3A_336, %add3A_337 : i32
      %get3A_339 = arith.index_cast %add3A_338 : i32 to index
      %get3A_340 = arith.constant 0 : index
      %get3A_341 = tpu.vector_load %arg9[%get3A_339, %get3A_340] {strides = array<i32>} : memref<640x128xf32, #tpu.memory_space<vmem>>, vector<1x16xf32>,
      %get3A_342 = vector.shape_cast %get3A_341 : vector<1x16xf32> to vector<16xf32>
      %mul3A_343 = vector.broadcast %squeeze3A_334 : f32 to vector<16xf32>
      %mul3A_344 = arith.mulf %mul3A_343, %get3A_342 : vector<16xf32>
      %add3A_345 = arith.addf %add3A_283, %mul3A_344 : vector<16xf32>
      %get3A_346 = arith.index_cast %add3A_338 : i32 to index
      %get3A_347 = arith.constant 16 : index
      %get3A_348 = tpu.vector_load %arg9[%get3A_346, %get3A_347] {strides = array<i32>} : memref<640x128xf32, #tpu.memory_space<vmem>>, vector<1x16xf32>,
      %get3A_349 = vector.shape_cast %get3A_348 : vector<1x16xf32> to vector<16xf32>
      %mul3A_350 = vector.broadcast %squeeze3A_334 : f32 to vector<16xf32>
      %mul3A_351 = arith.mulf %mul3A_350, %get3A_349 : vector<16xf32>
      %add3A_352 = arith.addf %add3A_290, %mul3A_351 : vector<16xf32>
      %get3A_353 = arith.index_cast %add3A_338 : i32 to index
      %get3A_354 = arith.constant 32 : index
      %get3A_355 = tpu.vector_load %arg9[%get3A_353, %get3A_354] {strides = array<i32>} : memref<640x128xf32, #tpu.memory_space<vmem>>, vector<1x16xf32>,
      %get3A_356 = vector.shape_cast %get3A_355 : vector<1x16xf32> to vector<16xf32>
      %mul3A_357 = vector.broadcast %squeeze3A_334 : f32 to vector<16xf32>
      %mul3A_358 = arith.mulf %mul3A_357, %get3A_356 : vector<16xf32>
      %add3A_359 = arith.addf %add3A_297, %mul3A_358 : vector<16xf32>
      %get3A_360 = arith.index_cast %add3A_338 : i32 to index
      %get3A_361 = arith.constant 48 : index
      %get3A_362 = tpu.vector_load %arg9[%get3A_360, %get3A_361] {strides = array<i32>} : memref<640x128xf32, #tpu.memory_space<vmem>>, vector<1x16xf32>,
      %get3A_363 = vector.shape_cast %get3A_362 : vector<1x16xf32> to vector<16xf32>
      %mul3A_364 = vector.broadcast %squeeze3A_334 : f32 to vector<16xf32>
      %mul3A_365 = arith.mulf %mul3A_364, %get3A_363 : vector<16xf32>
      %add3A_366 = arith.addf %add3A_304, %mul3A_365 : vector<16xf32>
      %get3A_367 = arith.index_cast %add3A_338 : i32 to index
      %get3A_368 = arith.constant 64 : index
      %get3A_369 = tpu.vector_load %arg9[%get3A_367, %get3A_368] {strides = array<i32>} : memref<640x128xf32, #tpu.memory_space<vmem>>, vector<1x16xf32>,
      %get3A_370 = vector.shape_cast %get3A_369 : vector<1x16xf32> to vector<16xf32>
      %mul3A_371 = vector.broadcast %squeeze3A_334 : f32 to vector<16xf32>
      %mul3A_372 = arith.mulf %mul3A_371, %get3A_370 : vector<16xf32>
      %add3A_373 = arith.addf %add3A_311, %mul3A_372 : vector<16xf32>
      %get3A_374 = arith.index_cast %add3A_338 : i32 to index
      %get3A_375 = arith.constant 80 : index
      %get3A_376 = tpu.vector_load %arg9[%get3A_374, %get3A_375] {strides = array<i32>} : memref<640x128xf32, #tpu.memory_space<vmem>>, vector<1x16xf32>,
      %get3A_377 = vector.shape_cast %get3A_376 : vector<1x16xf32> to vector<16xf32>
      %mul3A_378 = vector.broadcast %squeeze3A_334 : f32 to vector<16xf32>
      %mul3A_379 = arith.mulf %mul3A_378, %get3A_377 : vector<16xf32>
      %add3A_380 = arith.addf %add3A_318, %mul3A_379 : vector<16xf32>
      %get3A_381 = arith.index_cast %add3A_338 : i32 to index
      %get3A_382 = arith.constant 96 : index
      %get3A_383 = tpu.vector_load %arg9[%get3A_381, %get3A_382] {strides = array<i32>} : memref<640x128xf32, #tpu.memory_space<vmem>>, vector<1x16xf32>,
      %get3A_384 = vector.shape_cast %get3A_383 : vector<1x16xf32> to vector<16xf32>
      %mul3A_385 = vector.broadcast %squeeze3A_334 : f32 to vector<16xf32>
      %mul3A_386 = arith.mulf %mul3A_385, %get3A_384 : vector<16xf32>
      %add3A_387 = arith.addf %add3A_325, %mul3A_386 : vector<16xf32>
      %get3A_388 = arith.index_cast %add3A_338 : i32 to index
      %get3A_389 = arith.constant 112 : index
      %get3A_390 = tpu.vector_load %arg9[%get3A_388, %get3A_389] {strides = array<i32>} : memref<640x128xf32, #tpu.memory_space<vmem>>, vector<1x16xf32>,
      %get3A_391 = vector.shape_cast %get3A_390 : vector<1x16xf32> to vector<16xf32>
      %mul3A_392 = vector.broadcast %squeeze3A_334 : f32 to vector<16xf32>
      %mul3A_393 = arith.mulf %mul3A_392, %get3A_391 : vector<16xf32>
      %add3A_394 = arith.addf %add3A_332, %mul3A_393 : vector<16xf32>
      %slice3A_395 = vector.extract_strided_slice %get3A_133 {offsets = [4], sizes = [1], strides = [1]} : vector<16xf32> to vector<1xf32>
      %squeeze3A_396 = vector.extract %slice3A_395[0] : f32 from vector<1xf32>
      %mul3A_397 = arith.constant 10 : i32
      %mul3A_398 = arith.muli %scan3A_130, %mul3A_397 : i32
      %add3A_399 = arith.constant 4 : i32
      %add3A_400 = arith.addi %mul3A_398, %add3A_399 : i32
      %get3A_401 = arith.index_cast %add3A_400 : i32 to index
      %get3A_402 = arith.constant 0 : index
      %get3A_403 = tpu.vector_load %arg9[%get3A_401, %get3A_402] {strides = array<i32>} : memref<640x128xf32, #tpu.memory_space<vmem>>, vector<1x16xf32>,
      %get3A_404 = vector.shape_cast %get3A_403 : vector<1x16xf32> to vector<16xf32>
      %mul3A_405 = vector.broadcast %squeeze3A_396 : f32 to vector<16xf32>
      %mul3A_406 = arith.mulf %mul3A_405, %get3A_404 : vector<16xf32>
      %add3A_407 = arith.addf %add3A_345, %mul3A_406 : vector<16xf32>
      %get3A_408 = arith.index_cast %add3A_400 : i32 to index
      %get3A_409 = arith.constant 16 : index
      %get3A_410 = tpu.vector_load %arg9[%get3A_408, %get3A_409] {strides = array<i32>} : memref<640x128xf32, #tpu.memory_space<vmem>>, vector<1x16xf32>,
      %get3A_411 = vector.shape_cast %get3A_410 : vector<1x16xf32> to vector<16xf32>
      %mul3A_412 = vector.broadcast %squeeze3A_396 : f32 to vector<16xf32>
      %mul3A_413 = arith.mulf %mul3A_412, %get3A_411 : vector<16xf32>
      %add3A_414 = arith.addf %add3A_352, %mul3A_413 : vector<16xf32>
      %get3A_415 = arith.index_cast %add3A_400 : i32 to index
      %get3A_416 = arith.constant 32 : index
      %get3A_417 = tpu.vector_load %arg9[%get3A_415, %get3A_416] {strides = array<i32>} : memref<640x128xf32, #tpu.memory_space<vmem>>, vector<1x16xf32>,
      %get3A_418 = vector.shape_cast %get3A_417 : vector<1x16xf32> to vector<16xf32>
      %mul3A_419 = vector.broadcast %squeeze3A_396 : f32 to vector<16xf32>
      %mul3A_420 = arith.mulf %mul3A_419, %get3A_418 : vector<16xf32>
      %add3A_421 = arith.addf %add3A_359, %mul3A_420 : vector<16xf32>
      %get3A_422 = arith.index_cast %add3A_400 : i32 to index
      %get3A_423 = arith.constant 48 : index
      %get3A_424 = tpu.vector_load %arg9[%get3A_422, %get3A_423] {strides = array<i32>} : memref<640x128xf32, #tpu.memory_space<vmem>>, vector<1x16xf32>,
      %get3A_425 = vector.shape_cast %get3A_424 : vector<1x16xf32> to vector<16xf32>
      %mul3A_426 = vector.broadcast %squeeze3A_396 : f32 to vector<16xf32>
      %mul3A_427 = arith.mulf %mul3A_426, %get3A_425 : vector<16xf32>
      %add3A_428 = arith.addf %add3A_366, %mul3A_427 : vector<16xf32>
      %get3A_429 = arith.index_cast %add3A_400 : i32 to index
      %get3A_430 = arith.constant 64 : index
      %get3A_431 = tpu.vector_load %arg9[%get3A_429, %get3A_430] {strides = array<i32>} : memref<640x128xf32, #tpu.memory_space<vmem>>, vector<1x16xf32>,
      %get3A_432 = vector.shape_cast %get3A_431 : vector<1x16xf32> to vector<16xf32>
      %mul3A_433 = vector.broadcast %squeeze3A_396 : f32 to vector<16xf32>
      %mul3A_434 = arith.mulf %mul3A_433, %get3A_432 : vector<16xf32>
      %add3A_435 = arith.addf %add3A_373, %mul3A_434 : vector<16xf32>
      %get3A_436 = arith.index_cast %add3A_400 : i32 to index
      %get3A_437 = arith.constant 80 : index
      %get3A_438 = tpu.vector_load %arg9[%get3A_436, %get3A_437] {strides = array<i32>} : memref<640x128xf32, #tpu.memory_space<vmem>>, vector<1x16xf32>,
      %get3A_439 = vector.shape_cast %get3A_438 : vector<1x16xf32> to vector<16xf32>
      %mul3A_440 = vector.broadcast %squeeze3A_396 : f32 to vector<16xf32>
      %mul3A_441 = arith.mulf %mul3A_440, %get3A_439 : vector<16xf32>
      %add3A_442 = arith.addf %add3A_380, %mul3A_441 : vector<16xf32>
      %get3A_443 = arith.index_cast %add3A_400 : i32 to index
      %get3A_444 = arith.constant 96 : index
      %get3A_445 = tpu.vector_load %arg9[%get3A_443, %get3A_444] {strides = array<i32>} : memref<640x128xf32, #tpu.memory_space<vmem>>, vector<1x16xf32>,
      %get3A_446 = vector.shape_cast %get3A_445 : vector<1x16xf32> to vector<16xf32>
      %mul3A_447 = vector.broadcast %squeeze3A_396 : f32 to vector<16xf32>
      %mul3A_448 = arith.mulf %mul3A_447, %get3A_446 : vector<16xf32>
      %add3A_449 = arith.addf %add3A_387, %mul3A_448 : vector<16xf32>
      %get3A_450 = arith.index_cast %add3A_400 : i32 to index
      %get3A_451 = arith.constant 112 : index
      %get3A_452 = tpu.vector_load %arg9[%get3A_450, %get3A_451] {strides = array<i32>} : memref<640x128xf32, #tpu.memory_space<vmem>>, vector<1x16xf32>,
      %get3A_453 = vector.shape_cast %get3A_452 : vector<1x16xf32> to vector<16xf32>
      %mul3A_454 = vector.broadcast %squeeze3A_396 : f32 to vector<16xf32>
      %mul3A_455 = arith.mulf %mul3A_454, %get3A_453 : vector<16xf32>
      %add3A_456 = arith.addf %add3A_394, %mul3A_455 : vector<16xf32>
      %slice3A_457 = vector.extract_strided_slice %get3A_133 {offsets = [5], sizes = [1], strides = [1]} : vector<16xf32> to vector<1xf32>
      %squeeze3A_458 = vector.extract %slice3A_457[0] : f32 from vector<1xf32>
      %mul3A_459 = arith.constant 10 : i32
      %mul3A_460 = arith.muli %scan3A_130, %mul3A_459 : i32
      %add3A_461 = arith.constant 5 : i32
      %add3A_462 = arith.addi %mul3A_460, %add3A_461 : i32
      %get3A_463 = arith.index_cast %add3A_462 : i32 to index
      %get3A_464 = arith.constant 0 : index
      %get3A_465 = tpu.vector_load %arg9[%get3A_463, %get3A_464] {strides = array<i32>} : memref<640x128xf32, #tpu.memory_space<vmem>>, vector<1x16xf32>,
      %get3A_466 = vector.shape_cast %get3A_465 : vector<1x16xf32> to vector<16xf32>
      %mul3A_467 = vector.broadcast %squeeze3A_458 : f32 to vector<16xf32>
      %mul3A_468 = arith.mulf %mul3A_467, %get3A_466 : vector<16xf32>
      %add3A_469 = arith.addf %add3A_407, %mul3A_468 : vector<16xf32>
      %get3A_470 = arith.index_cast %add3A_462 : i32 to index
      %get3A_471 = arith.constant 16 : index
      %get3A_472 = tpu.vector_load %arg9[%get3A_470, %get3A_471] {strides = array<i32>} : memref<640x128xf32, #tpu.memory_space<vmem>>, vector<1x16xf32>,
      %get3A_473 = vector.shape_cast %get3A_472 : vector<1x16xf32> to vector<16xf32>
      %mul3A_474 = vector.broadcast %squeeze3A_458 : f32 to vector<16xf32>
      %mul3A_475 = arith.mulf %mul3A_474, %get3A_473 : vector<16xf32>
      %add3A_476 = arith.addf %add3A_414, %mul3A_475 : vector<16xf32>
      %get3A_477 = arith.index_cast %add3A_462 : i32 to index
      %get3A_478 = arith.constant 32 : index
      %get3A_479 = tpu.vector_load %arg9[%get3A_477, %get3A_478] {strides = array<i32>} : memref<640x128xf32, #tpu.memory_space<vmem>>, vector<1x16xf32>,
      %get3A_480 = vector.shape_cast %get3A_479 : vector<1x16xf32> to vector<16xf32>
      %mul3A_481 = vector.broadcast %squeeze3A_458 : f32 to vector<16xf32>
      %mul3A_482 = arith.mulf %mul3A_481, %get3A_480 : vector<16xf32>
      %add3A_483 = arith.addf %add3A_421, %mul3A_482 : vector<16xf32>
      %get3A_484 = arith.index_cast %add3A_462 : i32 to index
      %get3A_485 = arith.constant 48 : index
      %get3A_486 = tpu.vector_load %arg9[%get3A_484, %get3A_485] {strides = array<i32>} : memref<640x128xf32, #tpu.memory_space<vmem>>, vector<1x16xf32>,
      %get3A_487 = vector.shape_cast %get3A_486 : vector<1x16xf32> to vector<16xf32>
      %mul3A_488 = vector.broadcast %squeeze3A_458 : f32 to vector<16xf32>
      %mul3A_489 = arith.mulf %mul3A_488, %get3A_487 : vector<16xf32>
      %add3A_490 = arith.addf %add3A_428, %mul3A_489 : vector<16xf32>
      %get3A_491 = arith.index_cast %add3A_462 : i32 to index
      %get3A_492 = arith.constant 64 : index
      %get3A_493 = tpu.vector_load %arg9[%get3A_491, %get3A_492] {strides = array<i32>} : memref<640x128xf32, #tpu.memory_space<vmem>>, vector<1x16xf32>,
      %get3A_494 = vector.shape_cast %get3A_493 : vector<1x16xf32> to vector<16xf32>
      %mul3A_495 = vector.broadcast %squeeze3A_458 : f32 to vector<16xf32>
      %mul3A_496 = arith.mulf %mul3A_495, %get3A_494 : vector<16xf32>
      %add3A_497 = arith.addf %add3A_435, %mul3A_496 : vector<16xf32>
      %get3A_498 = arith.index_cast %add3A_462 : i32 to index
      %get3A_499 = arith.constant 80 : index
      %get3A_500 = tpu.vector_load %arg9[%get3A_498, %get3A_499] {strides = array<i32>} : memref<640x128xf32, #tpu.memory_space<vmem>>, vector<1x16xf32>,
      %get3A_501 = vector.shape_cast %get3A_500 : vector<1x16xf32> to vector<16xf32>
      %mul3A_502 = vector.broadcast %squeeze3A_458 : f32 to vector<16xf32>
      %mul3A_503 = arith.mulf %mul3A_502, %get3A_501 : vector<16xf32>
      %add3A_504 = arith.addf %add3A_442, %mul3A_503 : vector<16xf32>
      %get3A_505 = arith.index_cast %add3A_462 : i32 to index
      %get3A_506 = arith.constant 96 : index
      %get3A_507 = tpu.vector_load %arg9[%get3A_505, %get3A_506] {strides = array<i32>} : memref<640x128xf32, #tpu.memory_space<vmem>>, vector<1x16xf32>,
      %get3A_508 = vector.shape_cast %get3A_507 : vector<1x16xf32> to vector<16xf32>
      %mul3A_509 = vector.broadcast %squeeze3A_458 : f32 to vector<16xf32>
      %mul3A_510 = arith.mulf %mul3A_509, %get3A_508 : vector<16xf32>
      %add3A_511 = arith.addf %add3A_449, %mul3A_510 : vector<16xf32>
      %get3A_512 = arith.index_cast %add3A_462 : i32 to index
      %get3A_513 = arith.constant 112 : index
      %get3A_514 = tpu.vector_load %arg9[%get3A_512, %get3A_513] {strides = array<i32>} : memref<640x128xf32, #tpu.memory_space<vmem>>, vector<1x16xf32>,
      %get3A_515 = vector.shape_cast %get3A_514 : vector<1x16xf32> to vector<16xf32>
      %mul3A_516 = vector.broadcast %squeeze3A_458 : f32 to vector<16xf32>
      %mul3A_517 = arith.mulf %mul3A_516, %get3A_515 : vector<16xf32>
      %add3A_518 = arith.addf %add3A_456, %mul3A_517 : vector<16xf32>
      %slice3A_519 = vector.extract_strided_slice %get3A_133 {offsets = [6], sizes = [1], strides = [1]} : vector<16xf32> to vector<1xf32>
      %squeeze3A_520 = vector.extract %slice3A_519[0] : f32 from vector<1xf32>
      %mul3A_521 = arith.constant 10 : i32
      %mul3A_522 = arith.muli %scan3A_130, %mul3A_521 : i32
      %add3A_523 = arith.constant 6 : i32
      %add3A_524 = arith.addi %mul3A_522, %add3A_523 : i32
      %get3A_525 = arith.index_cast %add3A_524 : i32 to index
      %get3A_526 = arith.constant 0 : index
      %get3A_527 = tpu.vector_load %arg9[%get3A_525, %get3A_526] {strides = array<i32>} : memref<640x128xf32, #tpu.memory_space<vmem>>, vector<1x16xf32>,
      %get3A_528 = vector.shape_cast %get3A_527 : vector<1x16xf32> to vector<16xf32>
      %mul3A_529 = vector.broadcast %squeeze3A_520 : f32 to vector<16xf32>
      %mul3A_530 = arith.mulf %mul3A_529, %get3A_528 : vector<16xf32>
      %add3A_531 = arith.addf %add3A_469, %mul3A_530 : vector<16xf32>
      %get3A_532 = arith.index_cast %add3A_524 : i32 to index
      %get3A_533 = arith.constant 16 : index
      %get3A_534 = tpu.vector_load %arg9[%get3A_532, %get3A_533] {strides = array<i32>} : memref<640x128xf32, #tpu.memory_space<vmem>>, vector<1x16xf32>,
      %get3A_535 = vector.shape_cast %get3A_534 : vector<1x16xf32> to vector<16xf32>
      %mul3A_536 = vector.broadcast %squeeze3A_520 : f32 to vector<16xf32>
      %mul3A_537 = arith.mulf %mul3A_536, %get3A_535 : vector<16xf32>
      %add3A_538 = arith.addf %add3A_476, %mul3A_537 : vector<16xf32>
      %get3A_539 = arith.index_cast %add3A_524 : i32 to index
      %get3A_540 = arith.constant 32 : index
      %get3A_541 = tpu.vector_load %arg9[%get3A_539, %get3A_540] {strides = array<i32>} : memref<640x128xf32, #tpu.memory_space<vmem>>, vector<1x16xf32>,
      %get3A_542 = vector.shape_cast %get3A_541 : vector<1x16xf32> to vector<16xf32>
      %mul3A_543 = vector.broadcast %squeeze3A_520 : f32 to vector<16xf32>
      %mul3A_544 = arith.mulf %mul3A_543, %get3A_542 : vector<16xf32>
      %add3A_545 = arith.addf %add3A_483, %mul3A_544 : vector<16xf32>
      %get3A_546 = arith.index_cast %add3A_524 : i32 to index
      %get3A_547 = arith.constant 48 : index
      %get3A_548 = tpu.vector_load %arg9[%get3A_546, %get3A_547] {strides = array<i32>} : memref<640x128xf32, #tpu.memory_space<vmem>>, vector<1x16xf32>,
      %get3A_549 = vector.shape_cast %get3A_548 : vector<1x16xf32> to vector<16xf32>
      %mul3A_550 = vector.broadcast %squeeze3A_520 : f32 to vector<16xf32>
      %mul3A_551 = arith.mulf %mul3A_550, %get3A_549 : vector<16xf32>
      %add3A_552 = arith.addf %add3A_490, %mul3A_551 : vector<16xf32>
      %get3A_553 = arith.index_cast %add3A_524 : i32 to index
      %get3A_554 = arith.constant 64 : index
      %get3A_555 = tpu.vector_load %arg9[%get3A_553, %get3A_554] {strides = array<i32>} : memref<640x128xf32, #tpu.memory_space<vmem>>, vector<1x16xf32>,
      %get3A_556 = vector.shape_cast %get3A_555 : vector<1x16xf32> to vector<16xf32>
      %mul3A_557 = vector.broadcast %squeeze3A_520 : f32 to vector<16xf32>
      %mul3A_558 = arith.mulf %mul3A_557, %get3A_556 : vector<16xf32>
      %add3A_559 = arith.addf %add3A_497, %mul3A_558 : vector<16xf32>
      %get3A_560 = arith.index_cast %add3A_524 : i32 to index
      %get3A_561 = arith.constant 80 : index
      %get3A_562 = tpu.vector_load %arg9[%get3A_560, %get3A_561] {strides = array<i32>} : memref<640x128xf32, #tpu.memory_space<vmem>>, vector<1x16xf32>,
      %get3A_563 = vector.shape_cast %get3A_562 : vector<1x16xf32> to vector<16xf32>
      %mul3A_564 = vector.broadcast %squeeze3A_520 : f32 to vector<16xf32>
      %mul3A_565 = arith.mulf %mul3A_564, %get3A_563 : vector<16xf32>
      %add3A_566 = arith.addf %add3A_504, %mul3A_565 : vector<16xf32>
      %get3A_567 = arith.index_cast %add3A_524 : i32 to index
      %get3A_568 = arith.constant 96 : index
      %get3A_569 = tpu.vector_load %arg9[%get3A_567, %get3A_568] {strides = array<i32>} : memref<640x128xf32, #tpu.memory_space<vmem>>, vector<1x16xf32>,
      %get3A_570 = vector.shape_cast %get3A_569 : vector<1x16xf32> to vector<16xf32>
      %mul3A_571 = vector.broadcast %squeeze3A_520 : f32 to vector<16xf32>
      %mul3A_572 = arith.mulf %mul3A_571, %get3A_570 : vector<16xf32>
      %add3A_573 = arith.addf %add3A_511, %mul3A_572 : vector<16xf32>
      %get3A_574 = arith.index_cast %add3A_524 : i32 to index
      %get3A_575 = arith.constant 112 : index
      %get3A_576 = tpu.vector_load %arg9[%get3A_574, %get3A_575] {strides = array<i32>} : memref<640x128xf32, #tpu.memory_space<vmem>>, vector<1x16xf32>,
      %get3A_577 = vector.shape_cast %get3A_576 : vector<1x16xf32> to vector<16xf32>
      %mul3A_578 = vector.broadcast %squeeze3A_520 : f32 to vector<16xf32>
      %mul3A_579 = arith.mulf %mul3A_578, %get3A_577 : vector<16xf32>
      %add3A_580 = arith.addf %add3A_518, %mul3A_579 : vector<16xf32>
      %slice3A_581 = vector.extract_strided_slice %get3A_133 {offsets = [7], sizes = [1], strides = [1]} : vector<16xf32> to vector<1xf32>
      %squeeze3A_582 = vector.extract %slice3A_581[0] : f32 from vector<1xf32>
      %mul3A_583 = arith.constant 10 : i32
      %mul3A_584 = arith.muli %scan3A_130, %mul3A_583 : i32
      %add3A_585 = arith.constant 7 : i32
      %add3A_586 = arith.addi %mul3A_584, %add3A_585 : i32
      %get3A_587 = arith.index_cast %add3A_586 : i32 to index
      %get3A_588 = arith.constant 0 : index
      %get3A_589 = tpu.vector_load %arg9[%get3A_587, %get3A_588] {strides = array<i32>} : memref<640x128xf32, #tpu.memory_space<vmem>>, vector<1x16xf32>,
      %get3A_590 = vector.shape_cast %get3A_589 : vector<1x16xf32> to vector<16xf32>
      %mul3A_591 = vector.broadcast %squeeze3A_582 : f32 to vector<16xf32>
      %mul3A_592 = arith.mulf %mul3A_591, %get3A_590 : vector<16xf32>
      %add3A_593 = arith.addf %add3A_531, %mul3A_592 : vector<16xf32>
      %get3A_594 = arith.index_cast %add3A_586 : i32 to index
      %get3A_595 = arith.constant 16 : index
      %get3A_596 = tpu.vector_load %arg9[%get3A_594, %get3A_595] {strides = array<i32>} : memref<640x128xf32, #tpu.memory_space<vmem>>, vector<1x16xf32>,
      %get3A_597 = vector.shape_cast %get3A_596 : vector<1x16xf32> to vector<16xf32>
      %mul3A_598 = vector.broadcast %squeeze3A_582 : f32 to vector<16xf32>
      %mul3A_599 = arith.mulf %mul3A_598, %get3A_597 : vector<16xf32>
      %add3A_600 = arith.addf %add3A_538, %mul3A_599 : vector<16xf32>
      %get3A_601 = arith.index_cast %add3A_586 : i32 to index
      %get3A_602 = arith.constant 32 : index
      %get3A_603 = tpu.vector_load %arg9[%get3A_601, %get3A_602] {strides = array<i32>} : memref<640x128xf32, #tpu.memory_space<vmem>>, vector<1x16xf32>,
      %get3A_604 = vector.shape_cast %get3A_603 : vector<1x16xf32> to vector<16xf32>
      %mul3A_605 = vector.broadcast %squeeze3A_582 : f32 to vector<16xf32>
      %mul3A_606 = arith.mulf %mul3A_605, %get3A_604 : vector<16xf32>
      %add3A_607 = arith.addf %add3A_545, %mul3A_606 : vector<16xf32>
      %get3A_608 = arith.index_cast %add3A_586 : i32 to index
      %get3A_609 = arith.constant 48 : index
      %get3A_610 = tpu.vector_load %arg9[%get3A_608, %get3A_609] {strides = array<i32>} : memref<640x128xf32, #tpu.memory_space<vmem>>, vector<1x16xf32>,
      %get3A_611 = vector.shape_cast %get3A_610 : vector<1x16xf32> to vector<16xf32>
      %mul3A_612 = vector.broadcast %squeeze3A_582 : f32 to vector<16xf32>
      %mul3A_613 = arith.mulf %mul3A_612, %get3A_611 : vector<16xf32>
      %add3A_614 = arith.addf %add3A_552, %mul3A_613 : vector<16xf32>
      %get3A_615 = arith.index_cast %add3A_586 : i32 to index
      %get3A_616 = arith.constant 64 : index
      %get3A_617 = tpu.vector_load %arg9[%get3A_615, %get3A_616] {strides = array<i32>} : memref<640x128xf32, #tpu.memory_space<vmem>>, vector<1x16xf32>,
      %get3A_618 = vector.shape_cast %get3A_617 : vector<1x16xf32> to vector<16xf32>
      %mul3A_619 = vector.broadcast %squeeze3A_582 : f32 to vector<16xf32>
      %mul3A_620 = arith.mulf %mul3A_619, %get3A_618 : vector<16xf32>
      %add3A_621 = arith.addf %add3A_559, %mul3A_620 : vector<16xf32>
      %get3A_622 = arith.index_cast %add3A_586 : i32 to index
      %get3A_623 = arith.constant 80 : index
      %get3A_624 = tpu.vector_load %arg9[%get3A_622, %get3A_623] {strides = array<i32>} : memref<640x128xf32, #tpu.memory_space<vmem>>, vector<1x16xf32>,
      %get3A_625 = vector.shape_cast %get3A_624 : vector<1x16xf32> to vector<16xf32>
      %mul3A_626 = vector.broadcast %squeeze3A_582 : f32 to vector<16xf32>
      %mul3A_627 = arith.mulf %mul3A_626, %get3A_625 : vector<16xf32>
      %add3A_628 = arith.addf %add3A_566, %mul3A_627 : vector<16xf32>
      %get3A_629 = arith.index_cast %add3A_586 : i32 to index
      %get3A_630 = arith.constant 96 : index
      %get3A_631 = tpu.vector_load %arg9[%get3A_629, %get3A_630] {strides = array<i32>} : memref<640x128xf32, #tpu.memory_space<vmem>>, vector<1x16xf32>,
      %get3A_632 = vector.shape_cast %get3A_631 : vector<1x16xf32> to vector<16xf32>
      %mul3A_633 = vector.broadcast %squeeze3A_582 : f32 to vector<16xf32>
      %mul3A_634 = arith.mulf %mul3A_633, %get3A_632 : vector<16xf32>
      %add3A_635 = arith.addf %add3A_573, %mul3A_634 : vector<16xf32>
      %get3A_636 = arith.index_cast %add3A_586 : i32 to index
      %get3A_637 = arith.constant 112 : index
      %get3A_638 = tpu.vector_load %arg9[%get3A_636, %get3A_637] {strides = array<i32>} : memref<640x128xf32, #tpu.memory_space<vmem>>, vector<1x16xf32>,
      %get3A_639 = vector.shape_cast %get3A_638 : vector<1x16xf32> to vector<16xf32>
      %mul3A_640 = vector.broadcast %squeeze3A_582 : f32 to vector<16xf32>
      %mul3A_641 = arith.mulf %mul3A_640, %get3A_639 : vector<16xf32>
      %add3A_642 = arith.addf %add3A_580, %mul3A_641 : vector<16xf32>
      %slice3A_643 = vector.extract_strided_slice %get3A_133 {offsets = [8], sizes = [1], strides = [1]} : vector<16xf32> to vector<1xf32>
      %squeeze3A_644 = vector.extract %slice3A_643[0] : f32 from vector<1xf32>
      %mul3A_645 = arith.constant 10 : i32
      %mul3A_646 = arith.muli %scan3A_130, %mul3A_645 : i32
      %add3A_647 = arith.constant 8 : i32
      %add3A_648 = arith.addi %mul3A_646, %add3A_647 : i32
      %get3A_649 = arith.index_cast %add3A_648 : i32 to index
      %get3A_650 = arith.constant 0 : index
      %get3A_651 = tpu.vector_load %arg9[%get3A_649, %get3A_650] {strides = array<i32>} : memref<640x128xf32, #tpu.memory_space<vmem>>, vector<1x16xf32>,
      %get3A_652 = vector.shape_cast %get3A_651 : vector<1x16xf32> to vector<16xf32>
      %mul3A_653 = vector.broadcast %squeeze3A_644 : f32 to vector<16xf32>
      %mul3A_654 = arith.mulf %mul3A_653, %get3A_652 : vector<16xf32>
      %add3A_655 = arith.addf %add3A_593, %mul3A_654 : vector<16xf32>
      %get3A_656 = arith.index_cast %add3A_648 : i32 to index
      %get3A_657 = arith.constant 16 : index
      %get3A_658 = tpu.vector_load %arg9[%get3A_656, %get3A_657] {strides = array<i32>} : memref<640x128xf32, #tpu.memory_space<vmem>>, vector<1x16xf32>,
      %get3A_659 = vector.shape_cast %get3A_658 : vector<1x16xf32> to vector<16xf32>
      %mul3A_660 = vector.broadcast %squeeze3A_644 : f32 to vector<16xf32>
      %mul3A_661 = arith.mulf %mul3A_660, %get3A_659 : vector<16xf32>
      %add3A_662 = arith.addf %add3A_600, %mul3A_661 : vector<16xf32>
      %get3A_663 = arith.index_cast %add3A_648 : i32 to index
      %get3A_664 = arith.constant 32 : index
      %get3A_665 = tpu.vector_load %arg9[%get3A_663, %get3A_664] {strides = array<i32>} : memref<640x128xf32, #tpu.memory_space<vmem>>, vector<1x16xf32>,
      %get3A_666 = vector.shape_cast %get3A_665 : vector<1x16xf32> to vector<16xf32>
      %mul3A_667 = vector.broadcast %squeeze3A_644 : f32 to vector<16xf32>
      %mul3A_668 = arith.mulf %mul3A_667, %get3A_666 : vector<16xf32>
      %add3A_669 = arith.addf %add3A_607, %mul3A_668 : vector<16xf32>
      %get3A_670 = arith.index_cast %add3A_648 : i32 to index
      %get3A_671 = arith.constant 48 : index
      %get3A_672 = tpu.vector_load %arg9[%get3A_670, %get3A_671] {strides = array<i32>} : memref<640x128xf32, #tpu.memory_space<vmem>>, vector<1x16xf32>,
      %get3A_673 = vector.shape_cast %get3A_672 : vector<1x16xf32> to vector<16xf32>
      %mul3A_674 = vector.broadcast %squeeze3A_644 : f32 to vector<16xf32>
      %mul3A_675 = arith.mulf %mul3A_674, %get3A_673 : vector<16xf32>
      %add3A_676 = arith.addf %add3A_614, %mul3A_675 : vector<16xf32>
      %get3A_677 = arith.index_cast %add3A_648 : i32 to index
      %get3A_678 = arith.constant 64 : index
      %get3A_679 = tpu.vector_load %arg9[%get3A_677, %get3A_678] {strides = array<i32>} : memref<640x128xf32, #tpu.memory_space<vmem>>, vector<1x16xf32>,
      %get3A_680 = vector.shape_cast %get3A_679 : vector<1x16xf32> to vector<16xf32>
      %mul3A_681 = vector.broadcast %squeeze3A_644 : f32 to vector<16xf32>
      %mul3A_682 = arith.mulf %mul3A_681, %get3A_680 : vector<16xf32>
      %add3A_683 = arith.addf %add3A_621, %mul3A_682 : vector<16xf32>
      %get3A_684 = arith.index_cast %add3A_648 : i32 to index
      %get3A_685 = arith.constant 80 : index
      %get3A_686 = tpu.vector_load %arg9[%get3A_684, %get3A_685] {strides = array<i32>} : memref<640x128xf32, #tpu.memory_space<vmem>>, vector<1x16xf32>,
      %get3A_687 = vector.shape_cast %get3A_686 : vector<1x16xf32> to vector<16xf32>
      %mul3A_688 = vector.broadcast %squeeze3A_644 : f32 to vector<16xf32>
      %mul3A_689 = arith.mulf %mul3A_688, %get3A_687 : vector<16xf32>
      %add3A_690 = arith.addf %add3A_628, %mul3A_689 : vector<16xf32>
      %get3A_691 = arith.index_cast %add3A_648 : i32 to index
      %get3A_692 = arith.constant 96 : index
      %get3A_693 = tpu.vector_load %arg9[%get3A_691, %get3A_692] {strides = array<i32>} : memref<640x128xf32, #tpu.memory_space<vmem>>, vector<1x16xf32>,
      %get3A_694 = vector.shape_cast %get3A_693 : vector<1x16xf32> to vector<16xf32>
      %mul3A_695 = vector.broadcast %squeeze3A_644 : f32 to vector<16xf32>
      %mul3A_696 = arith.mulf %mul3A_695, %get3A_694 : vector<16xf32>
      %add3A_697 = arith.addf %add3A_635, %mul3A_696 : vector<16xf32>
      %get3A_698 = arith.index_cast %add3A_648 : i32 to index
      %get3A_699 = arith.constant 112 : index
      %get3A_700 = tpu.vector_load %arg9[%get3A_698, %get3A_699] {strides = array<i32>} : memref<640x128xf32, #tpu.memory_space<vmem>>, vector<1x16xf32>,
      %get3A_701 = vector.shape_cast %get3A_700 : vector<1x16xf32> to vector<16xf32>
      %mul3A_702 = vector.broadcast %squeeze3A_644 : f32 to vector<16xf32>
      %mul3A_703 = arith.mulf %mul3A_702, %get3A_701 : vector<16xf32>
      %add3A_704 = arith.addf %add3A_642, %mul3A_703 : vector<16xf32>
      %slice3A_705 = vector.extract_strided_slice %get3A_133 {offsets = [9], sizes = [1], strides = [1]} : vector<16xf32> to vector<1xf32>
      %squeeze3A_706 = vector.extract %slice3A_705[0] : f32 from vector<1xf32>
      %mul3A_707 = arith.constant 10 : i32
      %mul3A_708 = arith.muli %scan3A_130, %mul3A_707 : i32
      %add3A_709 = arith.constant 9 : i32
      %add3A_710 = arith.addi %mul3A_708, %add3A_709 : i32
      %get3A_711 = arith.index_cast %add3A_710 : i32 to index
      %get3A_712 = arith.constant 0 : index
      %get3A_713 = tpu.vector_load %arg9[%get3A_711, %get3A_712] {strides = array<i32>} : memref<640x128xf32, #tpu.memory_space<vmem>>, vector<1x16xf32>,
      %get3A_714 = vector.shape_cast %get3A_713 : vector<1x16xf32> to vector<16xf32>
      %mul3A_715 = vector.broadcast %squeeze3A_706 : f32 to vector<16xf32>
      %mul3A_716 = arith.mulf %mul3A_715, %get3A_714 : vector<16xf32>
      %add3A_717 = arith.addf %add3A_655, %mul3A_716 : vector<16xf32>
      %get3A_718 = arith.index_cast %add3A_710 : i32 to index
      %get3A_719 = arith.constant 16 : index
      %get3A_720 = tpu.vector_load %arg9[%get3A_718, %get3A_719] {strides = array<i32>} : memref<640x128xf32, #tpu.memory_space<vmem>>, vector<1x16xf32>,
      %get3A_721 = vector.shape_cast %get3A_720 : vector<1x16xf32> to vector<16xf32>
      %mul3A_722 = vector.broadcast %squeeze3A_706 : f32 to vector<16xf32>
      %mul3A_723 = arith.mulf %mul3A_722, %get3A_721 : vector<16xf32>
      %add3A_724 = arith.addf %add3A_662, %mul3A_723 : vector<16xf32>
      %get3A_725 = arith.index_cast %add3A_710 : i32 to index
      %get3A_726 = arith.constant 32 : index
      %get3A_727 = tpu.vector_load %arg9[%get3A_725, %get3A_726] {strides = array<i32>} : memref<640x128xf32, #tpu.memory_space<vmem>>, vector<1x16xf32>,
      %get3A_728 = vector.shape_cast %get3A_727 : vector<1x16xf32> to vector<16xf32>
      %mul3A_729 = vector.broadcast %squeeze3A_706 : f32 to vector<16xf32>
      %mul3A_730 = arith.mulf %mul3A_729, %get3A_728 : vector<16xf32>
      %add3A_731 = arith.addf %add3A_669, %mul3A_730 : vector<16xf32>
      %get3A_732 = arith.index_cast %add3A_710 : i32 to index
      %get3A_733 = arith.constant 48 : index
      %get3A_734 = tpu.vector_load %arg9[%get3A_732, %get3A_733] {strides = array<i32>} : memref<640x128xf32, #tpu.memory_space<vmem>>, vector<1x16xf32>,
      %get3A_735 = vector.shape_cast %get3A_734 : vector<1x16xf32> to vector<16xf32>
      %mul3A_736 = vector.broadcast %squeeze3A_706 : f32 to vector<16xf32>
      %mul3A_737 = arith.mulf %mul3A_736, %get3A_735 : vector<16xf32>
      %add3A_738 = arith.addf %add3A_676, %mul3A_737 : vector<16xf32>
      %get3A_739 = arith.index_cast %add3A_710 : i32 to index
      %get3A_740 = arith.constant 64 : index
      %get3A_741 = tpu.vector_load %arg9[%get3A_739, %get3A_740] {strides = array<i32>} : memref<640x128xf32, #tpu.memory_space<vmem>>, vector<1x16xf32>,
      %get3A_742 = vector.shape_cast %get3A_741 : vector<1x16xf32> to vector<16xf32>
      %mul3A_743 = vector.broadcast %squeeze3A_706 : f32 to vector<16xf32>
      %mul3A_744 = arith.mulf %mul3A_743, %get3A_742 : vector<16xf32>
      %add3A_745 = arith.addf %add3A_683, %mul3A_744 : vector<16xf32>
      %get3A_746 = arith.index_cast %add3A_710 : i32 to index
      %get3A_747 = arith.constant 80 : index
      %get3A_748 = tpu.vector_load %arg9[%get3A_746, %get3A_747] {strides = array<i32>} : memref<640x128xf32, #tpu.memory_space<vmem>>, vector<1x16xf32>,
      %get3A_749 = vector.shape_cast %get3A_748 : vector<1x16xf32> to vector<16xf32>
      %mul3A_750 = vector.broadcast %squeeze3A_706 : f32 to vector<16xf32>
      %mul3A_751 = arith.mulf %mul3A_750, %get3A_749 : vector<16xf32>
      %add3A_752 = arith.addf %add3A_690, %mul3A_751 : vector<16xf32>
      %get3A_753 = arith.index_cast %add3A_710 : i32 to index
      %get3A_754 = arith.constant 96 : index
      %get3A_755 = tpu.vector_load %arg9[%get3A_753, %get3A_754] {strides = array<i32>} : memref<640x128xf32, #tpu.memory_space<vmem>>, vector<1x16xf32>,
      %get3A_756 = vector.shape_cast %get3A_755 : vector<1x16xf32> to vector<16xf32>
      %mul3A_757 = vector.broadcast %squeeze3A_706 : f32 to vector<16xf32>
      %mul3A_758 = arith.mulf %mul3A_757, %get3A_756 : vector<16xf32>
      %add3A_759 = arith.addf %add3A_697, %mul3A_758 : vector<16xf32>
      %get3A_760 = arith.index_cast %add3A_710 : i32 to index
      %get3A_761 = arith.constant 112 : index
      %get3A_762 = tpu.vector_load %arg9[%get3A_760, %get3A_761] {strides = array<i32>} : memref<640x128xf32, #tpu.memory_space<vmem>>, vector<1x16xf32>,
      %get3A_763 = vector.shape_cast %get3A_762 : vector<1x16xf32> to vector<16xf32>
      %mul3A_764 = vector.broadcast %squeeze3A_706 : f32 to vector<16xf32>
      %mul3A_765 = arith.mulf %mul3A_764, %get3A_763 : vector<16xf32>
      %add3A_766 = arith.addf %add3A_704, %mul3A_765 : vector<16xf32>
      %swap3A = arith.index_cast %scan3A_130 : i32 to index
      %swap3A_767 = arith.constant 0 : index
      %swap3A_768 = tpu.vector_load %arg10[%swap3A, %swap3A_767] {strides = array<i32>} : memref<64x64xf32, #tpu.memory_space<vmem>>, vector<1x16xf32>,
      %swap3A_769 = vector.shape_cast %swap3A_768 : vector<1x16xf32> to vector<16xf32>
      %swap3A_770 = vector.shape_cast %add3A_717 : vector<16xf32> to vector<1x16xf32>
      tpu.vector_store %arg10[%swap3A, %swap3A_767], %swap3A_770 {strides = array<i32>} : memref<64x64xf32, #tpu.memory_space<vmem>>, vector<1x16xf32>,
      %swap3A_771 = arith.index_cast %scan3A_130 : i32 to index
      %swap3A_772 = arith.constant 0 : index
      %swap3A_773 = tpu.vector_load %arg11[%swap3A_771, %swap3A_772] {strides = array<i32>} : memref<64x64xf32, #tpu.memory_space<vmem>>, vector<1x16xf32>,
      %swap3A_774 = vector.shape_cast %swap3A_773 : vector<1x16xf32> to vector<16xf32>
      %swap3A_775 = vector.shape_cast %add3A_745 : vector<16xf32> to vector<1x16xf32>
      tpu.vector_store %arg11[%swap3A_771, %swap3A_772], %swap3A_775 {strides = array<i32>} : memref<64x64xf32, #tpu.memory_space<vmem>>, vector<1x16xf32>,
      %swap3A_776 = arith.index_cast %scan3A_130 : i32 to index
      %swap3A_777 = arith.constant 16 : index
      %swap3A_778 = tpu.vector_load %arg10[%swap3A_776, %swap3A_777] {strides = array<i32>} : memref<64x64xf32, #tpu.memory_space<vmem>>, vector<1x16xf32>,
      %swap3A_779 = vector.shape_cast %swap3A_778 : vector<1x16xf32> to vector<16xf32>
      %swap3A_780 = vector.shape_cast %add3A_724 : vector<16xf32> to vector<1x16xf32>
      tpu.vector_store %arg10[%swap3A_776, %swap3A_777], %swap3A_780 {strides = array<i32>} : memref<64x64xf32, #tpu.memory_space<vmem>>, vector<1x16xf32>,
      %swap3A_781 = arith.index_cast %scan3A_130 : i32 to index
      %swap3A_782 = arith.constant 16 : index
      %swap3A_783 = tpu.vector_load %arg11[%swap3A_781, %swap3A_782] {strides = array<i32>} : memref<64x64xf32, #tpu.memory_space<vmem>>, vector<1x16xf32>,
      %swap3A_784 = vector.shape_cast %swap3A_783 : vector<1x16xf32> to vector<16xf32>
      %swap3A_785 = vector.shape_cast %add3A_752 : vector<16xf32> to vector<1x16xf32>
      tpu.vector_store %arg11[%swap3A_781, %swap3A_782], %swap3A_785 {strides = array<i32>} : memref<64x64xf32, #tpu.memory_space<vmem>>, vector<1x16xf32>,
      %swap3A_786 = arith.index_cast %scan3A_130 : i32 to index
      %swap3A_787 = arith.constant 32 : index
      %swap3A_788 = tpu.vector_load %arg10[%swap3A_786, %swap3A_787] {strides = array<i32>} : memref<64x64xf32, #tpu.memory_space<vmem>>, vector<1x16xf32>,
      %swap3A_789 = vector.shape_cast %swap3A_788 : vector<1x16xf32> to vector<16xf32>
      %swap3A_790 = vector.shape_cast %add3A_731 : vector<16xf32> to vector<1x16xf32>
      tpu.vector_store %arg10[%swap3A_786, %swap3A_787], %swap3A_790 {strides = array<i32>} : memref<64x64xf32, #tpu.memory_space<vmem>>, vector<1x16xf32>,
      %swap3A_791 = arith.index_cast %scan3A_130 : i32 to index
      %swap3A_792 = arith.constant 32 : index
      %swap3A_793 = tpu.vector_load %arg11[%swap3A_791, %swap3A_792] {strides = array<i32>} : memref<64x64xf32, #tpu.memory_space<vmem>>, vector<1x16xf32>,
      %swap3A_794 = vector.shape_cast %swap3A_793 : vector<1x16xf32> to vector<16xf32>
      %swap3A_795 = vector.shape_cast %add3A_759 : vector<16xf32> to vector<1x16xf32>
      tpu.vector_store %arg11[%swap3A_791, %swap3A_792], %swap3A_795 {strides = array<i32>} : memref<64x64xf32, #tpu.memory_space<vmem>>, vector<1x16xf32>,
      %swap3A_796 = arith.index_cast %scan3A_130 : i32 to index
      %swap3A_797 = arith.constant 48 : index
      %swap3A_798 = tpu.vector_load %arg10[%swap3A_796, %swap3A_797] {strides = array<i32>} : memref<64x64xf32, #tpu.memory_space<vmem>>, vector<1x16xf32>,
      %swap3A_799 = vector.shape_cast %swap3A_798 : vector<1x16xf32> to vector<16xf32>
      %swap3A_800 = vector.shape_cast %add3A_738 : vector<16xf32> to vector<1x16xf32>
      tpu.vector_store %arg10[%swap3A_796, %swap3A_797], %swap3A_800 {strides = array<i32>} : memref<64x64xf32, #tpu.memory_space<vmem>>, vector<1x16xf32>,
      %swap3A_801 = arith.index_cast %scan3A_130 : i32 to index
      %swap3A_802 = arith.constant 48 : index
      %swap3A_803 = tpu.vector_load %arg11[%swap3A_801, %swap3A_802] {strides = array<i32>} : memref<64x64xf32, #tpu.memory_space<vmem>>, vector<1x16xf32>,
      %swap3A_804 = vector.shape_cast %swap3A_803 : vector<1x16xf32> to vector<16xf32>
      %swap3A_805 = vector.shape_cast %add3A_766 : vector<16xf32> to vector<1x16xf32>
      tpu.vector_store %arg11[%swap3A_801, %swap3A_802], %swap3A_805 {strides = array<i32>} : memref<64x64xf32, #tpu.memory_space<vmem>>, vector<1x16xf32>,
    }
    %scan3A_81 = arith.constant 13 : i32
    %dma_wait3A_82 = arith.constant 2 : i32
    %dma_wait3A_83 = arith.constant 256 : i32
    %dma_wait3A_84 = arith.constant 0 : i32
    %dma_wait3A_85 = tpu.memref_slice %arg9[%dma_wait3A_83, %dma_wait3A_84] : memref<640x128xf32, #tpu.memory_space<vmem>> -> memref<128x128xf32, #tpu.memory_space<vmem>>
    %dma_wait3A_86 = arith.constant 0 : i32
    %dma_wait3A_87 = tpu.memref_slice %arg8[%dma_wait3A_82, %dma_wait3A_86] : memref<5x128xi32, #tpu.memory_space<vmem>> -> memref<1x128xi32, #tpu.memory_space<vmem>>
    %dma_wait3A_88 = tpu.memref_squeeze %dma_wait3A_87 : memref<1x128xi32, #tpu.memory_space<vmem>> -> memref<128xi32, #tpu.memory_space<vmem>>
    %dma_wait3A_89 = arith.constant 0 : i32
    %dma_wait3A_90 = arith.constant 0 : i32
    %dma_wait3A_91 = tpu.memref_slice %arg4[%dma_wait3A_89, %dma_wait3A_90] : memref<2048x128xf32, #tpu.memory_space<hbm>> -> memref<2048x128xf32, #tpu.memory_space<hbm>>
    tpu.wait_indirect_dma semaphore(%arg14 : memref<!tpu.dma_semaphore, #tpu.memory_space<semaphore_mem>>) src(%dma_wait3A_91 : memref<2048x128xf32, #tpu.memory_space<hbm>>) dst(%dma_wait3A_85 : memref<128x128xf32, #tpu.memory_space<vmem>>)
    %scan3A_92 = arith.constant 0 : i32
    %scan3A_93 = arith.constant 25 : i32
    %scan3A_94 = arith.constant 13 : i32
    %scan3A_95 = arith.addi %scan3A_93, %scan3A_94 : i32
    %scan3A_96 = arith.constant 1 : i32
    scf.for %scan3A_130 = %scan3A_93 to %scan3A_95 step %scan3A_96  : i32 {
      %get3A = arith.index_cast %scan3A_130 : i32 to index
      %get3A_131 = arith.constant 0 : index
      %get3A_132 = tpu.vector_load %arg7[%get3A, %get3A_131] {strides = array<i32>} : memref<64x16xf32, #tpu.memory_space<vmem>>, vector<1x16xf32>,
      %get3A_133 = vector.shape_cast %get3A_132 : vector<1x16xf32> to vector<16xf32>
      %broadcast_in_dim3A = arith.constant 0.000000e+00 : f32
      %broadcast_in_dim3A_134 = vector.broadcast %broadcast_in_dim3A : f32 to vector<16xf32>
      %broadcast_in_dim3A_135 = arith.constant 0.000000e+00 : f32
      %broadcast_in_dim3A_136 = vector.broadcast %broadcast_in_dim3A_135 : f32 to vector<16xf32>
      %broadcast_in_dim3A_137 = arith.constant 0.000000e+00 : f32
      %broadcast_in_dim3A_138 = vector.broadcast %broadcast_in_dim3A_137 : f32 to vector<16xf32>
      %broadcast_in_dim3A_139 = arith.constant 0.000000e+00 : f32
      %broadcast_in_dim3A_140 = vector.broadcast %broadcast_in_dim3A_139 : f32 to vector<16xf32>
      %broadcast_in_dim3A_141 = arith.constant 0.000000e+00 : f32
      %broadcast_in_dim3A_142 = vector.broadcast %broadcast_in_dim3A_141 : f32 to vector<16xf32>
      %broadcast_in_dim3A_143 = arith.constant 0.000000e+00 : f32
      %broadcast_in_dim3A_144 = vector.broadcast %broadcast_in_dim3A_143 : f32 to vector<16xf32>
      %broadcast_in_dim3A_145 = arith.constant 0.000000e+00 : f32
      %broadcast_in_dim3A_146 = vector.broadcast %broadcast_in_dim3A_145 : f32 to vector<16xf32>
      %broadcast_in_dim3A_147 = arith.constant 0.000000e+00 : f32
      %broadcast_in_dim3A_148 = vector.broadcast %broadcast_in_dim3A_147 : f32 to vector<16xf32>
      %slice3A = vector.extract_strided_slice %get3A_133 {offsets = [0], sizes = [1], strides = [1]} : vector<16xf32> to vector<1xf32>
      %squeeze3A = vector.extract %slice3A[0] : f32 from vector<1xf32>
      %mul3A_149 = arith.constant 10 : i32
      %mul3A_150 = arith.muli %scan3A_130, %mul3A_149 : i32
      %add3A_151 = arith.constant 0 : i32
      %add3A_152 = arith.addi %mul3A_150, %add3A_151 : i32
      %get3A_153 = arith.index_cast %add3A_152 : i32 to index
      %get3A_154 = arith.constant 0 : index
      %get3A_155 = tpu.vector_load %arg9[%get3A_153, %get3A_154] {strides = array<i32>} : memref<640x128xf32, #tpu.memory_space<vmem>>, vector<1x16xf32>,
      %get3A_156 = vector.shape_cast %get3A_155 : vector<1x16xf32> to vector<16xf32>
      %mul3A_157 = vector.broadcast %squeeze3A : f32 to vector<16xf32>
      %mul3A_158 = arith.mulf %mul3A_157, %get3A_156 : vector<16xf32>
      %add3A_159 = arith.addf %broadcast_in_dim3A_134, %mul3A_158 : vector<16xf32>
      %get3A_160 = arith.index_cast %add3A_152 : i32 to index
      %get3A_161 = arith.constant 16 : index
      %get3A_162 = tpu.vector_load %arg9[%get3A_160, %get3A_161] {strides = array<i32>} : memref<640x128xf32, #tpu.memory_space<vmem>>, vector<1x16xf32>,
      %get3A_163 = vector.shape_cast %get3A_162 : vector<1x16xf32> to vector<16xf32>
      %mul3A_164 = vector.broadcast %squeeze3A : f32 to vector<16xf32>
      %mul3A_165 = arith.mulf %mul3A_164, %get3A_163 : vector<16xf32>
      %add3A_166 = arith.addf %broadcast_in_dim3A_136, %mul3A_165 : vector<16xf32>
      %get3A_167 = arith.index_cast %add3A_152 : i32 to index
      %get3A_168 = arith.constant 32 : index
      %get3A_169 = tpu.vector_load %arg9[%get3A_167, %get3A_168] {strides = array<i32>} : memref<640x128xf32, #tpu.memory_space<vmem>>, vector<1x16xf32>,
      %get3A_170 = vector.shape_cast %get3A_169 : vector<1x16xf32> to vector<16xf32>
      %mul3A_171 = vector.broadcast %squeeze3A : f32 to vector<16xf32>
      %mul3A_172 = arith.mulf %mul3A_171, %get3A_170 : vector<16xf32>
      %add3A_173 = arith.addf %broadcast_in_dim3A_138, %mul3A_172 : vector<16xf32>
      %get3A_174 = arith.index_cast %add3A_152 : i32 to index
      %get3A_175 = arith.constant 48 : index
      %get3A_176 = tpu.vector_load %arg9[%get3A_174, %get3A_175] {strides = array<i32>} : memref<640x128xf32, #tpu.memory_space<vmem>>, vector<1x16xf32>,
      %get3A_177 = vector.shape_cast %get3A_176 : vector<1x16xf32> to vector<16xf32>
      %mul3A_178 = vector.broadcast %squeeze3A : f32 to vector<16xf32>
      %mul3A_179 = arith.mulf %mul3A_178, %get3A_177 : vector<16xf32>
      %add3A_180 = arith.addf %broadcast_in_dim3A_140, %mul3A_179 : vector<16xf32>
      %get3A_181 = arith.index_cast %add3A_152 : i32 to index
      %get3A_182 = arith.constant 64 : index
      %get3A_183 = tpu.vector_load %arg9[%get3A_181, %get3A_182] {strides = array<i32>} : memref<640x128xf32, #tpu.memory_space<vmem>>, vector<1x16xf32>,
      %get3A_184 = vector.shape_cast %get3A_183 : vector<1x16xf32> to vector<16xf32>
      %mul3A_185 = vector.broadcast %squeeze3A : f32 to vector<16xf32>
      %mul3A_186 = arith.mulf %mul3A_185, %get3A_184 : vector<16xf32>
      %add3A_187 = arith.addf %broadcast_in_dim3A_142, %mul3A_186 : vector<16xf32>
      %get3A_188 = arith.index_cast %add3A_152 : i32 to index
      %get3A_189 = arith.constant 80 : index
      %get3A_190 = tpu.vector_load %arg9[%get3A_188, %get3A_189] {strides = array<i32>} : memref<640x128xf32, #tpu.memory_space<vmem>>, vector<1x16xf32>,
      %get3A_191 = vector.shape_cast %get3A_190 : vector<1x16xf32> to vector<16xf32>
      %mul3A_192 = vector.broadcast %squeeze3A : f32 to vector<16xf32>
      %mul3A_193 = arith.mulf %mul3A_192, %get3A_191 : vector<16xf32>
      %add3A_194 = arith.addf %broadcast_in_dim3A_144, %mul3A_193 : vector<16xf32>
      %get3A_195 = arith.index_cast %add3A_152 : i32 to index
      %get3A_196 = arith.constant 96 : index
      %get3A_197 = tpu.vector_load %arg9[%get3A_195, %get3A_196] {strides = array<i32>} : memref<640x128xf32, #tpu.memory_space<vmem>>, vector<1x16xf32>,
      %get3A_198 = vector.shape_cast %get3A_197 : vector<1x16xf32> to vector<16xf32>
      %mul3A_199 = vector.broadcast %squeeze3A : f32 to vector<16xf32>
      %mul3A_200 = arith.mulf %mul3A_199, %get3A_198 : vector<16xf32>
      %add3A_201 = arith.addf %broadcast_in_dim3A_146, %mul3A_200 : vector<16xf32>
      %get3A_202 = arith.index_cast %add3A_152 : i32 to index
      %get3A_203 = arith.constant 112 : index
      %get3A_204 = tpu.vector_load %arg9[%get3A_202, %get3A_203] {strides = array<i32>} : memref<640x128xf32, #tpu.memory_space<vmem>>, vector<1x16xf32>,
      %get3A_205 = vector.shape_cast %get3A_204 : vector<1x16xf32> to vector<16xf32>
      %mul3A_206 = vector.broadcast %squeeze3A : f32 to vector<16xf32>
      %mul3A_207 = arith.mulf %mul3A_206, %get3A_205 : vector<16xf32>
      %add3A_208 = arith.addf %broadcast_in_dim3A_148, %mul3A_207 : vector<16xf32>
      %slice3A_209 = vector.extract_strided_slice %get3A_133 {offsets = [1], sizes = [1], strides = [1]} : vector<16xf32> to vector<1xf32>
      %squeeze3A_210 = vector.extract %slice3A_209[0] : f32 from vector<1xf32>
      %mul3A_211 = arith.constant 10 : i32
      %mul3A_212 = arith.muli %scan3A_130, %mul3A_211 : i32
      %add3A_213 = arith.constant 1 : i32
      %add3A_214 = arith.addi %mul3A_212, %add3A_213 : i32
      %get3A_215 = arith.index_cast %add3A_214 : i32 to index
      %get3A_216 = arith.constant 0 : index
      %get3A_217 = tpu.vector_load %arg9[%get3A_215, %get3A_216] {strides = array<i32>} : memref<640x128xf32, #tpu.memory_space<vmem>>, vector<1x16xf32>,
      %get3A_218 = vector.shape_cast %get3A_217 : vector<1x16xf32> to vector<16xf32>
      %mul3A_219 = vector.broadcast %squeeze3A_210 : f32 to vector<16xf32>
      %mul3A_220 = arith.mulf %mul3A_219, %get3A_218 : vector<16xf32>
      %add3A_221 = arith.addf %add3A_159, %mul3A_220 : vector<16xf32>
      %get3A_222 = arith.index_cast %add3A_214 : i32 to index
      %get3A_223 = arith.constant 16 : index
      %get3A_224 = tpu.vector_load %arg9[%get3A_222, %get3A_223] {strides = array<i32>} : memref<640x128xf32, #tpu.memory_space<vmem>>, vector<1x16xf32>,
      %get3A_225 = vector.shape_cast %get3A_224 : vector<1x16xf32> to vector<16xf32>
      %mul3A_226 = vector.broadcast %squeeze3A_210 : f32 to vector<16xf32>
      %mul3A_227 = arith.mulf %mul3A_226, %get3A_225 : vector<16xf32>
      %add3A_228 = arith.addf %add3A_166, %mul3A_227 : vector<16xf32>
      %get3A_229 = arith.index_cast %add3A_214 : i32 to index
      %get3A_230 = arith.constant 32 : index
      %get3A_231 = tpu.vector_load %arg9[%get3A_229, %get3A_230] {strides = array<i32>} : memref<640x128xf32, #tpu.memory_space<vmem>>, vector<1x16xf32>,
      %get3A_232 = vector.shape_cast %get3A_231 : vector<1x16xf32> to vector<16xf32>
      %mul3A_233 = vector.broadcast %squeeze3A_210 : f32 to vector<16xf32>
      %mul3A_234 = arith.mulf %mul3A_233, %get3A_232 : vector<16xf32>
      %add3A_235 = arith.addf %add3A_173, %mul3A_234 : vector<16xf32>
      %get3A_236 = arith.index_cast %add3A_214 : i32 to index
      %get3A_237 = arith.constant 48 : index
      %get3A_238 = tpu.vector_load %arg9[%get3A_236, %get3A_237] {strides = array<i32>} : memref<640x128xf32, #tpu.memory_space<vmem>>, vector<1x16xf32>,
      %get3A_239 = vector.shape_cast %get3A_238 : vector<1x16xf32> to vector<16xf32>
      %mul3A_240 = vector.broadcast %squeeze3A_210 : f32 to vector<16xf32>
      %mul3A_241 = arith.mulf %mul3A_240, %get3A_239 : vector<16xf32>
      %add3A_242 = arith.addf %add3A_180, %mul3A_241 : vector<16xf32>
      %get3A_243 = arith.index_cast %add3A_214 : i32 to index
      %get3A_244 = arith.constant 64 : index
      %get3A_245 = tpu.vector_load %arg9[%get3A_243, %get3A_244] {strides = array<i32>} : memref<640x128xf32, #tpu.memory_space<vmem>>, vector<1x16xf32>,
      %get3A_246 = vector.shape_cast %get3A_245 : vector<1x16xf32> to vector<16xf32>
      %mul3A_247 = vector.broadcast %squeeze3A_210 : f32 to vector<16xf32>
      %mul3A_248 = arith.mulf %mul3A_247, %get3A_246 : vector<16xf32>
      %add3A_249 = arith.addf %add3A_187, %mul3A_248 : vector<16xf32>
      %get3A_250 = arith.index_cast %add3A_214 : i32 to index
      %get3A_251 = arith.constant 80 : index
      %get3A_252 = tpu.vector_load %arg9[%get3A_250, %get3A_251] {strides = array<i32>} : memref<640x128xf32, #tpu.memory_space<vmem>>, vector<1x16xf32>,
      %get3A_253 = vector.shape_cast %get3A_252 : vector<1x16xf32> to vector<16xf32>
      %mul3A_254 = vector.broadcast %squeeze3A_210 : f32 to vector<16xf32>
      %mul3A_255 = arith.mulf %mul3A_254, %get3A_253 : vector<16xf32>
      %add3A_256 = arith.addf %add3A_194, %mul3A_255 : vector<16xf32>
      %get3A_257 = arith.index_cast %add3A_214 : i32 to index
      %get3A_258 = arith.constant 96 : index
      %get3A_259 = tpu.vector_load %arg9[%get3A_257, %get3A_258] {strides = array<i32>} : memref<640x128xf32, #tpu.memory_space<vmem>>, vector<1x16xf32>,
      %get3A_260 = vector.shape_cast %get3A_259 : vector<1x16xf32> to vector<16xf32>
      %mul3A_261 = vector.broadcast %squeeze3A_210 : f32 to vector<16xf32>
      %mul3A_262 = arith.mulf %mul3A_261, %get3A_260 : vector<16xf32>
      %add3A_263 = arith.addf %add3A_201, %mul3A_262 : vector<16xf32>
      %get3A_264 = arith.index_cast %add3A_214 : i32 to index
      %get3A_265 = arith.constant 112 : index
      %get3A_266 = tpu.vector_load %arg9[%get3A_264, %get3A_265] {strides = array<i32>} : memref<640x128xf32, #tpu.memory_space<vmem>>, vector<1x16xf32>,
      %get3A_267 = vector.shape_cast %get3A_266 : vector<1x16xf32> to vector<16xf32>
      %mul3A_268 = vector.broadcast %squeeze3A_210 : f32 to vector<16xf32>
      %mul3A_269 = arith.mulf %mul3A_268, %get3A_267 : vector<16xf32>
      %add3A_270 = arith.addf %add3A_208, %mul3A_269 : vector<16xf32>
      %slice3A_271 = vector.extract_strided_slice %get3A_133 {offsets = [2], sizes = [1], strides = [1]} : vector<16xf32> to vector<1xf32>
      %squeeze3A_272 = vector.extract %slice3A_271[0] : f32 from vector<1xf32>
      %mul3A_273 = arith.constant 10 : i32
      %mul3A_274 = arith.muli %scan3A_130, %mul3A_273 : i32
      %add3A_275 = arith.constant 2 : i32
      %add3A_276 = arith.addi %mul3A_274, %add3A_275 : i32
      %get3A_277 = arith.index_cast %add3A_276 : i32 to index
      %get3A_278 = arith.constant 0 : index
      %get3A_279 = tpu.vector_load %arg9[%get3A_277, %get3A_278] {strides = array<i32>} : memref<640x128xf32, #tpu.memory_space<vmem>>, vector<1x16xf32>,
      %get3A_280 = vector.shape_cast %get3A_279 : vector<1x16xf32> to vector<16xf32>
      %mul3A_281 = vector.broadcast %squeeze3A_272 : f32 to vector<16xf32>
      %mul3A_282 = arith.mulf %mul3A_281, %get3A_280 : vector<16xf32>
      %add3A_283 = arith.addf %add3A_221, %mul3A_282 : vector<16xf32>
      %get3A_284 = arith.index_cast %add3A_276 : i32 to index
      %get3A_285 = arith.constant 16 : index
      %get3A_286 = tpu.vector_load %arg9[%get3A_284, %get3A_285] {strides = array<i32>} : memref<640x128xf32, #tpu.memory_space<vmem>>, vector<1x16xf32>,
      %get3A_287 = vector.shape_cast %get3A_286 : vector<1x16xf32> to vector<16xf32>
      %mul3A_288 = vector.broadcast %squeeze3A_272 : f32 to vector<16xf32>
      %mul3A_289 = arith.mulf %mul3A_288, %get3A_287 : vector<16xf32>
      %add3A_290 = arith.addf %add3A_228, %mul3A_289 : vector<16xf32>
      %get3A_291 = arith.index_cast %add3A_276 : i32 to index
      %get3A_292 = arith.constant 32 : index
      %get3A_293 = tpu.vector_load %arg9[%get3A_291, %get3A_292] {strides = array<i32>} : memref<640x128xf32, #tpu.memory_space<vmem>>, vector<1x16xf32>,
      %get3A_294 = vector.shape_cast %get3A_293 : vector<1x16xf32> to vector<16xf32>
      %mul3A_295 = vector.broadcast %squeeze3A_272 : f32 to vector<16xf32>
      %mul3A_296 = arith.mulf %mul3A_295, %get3A_294 : vector<16xf32>
      %add3A_297 = arith.addf %add3A_235, %mul3A_296 : vector<16xf32>
      %get3A_298 = arith.index_cast %add3A_276 : i32 to index
      %get3A_299 = arith.constant 48 : index
      %get3A_300 = tpu.vector_load %arg9[%get3A_298, %get3A_299] {strides = array<i32>} : memref<640x128xf32, #tpu.memory_space<vmem>>, vector<1x16xf32>,
      %get3A_301 = vector.shape_cast %get3A_300 : vector<1x16xf32> to vector<16xf32>
      %mul3A_302 = vector.broadcast %squeeze3A_272 : f32 to vector<16xf32>
      %mul3A_303 = arith.mulf %mul3A_302, %get3A_301 : vector<16xf32>
      %add3A_304 = arith.addf %add3A_242, %mul3A_303 : vector<16xf32>
      %get3A_305 = arith.index_cast %add3A_276 : i32 to index
      %get3A_306 = arith.constant 64 : index
      %get3A_307 = tpu.vector_load %arg9[%get3A_305, %get3A_306] {strides = array<i32>} : memref<640x128xf32, #tpu.memory_space<vmem>>, vector<1x16xf32>,
      %get3A_308 = vector.shape_cast %get3A_307 : vector<1x16xf32> to vector<16xf32>
      %mul3A_309 = vector.broadcast %squeeze3A_272 : f32 to vector<16xf32>
      %mul3A_310 = arith.mulf %mul3A_309, %get3A_308 : vector<16xf32>
      %add3A_311 = arith.addf %add3A_249, %mul3A_310 : vector<16xf32>
      %get3A_312 = arith.index_cast %add3A_276 : i32 to index
      %get3A_313 = arith.constant 80 : index
      %get3A_314 = tpu.vector_load %arg9[%get3A_312, %get3A_313] {strides = array<i32>} : memref<640x128xf32, #tpu.memory_space<vmem>>, vector<1x16xf32>,
      %get3A_315 = vector.shape_cast %get3A_314 : vector<1x16xf32> to vector<16xf32>
      %mul3A_316 = vector.broadcast %squeeze3A_272 : f32 to vector<16xf32>
      %mul3A_317 = arith.mulf %mul3A_316, %get3A_315 : vector<16xf32>
      %add3A_318 = arith.addf %add3A_256, %mul3A_317 : vector<16xf32>
      %get3A_319 = arith.index_cast %add3A_276 : i32 to index
      %get3A_320 = arith.constant 96 : index
      %get3A_321 = tpu.vector_load %arg9[%get3A_319, %get3A_320] {strides = array<i32>} : memref<640x128xf32, #tpu.memory_space<vmem>>, vector<1x16xf32>,
      %get3A_322 = vector.shape_cast %get3A_321 : vector<1x16xf32> to vector<16xf32>
      %mul3A_323 = vector.broadcast %squeeze3A_272 : f32 to vector<16xf32>
      %mul3A_324 = arith.mulf %mul3A_323, %get3A_322 : vector<16xf32>
      %add3A_325 = arith.addf %add3A_263, %mul3A_324 : vector<16xf32>
      %get3A_326 = arith.index_cast %add3A_276 : i32 to index
      %get3A_327 = arith.constant 112 : index
      %get3A_328 = tpu.vector_load %arg9[%get3A_326, %get3A_327] {strides = array<i32>} : memref<640x128xf32, #tpu.memory_space<vmem>>, vector<1x16xf32>,
      %get3A_329 = vector.shape_cast %get3A_328 : vector<1x16xf32> to vector<16xf32>
      %mul3A_330 = vector.broadcast %squeeze3A_272 : f32 to vector<16xf32>
      %mul3A_331 = arith.mulf %mul3A_330, %get3A_329 : vector<16xf32>
      %add3A_332 = arith.addf %add3A_270, %mul3A_331 : vector<16xf32>
      %slice3A_333 = vector.extract_strided_slice %get3A_133 {offsets = [3], sizes = [1], strides = [1]} : vector<16xf32> to vector<1xf32>
      %squeeze3A_334 = vector.extract %slice3A_333[0] : f32 from vector<1xf32>
      %mul3A_335 = arith.constant 10 : i32
      %mul3A_336 = arith.muli %scan3A_130, %mul3A_335 : i32
      %add3A_337 = arith.constant 3 : i32
      %add3A_338 = arith.addi %mul3A_336, %add3A_337 : i32
      %get3A_339 = arith.index_cast %add3A_338 : i32 to index
      %get3A_340 = arith.constant 0 : index
      %get3A_341 = tpu.vector_load %arg9[%get3A_339, %get3A_340] {strides = array<i32>} : memref<640x128xf32, #tpu.memory_space<vmem>>, vector<1x16xf32>,
      %get3A_342 = vector.shape_cast %get3A_341 : vector<1x16xf32> to vector<16xf32>
      %mul3A_343 = vector.broadcast %squeeze3A_334 : f32 to vector<16xf32>
      %mul3A_344 = arith.mulf %mul3A_343, %get3A_342 : vector<16xf32>
      %add3A_345 = arith.addf %add3A_283, %mul3A_344 : vector<16xf32>
      %get3A_346 = arith.index_cast %add3A_338 : i32 to index
      %get3A_347 = arith.constant 16 : index
      %get3A_348 = tpu.vector_load %arg9[%get3A_346, %get3A_347] {strides = array<i32>} : memref<640x128xf32, #tpu.memory_space<vmem>>, vector<1x16xf32>,
      %get3A_349 = vector.shape_cast %get3A_348 : vector<1x16xf32> to vector<16xf32>
      %mul3A_350 = vector.broadcast %squeeze3A_334 : f32 to vector<16xf32>
      %mul3A_351 = arith.mulf %mul3A_350, %get3A_349 : vector<16xf32>
      %add3A_352 = arith.addf %add3A_290, %mul3A_351 : vector<16xf32>
      %get3A_353 = arith.index_cast %add3A_338 : i32 to index
      %get3A_354 = arith.constant 32 : index
      %get3A_355 = tpu.vector_load %arg9[%get3A_353, %get3A_354] {strides = array<i32>} : memref<640x128xf32, #tpu.memory_space<vmem>>, vector<1x16xf32>,
      %get3A_356 = vector.shape_cast %get3A_355 : vector<1x16xf32> to vector<16xf32>
      %mul3A_357 = vector.broadcast %squeeze3A_334 : f32 to vector<16xf32>
      %mul3A_358 = arith.mulf %mul3A_357, %get3A_356 : vector<16xf32>
      %add3A_359 = arith.addf %add3A_297, %mul3A_358 : vector<16xf32>
      %get3A_360 = arith.index_cast %add3A_338 : i32 to index
      %get3A_361 = arith.constant 48 : index
      %get3A_362 = tpu.vector_load %arg9[%get3A_360, %get3A_361] {strides = array<i32>} : memref<640x128xf32, #tpu.memory_space<vmem>>, vector<1x16xf32>,
      %get3A_363 = vector.shape_cast %get3A_362 : vector<1x16xf32> to vector<16xf32>
      %mul3A_364 = vector.broadcast %squeeze3A_334 : f32 to vector<16xf32>
      %mul3A_365 = arith.mulf %mul3A_364, %get3A_363 : vector<16xf32>
      %add3A_366 = arith.addf %add3A_304, %mul3A_365 : vector<16xf32>
      %get3A_367 = arith.index_cast %add3A_338 : i32 to index
      %get3A_368 = arith.constant 64 : index
      %get3A_369 = tpu.vector_load %arg9[%get3A_367, %get3A_368] {strides = array<i32>} : memref<640x128xf32, #tpu.memory_space<vmem>>, vector<1x16xf32>,
      %get3A_370 = vector.shape_cast %get3A_369 : vector<1x16xf32> to vector<16xf32>
      %mul3A_371 = vector.broadcast %squeeze3A_334 : f32 to vector<16xf32>
      %mul3A_372 = arith.mulf %mul3A_371, %get3A_370 : vector<16xf32>
      %add3A_373 = arith.addf %add3A_311, %mul3A_372 : vector<16xf32>
      %get3A_374 = arith.index_cast %add3A_338 : i32 to index
      %get3A_375 = arith.constant 80 : index
      %get3A_376 = tpu.vector_load %arg9[%get3A_374, %get3A_375] {strides = array<i32>} : memref<640x128xf32, #tpu.memory_space<vmem>>, vector<1x16xf32>,
      %get3A_377 = vector.shape_cast %get3A_376 : vector<1x16xf32> to vector<16xf32>
      %mul3A_378 = vector.broadcast %squeeze3A_334 : f32 to vector<16xf32>
      %mul3A_379 = arith.mulf %mul3A_378, %get3A_377 : vector<16xf32>
      %add3A_380 = arith.addf %add3A_318, %mul3A_379 : vector<16xf32>
      %get3A_381 = arith.index_cast %add3A_338 : i32 to index
      %get3A_382 = arith.constant 96 : index
      %get3A_383 = tpu.vector_load %arg9[%get3A_381, %get3A_382] {strides = array<i32>} : memref<640x128xf32, #tpu.memory_space<vmem>>, vector<1x16xf32>,
      %get3A_384 = vector.shape_cast %get3A_383 : vector<1x16xf32> to vector<16xf32>
      %mul3A_385 = vector.broadcast %squeeze3A_334 : f32 to vector<16xf32>
      %mul3A_386 = arith.mulf %mul3A_385, %get3A_384 : vector<16xf32>
      %add3A_387 = arith.addf %add3A_325, %mul3A_386 : vector<16xf32>
      %get3A_388 = arith.index_cast %add3A_338 : i32 to index
      %get3A_389 = arith.constant 112 : index
      %get3A_390 = tpu.vector_load %arg9[%get3A_388, %get3A_389] {strides = array<i32>} : memref<640x128xf32, #tpu.memory_space<vmem>>, vector<1x16xf32>,
      %get3A_391 = vector.shape_cast %get3A_390 : vector<1x16xf32> to vector<16xf32>
      %mul3A_392 = vector.broadcast %squeeze3A_334 : f32 to vector<16xf32>
      %mul3A_393 = arith.mulf %mul3A_392, %get3A_391 : vector<16xf32>
      %add3A_394 = arith.addf %add3A_332, %mul3A_393 : vector<16xf32>
      %slice3A_395 = vector.extract_strided_slice %get3A_133 {offsets = [4], sizes = [1], strides = [1]} : vector<16xf32> to vector<1xf32>
      %squeeze3A_396 = vector.extract %slice3A_395[0] : f32 from vector<1xf32>
      %mul3A_397 = arith.constant 10 : i32
      %mul3A_398 = arith.muli %scan3A_130, %mul3A_397 : i32
      %add3A_399 = arith.constant 4 : i32
      %add3A_400 = arith.addi %mul3A_398, %add3A_399 : i32
      %get3A_401 = arith.index_cast %add3A_400 : i32 to index
      %get3A_402 = arith.constant 0 : index
      %get3A_403 = tpu.vector_load %arg9[%get3A_401, %get3A_402] {strides = array<i32>} : memref<640x128xf32, #tpu.memory_space<vmem>>, vector<1x16xf32>,
      %get3A_404 = vector.shape_cast %get3A_403 : vector<1x16xf32> to vector<16xf32>
      %mul3A_405 = vector.broadcast %squeeze3A_396 : f32 to vector<16xf32>
      %mul3A_406 = arith.mulf %mul3A_405, %get3A_404 : vector<16xf32>
      %add3A_407 = arith.addf %add3A_345, %mul3A_406 : vector<16xf32>
      %get3A_408 = arith.index_cast %add3A_400 : i32 to index
      %get3A_409 = arith.constant 16 : index
      %get3A_410 = tpu.vector_load %arg9[%get3A_408, %get3A_409] {strides = array<i32>} : memref<640x128xf32, #tpu.memory_space<vmem>>, vector<1x16xf32>,
      %get3A_411 = vector.shape_cast %get3A_410 : vector<1x16xf32> to vector<16xf32>
      %mul3A_412 = vector.broadcast %squeeze3A_396 : f32 to vector<16xf32>
      %mul3A_413 = arith.mulf %mul3A_412, %get3A_411 : vector<16xf32>
      %add3A_414 = arith.addf %add3A_352, %mul3A_413 : vector<16xf32>
      %get3A_415 = arith.index_cast %add3A_400 : i32 to index
      %get3A_416 = arith.constant 32 : index
      %get3A_417 = tpu.vector_load %arg9[%get3A_415, %get3A_416] {strides = array<i32>} : memref<640x128xf32, #tpu.memory_space<vmem>>, vector<1x16xf32>,
      %get3A_418 = vector.shape_cast %get3A_417 : vector<1x16xf32> to vector<16xf32>
      %mul3A_419 = vector.broadcast %squeeze3A_396 : f32 to vector<16xf32>
      %mul3A_420 = arith.mulf %mul3A_419, %get3A_418 : vector<16xf32>
      %add3A_421 = arith.addf %add3A_359, %mul3A_420 : vector<16xf32>
      %get3A_422 = arith.index_cast %add3A_400 : i32 to index
      %get3A_423 = arith.constant 48 : index
      %get3A_424 = tpu.vector_load %arg9[%get3A_422, %get3A_423] {strides = array<i32>} : memref<640x128xf32, #tpu.memory_space<vmem>>, vector<1x16xf32>,
      %get3A_425 = vector.shape_cast %get3A_424 : vector<1x16xf32> to vector<16xf32>
      %mul3A_426 = vector.broadcast %squeeze3A_396 : f32 to vector<16xf32>
      %mul3A_427 = arith.mulf %mul3A_426, %get3A_425 : vector<16xf32>
      %add3A_428 = arith.addf %add3A_366, %mul3A_427 : vector<16xf32>
      %get3A_429 = arith.index_cast %add3A_400 : i32 to index
      %get3A_430 = arith.constant 64 : index
      %get3A_431 = tpu.vector_load %arg9[%get3A_429, %get3A_430] {strides = array<i32>} : memref<640x128xf32, #tpu.memory_space<vmem>>, vector<1x16xf32>,
      %get3A_432 = vector.shape_cast %get3A_431 : vector<1x16xf32> to vector<16xf32>
      %mul3A_433 = vector.broadcast %squeeze3A_396 : f32 to vector<16xf32>
      %mul3A_434 = arith.mulf %mul3A_433, %get3A_432 : vector<16xf32>
      %add3A_435 = arith.addf %add3A_373, %mul3A_434 : vector<16xf32>
      %get3A_436 = arith.index_cast %add3A_400 : i32 to index
      %get3A_437 = arith.constant 80 : index
      %get3A_438 = tpu.vector_load %arg9[%get3A_436, %get3A_437] {strides = array<i32>} : memref<640x128xf32, #tpu.memory_space<vmem>>, vector<1x16xf32>,
      %get3A_439 = vector.shape_cast %get3A_438 : vector<1x16xf32> to vector<16xf32>
      %mul3A_440 = vector.broadcast %squeeze3A_396 : f32 to vector<16xf32>
      %mul3A_441 = arith.mulf %mul3A_440, %get3A_439 : vector<16xf32>
      %add3A_442 = arith.addf %add3A_380, %mul3A_441 : vector<16xf32>
      %get3A_443 = arith.index_cast %add3A_400 : i32 to index
      %get3A_444 = arith.constant 96 : index
      %get3A_445 = tpu.vector_load %arg9[%get3A_443, %get3A_444] {strides = array<i32>} : memref<640x128xf32, #tpu.memory_space<vmem>>, vector<1x16xf32>,
      %get3A_446 = vector.shape_cast %get3A_445 : vector<1x16xf32> to vector<16xf32>
      %mul3A_447 = vector.broadcast %squeeze3A_396 : f32 to vector<16xf32>
      %mul3A_448 = arith.mulf %mul3A_447, %get3A_446 : vector<16xf32>
      %add3A_449 = arith.addf %add3A_387, %mul3A_448 : vector<16xf32>
      %get3A_450 = arith.index_cast %add3A_400 : i32 to index
      %get3A_451 = arith.constant 112 : index
      %get3A_452 = tpu.vector_load %arg9[%get3A_450, %get3A_451] {strides = array<i32>} : memref<640x128xf32, #tpu.memory_space<vmem>>, vector<1x16xf32>,
      %get3A_453 = vector.shape_cast %get3A_452 : vector<1x16xf32> to vector<16xf32>
      %mul3A_454 = vector.broadcast %squeeze3A_396 : f32 to vector<16xf32>
      %mul3A_455 = arith.mulf %mul3A_454, %get3A_453 : vector<16xf32>
      %add3A_456 = arith.addf %add3A_394, %mul3A_455 : vector<16xf32>
      %slice3A_457 = vector.extract_strided_slice %get3A_133 {offsets = [5], sizes = [1], strides = [1]} : vector<16xf32> to vector<1xf32>
      %squeeze3A_458 = vector.extract %slice3A_457[0] : f32 from vector<1xf32>
      %mul3A_459 = arith.constant 10 : i32
      %mul3A_460 = arith.muli %scan3A_130, %mul3A_459 : i32
      %add3A_461 = arith.constant 5 : i32
      %add3A_462 = arith.addi %mul3A_460, %add3A_461 : i32
      %get3A_463 = arith.index_cast %add3A_462 : i32 to index
      %get3A_464 = arith.constant 0 : index
      %get3A_465 = tpu.vector_load %arg9[%get3A_463, %get3A_464] {strides = array<i32>} : memref<640x128xf32, #tpu.memory_space<vmem>>, vector<1x16xf32>,
      %get3A_466 = vector.shape_cast %get3A_465 : vector<1x16xf32> to vector<16xf32>
      %mul3A_467 = vector.broadcast %squeeze3A_458 : f32 to vector<16xf32>
      %mul3A_468 = arith.mulf %mul3A_467, %get3A_466 : vector<16xf32>
      %add3A_469 = arith.addf %add3A_407, %mul3A_468 : vector<16xf32>
      %get3A_470 = arith.index_cast %add3A_462 : i32 to index
      %get3A_471 = arith.constant 16 : index
      %get3A_472 = tpu.vector_load %arg9[%get3A_470, %get3A_471] {strides = array<i32>} : memref<640x128xf32, #tpu.memory_space<vmem>>, vector<1x16xf32>,
      %get3A_473 = vector.shape_cast %get3A_472 : vector<1x16xf32> to vector<16xf32>
      %mul3A_474 = vector.broadcast %squeeze3A_458 : f32 to vector<16xf32>
      %mul3A_475 = arith.mulf %mul3A_474, %get3A_473 : vector<16xf32>
      %add3A_476 = arith.addf %add3A_414, %mul3A_475 : vector<16xf32>
      %get3A_477 = arith.index_cast %add3A_462 : i32 to index
      %get3A_478 = arith.constant 32 : index
      %get3A_479 = tpu.vector_load %arg9[%get3A_477, %get3A_478] {strides = array<i32>} : memref<640x128xf32, #tpu.memory_space<vmem>>, vector<1x16xf32>,
      %get3A_480 = vector.shape_cast %get3A_479 : vector<1x16xf32> to vector<16xf32>
      %mul3A_481 = vector.broadcast %squeeze3A_458 : f32 to vector<16xf32>
      %mul3A_482 = arith.mulf %mul3A_481, %get3A_480 : vector<16xf32>
      %add3A_483 = arith.addf %add3A_421, %mul3A_482 : vector<16xf32>
      %get3A_484 = arith.index_cast %add3A_462 : i32 to index
      %get3A_485 = arith.constant 48 : index
      %get3A_486 = tpu.vector_load %arg9[%get3A_484, %get3A_485] {strides = array<i32>} : memref<640x128xf32, #tpu.memory_space<vmem>>, vector<1x16xf32>,
      %get3A_487 = vector.shape_cast %get3A_486 : vector<1x16xf32> to vector<16xf32>
      %mul3A_488 = vector.broadcast %squeeze3A_458 : f32 to vector<16xf32>
      %mul3A_489 = arith.mulf %mul3A_488, %get3A_487 : vector<16xf32>
      %add3A_490 = arith.addf %add3A_428, %mul3A_489 : vector<16xf32>
      %get3A_491 = arith.index_cast %add3A_462 : i32 to index
      %get3A_492 = arith.constant 64 : index
      %get3A_493 = tpu.vector_load %arg9[%get3A_491, %get3A_492] {strides = array<i32>} : memref<640x128xf32, #tpu.memory_space<vmem>>, vector<1x16xf32>,
      %get3A_494 = vector.shape_cast %get3A_493 : vector<1x16xf32> to vector<16xf32>
      %mul3A_495 = vector.broadcast %squeeze3A_458 : f32 to vector<16xf32>
      %mul3A_496 = arith.mulf %mul3A_495, %get3A_494 : vector<16xf32>
      %add3A_497 = arith.addf %add3A_435, %mul3A_496 : vector<16xf32>
      %get3A_498 = arith.index_cast %add3A_462 : i32 to index
      %get3A_499 = arith.constant 80 : index
      %get3A_500 = tpu.vector_load %arg9[%get3A_498, %get3A_499] {strides = array<i32>} : memref<640x128xf32, #tpu.memory_space<vmem>>, vector<1x16xf32>,
      %get3A_501 = vector.shape_cast %get3A_500 : vector<1x16xf32> to vector<16xf32>
      %mul3A_502 = vector.broadcast %squeeze3A_458 : f32 to vector<16xf32>
      %mul3A_503 = arith.mulf %mul3A_502, %get3A_501 : vector<16xf32>
      %add3A_504 = arith.addf %add3A_442, %mul3A_503 : vector<16xf32>
      %get3A_505 = arith.index_cast %add3A_462 : i32 to index
      %get3A_506 = arith.constant 96 : index
      %get3A_507 = tpu.vector_load %arg9[%get3A_505, %get3A_506] {strides = array<i32>} : memref<640x128xf32, #tpu.memory_space<vmem>>, vector<1x16xf32>,
      %get3A_508 = vector.shape_cast %get3A_507 : vector<1x16xf32> to vector<16xf32>
      %mul3A_509 = vector.broadcast %squeeze3A_458 : f32 to vector<16xf32>
      %mul3A_510 = arith.mulf %mul3A_509, %get3A_508 : vector<16xf32>
      %add3A_511 = arith.addf %add3A_449, %mul3A_510 : vector<16xf32>
      %get3A_512 = arith.index_cast %add3A_462 : i32 to index
      %get3A_513 = arith.constant 112 : index
      %get3A_514 = tpu.vector_load %arg9[%get3A_512, %get3A_513] {strides = array<i32>} : memref<640x128xf32, #tpu.memory_space<vmem>>, vector<1x16xf32>,
      %get3A_515 = vector.shape_cast %get3A_514 : vector<1x16xf32> to vector<16xf32>
      %mul3A_516 = vector.broadcast %squeeze3A_458 : f32 to vector<16xf32>
      %mul3A_517 = arith.mulf %mul3A_516, %get3A_515 : vector<16xf32>
      %add3A_518 = arith.addf %add3A_456, %mul3A_517 : vector<16xf32>
      %slice3A_519 = vector.extract_strided_slice %get3A_133 {offsets = [6], sizes = [1], strides = [1]} : vector<16xf32> to vector<1xf32>
      %squeeze3A_520 = vector.extract %slice3A_519[0] : f32 from vector<1xf32>
      %mul3A_521 = arith.constant 10 : i32
      %mul3A_522 = arith.muli %scan3A_130, %mul3A_521 : i32
      %add3A_523 = arith.constant 6 : i32
      %add3A_524 = arith.addi %mul3A_522, %add3A_523 : i32
      %get3A_525 = arith.index_cast %add3A_524 : i32 to index
      %get3A_526 = arith.constant 0 : index
      %get3A_527 = tpu.vector_load %arg9[%get3A_525, %get3A_526] {strides = array<i32>} : memref<640x128xf32, #tpu.memory_space<vmem>>, vector<1x16xf32>,
      %get3A_528 = vector.shape_cast %get3A_527 : vector<1x16xf32> to vector<16xf32>
      %mul3A_529 = vector.broadcast %squeeze3A_520 : f32 to vector<16xf32>
      %mul3A_530 = arith.mulf %mul3A_529, %get3A_528 : vector<16xf32>
      %add3A_531 = arith.addf %add3A_469, %mul3A_530 : vector<16xf32>
      %get3A_532 = arith.index_cast %add3A_524 : i32 to index
      %get3A_533 = arith.constant 16 : index
      %get3A_534 = tpu.vector_load %arg9[%get3A_532, %get3A_533] {strides = array<i32>} : memref<640x128xf32, #tpu.memory_space<vmem>>, vector<1x16xf32>,
      %get3A_535 = vector.shape_cast %get3A_534 : vector<1x16xf32> to vector<16xf32>
      %mul3A_536 = vector.broadcast %squeeze3A_520 : f32 to vector<16xf32>
      %mul3A_537 = arith.mulf %mul3A_536, %get3A_535 : vector<16xf32>
      %add3A_538 = arith.addf %add3A_476, %mul3A_537 : vector<16xf32>
      %get3A_539 = arith.index_cast %add3A_524 : i32 to index
      %get3A_540 = arith.constant 32 : index
      %get3A_541 = tpu.vector_load %arg9[%get3A_539, %get3A_540] {strides = array<i32>} : memref<640x128xf32, #tpu.memory_space<vmem>>, vector<1x16xf32>,
      %get3A_542 = vector.shape_cast %get3A_541 : vector<1x16xf32> to vector<16xf32>
      %mul3A_543 = vector.broadcast %squeeze3A_520 : f32 to vector<16xf32>
      %mul3A_544 = arith.mulf %mul3A_543, %get3A_542 : vector<16xf32>
      %add3A_545 = arith.addf %add3A_483, %mul3A_544 : vector<16xf32>
      %get3A_546 = arith.index_cast %add3A_524 : i32 to index
      %get3A_547 = arith.constant 48 : index
      %get3A_548 = tpu.vector_load %arg9[%get3A_546, %get3A_547] {strides = array<i32>} : memref<640x128xf32, #tpu.memory_space<vmem>>, vector<1x16xf32>,
      %get3A_549 = vector.shape_cast %get3A_548 : vector<1x16xf32> to vector<16xf32>
      %mul3A_550 = vector.broadcast %squeeze3A_520 : f32 to vector<16xf32>
      %mul3A_551 = arith.mulf %mul3A_550, %get3A_549 : vector<16xf32>
      %add3A_552 = arith.addf %add3A_490, %mul3A_551 : vector<16xf32>
      %get3A_553 = arith.index_cast %add3A_524 : i32 to index
      %get3A_554 = arith.constant 64 : index
      %get3A_555 = tpu.vector_load %arg9[%get3A_553, %get3A_554] {strides = array<i32>} : memref<640x128xf32, #tpu.memory_space<vmem>>, vector<1x16xf32>,
      %get3A_556 = vector.shape_cast %get3A_555 : vector<1x16xf32> to vector<16xf32>
      %mul3A_557 = vector.broadcast %squeeze3A_520 : f32 to vector<16xf32>
      %mul3A_558 = arith.mulf %mul3A_557, %get3A_556 : vector<16xf32>
      %add3A_559 = arith.addf %add3A_497, %mul3A_558 : vector<16xf32>
      %get3A_560 = arith.index_cast %add3A_524 : i32 to index
      %get3A_561 = arith.constant 80 : index
      %get3A_562 = tpu.vector_load %arg9[%get3A_560, %get3A_561] {strides = array<i32>} : memref<640x128xf32, #tpu.memory_space<vmem>>, vector<1x16xf32>,
      %get3A_563 = vector.shape_cast %get3A_562 : vector<1x16xf32> to vector<16xf32>
      %mul3A_564 = vector.broadcast %squeeze3A_520 : f32 to vector<16xf32>
      %mul3A_565 = arith.mulf %mul3A_564, %get3A_563 : vector<16xf32>
      %add3A_566 = arith.addf %add3A_504, %mul3A_565 : vector<16xf32>
      %get3A_567 = arith.index_cast %add3A_524 : i32 to index
      %get3A_568 = arith.constant 96 : index
      %get3A_569 = tpu.vector_load %arg9[%get3A_567, %get3A_568] {strides = array<i32>} : memref<640x128xf32, #tpu.memory_space<vmem>>, vector<1x16xf32>,
      %get3A_570 = vector.shape_cast %get3A_569 : vector<1x16xf32> to vector<16xf32>
      %mul3A_571 = vector.broadcast %squeeze3A_520 : f32 to vector<16xf32>
      %mul3A_572 = arith.mulf %mul3A_571, %get3A_570 : vector<16xf32>
      %add3A_573 = arith.addf %add3A_511, %mul3A_572 : vector<16xf32>
      %get3A_574 = arith.index_cast %add3A_524 : i32 to index
      %get3A_575 = arith.constant 112 : index
      %get3A_576 = tpu.vector_load %arg9[%get3A_574, %get3A_575] {strides = array<i32>} : memref<640x128xf32, #tpu.memory_space<vmem>>, vector<1x16xf32>,
      %get3A_577 = vector.shape_cast %get3A_576 : vector<1x16xf32> to vector<16xf32>
      %mul3A_578 = vector.broadcast %squeeze3A_520 : f32 to vector<16xf32>
      %mul3A_579 = arith.mulf %mul3A_578, %get3A_577 : vector<16xf32>
      %add3A_580 = arith.addf %add3A_518, %mul3A_579 : vector<16xf32>
      %slice3A_581 = vector.extract_strided_slice %get3A_133 {offsets = [7], sizes = [1], strides = [1]} : vector<16xf32> to vector<1xf32>
      %squeeze3A_582 = vector.extract %slice3A_581[0] : f32 from vector<1xf32>
      %mul3A_583 = arith.constant 10 : i32
      %mul3A_584 = arith.muli %scan3A_130, %mul3A_583 : i32
      %add3A_585 = arith.constant 7 : i32
      %add3A_586 = arith.addi %mul3A_584, %add3A_585 : i32
      %get3A_587 = arith.index_cast %add3A_586 : i32 to index
      %get3A_588 = arith.constant 0 : index
      %get3A_589 = tpu.vector_load %arg9[%get3A_587, %get3A_588] {strides = array<i32>} : memref<640x128xf32, #tpu.memory_space<vmem>>, vector<1x16xf32>,
      %get3A_590 = vector.shape_cast %get3A_589 : vector<1x16xf32> to vector<16xf32>
      %mul3A_591 = vector.broadcast %squeeze3A_582 : f32 to vector<16xf32>
      %mul3A_592 = arith.mulf %mul3A_591, %get3A_590 : vector<16xf32>
      %add3A_593 = arith.addf %add3A_531, %mul3A_592 : vector<16xf32>
      %get3A_594 = arith.index_cast %add3A_586 : i32 to index
      %get3A_595 = arith.constant 16 : index
      %get3A_596 = tpu.vector_load %arg9[%get3A_594, %get3A_595] {strides = array<i32>} : memref<640x128xf32, #tpu.memory_space<vmem>>, vector<1x16xf32>,
      %get3A_597 = vector.shape_cast %get3A_596 : vector<1x16xf32> to vector<16xf32>
      %mul3A_598 = vector.broadcast %squeeze3A_582 : f32 to vector<16xf32>
      %mul3A_599 = arith.mulf %mul3A_598, %get3A_597 : vector<16xf32>
      %add3A_600 = arith.addf %add3A_538, %mul3A_599 : vector<16xf32>
      %get3A_601 = arith.index_cast %add3A_586 : i32 to index
      %get3A_602 = arith.constant 32 : index
      %get3A_603 = tpu.vector_load %arg9[%get3A_601, %get3A_602] {strides = array<i32>} : memref<640x128xf32, #tpu.memory_space<vmem>>, vector<1x16xf32>,
      %get3A_604 = vector.shape_cast %get3A_603 : vector<1x16xf32> to vector<16xf32>
      %mul3A_605 = vector.broadcast %squeeze3A_582 : f32 to vector<16xf32>
      %mul3A_606 = arith.mulf %mul3A_605, %get3A_604 : vector<16xf32>
      %add3A_607 = arith.addf %add3A_545, %mul3A_606 : vector<16xf32>
      %get3A_608 = arith.index_cast %add3A_586 : i32 to index
      %get3A_609 = arith.constant 48 : index
      %get3A_610 = tpu.vector_load %arg9[%get3A_608, %get3A_609] {strides = array<i32>} : memref<640x128xf32, #tpu.memory_space<vmem>>, vector<1x16xf32>,
      %get3A_611 = vector.shape_cast %get3A_610 : vector<1x16xf32> to vector<16xf32>
      %mul3A_612 = vector.broadcast %squeeze3A_582 : f32 to vector<16xf32>
      %mul3A_613 = arith.mulf %mul3A_612, %get3A_611 : vector<16xf32>
      %add3A_614 = arith.addf %add3A_552, %mul3A_613 : vector<16xf32>
      %get3A_615 = arith.index_cast %add3A_586 : i32 to index
      %get3A_616 = arith.constant 64 : index
      %get3A_617 = tpu.vector_load %arg9[%get3A_615, %get3A_616] {strides = array<i32>} : memref<640x128xf32, #tpu.memory_space<vmem>>, vector<1x16xf32>,
      %get3A_618 = vector.shape_cast %get3A_617 : vector<1x16xf32> to vector<16xf32>
      %mul3A_619 = vector.broadcast %squeeze3A_582 : f32 to vector<16xf32>
      %mul3A_620 = arith.mulf %mul3A_619, %get3A_618 : vector<16xf32>
      %add3A_621 = arith.addf %add3A_559, %mul3A_620 : vector<16xf32>
      %get3A_622 = arith.index_cast %add3A_586 : i32 to index
      %get3A_623 = arith.constant 80 : index
      %get3A_624 = tpu.vector_load %arg9[%get3A_622, %get3A_623] {strides = array<i32>} : memref<640x128xf32, #tpu.memory_space<vmem>>, vector<1x16xf32>,
      %get3A_625 = vector.shape_cast %get3A_624 : vector<1x16xf32> to vector<16xf32>
      %mul3A_626 = vector.broadcast %squeeze3A_582 : f32 to vector<16xf32>
      %mul3A_627 = arith.mulf %mul3A_626, %get3A_625 : vector<16xf32>
      %add3A_628 = arith.addf %add3A_566, %mul3A_627 : vector<16xf32>
      %get3A_629 = arith.index_cast %add3A_586 : i32 to index
      %get3A_630 = arith.constant 96 : index
      %get3A_631 = tpu.vector_load %arg9[%get3A_629, %get3A_630] {strides = array<i32>} : memref<640x128xf32, #tpu.memory_space<vmem>>, vector<1x16xf32>,
      %get3A_632 = vector.shape_cast %get3A_631 : vector<1x16xf32> to vector<16xf32>
      %mul3A_633 = vector.broadcast %squeeze3A_582 : f32 to vector<16xf32>
      %mul3A_634 = arith.mulf %mul3A_633, %get3A_632 : vector<16xf32>
      %add3A_635 = arith.addf %add3A_573, %mul3A_634 : vector<16xf32>
      %get3A_636 = arith.index_cast %add3A_586 : i32 to index
      %get3A_637 = arith.constant 112 : index
      %get3A_638 = tpu.vector_load %arg9[%get3A_636, %get3A_637] {strides = array<i32>} : memref<640x128xf32, #tpu.memory_space<vmem>>, vector<1x16xf32>,
      %get3A_639 = vector.shape_cast %get3A_638 : vector<1x16xf32> to vector<16xf32>
      %mul3A_640 = vector.broadcast %squeeze3A_582 : f32 to vector<16xf32>
      %mul3A_641 = arith.mulf %mul3A_640, %get3A_639 : vector<16xf32>
      %add3A_642 = arith.addf %add3A_580, %mul3A_641 : vector<16xf32>
      %slice3A_643 = vector.extract_strided_slice %get3A_133 {offsets = [8], sizes = [1], strides = [1]} : vector<16xf32> to vector<1xf32>
      %squeeze3A_644 = vector.extract %slice3A_643[0] : f32 from vector<1xf32>
      %mul3A_645 = arith.constant 10 : i32
      %mul3A_646 = arith.muli %scan3A_130, %mul3A_645 : i32
      %add3A_647 = arith.constant 8 : i32
      %add3A_648 = arith.addi %mul3A_646, %add3A_647 : i32
      %get3A_649 = arith.index_cast %add3A_648 : i32 to index
      %get3A_650 = arith.constant 0 : index
      %get3A_651 = tpu.vector_load %arg9[%get3A_649, %get3A_650] {strides = array<i32>} : memref<640x128xf32, #tpu.memory_space<vmem>>, vector<1x16xf32>,
      %get3A_652 = vector.shape_cast %get3A_651 : vector<1x16xf32> to vector<16xf32>
      %mul3A_653 = vector.broadcast %squeeze3A_644 : f32 to vector<16xf32>
      %mul3A_654 = arith.mulf %mul3A_653, %get3A_652 : vector<16xf32>
      %add3A_655 = arith.addf %add3A_593, %mul3A_654 : vector<16xf32>
      %get3A_656 = arith.index_cast %add3A_648 : i32 to index
      %get3A_657 = arith.constant 16 : index
      %get3A_658 = tpu.vector_load %arg9[%get3A_656, %get3A_657] {strides = array<i32>} : memref<640x128xf32, #tpu.memory_space<vmem>>, vector<1x16xf32>,
      %get3A_659 = vector.shape_cast %get3A_658 : vector<1x16xf32> to vector<16xf32>
      %mul3A_660 = vector.broadcast %squeeze3A_644 : f32 to vector<16xf32>
      %mul3A_661 = arith.mulf %mul3A_660, %get3A_659 : vector<16xf32>
      %add3A_662 = arith.addf %add3A_600, %mul3A_661 : vector<16xf32>
      %get3A_663 = arith.index_cast %add3A_648 : i32 to index
      %get3A_664 = arith.constant 32 : index
      %get3A_665 = tpu.vector_load %arg9[%get3A_663, %get3A_664] {strides = array<i32>} : memref<640x128xf32, #tpu.memory_space<vmem>>, vector<1x16xf32>,
      %get3A_666 = vector.shape_cast %get3A_665 : vector<1x16xf32> to vector<16xf32>
      %mul3A_667 = vector.broadcast %squeeze3A_644 : f32 to vector<16xf32>
      %mul3A_668 = arith.mulf %mul3A_667, %get3A_666 : vector<16xf32>
      %add3A_669 = arith.addf %add3A_607, %mul3A_668 : vector<16xf32>
      %get3A_670 = arith.index_cast %add3A_648 : i32 to index
      %get3A_671 = arith.constant 48 : index
      %get3A_672 = tpu.vector_load %arg9[%get3A_670, %get3A_671] {strides = array<i32>} : memref<640x128xf32, #tpu.memory_space<vmem>>, vector<1x16xf32>,
      %get3A_673 = vector.shape_cast %get3A_672 : vector<1x16xf32> to vector<16xf32>
      %mul3A_674 = vector.broadcast %squeeze3A_644 : f32 to vector<16xf32>
      %mul3A_675 = arith.mulf %mul3A_674, %get3A_673 : vector<16xf32>
      %add3A_676 = arith.addf %add3A_614, %mul3A_675 : vector<16xf32>
      %get3A_677 = arith.index_cast %add3A_648 : i32 to index
      %get3A_678 = arith.constant 64 : index
      %get3A_679 = tpu.vector_load %arg9[%get3A_677, %get3A_678] {strides = array<i32>} : memref<640x128xf32, #tpu.memory_space<vmem>>, vector<1x16xf32>,
      %get3A_680 = vector.shape_cast %get3A_679 : vector<1x16xf32> to vector<16xf32>
      %mul3A_681 = vector.broadcast %squeeze3A_644 : f32 to vector<16xf32>
      %mul3A_682 = arith.mulf %mul3A_681, %get3A_680 : vector<16xf32>
      %add3A_683 = arith.addf %add3A_621, %mul3A_682 : vector<16xf32>
      %get3A_684 = arith.index_cast %add3A_648 : i32 to index
      %get3A_685 = arith.constant 80 : index
      %get3A_686 = tpu.vector_load %arg9[%get3A_684, %get3A_685] {strides = array<i32>} : memref<640x128xf32, #tpu.memory_space<vmem>>, vector<1x16xf32>,
      %get3A_687 = vector.shape_cast %get3A_686 : vector<1x16xf32> to vector<16xf32>
      %mul3A_688 = vector.broadcast %squeeze3A_644 : f32 to vector<16xf32>
      %mul3A_689 = arith.mulf %mul3A_688, %get3A_687 : vector<16xf32>
      %add3A_690 = arith.addf %add3A_628, %mul3A_689 : vector<16xf32>
      %get3A_691 = arith.index_cast %add3A_648 : i32 to index
      %get3A_692 = arith.constant 96 : index
      %get3A_693 = tpu.vector_load %arg9[%get3A_691, %get3A_692] {strides = array<i32>} : memref<640x128xf32, #tpu.memory_space<vmem>>, vector<1x16xf32>,
      %get3A_694 = vector.shape_cast %get3A_693 : vector<1x16xf32> to vector<16xf32>
      %mul3A_695 = vector.broadcast %squeeze3A_644 : f32 to vector<16xf32>
      %mul3A_696 = arith.mulf %mul3A_695, %get3A_694 : vector<16xf32>
      %add3A_697 = arith.addf %add3A_635, %mul3A_696 : vector<16xf32>
      %get3A_698 = arith.index_cast %add3A_648 : i32 to index
      %get3A_699 = arith.constant 112 : index
      %get3A_700 = tpu.vector_load %arg9[%get3A_698, %get3A_699] {strides = array<i32>} : memref<640x128xf32, #tpu.memory_space<vmem>>, vector<1x16xf32>,
      %get3A_701 = vector.shape_cast %get3A_700 : vector<1x16xf32> to vector<16xf32>
      %mul3A_702 = vector.broadcast %squeeze3A_644 : f32 to vector<16xf32>
      %mul3A_703 = arith.mulf %mul3A_702, %get3A_701 : vector<16xf32>
      %add3A_704 = arith.addf %add3A_642, %mul3A_703 : vector<16xf32>
      %slice3A_705 = vector.extract_strided_slice %get3A_133 {offsets = [9], sizes = [1], strides = [1]} : vector<16xf32> to vector<1xf32>
      %squeeze3A_706 = vector.extract %slice3A_705[0] : f32 from vector<1xf32>
      %mul3A_707 = arith.constant 10 : i32
      %mul3A_708 = arith.muli %scan3A_130, %mul3A_707 : i32
      %add3A_709 = arith.constant 9 : i32
      %add3A_710 = arith.addi %mul3A_708, %add3A_709 : i32
      %get3A_711 = arith.index_cast %add3A_710 : i32 to index
      %get3A_712 = arith.constant 0 : index
      %get3A_713 = tpu.vector_load %arg9[%get3A_711, %get3A_712] {strides = array<i32>} : memref<640x128xf32, #tpu.memory_space<vmem>>, vector<1x16xf32>,
      %get3A_714 = vector.shape_cast %get3A_713 : vector<1x16xf32> to vector<16xf32>
      %mul3A_715 = vector.broadcast %squeeze3A_706 : f32 to vector<16xf32>
      %mul3A_716 = arith.mulf %mul3A_715, %get3A_714 : vector<16xf32>
      %add3A_717 = arith.addf %add3A_655, %mul3A_716 : vector<16xf32>
      %get3A_718 = arith.index_cast %add3A_710 : i32 to index
      %get3A_719 = arith.constant 16 : index
      %get3A_720 = tpu.vector_load %arg9[%get3A_718, %get3A_719] {strides = array<i32>} : memref<640x128xf32, #tpu.memory_space<vmem>>, vector<1x16xf32>,
      %get3A_721 = vector.shape_cast %get3A_720 : vector<1x16xf32> to vector<16xf32>
      %mul3A_722 = vector.broadcast %squeeze3A_706 : f32 to vector<16xf32>
      %mul3A_723 = arith.mulf %mul3A_722, %get3A_721 : vector<16xf32>
      %add3A_724 = arith.addf %add3A_662, %mul3A_723 : vector<16xf32>
      %get3A_725 = arith.index_cast %add3A_710 : i32 to index
      %get3A_726 = arith.constant 32 : index
      %get3A_727 = tpu.vector_load %arg9[%get3A_725, %get3A_726] {strides = array<i32>} : memref<640x128xf32, #tpu.memory_space<vmem>>, vector<1x16xf32>,
      %get3A_728 = vector.shape_cast %get3A_727 : vector<1x16xf32> to vector<16xf32>
      %mul3A_729 = vector.broadcast %squeeze3A_706 : f32 to vector<16xf32>
      %mul3A_730 = arith.mulf %mul3A_729, %get3A_728 : vector<16xf32>
      %add3A_731 = arith.addf %add3A_669, %mul3A_730 : vector<16xf32>
      %get3A_732 = arith.index_cast %add3A_710 : i32 to index
      %get3A_733 = arith.constant 48 : index
      %get3A_734 = tpu.vector_load %arg9[%get3A_732, %get3A_733] {strides = array<i32>} : memref<640x128xf32, #tpu.memory_space<vmem>>, vector<1x16xf32>,
      %get3A_735 = vector.shape_cast %get3A_734 : vector<1x16xf32> to vector<16xf32>
      %mul3A_736 = vector.broadcast %squeeze3A_706 : f32 to vector<16xf32>
      %mul3A_737 = arith.mulf %mul3A_736, %get3A_735 : vector<16xf32>
      %add3A_738 = arith.addf %add3A_676, %mul3A_737 : vector<16xf32>
      %get3A_739 = arith.index_cast %add3A_710 : i32 to index
      %get3A_740 = arith.constant 64 : index
      %get3A_741 = tpu.vector_load %arg9[%get3A_739, %get3A_740] {strides = array<i32>} : memref<640x128xf32, #tpu.memory_space<vmem>>, vector<1x16xf32>,
      %get3A_742 = vector.shape_cast %get3A_741 : vector<1x16xf32> to vector<16xf32>
      %mul3A_743 = vector.broadcast %squeeze3A_706 : f32 to vector<16xf32>
      %mul3A_744 = arith.mulf %mul3A_743, %get3A_742 : vector<16xf32>
      %add3A_745 = arith.addf %add3A_683, %mul3A_744 : vector<16xf32>
      %get3A_746 = arith.index_cast %add3A_710 : i32 to index
      %get3A_747 = arith.constant 80 : index
      %get3A_748 = tpu.vector_load %arg9[%get3A_746, %get3A_747] {strides = array<i32>} : memref<640x128xf32, #tpu.memory_space<vmem>>, vector<1x16xf32>,
      %get3A_749 = vector.shape_cast %get3A_748 : vector<1x16xf32> to vector<16xf32>
      %mul3A_750 = vector.broadcast %squeeze3A_706 : f32 to vector<16xf32>
      %mul3A_751 = arith.mulf %mul3A_750, %get3A_749 : vector<16xf32>
      %add3A_752 = arith.addf %add3A_690, %mul3A_751 : vector<16xf32>
      %get3A_753 = arith.index_cast %add3A_710 : i32 to index
      %get3A_754 = arith.constant 96 : index
      %get3A_755 = tpu.vector_load %arg9[%get3A_753, %get3A_754] {strides = array<i32>} : memref<640x128xf32, #tpu.memory_space<vmem>>, vector<1x16xf32>,
      %get3A_756 = vector.shape_cast %get3A_755 : vector<1x16xf32> to vector<16xf32>
      %mul3A_757 = vector.broadcast %squeeze3A_706 : f32 to vector<16xf32>
      %mul3A_758 = arith.mulf %mul3A_757, %get3A_756 : vector<16xf32>
      %add3A_759 = arith.addf %add3A_697, %mul3A_758 : vector<16xf32>
      %get3A_760 = arith.index_cast %add3A_710 : i32 to index
      %get3A_761 = arith.constant 112 : index
      %get3A_762 = tpu.vector_load %arg9[%get3A_760, %get3A_761] {strides = array<i32>} : memref<640x128xf32, #tpu.memory_space<vmem>>, vector<1x16xf32>,
      %get3A_763 = vector.shape_cast %get3A_762 : vector<1x16xf32> to vector<16xf32>
      %mul3A_764 = vector.broadcast %squeeze3A_706 : f32 to vector<16xf32>
      %mul3A_765 = arith.mulf %mul3A_764, %get3A_763 : vector<16xf32>
      %add3A_766 = arith.addf %add3A_704, %mul3A_765 : vector<16xf32>
      %swap3A = arith.index_cast %scan3A_130 : i32 to index
      %swap3A_767 = arith.constant 0 : index
      %swap3A_768 = tpu.vector_load %arg10[%swap3A, %swap3A_767] {strides = array<i32>} : memref<64x64xf32, #tpu.memory_space<vmem>>, vector<1x16xf32>,
      %swap3A_769 = vector.shape_cast %swap3A_768 : vector<1x16xf32> to vector<16xf32>
      %swap3A_770 = vector.shape_cast %add3A_717 : vector<16xf32> to vector<1x16xf32>
      tpu.vector_store %arg10[%swap3A, %swap3A_767], %swap3A_770 {strides = array<i32>} : memref<64x64xf32, #tpu.memory_space<vmem>>, vector<1x16xf32>,
      %swap3A_771 = arith.index_cast %scan3A_130 : i32 to index
      %swap3A_772 = arith.constant 0 : index
      %swap3A_773 = tpu.vector_load %arg11[%swap3A_771, %swap3A_772] {strides = array<i32>} : memref<64x64xf32, #tpu.memory_space<vmem>>, vector<1x16xf32>,
      %swap3A_774 = vector.shape_cast %swap3A_773 : vector<1x16xf32> to vector<16xf32>
      %swap3A_775 = vector.shape_cast %add3A_745 : vector<16xf32> to vector<1x16xf32>
      tpu.vector_store %arg11[%swap3A_771, %swap3A_772], %swap3A_775 {strides = array<i32>} : memref<64x64xf32, #tpu.memory_space<vmem>>, vector<1x16xf32>,
      %swap3A_776 = arith.index_cast %scan3A_130 : i32 to index
      %swap3A_777 = arith.constant 16 : index
      %swap3A_778 = tpu.vector_load %arg10[%swap3A_776, %swap3A_777] {strides = array<i32>} : memref<64x64xf32, #tpu.memory_space<vmem>>, vector<1x16xf32>,
      %swap3A_779 = vector.shape_cast %swap3A_778 : vector<1x16xf32> to vector<16xf32>
      %swap3A_780 = vector.shape_cast %add3A_724 : vector<16xf32> to vector<1x16xf32>
      tpu.vector_store %arg10[%swap3A_776, %swap3A_777], %swap3A_780 {strides = array<i32>} : memref<64x64xf32, #tpu.memory_space<vmem>>, vector<1x16xf32>,
      %swap3A_781 = arith.index_cast %scan3A_130 : i32 to index
      %swap3A_782 = arith.constant 16 : index
      %swap3A_783 = tpu.vector_load %arg11[%swap3A_781, %swap3A_782] {strides = array<i32>} : memref<64x64xf32, #tpu.memory_space<vmem>>, vector<1x16xf32>,
      %swap3A_784 = vector.shape_cast %swap3A_783 : vector<1x16xf32> to vector<16xf32>
      %swap3A_785 = vector.shape_cast %add3A_752 : vector<16xf32> to vector<1x16xf32>
      tpu.vector_store %arg11[%swap3A_781, %swap3A_782], %swap3A_785 {strides = array<i32>} : memref<64x64xf32, #tpu.memory_space<vmem>>, vector<1x16xf32>,
      %swap3A_786 = arith.index_cast %scan3A_130 : i32 to index
      %swap3A_787 = arith.constant 32 : index
      %swap3A_788 = tpu.vector_load %arg10[%swap3A_786, %swap3A_787] {strides = array<i32>} : memref<64x64xf32, #tpu.memory_space<vmem>>, vector<1x16xf32>,
      %swap3A_789 = vector.shape_cast %swap3A_788 : vector<1x16xf32> to vector<16xf32>
      %swap3A_790 = vector.shape_cast %add3A_731 : vector<16xf32> to vector<1x16xf32>
      tpu.vector_store %arg10[%swap3A_786, %swap3A_787], %swap3A_790 {strides = array<i32>} : memref<64x64xf32, #tpu.memory_space<vmem>>, vector<1x16xf32>,
      %swap3A_791 = arith.index_cast %scan3A_130 : i32 to index
      %swap3A_792 = arith.constant 32 : index
      %swap3A_793 = tpu.vector_load %arg11[%swap3A_791, %swap3A_792] {strides = array<i32>} : memref<64x64xf32, #tpu.memory_space<vmem>>, vector<1x16xf32>,
      %swap3A_794 = vector.shape_cast %swap3A_793 : vector<1x16xf32> to vector<16xf32>
      %swap3A_795 = vector.shape_cast %add3A_759 : vector<16xf32> to vector<1x16xf32>
      tpu.vector_store %arg11[%swap3A_791, %swap3A_792], %swap3A_795 {strides = array<i32>} : memref<64x64xf32, #tpu.memory_space<vmem>>, vector<1x16xf32>,
      %swap3A_796 = arith.index_cast %scan3A_130 : i32 to index
      %swap3A_797 = arith.constant 48 : index
      %swap3A_798 = tpu.vector_load %arg10[%swap3A_796, %swap3A_797] {strides = array<i32>} : memref<64x64xf32, #tpu.memory_space<vmem>>, vector<1x16xf32>,
      %swap3A_799 = vector.shape_cast %swap3A_798 : vector<1x16xf32> to vector<16xf32>
      %swap3A_800 = vector.shape_cast %add3A_738 : vector<16xf32> to vector<1x16xf32>
      tpu.vector_store %arg10[%swap3A_796, %swap3A_797], %swap3A_800 {strides = array<i32>} : memref<64x64xf32, #tpu.memory_space<vmem>>, vector<1x16xf32>,
      %swap3A_801 = arith.index_cast %scan3A_130 : i32 to index
      %swap3A_802 = arith.constant 48 : index
      %swap3A_803 = tpu.vector_load %arg11[%swap3A_801, %swap3A_802] {strides = array<i32>} : memref<64x64xf32, #tpu.memory_space<vmem>>, vector<1x16xf32>,
      %swap3A_804 = vector.shape_cast %swap3A_803 : vector<1x16xf32> to vector<16xf32>
      %swap3A_805 = vector.shape_cast %add3A_766 : vector<16xf32> to vector<1x16xf32>
      tpu.vector_store %arg11[%swap3A_801, %swap3A_802], %swap3A_805 {strides = array<i32>} : memref<64x64xf32, #tpu.memory_space<vmem>>, vector<1x16xf32>,
    }
    %scan3A_97 = arith.constant 13 : i32
    %dma_wait3A_98 = arith.constant 3 : i32
    %dma_wait3A_99 = arith.constant 384 : i32
    %dma_wait3A_100 = arith.constant 0 : i32
    %dma_wait3A_101 = tpu.memref_slice %arg9[%dma_wait3A_99, %dma_wait3A_100] : memref<640x128xf32, #tpu.memory_space<vmem>> -> memref<128x128xf32, #tpu.memory_space<vmem>>
    %dma_wait3A_102 = arith.constant 0 : i32
    %dma_wait3A_103 = tpu.memref_slice %arg8[%dma_wait3A_98, %dma_wait3A_102] : memref<5x128xi32, #tpu.memory_space<vmem>> -> memref<1x128xi32, #tpu.memory_space<vmem>>
    %dma_wait3A_104 = tpu.memref_squeeze %dma_wait3A_103 : memref<1x128xi32, #tpu.memory_space<vmem>> -> memref<128xi32, #tpu.memory_space<vmem>>
    %dma_wait3A_105 = arith.constant 0 : i32
    %dma_wait3A_106 = arith.constant 0 : i32
    %dma_wait3A_107 = tpu.memref_slice %arg4[%dma_wait3A_105, %dma_wait3A_106] : memref<2048x128xf32, #tpu.memory_space<hbm>> -> memref<2048x128xf32, #tpu.memory_space<hbm>>
    tpu.wait_indirect_dma semaphore(%arg15 : memref<!tpu.dma_semaphore, #tpu.memory_space<semaphore_mem>>) src(%dma_wait3A_107 : memref<2048x128xf32, #tpu.memory_space<hbm>>) dst(%dma_wait3A_101 : memref<128x128xf32, #tpu.memory_space<vmem>>)
    %scan3A_108 = arith.constant 0 : i32
    %scan3A_109 = arith.constant 38 : i32
    %scan3A_110 = arith.constant 13 : i32
    %scan3A_111 = arith.addi %scan3A_109, %scan3A_110 : i32
    %scan3A_112 = arith.constant 1 : i32
    scf.for %scan3A_130 = %scan3A_109 to %scan3A_111 step %scan3A_112  : i32 {
      %get3A = arith.index_cast %scan3A_130 : i32 to index
      %get3A_131 = arith.constant 0 : index
      %get3A_132 = tpu.vector_load %arg7[%get3A, %get3A_131] {strides = array<i32>} : memref<64x16xf32, #tpu.memory_space<vmem>>, vector<1x16xf32>,
      %get3A_133 = vector.shape_cast %get3A_132 : vector<1x16xf32> to vector<16xf32>
      %broadcast_in_dim3A = arith.constant 0.000000e+00 : f32
      %broadcast_in_dim3A_134 = vector.broadcast %broadcast_in_dim3A : f32 to vector<16xf32>
      %broadcast_in_dim3A_135 = arith.constant 0.000000e+00 : f32
      %broadcast_in_dim3A_136 = vector.broadcast %broadcast_in_dim3A_135 : f32 to vector<16xf32>
      %broadcast_in_dim3A_137 = arith.constant 0.000000e+00 : f32
      %broadcast_in_dim3A_138 = vector.broadcast %broadcast_in_dim3A_137 : f32 to vector<16xf32>
      %broadcast_in_dim3A_139 = arith.constant 0.000000e+00 : f32
      %broadcast_in_dim3A_140 = vector.broadcast %broadcast_in_dim3A_139 : f32 to vector<16xf32>
      %broadcast_in_dim3A_141 = arith.constant 0.000000e+00 : f32
      %broadcast_in_dim3A_142 = vector.broadcast %broadcast_in_dim3A_141 : f32 to vector<16xf32>
      %broadcast_in_dim3A_143 = arith.constant 0.000000e+00 : f32
      %broadcast_in_dim3A_144 = vector.broadcast %broadcast_in_dim3A_143 : f32 to vector<16xf32>
      %broadcast_in_dim3A_145 = arith.constant 0.000000e+00 : f32
      %broadcast_in_dim3A_146 = vector.broadcast %broadcast_in_dim3A_145 : f32 to vector<16xf32>
      %broadcast_in_dim3A_147 = arith.constant 0.000000e+00 : f32
      %broadcast_in_dim3A_148 = vector.broadcast %broadcast_in_dim3A_147 : f32 to vector<16xf32>
      %slice3A = vector.extract_strided_slice %get3A_133 {offsets = [0], sizes = [1], strides = [1]} : vector<16xf32> to vector<1xf32>
      %squeeze3A = vector.extract %slice3A[0] : f32 from vector<1xf32>
      %mul3A_149 = arith.constant 10 : i32
      %mul3A_150 = arith.muli %scan3A_130, %mul3A_149 : i32
      %add3A_151 = arith.constant 0 : i32
      %add3A_152 = arith.addi %mul3A_150, %add3A_151 : i32
      %get3A_153 = arith.index_cast %add3A_152 : i32 to index
      %get3A_154 = arith.constant 0 : index
      %get3A_155 = tpu.vector_load %arg9[%get3A_153, %get3A_154] {strides = array<i32>} : memref<640x128xf32, #tpu.memory_space<vmem>>, vector<1x16xf32>,
      %get3A_156 = vector.shape_cast %get3A_155 : vector<1x16xf32> to vector<16xf32>
      %mul3A_157 = vector.broadcast %squeeze3A : f32 to vector<16xf32>
      %mul3A_158 = arith.mulf %mul3A_157, %get3A_156 : vector<16xf32>
      %add3A_159 = arith.addf %broadcast_in_dim3A_134, %mul3A_158 : vector<16xf32>
      %get3A_160 = arith.index_cast %add3A_152 : i32 to index
      %get3A_161 = arith.constant 16 : index
      %get3A_162 = tpu.vector_load %arg9[%get3A_160, %get3A_161] {strides = array<i32>} : memref<640x128xf32, #tpu.memory_space<vmem>>, vector<1x16xf32>,
      %get3A_163 = vector.shape_cast %get3A_162 : vector<1x16xf32> to vector<16xf32>
      %mul3A_164 = vector.broadcast %squeeze3A : f32 to vector<16xf32>
      %mul3A_165 = arith.mulf %mul3A_164, %get3A_163 : vector<16xf32>
      %add3A_166 = arith.addf %broadcast_in_dim3A_136, %mul3A_165 : vector<16xf32>
      %get3A_167 = arith.index_cast %add3A_152 : i32 to index
      %get3A_168 = arith.constant 32 : index
      %get3A_169 = tpu.vector_load %arg9[%get3A_167, %get3A_168] {strides = array<i32>} : memref<640x128xf32, #tpu.memory_space<vmem>>, vector<1x16xf32>,
      %get3A_170 = vector.shape_cast %get3A_169 : vector<1x16xf32> to vector<16xf32>
      %mul3A_171 = vector.broadcast %squeeze3A : f32 to vector<16xf32>
      %mul3A_172 = arith.mulf %mul3A_171, %get3A_170 : vector<16xf32>
      %add3A_173 = arith.addf %broadcast_in_dim3A_138, %mul3A_172 : vector<16xf32>
      %get3A_174 = arith.index_cast %add3A_152 : i32 to index
      %get3A_175 = arith.constant 48 : index
      %get3A_176 = tpu.vector_load %arg9[%get3A_174, %get3A_175] {strides = array<i32>} : memref<640x128xf32, #tpu.memory_space<vmem>>, vector<1x16xf32>,
      %get3A_177 = vector.shape_cast %get3A_176 : vector<1x16xf32> to vector<16xf32>
      %mul3A_178 = vector.broadcast %squeeze3A : f32 to vector<16xf32>
      %mul3A_179 = arith.mulf %mul3A_178, %get3A_177 : vector<16xf32>
      %add3A_180 = arith.addf %broadcast_in_dim3A_140, %mul3A_179 : vector<16xf32>
      %get3A_181 = arith.index_cast %add3A_152 : i32 to index
      %get3A_182 = arith.constant 64 : index
      %get3A_183 = tpu.vector_load %arg9[%get3A_181, %get3A_182] {strides = array<i32>} : memref<640x128xf32, #tpu.memory_space<vmem>>, vector<1x16xf32>,
      %get3A_184 = vector.shape_cast %get3A_183 : vector<1x16xf32> to vector<16xf32>
      %mul3A_185 = vector.broadcast %squeeze3A : f32 to vector<16xf32>
      %mul3A_186 = arith.mulf %mul3A_185, %get3A_184 : vector<16xf32>
      %add3A_187 = arith.addf %broadcast_in_dim3A_142, %mul3A_186 : vector<16xf32>
      %get3A_188 = arith.index_cast %add3A_152 : i32 to index
      %get3A_189 = arith.constant 80 : index
      %get3A_190 = tpu.vector_load %arg9[%get3A_188, %get3A_189] {strides = array<i32>} : memref<640x128xf32, #tpu.memory_space<vmem>>, vector<1x16xf32>,
      %get3A_191 = vector.shape_cast %get3A_190 : vector<1x16xf32> to vector<16xf32>
      %mul3A_192 = vector.broadcast %squeeze3A : f32 to vector<16xf32>
      %mul3A_193 = arith.mulf %mul3A_192, %get3A_191 : vector<16xf32>
      %add3A_194 = arith.addf %broadcast_in_dim3A_144, %mul3A_193 : vector<16xf32>
      %get3A_195 = arith.index_cast %add3A_152 : i32 to index
      %get3A_196 = arith.constant 96 : index
      %get3A_197 = tpu.vector_load %arg9[%get3A_195, %get3A_196] {strides = array<i32>} : memref<640x128xf32, #tpu.memory_space<vmem>>, vector<1x16xf32>,
      %get3A_198 = vector.shape_cast %get3A_197 : vector<1x16xf32> to vector<16xf32>
      %mul3A_199 = vector.broadcast %squeeze3A : f32 to vector<16xf32>
      %mul3A_200 = arith.mulf %mul3A_199, %get3A_198 : vector<16xf32>
      %add3A_201 = arith.addf %broadcast_in_dim3A_146, %mul3A_200 : vector<16xf32>
      %get3A_202 = arith.index_cast %add3A_152 : i32 to index
      %get3A_203 = arith.constant 112 : index
      %get3A_204 = tpu.vector_load %arg9[%get3A_202, %get3A_203] {strides = array<i32>} : memref<640x128xf32, #tpu.memory_space<vmem>>, vector<1x16xf32>,
      %get3A_205 = vector.shape_cast %get3A_204 : vector<1x16xf32> to vector<16xf32>
      %mul3A_206 = vector.broadcast %squeeze3A : f32 to vector<16xf32>
      %mul3A_207 = arith.mulf %mul3A_206, %get3A_205 : vector<16xf32>
      %add3A_208 = arith.addf %broadcast_in_dim3A_148, %mul3A_207 : vector<16xf32>
      %slice3A_209 = vector.extract_strided_slice %get3A_133 {offsets = [1], sizes = [1], strides = [1]} : vector<16xf32> to vector<1xf32>
      %squeeze3A_210 = vector.extract %slice3A_209[0] : f32 from vector<1xf32>
      %mul3A_211 = arith.constant 10 : i32
      %mul3A_212 = arith.muli %scan3A_130, %mul3A_211 : i32
      %add3A_213 = arith.constant 1 : i32
      %add3A_214 = arith.addi %mul3A_212, %add3A_213 : i32
      %get3A_215 = arith.index_cast %add3A_214 : i32 to index
      %get3A_216 = arith.constant 0 : index
      %get3A_217 = tpu.vector_load %arg9[%get3A_215, %get3A_216] {strides = array<i32>} : memref<640x128xf32, #tpu.memory_space<vmem>>, vector<1x16xf32>,
      %get3A_218 = vector.shape_cast %get3A_217 : vector<1x16xf32> to vector<16xf32>
      %mul3A_219 = vector.broadcast %squeeze3A_210 : f32 to vector<16xf32>
      %mul3A_220 = arith.mulf %mul3A_219, %get3A_218 : vector<16xf32>
      %add3A_221 = arith.addf %add3A_159, %mul3A_220 : vector<16xf32>
      %get3A_222 = arith.index_cast %add3A_214 : i32 to index
      %get3A_223 = arith.constant 16 : index
      %get3A_224 = tpu.vector_load %arg9[%get3A_222, %get3A_223] {strides = array<i32>} : memref<640x128xf32, #tpu.memory_space<vmem>>, vector<1x16xf32>,
      %get3A_225 = vector.shape_cast %get3A_224 : vector<1x16xf32> to vector<16xf32>
      %mul3A_226 = vector.broadcast %squeeze3A_210 : f32 to vector<16xf32>
      %mul3A_227 = arith.mulf %mul3A_226, %get3A_225 : vector<16xf32>
      %add3A_228 = arith.addf %add3A_166, %mul3A_227 : vector<16xf32>
      %get3A_229 = arith.index_cast %add3A_214 : i32 to index
      %get3A_230 = arith.constant 32 : index
      %get3A_231 = tpu.vector_load %arg9[%get3A_229, %get3A_230] {strides = array<i32>} : memref<640x128xf32, #tpu.memory_space<vmem>>, vector<1x16xf32>,
      %get3A_232 = vector.shape_cast %get3A_231 : vector<1x16xf32> to vector<16xf32>
      %mul3A_233 = vector.broadcast %squeeze3A_210 : f32 to vector<16xf32>
      %mul3A_234 = arith.mulf %mul3A_233, %get3A_232 : vector<16xf32>
      %add3A_235 = arith.addf %add3A_173, %mul3A_234 : vector<16xf32>
      %get3A_236 = arith.index_cast %add3A_214 : i32 to index
      %get3A_237 = arith.constant 48 : index
      %get3A_238 = tpu.vector_load %arg9[%get3A_236, %get3A_237] {strides = array<i32>} : memref<640x128xf32, #tpu.memory_space<vmem>>, vector<1x16xf32>,
      %get3A_239 = vector.shape_cast %get3A_238 : vector<1x16xf32> to vector<16xf32>
      %mul3A_240 = vector.broadcast %squeeze3A_210 : f32 to vector<16xf32>
      %mul3A_241 = arith.mulf %mul3A_240, %get3A_239 : vector<16xf32>
      %add3A_242 = arith.addf %add3A_180, %mul3A_241 : vector<16xf32>
      %get3A_243 = arith.index_cast %add3A_214 : i32 to index
      %get3A_244 = arith.constant 64 : index
      %get3A_245 = tpu.vector_load %arg9[%get3A_243, %get3A_244] {strides = array<i32>} : memref<640x128xf32, #tpu.memory_space<vmem>>, vector<1x16xf32>,
      %get3A_246 = vector.shape_cast %get3A_245 : vector<1x16xf32> to vector<16xf32>
      %mul3A_247 = vector.broadcast %squeeze3A_210 : f32 to vector<16xf32>
      %mul3A_248 = arith.mulf %mul3A_247, %get3A_246 : vector<16xf32>
      %add3A_249 = arith.addf %add3A_187, %mul3A_248 : vector<16xf32>
      %get3A_250 = arith.index_cast %add3A_214 : i32 to index
      %get3A_251 = arith.constant 80 : index
      %get3A_252 = tpu.vector_load %arg9[%get3A_250, %get3A_251] {strides = array<i32>} : memref<640x128xf32, #tpu.memory_space<vmem>>, vector<1x16xf32>,
      %get3A_253 = vector.shape_cast %get3A_252 : vector<1x16xf32> to vector<16xf32>
      %mul3A_254 = vector.broadcast %squeeze3A_210 : f32 to vector<16xf32>
      %mul3A_255 = arith.mulf %mul3A_254, %get3A_253 : vector<16xf32>
      %add3A_256 = arith.addf %add3A_194, %mul3A_255 : vector<16xf32>
      %get3A_257 = arith.index_cast %add3A_214 : i32 to index
      %get3A_258 = arith.constant 96 : index
      %get3A_259 = tpu.vector_load %arg9[%get3A_257, %get3A_258] {strides = array<i32>} : memref<640x128xf32, #tpu.memory_space<vmem>>, vector<1x16xf32>,
      %get3A_260 = vector.shape_cast %get3A_259 : vector<1x16xf32> to vector<16xf32>
      %mul3A_261 = vector.broadcast %squeeze3A_210 : f32 to vector<16xf32>
      %mul3A_262 = arith.mulf %mul3A_261, %get3A_260 : vector<16xf32>
      %add3A_263 = arith.addf %add3A_201, %mul3A_262 : vector<16xf32>
      %get3A_264 = arith.index_cast %add3A_214 : i32 to index
      %get3A_265 = arith.constant 112 : index
      %get3A_266 = tpu.vector_load %arg9[%get3A_264, %get3A_265] {strides = array<i32>} : memref<640x128xf32, #tpu.memory_space<vmem>>, vector<1x16xf32>,
      %get3A_267 = vector.shape_cast %get3A_266 : vector<1x16xf32> to vector<16xf32>
      %mul3A_268 = vector.broadcast %squeeze3A_210 : f32 to vector<16xf32>
      %mul3A_269 = arith.mulf %mul3A_268, %get3A_267 : vector<16xf32>
      %add3A_270 = arith.addf %add3A_208, %mul3A_269 : vector<16xf32>
      %slice3A_271 = vector.extract_strided_slice %get3A_133 {offsets = [2], sizes = [1], strides = [1]} : vector<16xf32> to vector<1xf32>
      %squeeze3A_272 = vector.extract %slice3A_271[0] : f32 from vector<1xf32>
      %mul3A_273 = arith.constant 10 : i32
      %mul3A_274 = arith.muli %scan3A_130, %mul3A_273 : i32
      %add3A_275 = arith.constant 2 : i32
      %add3A_276 = arith.addi %mul3A_274, %add3A_275 : i32
      %get3A_277 = arith.index_cast %add3A_276 : i32 to index
      %get3A_278 = arith.constant 0 : index
      %get3A_279 = tpu.vector_load %arg9[%get3A_277, %get3A_278] {strides = array<i32>} : memref<640x128xf32, #tpu.memory_space<vmem>>, vector<1x16xf32>,
      %get3A_280 = vector.shape_cast %get3A_279 : vector<1x16xf32> to vector<16xf32>
      %mul3A_281 = vector.broadcast %squeeze3A_272 : f32 to vector<16xf32>
      %mul3A_282 = arith.mulf %mul3A_281, %get3A_280 : vector<16xf32>
      %add3A_283 = arith.addf %add3A_221, %mul3A_282 : vector<16xf32>
      %get3A_284 = arith.index_cast %add3A_276 : i32 to index
      %get3A_285 = arith.constant 16 : index
      %get3A_286 = tpu.vector_load %arg9[%get3A_284, %get3A_285] {strides = array<i32>} : memref<640x128xf32, #tpu.memory_space<vmem>>, vector<1x16xf32>,
      %get3A_287 = vector.shape_cast %get3A_286 : vector<1x16xf32> to vector<16xf32>
      %mul3A_288 = vector.broadcast %squeeze3A_272 : f32 to vector<16xf32>
      %mul3A_289 = arith.mulf %mul3A_288, %get3A_287 : vector<16xf32>
      %add3A_290 = arith.addf %add3A_228, %mul3A_289 : vector<16xf32>
      %get3A_291 = arith.index_cast %add3A_276 : i32 to index
      %get3A_292 = arith.constant 32 : index
      %get3A_293 = tpu.vector_load %arg9[%get3A_291, %get3A_292] {strides = array<i32>} : memref<640x128xf32, #tpu.memory_space<vmem>>, vector<1x16xf32>,
      %get3A_294 = vector.shape_cast %get3A_293 : vector<1x16xf32> to vector<16xf32>
      %mul3A_295 = vector.broadcast %squeeze3A_272 : f32 to vector<16xf32>
      %mul3A_296 = arith.mulf %mul3A_295, %get3A_294 : vector<16xf32>
      %add3A_297 = arith.addf %add3A_235, %mul3A_296 : vector<16xf32>
      %get3A_298 = arith.index_cast %add3A_276 : i32 to index
      %get3A_299 = arith.constant 48 : index
      %get3A_300 = tpu.vector_load %arg9[%get3A_298, %get3A_299] {strides = array<i32>} : memref<640x128xf32, #tpu.memory_space<vmem>>, vector<1x16xf32>,
      %get3A_301 = vector.shape_cast %get3A_300 : vector<1x16xf32> to vector<16xf32>
      %mul3A_302 = vector.broadcast %squeeze3A_272 : f32 to vector<16xf32>
      %mul3A_303 = arith.mulf %mul3A_302, %get3A_301 : vector<16xf32>
      %add3A_304 = arith.addf %add3A_242, %mul3A_303 : vector<16xf32>
      %get3A_305 = arith.index_cast %add3A_276 : i32 to index
      %get3A_306 = arith.constant 64 : index
      %get3A_307 = tpu.vector_load %arg9[%get3A_305, %get3A_306] {strides = array<i32>} : memref<640x128xf32, #tpu.memory_space<vmem>>, vector<1x16xf32>,
      %get3A_308 = vector.shape_cast %get3A_307 : vector<1x16xf32> to vector<16xf32>
      %mul3A_309 = vector.broadcast %squeeze3A_272 : f32 to vector<16xf32>
      %mul3A_310 = arith.mulf %mul3A_309, %get3A_308 : vector<16xf32>
      %add3A_311 = arith.addf %add3A_249, %mul3A_310 : vector<16xf32>
      %get3A_312 = arith.index_cast %add3A_276 : i32 to index
      %get3A_313 = arith.constant 80 : index
      %get3A_314 = tpu.vector_load %arg9[%get3A_312, %get3A_313] {strides = array<i32>} : memref<640x128xf32, #tpu.memory_space<vmem>>, vector<1x16xf32>,
      %get3A_315 = vector.shape_cast %get3A_314 : vector<1x16xf32> to vector<16xf32>
      %mul3A_316 = vector.broadcast %squeeze3A_272 : f32 to vector<16xf32>
      %mul3A_317 = arith.mulf %mul3A_316, %get3A_315 : vector<16xf32>
      %add3A_318 = arith.addf %add3A_256, %mul3A_317 : vector<16xf32>
      %get3A_319 = arith.index_cast %add3A_276 : i32 to index
      %get3A_320 = arith.constant 96 : index
      %get3A_321 = tpu.vector_load %arg9[%get3A_319, %get3A_320] {strides = array<i32>} : memref<640x128xf32, #tpu.memory_space<vmem>>, vector<1x16xf32>,
      %get3A_322 = vector.shape_cast %get3A_321 : vector<1x16xf32> to vector<16xf32>
      %mul3A_323 = vector.broadcast %squeeze3A_272 : f32 to vector<16xf32>
      %mul3A_324 = arith.mulf %mul3A_323, %get3A_322 : vector<16xf32>
      %add3A_325 = arith.addf %add3A_263, %mul3A_324 : vector<16xf32>
      %get3A_326 = arith.index_cast %add3A_276 : i32 to index
      %get3A_327 = arith.constant 112 : index
      %get3A_328 = tpu.vector_load %arg9[%get3A_326, %get3A_327] {strides = array<i32>} : memref<640x128xf32, #tpu.memory_space<vmem>>, vector<1x16xf32>,
      %get3A_329 = vector.shape_cast %get3A_328 : vector<1x16xf32> to vector<16xf32>
      %mul3A_330 = vector.broadcast %squeeze3A_272 : f32 to vector<16xf32>
      %mul3A_331 = arith.mulf %mul3A_330, %get3A_329 : vector<16xf32>
      %add3A_332 = arith.addf %add3A_270, %mul3A_331 : vector<16xf32>
      %slice3A_333 = vector.extract_strided_slice %get3A_133 {offsets = [3], sizes = [1], strides = [1]} : vector<16xf32> to vector<1xf32>
      %squeeze3A_334 = vector.extract %slice3A_333[0] : f32 from vector<1xf32>
      %mul3A_335 = arith.constant 10 : i32
      %mul3A_336 = arith.muli %scan3A_130, %mul3A_335 : i32
      %add3A_337 = arith.constant 3 : i32
      %add3A_338 = arith.addi %mul3A_336, %add3A_337 : i32
      %get3A_339 = arith.index_cast %add3A_338 : i32 to index
      %get3A_340 = arith.constant 0 : index
      %get3A_341 = tpu.vector_load %arg9[%get3A_339, %get3A_340] {strides = array<i32>} : memref<640x128xf32, #tpu.memory_space<vmem>>, vector<1x16xf32>,
      %get3A_342 = vector.shape_cast %get3A_341 : vector<1x16xf32> to vector<16xf32>
      %mul3A_343 = vector.broadcast %squeeze3A_334 : f32 to vector<16xf32>
      %mul3A_344 = arith.mulf %mul3A_343, %get3A_342 : vector<16xf32>
      %add3A_345 = arith.addf %add3A_283, %mul3A_344 : vector<16xf32>
      %get3A_346 = arith.index_cast %add3A_338 : i32 to index
      %get3A_347 = arith.constant 16 : index
      %get3A_348 = tpu.vector_load %arg9[%get3A_346, %get3A_347] {strides = array<i32>} : memref<640x128xf32, #tpu.memory_space<vmem>>, vector<1x16xf32>,
      %get3A_349 = vector.shape_cast %get3A_348 : vector<1x16xf32> to vector<16xf32>
      %mul3A_350 = vector.broadcast %squeeze3A_334 : f32 to vector<16xf32>
      %mul3A_351 = arith.mulf %mul3A_350, %get3A_349 : vector<16xf32>
      %add3A_352 = arith.addf %add3A_290, %mul3A_351 : vector<16xf32>
      %get3A_353 = arith.index_cast %add3A_338 : i32 to index
      %get3A_354 = arith.constant 32 : index
      %get3A_355 = tpu.vector_load %arg9[%get3A_353, %get3A_354] {strides = array<i32>} : memref<640x128xf32, #tpu.memory_space<vmem>>, vector<1x16xf32>,
      %get3A_356 = vector.shape_cast %get3A_355 : vector<1x16xf32> to vector<16xf32>
      %mul3A_357 = vector.broadcast %squeeze3A_334 : f32 to vector<16xf32>
      %mul3A_358 = arith.mulf %mul3A_357, %get3A_356 : vector<16xf32>
      %add3A_359 = arith.addf %add3A_297, %mul3A_358 : vector<16xf32>
      %get3A_360 = arith.index_cast %add3A_338 : i32 to index
      %get3A_361 = arith.constant 48 : index
      %get3A_362 = tpu.vector_load %arg9[%get3A_360, %get3A_361] {strides = array<i32>} : memref<640x128xf32, #tpu.memory_space<vmem>>, vector<1x16xf32>,
      %get3A_363 = vector.shape_cast %get3A_362 : vector<1x16xf32> to vector<16xf32>
      %mul3A_364 = vector.broadcast %squeeze3A_334 : f32 to vector<16xf32>
      %mul3A_365 = arith.mulf %mul3A_364, %get3A_363 : vector<16xf32>
      %add3A_366 = arith.addf %add3A_304, %mul3A_365 : vector<16xf32>
      %get3A_367 = arith.index_cast %add3A_338 : i32 to index
      %get3A_368 = arith.constant 64 : index
      %get3A_369 = tpu.vector_load %arg9[%get3A_367, %get3A_368] {strides = array<i32>} : memref<640x128xf32, #tpu.memory_space<vmem>>, vector<1x16xf32>,
      %get3A_370 = vector.shape_cast %get3A_369 : vector<1x16xf32> to vector<16xf32>
      %mul3A_371 = vector.broadcast %squeeze3A_334 : f32 to vector<16xf32>
      %mul3A_372 = arith.mulf %mul3A_371, %get3A_370 : vector<16xf32>
      %add3A_373 = arith.addf %add3A_311, %mul3A_372 : vector<16xf32>
      %get3A_374 = arith.index_cast %add3A_338 : i32 to index
      %get3A_375 = arith.constant 80 : index
      %get3A_376 = tpu.vector_load %arg9[%get3A_374, %get3A_375] {strides = array<i32>} : memref<640x128xf32, #tpu.memory_space<vmem>>, vector<1x16xf32>,
      %get3A_377 = vector.shape_cast %get3A_376 : vector<1x16xf32> to vector<16xf32>
      %mul3A_378 = vector.broadcast %squeeze3A_334 : f32 to vector<16xf32>
      %mul3A_379 = arith.mulf %mul3A_378, %get3A_377 : vector<16xf32>
      %add3A_380 = arith.addf %add3A_318, %mul3A_379 : vector<16xf32>
      %get3A_381 = arith.index_cast %add3A_338 : i32 to index
      %get3A_382 = arith.constant 96 : index
      %get3A_383 = tpu.vector_load %arg9[%get3A_381, %get3A_382] {strides = array<i32>} : memref<640x128xf32, #tpu.memory_space<vmem>>, vector<1x16xf32>,
      %get3A_384 = vector.shape_cast %get3A_383 : vector<1x16xf32> to vector<16xf32>
      %mul3A_385 = vector.broadcast %squeeze3A_334 : f32 to vector<16xf32>
      %mul3A_386 = arith.mulf %mul3A_385, %get3A_384 : vector<16xf32>
      %add3A_387 = arith.addf %add3A_325, %mul3A_386 : vector<16xf32>
      %get3A_388 = arith.index_cast %add3A_338 : i32 to index
      %get3A_389 = arith.constant 112 : index
      %get3A_390 = tpu.vector_load %arg9[%get3A_388, %get3A_389] {strides = array<i32>} : memref<640x128xf32, #tpu.memory_space<vmem>>, vector<1x16xf32>,
      %get3A_391 = vector.shape_cast %get3A_390 : vector<1x16xf32> to vector<16xf32>
      %mul3A_392 = vector.broadcast %squeeze3A_334 : f32 to vector<16xf32>
      %mul3A_393 = arith.mulf %mul3A_392, %get3A_391 : vector<16xf32>
      %add3A_394 = arith.addf %add3A_332, %mul3A_393 : vector<16xf32>
      %slice3A_395 = vector.extract_strided_slice %get3A_133 {offsets = [4], sizes = [1], strides = [1]} : vector<16xf32> to vector<1xf32>
      %squeeze3A_396 = vector.extract %slice3A_395[0] : f32 from vector<1xf32>
      %mul3A_397 = arith.constant 10 : i32
      %mul3A_398 = arith.muli %scan3A_130, %mul3A_397 : i32
      %add3A_399 = arith.constant 4 : i32
      %add3A_400 = arith.addi %mul3A_398, %add3A_399 : i32
      %get3A_401 = arith.index_cast %add3A_400 : i32 to index
      %get3A_402 = arith.constant 0 : index
      %get3A_403 = tpu.vector_load %arg9[%get3A_401, %get3A_402] {strides = array<i32>} : memref<640x128xf32, #tpu.memory_space<vmem>>, vector<1x16xf32>,
      %get3A_404 = vector.shape_cast %get3A_403 : vector<1x16xf32> to vector<16xf32>
      %mul3A_405 = vector.broadcast %squeeze3A_396 : f32 to vector<16xf32>
      %mul3A_406 = arith.mulf %mul3A_405, %get3A_404 : vector<16xf32>
      %add3A_407 = arith.addf %add3A_345, %mul3A_406 : vector<16xf32>
      %get3A_408 = arith.index_cast %add3A_400 : i32 to index
      %get3A_409 = arith.constant 16 : index
      %get3A_410 = tpu.vector_load %arg9[%get3A_408, %get3A_409] {strides = array<i32>} : memref<640x128xf32, #tpu.memory_space<vmem>>, vector<1x16xf32>,
      %get3A_411 = vector.shape_cast %get3A_410 : vector<1x16xf32> to vector<16xf32>
      %mul3A_412 = vector.broadcast %squeeze3A_396 : f32 to vector<16xf32>
      %mul3A_413 = arith.mulf %mul3A_412, %get3A_411 : vector<16xf32>
      %add3A_414 = arith.addf %add3A_352, %mul3A_413 : vector<16xf32>
      %get3A_415 = arith.index_cast %add3A_400 : i32 to index
      %get3A_416 = arith.constant 32 : index
      %get3A_417 = tpu.vector_load %arg9[%get3A_415, %get3A_416] {strides = array<i32>} : memref<640x128xf32, #tpu.memory_space<vmem>>, vector<1x16xf32>,
      %get3A_418 = vector.shape_cast %get3A_417 : vector<1x16xf32> to vector<16xf32>
      %mul3A_419 = vector.broadcast %squeeze3A_396 : f32 to vector<16xf32>
      %mul3A_420 = arith.mulf %mul3A_419, %get3A_418 : vector<16xf32>
      %add3A_421 = arith.addf %add3A_359, %mul3A_420 : vector<16xf32>
      %get3A_422 = arith.index_cast %add3A_400 : i32 to index
      %get3A_423 = arith.constant 48 : index
      %get3A_424 = tpu.vector_load %arg9[%get3A_422, %get3A_423] {strides = array<i32>} : memref<640x128xf32, #tpu.memory_space<vmem>>, vector<1x16xf32>,
      %get3A_425 = vector.shape_cast %get3A_424 : vector<1x16xf32> to vector<16xf32>
      %mul3A_426 = vector.broadcast %squeeze3A_396 : f32 to vector<16xf32>
      %mul3A_427 = arith.mulf %mul3A_426, %get3A_425 : vector<16xf32>
      %add3A_428 = arith.addf %add3A_366, %mul3A_427 : vector<16xf32>
      %get3A_429 = arith.index_cast %add3A_400 : i32 to index
      %get3A_430 = arith.constant 64 : index
      %get3A_431 = tpu.vector_load %arg9[%get3A_429, %get3A_430] {strides = array<i32>} : memref<640x128xf32, #tpu.memory_space<vmem>>, vector<1x16xf32>,
      %get3A_432 = vector.shape_cast %get3A_431 : vector<1x16xf32> to vector<16xf32>
      %mul3A_433 = vector.broadcast %squeeze3A_396 : f32 to vector<16xf32>
      %mul3A_434 = arith.mulf %mul3A_433, %get3A_432 : vector<16xf32>
      %add3A_435 = arith.addf %add3A_373, %mul3A_434 : vector<16xf32>
      %get3A_436 = arith.index_cast %add3A_400 : i32 to index
      %get3A_437 = arith.constant 80 : index
      %get3A_438 = tpu.vector_load %arg9[%get3A_436, %get3A_437] {strides = array<i32>} : memref<640x128xf32, #tpu.memory_space<vmem>>, vector<1x16xf32>,
      %get3A_439 = vector.shape_cast %get3A_438 : vector<1x16xf32> to vector<16xf32>
      %mul3A_440 = vector.broadcast %squeeze3A_396 : f32 to vector<16xf32>
      %mul3A_441 = arith.mulf %mul3A_440, %get3A_439 : vector<16xf32>
      %add3A_442 = arith.addf %add3A_380, %mul3A_441 : vector<16xf32>
      %get3A_443 = arith.index_cast %add3A_400 : i32 to index
      %get3A_444 = arith.constant 96 : index
      %get3A_445 = tpu.vector_load %arg9[%get3A_443, %get3A_444] {strides = array<i32>} : memref<640x128xf32, #tpu.memory_space<vmem>>, vector<1x16xf32>,
      %get3A_446 = vector.shape_cast %get3A_445 : vector<1x16xf32> to vector<16xf32>
      %mul3A_447 = vector.broadcast %squeeze3A_396 : f32 to vector<16xf32>
      %mul3A_448 = arith.mulf %mul3A_447, %get3A_446 : vector<16xf32>
      %add3A_449 = arith.addf %add3A_387, %mul3A_448 : vector<16xf32>
      %get3A_450 = arith.index_cast %add3A_400 : i32 to index
      %get3A_451 = arith.constant 112 : index
      %get3A_452 = tpu.vector_load %arg9[%get3A_450, %get3A_451] {strides = array<i32>} : memref<640x128xf32, #tpu.memory_space<vmem>>, vector<1x16xf32>,
      %get3A_453 = vector.shape_cast %get3A_452 : vector<1x16xf32> to vector<16xf32>
      %mul3A_454 = vector.broadcast %squeeze3A_396 : f32 to vector<16xf32>
      %mul3A_455 = arith.mulf %mul3A_454, %get3A_453 : vector<16xf32>
      %add3A_456 = arith.addf %add3A_394, %mul3A_455 : vector<16xf32>
      %slice3A_457 = vector.extract_strided_slice %get3A_133 {offsets = [5], sizes = [1], strides = [1]} : vector<16xf32> to vector<1xf32>
      %squeeze3A_458 = vector.extract %slice3A_457[0] : f32 from vector<1xf32>
      %mul3A_459 = arith.constant 10 : i32
      %mul3A_460 = arith.muli %scan3A_130, %mul3A_459 : i32
      %add3A_461 = arith.constant 5 : i32
      %add3A_462 = arith.addi %mul3A_460, %add3A_461 : i32
      %get3A_463 = arith.index_cast %add3A_462 : i32 to index
      %get3A_464 = arith.constant 0 : index
      %get3A_465 = tpu.vector_load %arg9[%get3A_463, %get3A_464] {strides = array<i32>} : memref<640x128xf32, #tpu.memory_space<vmem>>, vector<1x16xf32>,
      %get3A_466 = vector.shape_cast %get3A_465 : vector<1x16xf32> to vector<16xf32>
      %mul3A_467 = vector.broadcast %squeeze3A_458 : f32 to vector<16xf32>
      %mul3A_468 = arith.mulf %mul3A_467, %get3A_466 : vector<16xf32>
      %add3A_469 = arith.addf %add3A_407, %mul3A_468 : vector<16xf32>
      %get3A_470 = arith.index_cast %add3A_462 : i32 to index
      %get3A_471 = arith.constant 16 : index
      %get3A_472 = tpu.vector_load %arg9[%get3A_470, %get3A_471] {strides = array<i32>} : memref<640x128xf32, #tpu.memory_space<vmem>>, vector<1x16xf32>,
      %get3A_473 = vector.shape_cast %get3A_472 : vector<1x16xf32> to vector<16xf32>
      %mul3A_474 = vector.broadcast %squeeze3A_458 : f32 to vector<16xf32>
      %mul3A_475 = arith.mulf %mul3A_474, %get3A_473 : vector<16xf32>
      %add3A_476 = arith.addf %add3A_414, %mul3A_475 : vector<16xf32>
      %get3A_477 = arith.index_cast %add3A_462 : i32 to index
      %get3A_478 = arith.constant 32 : index
      %get3A_479 = tpu.vector_load %arg9[%get3A_477, %get3A_478] {strides = array<i32>} : memref<640x128xf32, #tpu.memory_space<vmem>>, vector<1x16xf32>,
      %get3A_480 = vector.shape_cast %get3A_479 : vector<1x16xf32> to vector<16xf32>
      %mul3A_481 = vector.broadcast %squeeze3A_458 : f32 to vector<16xf32>
      %mul3A_482 = arith.mulf %mul3A_481, %get3A_480 : vector<16xf32>
      %add3A_483 = arith.addf %add3A_421, %mul3A_482 : vector<16xf32>
      %get3A_484 = arith.index_cast %add3A_462 : i32 to index
      %get3A_485 = arith.constant 48 : index
      %get3A_486 = tpu.vector_load %arg9[%get3A_484, %get3A_485] {strides = array<i32>} : memref<640x128xf32, #tpu.memory_space<vmem>>, vector<1x16xf32>,
      %get3A_487 = vector.shape_cast %get3A_486 : vector<1x16xf32> to vector<16xf32>
      %mul3A_488 = vector.broadcast %squeeze3A_458 : f32 to vector<16xf32>
      %mul3A_489 = arith.mulf %mul3A_488, %get3A_487 : vector<16xf32>
      %add3A_490 = arith.addf %add3A_428, %mul3A_489 : vector<16xf32>
      %get3A_491 = arith.index_cast %add3A_462 : i32 to index
      %get3A_492 = arith.constant 64 : index
      %get3A_493 = tpu.vector_load %arg9[%get3A_491, %get3A_492] {strides = array<i32>} : memref<640x128xf32, #tpu.memory_space<vmem>>, vector<1x16xf32>,
      %get3A_494 = vector.shape_cast %get3A_493 : vector<1x16xf32> to vector<16xf32>
      %mul3A_495 = vector.broadcast %squeeze3A_458 : f32 to vector<16xf32>
      %mul3A_496 = arith.mulf %mul3A_495, %get3A_494 : vector<16xf32>
      %add3A_497 = arith.addf %add3A_435, %mul3A_496 : vector<16xf32>
      %get3A_498 = arith.index_cast %add3A_462 : i32 to index
      %get3A_499 = arith.constant 80 : index
      %get3A_500 = tpu.vector_load %arg9[%get3A_498, %get3A_499] {strides = array<i32>} : memref<640x128xf32, #tpu.memory_space<vmem>>, vector<1x16xf32>,
      %get3A_501 = vector.shape_cast %get3A_500 : vector<1x16xf32> to vector<16xf32>
      %mul3A_502 = vector.broadcast %squeeze3A_458 : f32 to vector<16xf32>
      %mul3A_503 = arith.mulf %mul3A_502, %get3A_501 : vector<16xf32>
      %add3A_504 = arith.addf %add3A_442, %mul3A_503 : vector<16xf32>
      %get3A_505 = arith.index_cast %add3A_462 : i32 to index
      %get3A_506 = arith.constant 96 : index
      %get3A_507 = tpu.vector_load %arg9[%get3A_505, %get3A_506] {strides = array<i32>} : memref<640x128xf32, #tpu.memory_space<vmem>>, vector<1x16xf32>,
      %get3A_508 = vector.shape_cast %get3A_507 : vector<1x16xf32> to vector<16xf32>
      %mul3A_509 = vector.broadcast %squeeze3A_458 : f32 to vector<16xf32>
      %mul3A_510 = arith.mulf %mul3A_509, %get3A_508 : vector<16xf32>
      %add3A_511 = arith.addf %add3A_449, %mul3A_510 : vector<16xf32>
      %get3A_512 = arith.index_cast %add3A_462 : i32 to index
      %get3A_513 = arith.constant 112 : index
      %get3A_514 = tpu.vector_load %arg9[%get3A_512, %get3A_513] {strides = array<i32>} : memref<640x128xf32, #tpu.memory_space<vmem>>, vector<1x16xf32>,
      %get3A_515 = vector.shape_cast %get3A_514 : vector<1x16xf32> to vector<16xf32>
      %mul3A_516 = vector.broadcast %squeeze3A_458 : f32 to vector<16xf32>
      %mul3A_517 = arith.mulf %mul3A_516, %get3A_515 : vector<16xf32>
      %add3A_518 = arith.addf %add3A_456, %mul3A_517 : vector<16xf32>
      %slice3A_519 = vector.extract_strided_slice %get3A_133 {offsets = [6], sizes = [1], strides = [1]} : vector<16xf32> to vector<1xf32>
      %squeeze3A_520 = vector.extract %slice3A_519[0] : f32 from vector<1xf32>
      %mul3A_521 = arith.constant 10 : i32
      %mul3A_522 = arith.muli %scan3A_130, %mul3A_521 : i32
      %add3A_523 = arith.constant 6 : i32
      %add3A_524 = arith.addi %mul3A_522, %add3A_523 : i32
      %get3A_525 = arith.index_cast %add3A_524 : i32 to index
      %get3A_526 = arith.constant 0 : index
      %get3A_527 = tpu.vector_load %arg9[%get3A_525, %get3A_526] {strides = array<i32>} : memref<640x128xf32, #tpu.memory_space<vmem>>, vector<1x16xf32>,
      %get3A_528 = vector.shape_cast %get3A_527 : vector<1x16xf32> to vector<16xf32>
      %mul3A_529 = vector.broadcast %squeeze3A_520 : f32 to vector<16xf32>
      %mul3A_530 = arith.mulf %mul3A_529, %get3A_528 : vector<16xf32>
      %add3A_531 = arith.addf %add3A_469, %mul3A_530 : vector<16xf32>
      %get3A_532 = arith.index_cast %add3A_524 : i32 to index
      %get3A_533 = arith.constant 16 : index
      %get3A_534 = tpu.vector_load %arg9[%get3A_532, %get3A_533] {strides = array<i32>} : memref<640x128xf32, #tpu.memory_space<vmem>>, vector<1x16xf32>,
      %get3A_535 = vector.shape_cast %get3A_534 : vector<1x16xf32> to vector<16xf32>
      %mul3A_536 = vector.broadcast %squeeze3A_520 : f32 to vector<16xf32>
      %mul3A_537 = arith.mulf %mul3A_536, %get3A_535 : vector<16xf32>
      %add3A_538 = arith.addf %add3A_476, %mul3A_537 : vector<16xf32>
      %get3A_539 = arith.index_cast %add3A_524 : i32 to index
      %get3A_540 = arith.constant 32 : index
      %get3A_541 = tpu.vector_load %arg9[%get3A_539, %get3A_540] {strides = array<i32>} : memref<640x128xf32, #tpu.memory_space<vmem>>, vector<1x16xf32>,
      %get3A_542 = vector.shape_cast %get3A_541 : vector<1x16xf32> to vector<16xf32>
      %mul3A_543 = vector.broadcast %squeeze3A_520 : f32 to vector<16xf32>
      %mul3A_544 = arith.mulf %mul3A_543, %get3A_542 : vector<16xf32>
      %add3A_545 = arith.addf %add3A_483, %mul3A_544 : vector<16xf32>
      %get3A_546 = arith.index_cast %add3A_524 : i32 to index
      %get3A_547 = arith.constant 48 : index
      %get3A_548 = tpu.vector_load %arg9[%get3A_546, %get3A_547] {strides = array<i32>} : memref<640x128xf32, #tpu.memory_space<vmem>>, vector<1x16xf32>,
      %get3A_549 = vector.shape_cast %get3A_548 : vector<1x16xf32> to vector<16xf32>
      %mul3A_550 = vector.broadcast %squeeze3A_520 : f32 to vector<16xf32>
      %mul3A_551 = arith.mulf %mul3A_550, %get3A_549 : vector<16xf32>
      %add3A_552 = arith.addf %add3A_490, %mul3A_551 : vector<16xf32>
      %get3A_553 = arith.index_cast %add3A_524 : i32 to index
      %get3A_554 = arith.constant 64 : index
      %get3A_555 = tpu.vector_load %arg9[%get3A_553, %get3A_554] {strides = array<i32>} : memref<640x128xf32, #tpu.memory_space<vmem>>, vector<1x16xf32>,
      %get3A_556 = vector.shape_cast %get3A_555 : vector<1x16xf32> to vector<16xf32>
      %mul3A_557 = vector.broadcast %squeeze3A_520 : f32 to vector<16xf32>
      %mul3A_558 = arith.mulf %mul3A_557, %get3A_556 : vector<16xf32>
      %add3A_559 = arith.addf %add3A_497, %mul3A_558 : vector<16xf32>
      %get3A_560 = arith.index_cast %add3A_524 : i32 to index
      %get3A_561 = arith.constant 80 : index
      %get3A_562 = tpu.vector_load %arg9[%get3A_560, %get3A_561] {strides = array<i32>} : memref<640x128xf32, #tpu.memory_space<vmem>>, vector<1x16xf32>,
      %get3A_563 = vector.shape_cast %get3A_562 : vector<1x16xf32> to vector<16xf32>
      %mul3A_564 = vector.broadcast %squeeze3A_520 : f32 to vector<16xf32>
      %mul3A_565 = arith.mulf %mul3A_564, %get3A_563 : vector<16xf32>
      %add3A_566 = arith.addf %add3A_504, %mul3A_565 : vector<16xf32>
      %get3A_567 = arith.index_cast %add3A_524 : i32 to index
      %get3A_568 = arith.constant 96 : index
      %get3A_569 = tpu.vector_load %arg9[%get3A_567, %get3A_568] {strides = array<i32>} : memref<640x128xf32, #tpu.memory_space<vmem>>, vector<1x16xf32>,
      %get3A_570 = vector.shape_cast %get3A_569 : vector<1x16xf32> to vector<16xf32>
      %mul3A_571 = vector.broadcast %squeeze3A_520 : f32 to vector<16xf32>
      %mul3A_572 = arith.mulf %mul3A_571, %get3A_570 : vector<16xf32>
      %add3A_573 = arith.addf %add3A_511, %mul3A_572 : vector<16xf32>
      %get3A_574 = arith.index_cast %add3A_524 : i32 to index
      %get3A_575 = arith.constant 112 : index
      %get3A_576 = tpu.vector_load %arg9[%get3A_574, %get3A_575] {strides = array<i32>} : memref<640x128xf32, #tpu.memory_space<vmem>>, vector<1x16xf32>,
      %get3A_577 = vector.shape_cast %get3A_576 : vector<1x16xf32> to vector<16xf32>
      %mul3A_578 = vector.broadcast %squeeze3A_520 : f32 to vector<16xf32>
      %mul3A_579 = arith.mulf %mul3A_578, %get3A_577 : vector<16xf32>
      %add3A_580 = arith.addf %add3A_518, %mul3A_579 : vector<16xf32>
      %slice3A_581 = vector.extract_strided_slice %get3A_133 {offsets = [7], sizes = [1], strides = [1]} : vector<16xf32> to vector<1xf32>
      %squeeze3A_582 = vector.extract %slice3A_581[0] : f32 from vector<1xf32>
      %mul3A_583 = arith.constant 10 : i32
      %mul3A_584 = arith.muli %scan3A_130, %mul3A_583 : i32
      %add3A_585 = arith.constant 7 : i32
      %add3A_586 = arith.addi %mul3A_584, %add3A_585 : i32
      %get3A_587 = arith.index_cast %add3A_586 : i32 to index
      %get3A_588 = arith.constant 0 : index
      %get3A_589 = tpu.vector_load %arg9[%get3A_587, %get3A_588] {strides = array<i32>} : memref<640x128xf32, #tpu.memory_space<vmem>>, vector<1x16xf32>,
      %get3A_590 = vector.shape_cast %get3A_589 : vector<1x16xf32> to vector<16xf32>
      %mul3A_591 = vector.broadcast %squeeze3A_582 : f32 to vector<16xf32>
      %mul3A_592 = arith.mulf %mul3A_591, %get3A_590 : vector<16xf32>
      %add3A_593 = arith.addf %add3A_531, %mul3A_592 : vector<16xf32>
      %get3A_594 = arith.index_cast %add3A_586 : i32 to index
      %get3A_595 = arith.constant 16 : index
      %get3A_596 = tpu.vector_load %arg9[%get3A_594, %get3A_595] {strides = array<i32>} : memref<640x128xf32, #tpu.memory_space<vmem>>, vector<1x16xf32>,
      %get3A_597 = vector.shape_cast %get3A_596 : vector<1x16xf32> to vector<16xf32>
      %mul3A_598 = vector.broadcast %squeeze3A_582 : f32 to vector<16xf32>
      %mul3A_599 = arith.mulf %mul3A_598, %get3A_597 : vector<16xf32>
      %add3A_600 = arith.addf %add3A_538, %mul3A_599 : vector<16xf32>
      %get3A_601 = arith.index_cast %add3A_586 : i32 to index
      %get3A_602 = arith.constant 32 : index
      %get3A_603 = tpu.vector_load %arg9[%get3A_601, %get3A_602] {strides = array<i32>} : memref<640x128xf32, #tpu.memory_space<vmem>>, vector<1x16xf32>,
      %get3A_604 = vector.shape_cast %get3A_603 : vector<1x16xf32> to vector<16xf32>
      %mul3A_605 = vector.broadcast %squeeze3A_582 : f32 to vector<16xf32>
      %mul3A_606 = arith.mulf %mul3A_605, %get3A_604 : vector<16xf32>
      %add3A_607 = arith.addf %add3A_545, %mul3A_606 : vector<16xf32>
      %get3A_608 = arith.index_cast %add3A_586 : i32 to index
      %get3A_609 = arith.constant 48 : index
      %get3A_610 = tpu.vector_load %arg9[%get3A_608, %get3A_609] {strides = array<i32>} : memref<640x128xf32, #tpu.memory_space<vmem>>, vector<1x16xf32>,
      %get3A_611 = vector.shape_cast %get3A_610 : vector<1x16xf32> to vector<16xf32>
      %mul3A_612 = vector.broadcast %squeeze3A_582 : f32 to vector<16xf32>
      %mul3A_613 = arith.mulf %mul3A_612, %get3A_611 : vector<16xf32>
      %add3A_614 = arith.addf %add3A_552, %mul3A_613 : vector<16xf32>
      %get3A_615 = arith.index_cast %add3A_586 : i32 to index
      %get3A_616 = arith.constant 64 : index
      %get3A_617 = tpu.vector_load %arg9[%get3A_615, %get3A_616] {strides = array<i32>} : memref<640x128xf32, #tpu.memory_space<vmem>>, vector<1x16xf32>,
      %get3A_618 = vector.shape_cast %get3A_617 : vector<1x16xf32> to vector<16xf32>
      %mul3A_619 = vector.broadcast %squeeze3A_582 : f32 to vector<16xf32>
      %mul3A_620 = arith.mulf %mul3A_619, %get3A_618 : vector<16xf32>
      %add3A_621 = arith.addf %add3A_559, %mul3A_620 : vector<16xf32>
      %get3A_622 = arith.index_cast %add3A_586 : i32 to index
      %get3A_623 = arith.constant 80 : index
      %get3A_624 = tpu.vector_load %arg9[%get3A_622, %get3A_623] {strides = array<i32>} : memref<640x128xf32, #tpu.memory_space<vmem>>, vector<1x16xf32>,
      %get3A_625 = vector.shape_cast %get3A_624 : vector<1x16xf32> to vector<16xf32>
      %mul3A_626 = vector.broadcast %squeeze3A_582 : f32 to vector<16xf32>
      %mul3A_627 = arith.mulf %mul3A_626, %get3A_625 : vector<16xf32>
      %add3A_628 = arith.addf %add3A_566, %mul3A_627 : vector<16xf32>
      %get3A_629 = arith.index_cast %add3A_586 : i32 to index
      %get3A_630 = arith.constant 96 : index
      %get3A_631 = tpu.vector_load %arg9[%get3A_629, %get3A_630] {strides = array<i32>} : memref<640x128xf32, #tpu.memory_space<vmem>>, vector<1x16xf32>,
      %get3A_632 = vector.shape_cast %get3A_631 : vector<1x16xf32> to vector<16xf32>
      %mul3A_633 = vector.broadcast %squeeze3A_582 : f32 to vector<16xf32>
      %mul3A_634 = arith.mulf %mul3A_633, %get3A_632 : vector<16xf32>
      %add3A_635 = arith.addf %add3A_573, %mul3A_634 : vector<16xf32>
      %get3A_636 = arith.index_cast %add3A_586 : i32 to index
      %get3A_637 = arith.constant 112 : index
      %get3A_638 = tpu.vector_load %arg9[%get3A_636, %get3A_637] {strides = array<i32>} : memref<640x128xf32, #tpu.memory_space<vmem>>, vector<1x16xf32>,
      %get3A_639 = vector.shape_cast %get3A_638 : vector<1x16xf32> to vector<16xf32>
      %mul3A_640 = vector.broadcast %squeeze3A_582 : f32 to vector<16xf32>
      %mul3A_641 = arith.mulf %mul3A_640, %get3A_639 : vector<16xf32>
      %add3A_642 = arith.addf %add3A_580, %mul3A_641 : vector<16xf32>
      %slice3A_643 = vector.extract_strided_slice %get3A_133 {offsets = [8], sizes = [1], strides = [1]} : vector<16xf32> to vector<1xf32>
      %squeeze3A_644 = vector.extract %slice3A_643[0] : f32 from vector<1xf32>
      %mul3A_645 = arith.constant 10 : i32
      %mul3A_646 = arith.muli %scan3A_130, %mul3A_645 : i32
      %add3A_647 = arith.constant 8 : i32
      %add3A_648 = arith.addi %mul3A_646, %add3A_647 : i32
      %get3A_649 = arith.index_cast %add3A_648 : i32 to index
      %get3A_650 = arith.constant 0 : index
      %get3A_651 = tpu.vector_load %arg9[%get3A_649, %get3A_650] {strides = array<i32>} : memref<640x128xf32, #tpu.memory_space<vmem>>, vector<1x16xf32>,
      %get3A_652 = vector.shape_cast %get3A_651 : vector<1x16xf32> to vector<16xf32>
      %mul3A_653 = vector.broadcast %squeeze3A_644 : f32 to vector<16xf32>
      %mul3A_654 = arith.mulf %mul3A_653, %get3A_652 : vector<16xf32>
      %add3A_655 = arith.addf %add3A_593, %mul3A_654 : vector<16xf32>
      %get3A_656 = arith.index_cast %add3A_648 : i32 to index
      %get3A_657 = arith.constant 16 : index
      %get3A_658 = tpu.vector_load %arg9[%get3A_656, %get3A_657] {strides = array<i32>} : memref<640x128xf32, #tpu.memory_space<vmem>>, vector<1x16xf32>,
      %get3A_659 = vector.shape_cast %get3A_658 : vector<1x16xf32> to vector<16xf32>
      %mul3A_660 = vector.broadcast %squeeze3A_644 : f32 to vector<16xf32>
      %mul3A_661 = arith.mulf %mul3A_660, %get3A_659 : vector<16xf32>
      %add3A_662 = arith.addf %add3A_600, %mul3A_661 : vector<16xf32>
      %get3A_663 = arith.index_cast %add3A_648 : i32 to index
      %get3A_664 = arith.constant 32 : index
      %get3A_665 = tpu.vector_load %arg9[%get3A_663, %get3A_664] {strides = array<i32>} : memref<640x128xf32, #tpu.memory_space<vmem>>, vector<1x16xf32>,
      %get3A_666 = vector.shape_cast %get3A_665 : vector<1x16xf32> to vector<16xf32>
      %mul3A_667 = vector.broadcast %squeeze3A_644 : f32 to vector<16xf32>
      %mul3A_668 = arith.mulf %mul3A_667, %get3A_666 : vector<16xf32>
      %add3A_669 = arith.addf %add3A_607, %mul3A_668 : vector<16xf32>
      %get3A_670 = arith.index_cast %add3A_648 : i32 to index
      %get3A_671 = arith.constant 48 : index
      %get3A_672 = tpu.vector_load %arg9[%get3A_670, %get3A_671] {strides = array<i32>} : memref<640x128xf32, #tpu.memory_space<vmem>>, vector<1x16xf32>,
      %get3A_673 = vector.shape_cast %get3A_672 : vector<1x16xf32> to vector<16xf32>
      %mul3A_674 = vector.broadcast %squeeze3A_644 : f32 to vector<16xf32>
      %mul3A_675 = arith.mulf %mul3A_674, %get3A_673 : vector<16xf32>
      %add3A_676 = arith.addf %add3A_614, %mul3A_675 : vector<16xf32>
      %get3A_677 = arith.index_cast %add3A_648 : i32 to index
      %get3A_678 = arith.constant 64 : index
      %get3A_679 = tpu.vector_load %arg9[%get3A_677, %get3A_678] {strides = array<i32>} : memref<640x128xf32, #tpu.memory_space<vmem>>, vector<1x16xf32>,
      %get3A_680 = vector.shape_cast %get3A_679 : vector<1x16xf32> to vector<16xf32>
      %mul3A_681 = vector.broadcast %squeeze3A_644 : f32 to vector<16xf32>
      %mul3A_682 = arith.mulf %mul3A_681, %get3A_680 : vector<16xf32>
      %add3A_683 = arith.addf %add3A_621, %mul3A_682 : vector<16xf32>
      %get3A_684 = arith.index_cast %add3A_648 : i32 to index
      %get3A_685 = arith.constant 80 : index
      %get3A_686 = tpu.vector_load %arg9[%get3A_684, %get3A_685] {strides = array<i32>} : memref<640x128xf32, #tpu.memory_space<vmem>>, vector<1x16xf32>,
      %get3A_687 = vector.shape_cast %get3A_686 : vector<1x16xf32> to vector<16xf32>
      %mul3A_688 = vector.broadcast %squeeze3A_644 : f32 to vector<16xf32>
      %mul3A_689 = arith.mulf %mul3A_688, %get3A_687 : vector<16xf32>
      %add3A_690 = arith.addf %add3A_628, %mul3A_689 : vector<16xf32>
      %get3A_691 = arith.index_cast %add3A_648 : i32 to index
      %get3A_692 = arith.constant 96 : index
      %get3A_693 = tpu.vector_load %arg9[%get3A_691, %get3A_692] {strides = array<i32>} : memref<640x128xf32, #tpu.memory_space<vmem>>, vector<1x16xf32>,
      %get3A_694 = vector.shape_cast %get3A_693 : vector<1x16xf32> to vector<16xf32>
      %mul3A_695 = vector.broadcast %squeeze3A_644 : f32 to vector<16xf32>
      %mul3A_696 = arith.mulf %mul3A_695, %get3A_694 : vector<16xf32>
      %add3A_697 = arith.addf %add3A_635, %mul3A_696 : vector<16xf32>
      %get3A_698 = arith.index_cast %add3A_648 : i32 to index
      %get3A_699 = arith.constant 112 : index
      %get3A_700 = tpu.vector_load %arg9[%get3A_698, %get3A_699] {strides = array<i32>} : memref<640x128xf32, #tpu.memory_space<vmem>>, vector<1x16xf32>,
      %get3A_701 = vector.shape_cast %get3A_700 : vector<1x16xf32> to vector<16xf32>
      %mul3A_702 = vector.broadcast %squeeze3A_644 : f32 to vector<16xf32>
      %mul3A_703 = arith.mulf %mul3A_702, %get3A_701 : vector<16xf32>
      %add3A_704 = arith.addf %add3A_642, %mul3A_703 : vector<16xf32>
      %slice3A_705 = vector.extract_strided_slice %get3A_133 {offsets = [9], sizes = [1], strides = [1]} : vector<16xf32> to vector<1xf32>
      %squeeze3A_706 = vector.extract %slice3A_705[0] : f32 from vector<1xf32>
      %mul3A_707 = arith.constant 10 : i32
      %mul3A_708 = arith.muli %scan3A_130, %mul3A_707 : i32
      %add3A_709 = arith.constant 9 : i32
      %add3A_710 = arith.addi %mul3A_708, %add3A_709 : i32
      %get3A_711 = arith.index_cast %add3A_710 : i32 to index
      %get3A_712 = arith.constant 0 : index
      %get3A_713 = tpu.vector_load %arg9[%get3A_711, %get3A_712] {strides = array<i32>} : memref<640x128xf32, #tpu.memory_space<vmem>>, vector<1x16xf32>,
      %get3A_714 = vector.shape_cast %get3A_713 : vector<1x16xf32> to vector<16xf32>
      %mul3A_715 = vector.broadcast %squeeze3A_706 : f32 to vector<16xf32>
      %mul3A_716 = arith.mulf %mul3A_715, %get3A_714 : vector<16xf32>
      %add3A_717 = arith.addf %add3A_655, %mul3A_716 : vector<16xf32>
      %get3A_718 = arith.index_cast %add3A_710 : i32 to index
      %get3A_719 = arith.constant 16 : index
      %get3A_720 = tpu.vector_load %arg9[%get3A_718, %get3A_719] {strides = array<i32>} : memref<640x128xf32, #tpu.memory_space<vmem>>, vector<1x16xf32>,
      %get3A_721 = vector.shape_cast %get3A_720 : vector<1x16xf32> to vector<16xf32>
      %mul3A_722 = vector.broadcast %squeeze3A_706 : f32 to vector<16xf32>
      %mul3A_723 = arith.mulf %mul3A_722, %get3A_721 : vector<16xf32>
      %add3A_724 = arith.addf %add3A_662, %mul3A_723 : vector<16xf32>
      %get3A_725 = arith.index_cast %add3A_710 : i32 to index
      %get3A_726 = arith.constant 32 : index
      %get3A_727 = tpu.vector_load %arg9[%get3A_725, %get3A_726] {strides = array<i32>} : memref<640x128xf32, #tpu.memory_space<vmem>>, vector<1x16xf32>,
      %get3A_728 = vector.shape_cast %get3A_727 : vector<1x16xf32> to vector<16xf32>
      %mul3A_729 = vector.broadcast %squeeze3A_706 : f32 to vector<16xf32>
      %mul3A_730 = arith.mulf %mul3A_729, %get3A_728 : vector<16xf32>
      %add3A_731 = arith.addf %add3A_669, %mul3A_730 : vector<16xf32>
      %get3A_732 = arith.index_cast %add3A_710 : i32 to index
      %get3A_733 = arith.constant 48 : index
      %get3A_734 = tpu.vector_load %arg9[%get3A_732, %get3A_733] {strides = array<i32>} : memref<640x128xf32, #tpu.memory_space<vmem>>, vector<1x16xf32>,
      %get3A_735 = vector.shape_cast %get3A_734 : vector<1x16xf32> to vector<16xf32>
      %mul3A_736 = vector.broadcast %squeeze3A_706 : f32 to vector<16xf32>
      %mul3A_737 = arith.mulf %mul3A_736, %get3A_735 : vector<16xf32>
      %add3A_738 = arith.addf %add3A_676, %mul3A_737 : vector<16xf32>
      %get3A_739 = arith.index_cast %add3A_710 : i32 to index
      %get3A_740 = arith.constant 64 : index
      %get3A_741 = tpu.vector_load %arg9[%get3A_739, %get3A_740] {strides = array<i32>} : memref<640x128xf32, #tpu.memory_space<vmem>>, vector<1x16xf32>,
      %get3A_742 = vector.shape_cast %get3A_741 : vector<1x16xf32> to vector<16xf32>
      %mul3A_743 = vector.broadcast %squeeze3A_706 : f32 to vector<16xf32>
      %mul3A_744 = arith.mulf %mul3A_743, %get3A_742 : vector<16xf32>
      %add3A_745 = arith.addf %add3A_683, %mul3A_744 : vector<16xf32>
      %get3A_746 = arith.index_cast %add3A_710 : i32 to index
      %get3A_747 = arith.constant 80 : index
      %get3A_748 = tpu.vector_load %arg9[%get3A_746, %get3A_747] {strides = array<i32>} : memref<640x128xf32, #tpu.memory_space<vmem>>, vector<1x16xf32>,
      %get3A_749 = vector.shape_cast %get3A_748 : vector<1x16xf32> to vector<16xf32>
      %mul3A_750 = vector.broadcast %squeeze3A_706 : f32 to vector<16xf32>
      %mul3A_751 = arith.mulf %mul3A_750, %get3A_749 : vector<16xf32>
      %add3A_752 = arith.addf %add3A_690, %mul3A_751 : vector<16xf32>
      %get3A_753 = arith.index_cast %add3A_710 : i32 to index
      %get3A_754 = arith.constant 96 : index
      %get3A_755 = tpu.vector_load %arg9[%get3A_753, %get3A_754] {strides = array<i32>} : memref<640x128xf32, #tpu.memory_space<vmem>>, vector<1x16xf32>,
      %get3A_756 = vector.shape_cast %get3A_755 : vector<1x16xf32> to vector<16xf32>
      %mul3A_757 = vector.broadcast %squeeze3A_706 : f32 to vector<16xf32>
      %mul3A_758 = arith.mulf %mul3A_757, %get3A_756 : vector<16xf32>
      %add3A_759 = arith.addf %add3A_697, %mul3A_758 : vector<16xf32>
      %get3A_760 = arith.index_cast %add3A_710 : i32 to index
      %get3A_761 = arith.constant 112 : index
      %get3A_762 = tpu.vector_load %arg9[%get3A_760, %get3A_761] {strides = array<i32>} : memref<640x128xf32, #tpu.memory_space<vmem>>, vector<1x16xf32>,
      %get3A_763 = vector.shape_cast %get3A_762 : vector<1x16xf32> to vector<16xf32>
      %mul3A_764 = vector.broadcast %squeeze3A_706 : f32 to vector<16xf32>
      %mul3A_765 = arith.mulf %mul3A_764, %get3A_763 : vector<16xf32>
      %add3A_766 = arith.addf %add3A_704, %mul3A_765 : vector<16xf32>
      %swap3A = arith.index_cast %scan3A_130 : i32 to index
      %swap3A_767 = arith.constant 0 : index
      %swap3A_768 = tpu.vector_load %arg10[%swap3A, %swap3A_767] {strides = array<i32>} : memref<64x64xf32, #tpu.memory_space<vmem>>, vector<1x16xf32>,
      %swap3A_769 = vector.shape_cast %swap3A_768 : vector<1x16xf32> to vector<16xf32>
      %swap3A_770 = vector.shape_cast %add3A_717 : vector<16xf32> to vector<1x16xf32>
      tpu.vector_store %arg10[%swap3A, %swap3A_767], %swap3A_770 {strides = array<i32>} : memref<64x64xf32, #tpu.memory_space<vmem>>, vector<1x16xf32>,
      %swap3A_771 = arith.index_cast %scan3A_130 : i32 to index
      %swap3A_772 = arith.constant 0 : index
      %swap3A_773 = tpu.vector_load %arg11[%swap3A_771, %swap3A_772] {strides = array<i32>} : memref<64x64xf32, #tpu.memory_space<vmem>>, vector<1x16xf32>,
      %swap3A_774 = vector.shape_cast %swap3A_773 : vector<1x16xf32> to vector<16xf32>
      %swap3A_775 = vector.shape_cast %add3A_745 : vector<16xf32> to vector<1x16xf32>
      tpu.vector_store %arg11[%swap3A_771, %swap3A_772], %swap3A_775 {strides = array<i32>} : memref<64x64xf32, #tpu.memory_space<vmem>>, vector<1x16xf32>,
      %swap3A_776 = arith.index_cast %scan3A_130 : i32 to index
      %swap3A_777 = arith.constant 16 : index
      %swap3A_778 = tpu.vector_load %arg10[%swap3A_776, %swap3A_777] {strides = array<i32>} : memref<64x64xf32, #tpu.memory_space<vmem>>, vector<1x16xf32>,
      %swap3A_779 = vector.shape_cast %swap3A_778 : vector<1x16xf32> to vector<16xf32>
      %swap3A_780 = vector.shape_cast %add3A_724 : vector<16xf32> to vector<1x16xf32>
      tpu.vector_store %arg10[%swap3A_776, %swap3A_777], %swap3A_780 {strides = array<i32>} : memref<64x64xf32, #tpu.memory_space<vmem>>, vector<1x16xf32>,
      %swap3A_781 = arith.index_cast %scan3A_130 : i32 to index
      %swap3A_782 = arith.constant 16 : index
      %swap3A_783 = tpu.vector_load %arg11[%swap3A_781, %swap3A_782] {strides = array<i32>} : memref<64x64xf32, #tpu.memory_space<vmem>>, vector<1x16xf32>,
      %swap3A_784 = vector.shape_cast %swap3A_783 : vector<1x16xf32> to vector<16xf32>
      %swap3A_785 = vector.shape_cast %add3A_752 : vector<16xf32> to vector<1x16xf32>
      tpu.vector_store %arg11[%swap3A_781, %swap3A_782], %swap3A_785 {strides = array<i32>} : memref<64x64xf32, #tpu.memory_space<vmem>>, vector<1x16xf32>,
      %swap3A_786 = arith.index_cast %scan3A_130 : i32 to index
      %swap3A_787 = arith.constant 32 : index
      %swap3A_788 = tpu.vector_load %arg10[%swap3A_786, %swap3A_787] {strides = array<i32>} : memref<64x64xf32, #tpu.memory_space<vmem>>, vector<1x16xf32>,
      %swap3A_789 = vector.shape_cast %swap3A_788 : vector<1x16xf32> to vector<16xf32>
      %swap3A_790 = vector.shape_cast %add3A_731 : vector<16xf32> to vector<1x16xf32>
      tpu.vector_store %arg10[%swap3A_786, %swap3A_787], %swap3A_790 {strides = array<i32>} : memref<64x64xf32, #tpu.memory_space<vmem>>, vector<1x16xf32>,
      %swap3A_791 = arith.index_cast %scan3A_130 : i32 to index
      %swap3A_792 = arith.constant 32 : index
      %swap3A_793 = tpu.vector_load %arg11[%swap3A_791, %swap3A_792] {strides = array<i32>} : memref<64x64xf32, #tpu.memory_space<vmem>>, vector<1x16xf32>,
      %swap3A_794 = vector.shape_cast %swap3A_793 : vector<1x16xf32> to vector<16xf32>
      %swap3A_795 = vector.shape_cast %add3A_759 : vector<16xf32> to vector<1x16xf32>
      tpu.vector_store %arg11[%swap3A_791, %swap3A_792], %swap3A_795 {strides = array<i32>} : memref<64x64xf32, #tpu.memory_space<vmem>>, vector<1x16xf32>,
      %swap3A_796 = arith.index_cast %scan3A_130 : i32 to index
      %swap3A_797 = arith.constant 48 : index
      %swap3A_798 = tpu.vector_load %arg10[%swap3A_796, %swap3A_797] {strides = array<i32>} : memref<64x64xf32, #tpu.memory_space<vmem>>, vector<1x16xf32>,
      %swap3A_799 = vector.shape_cast %swap3A_798 : vector<1x16xf32> to vector<16xf32>
      %swap3A_800 = vector.shape_cast %add3A_738 : vector<16xf32> to vector<1x16xf32>
      tpu.vector_store %arg10[%swap3A_796, %swap3A_797], %swap3A_800 {strides = array<i32>} : memref<64x64xf32, #tpu.memory_space<vmem>>, vector<1x16xf32>,
      %swap3A_801 = arith.index_cast %scan3A_130 : i32 to index
      %swap3A_802 = arith.constant 48 : index
      %swap3A_803 = tpu.vector_load %arg11[%swap3A_801, %swap3A_802] {strides = array<i32>} : memref<64x64xf32, #tpu.memory_space<vmem>>, vector<1x16xf32>,
      %swap3A_804 = vector.shape_cast %swap3A_803 : vector<1x16xf32> to vector<16xf32>
      %swap3A_805 = vector.shape_cast %add3A_766 : vector<16xf32> to vector<1x16xf32>
      tpu.vector_store %arg11[%swap3A_801, %swap3A_802], %swap3A_805 {strides = array<i32>} : memref<64x64xf32, #tpu.memory_space<vmem>>, vector<1x16xf32>,
    }
    %scan3A_113 = arith.constant 13 : i32
    %dma_wait3A_114 = arith.constant 4 : i32
    %dma_wait3A_115 = arith.constant 512 : i32
    %dma_wait3A_116 = arith.constant 0 : i32
    %dma_wait3A_117 = tpu.memref_slice %arg9[%dma_wait3A_115, %dma_wait3A_116] : memref<640x128xf32, #tpu.memory_space<vmem>> -> memref<128x128xf32, #tpu.memory_space<vmem>>
    %dma_wait3A_118 = arith.constant 0 : i32
    %dma_wait3A_119 = tpu.memref_slice %arg8[%dma_wait3A_114, %dma_wait3A_118] : memref<5x128xi32, #tpu.memory_space<vmem>> -> memref<1x128xi32, #tpu.memory_space<vmem>>
    %dma_wait3A_120 = tpu.memref_squeeze %dma_wait3A_119 : memref<1x128xi32, #tpu.memory_space<vmem>> -> memref<128xi32, #tpu.memory_space<vmem>>
    %dma_wait3A_121 = arith.constant 0 : i32
    %dma_wait3A_122 = arith.constant 0 : i32
    %dma_wait3A_123 = tpu.memref_slice %arg4[%dma_wait3A_121, %dma_wait3A_122] : memref<2048x128xf32, #tpu.memory_space<hbm>> -> memref<2048x128xf32, #tpu.memory_space<hbm>>
    tpu.wait_indirect_dma semaphore(%arg16 : memref<!tpu.dma_semaphore, #tpu.memory_space<semaphore_mem>>) src(%dma_wait3A_123 : memref<2048x128xf32, #tpu.memory_space<hbm>>) dst(%dma_wait3A_117 : memref<128x128xf32, #tpu.memory_space<vmem>>)
    %scan3A_124 = arith.constant 0 : i32
    %scan3A_125 = arith.constant 51 : i32
    %scan3A_126 = arith.constant 13 : i32
    %scan3A_127 = arith.addi %scan3A_125, %scan3A_126 : i32
    %scan3A_128 = arith.constant 1 : i32
    scf.for %scan3A_130 = %scan3A_125 to %scan3A_127 step %scan3A_128  : i32 {
      %get3A = arith.index_cast %scan3A_130 : i32 to index
      %get3A_131 = arith.constant 0 : index
      %get3A_132 = tpu.vector_load %arg7[%get3A, %get3A_131] {strides = array<i32>} : memref<64x16xf32, #tpu.memory_space<vmem>>, vector<1x16xf32>,
      %get3A_133 = vector.shape_cast %get3A_132 : vector<1x16xf32> to vector<16xf32>
      %broadcast_in_dim3A = arith.constant 0.000000e+00 : f32
      %broadcast_in_dim3A_134 = vector.broadcast %broadcast_in_dim3A : f32 to vector<16xf32>
      %broadcast_in_dim3A_135 = arith.constant 0.000000e+00 : f32
      %broadcast_in_dim3A_136 = vector.broadcast %broadcast_in_dim3A_135 : f32 to vector<16xf32>
      %broadcast_in_dim3A_137 = arith.constant 0.000000e+00 : f32
      %broadcast_in_dim3A_138 = vector.broadcast %broadcast_in_dim3A_137 : f32 to vector<16xf32>
      %broadcast_in_dim3A_139 = arith.constant 0.000000e+00 : f32
      %broadcast_in_dim3A_140 = vector.broadcast %broadcast_in_dim3A_139 : f32 to vector<16xf32>
      %broadcast_in_dim3A_141 = arith.constant 0.000000e+00 : f32
      %broadcast_in_dim3A_142 = vector.broadcast %broadcast_in_dim3A_141 : f32 to vector<16xf32>
      %broadcast_in_dim3A_143 = arith.constant 0.000000e+00 : f32
      %broadcast_in_dim3A_144 = vector.broadcast %broadcast_in_dim3A_143 : f32 to vector<16xf32>
      %broadcast_in_dim3A_145 = arith.constant 0.000000e+00 : f32
      %broadcast_in_dim3A_146 = vector.broadcast %broadcast_in_dim3A_145 : f32 to vector<16xf32>
      %broadcast_in_dim3A_147 = arith.constant 0.000000e+00 : f32
      %broadcast_in_dim3A_148 = vector.broadcast %broadcast_in_dim3A_147 : f32 to vector<16xf32>
      %slice3A = vector.extract_strided_slice %get3A_133 {offsets = [0], sizes = [1], strides = [1]} : vector<16xf32> to vector<1xf32>
      %squeeze3A = vector.extract %slice3A[0] : f32 from vector<1xf32>
      %mul3A_149 = arith.constant 10 : i32
      %mul3A_150 = arith.muli %scan3A_130, %mul3A_149 : i32
      %add3A_151 = arith.constant 0 : i32
      %add3A_152 = arith.addi %mul3A_150, %add3A_151 : i32
      %get3A_153 = arith.index_cast %add3A_152 : i32 to index
      %get3A_154 = arith.constant 0 : index
      %get3A_155 = tpu.vector_load %arg9[%get3A_153, %get3A_154] {strides = array<i32>} : memref<640x128xf32, #tpu.memory_space<vmem>>, vector<1x16xf32>,
      %get3A_156 = vector.shape_cast %get3A_155 : vector<1x16xf32> to vector<16xf32>
      %mul3A_157 = vector.broadcast %squeeze3A : f32 to vector<16xf32>
      %mul3A_158 = arith.mulf %mul3A_157, %get3A_156 : vector<16xf32>
      %add3A_159 = arith.addf %broadcast_in_dim3A_134, %mul3A_158 : vector<16xf32>
      %get3A_160 = arith.index_cast %add3A_152 : i32 to index
      %get3A_161 = arith.constant 16 : index
      %get3A_162 = tpu.vector_load %arg9[%get3A_160, %get3A_161] {strides = array<i32>} : memref<640x128xf32, #tpu.memory_space<vmem>>, vector<1x16xf32>,
      %get3A_163 = vector.shape_cast %get3A_162 : vector<1x16xf32> to vector<16xf32>
      %mul3A_164 = vector.broadcast %squeeze3A : f32 to vector<16xf32>
      %mul3A_165 = arith.mulf %mul3A_164, %get3A_163 : vector<16xf32>
      %add3A_166 = arith.addf %broadcast_in_dim3A_136, %mul3A_165 : vector<16xf32>
      %get3A_167 = arith.index_cast %add3A_152 : i32 to index
      %get3A_168 = arith.constant 32 : index
      %get3A_169 = tpu.vector_load %arg9[%get3A_167, %get3A_168] {strides = array<i32>} : memref<640x128xf32, #tpu.memory_space<vmem>>, vector<1x16xf32>,
      %get3A_170 = vector.shape_cast %get3A_169 : vector<1x16xf32> to vector<16xf32>
      %mul3A_171 = vector.broadcast %squeeze3A : f32 to vector<16xf32>
      %mul3A_172 = arith.mulf %mul3A_171, %get3A_170 : vector<16xf32>
      %add3A_173 = arith.addf %broadcast_in_dim3A_138, %mul3A_172 : vector<16xf32>
      %get3A_174 = arith.index_cast %add3A_152 : i32 to index
      %get3A_175 = arith.constant 48 : index
      %get3A_176 = tpu.vector_load %arg9[%get3A_174, %get3A_175] {strides = array<i32>} : memref<640x128xf32, #tpu.memory_space<vmem>>, vector<1x16xf32>,
      %get3A_177 = vector.shape_cast %get3A_176 : vector<1x16xf32> to vector<16xf32>
      %mul3A_178 = vector.broadcast %squeeze3A : f32 to vector<16xf32>
      %mul3A_179 = arith.mulf %mul3A_178, %get3A_177 : vector<16xf32>
      %add3A_180 = arith.addf %broadcast_in_dim3A_140, %mul3A_179 : vector<16xf32>
      %get3A_181 = arith.index_cast %add3A_152 : i32 to index
      %get3A_182 = arith.constant 64 : index
      %get3A_183 = tpu.vector_load %arg9[%get3A_181, %get3A_182] {strides = array<i32>} : memref<640x128xf32, #tpu.memory_space<vmem>>, vector<1x16xf32>,
      %get3A_184 = vector.shape_cast %get3A_183 : vector<1x16xf32> to vector<16xf32>
      %mul3A_185 = vector.broadcast %squeeze3A : f32 to vector<16xf32>
      %mul3A_186 = arith.mulf %mul3A_185, %get3A_184 : vector<16xf32>
      %add3A_187 = arith.addf %broadcast_in_dim3A_142, %mul3A_186 : vector<16xf32>
      %get3A_188 = arith.index_cast %add3A_152 : i32 to index
      %get3A_189 = arith.constant 80 : index
      %get3A_190 = tpu.vector_load %arg9[%get3A_188, %get3A_189] {strides = array<i32>} : memref<640x128xf32, #tpu.memory_space<vmem>>, vector<1x16xf32>,
      %get3A_191 = vector.shape_cast %get3A_190 : vector<1x16xf32> to vector<16xf32>
      %mul3A_192 = vector.broadcast %squeeze3A : f32 to vector<16xf32>
      %mul3A_193 = arith.mulf %mul3A_192, %get3A_191 : vector<16xf32>
      %add3A_194 = arith.addf %broadcast_in_dim3A_144, %mul3A_193 : vector<16xf32>
      %get3A_195 = arith.index_cast %add3A_152 : i32 to index
      %get3A_196 = arith.constant 96 : index
      %get3A_197 = tpu.vector_load %arg9[%get3A_195, %get3A_196] {strides = array<i32>} : memref<640x128xf32, #tpu.memory_space<vmem>>, vector<1x16xf32>,
      %get3A_198 = vector.shape_cast %get3A_197 : vector<1x16xf32> to vector<16xf32>
      %mul3A_199 = vector.broadcast %squeeze3A : f32 to vector<16xf32>
      %mul3A_200 = arith.mulf %mul3A_199, %get3A_198 : vector<16xf32>
      %add3A_201 = arith.addf %broadcast_in_dim3A_146, %mul3A_200 : vector<16xf32>
      %get3A_202 = arith.index_cast %add3A_152 : i32 to index
      %get3A_203 = arith.constant 112 : index
      %get3A_204 = tpu.vector_load %arg9[%get3A_202, %get3A_203] {strides = array<i32>} : memref<640x128xf32, #tpu.memory_space<vmem>>, vector<1x16xf32>,
      %get3A_205 = vector.shape_cast %get3A_204 : vector<1x16xf32> to vector<16xf32>
      %mul3A_206 = vector.broadcast %squeeze3A : f32 to vector<16xf32>
      %mul3A_207 = arith.mulf %mul3A_206, %get3A_205 : vector<16xf32>
      %add3A_208 = arith.addf %broadcast_in_dim3A_148, %mul3A_207 : vector<16xf32>
      %slice3A_209 = vector.extract_strided_slice %get3A_133 {offsets = [1], sizes = [1], strides = [1]} : vector<16xf32> to vector<1xf32>
      %squeeze3A_210 = vector.extract %slice3A_209[0] : f32 from vector<1xf32>
      %mul3A_211 = arith.constant 10 : i32
      %mul3A_212 = arith.muli %scan3A_130, %mul3A_211 : i32
      %add3A_213 = arith.constant 1 : i32
      %add3A_214 = arith.addi %mul3A_212, %add3A_213 : i32
      %get3A_215 = arith.index_cast %add3A_214 : i32 to index
      %get3A_216 = arith.constant 0 : index
      %get3A_217 = tpu.vector_load %arg9[%get3A_215, %get3A_216] {strides = array<i32>} : memref<640x128xf32, #tpu.memory_space<vmem>>, vector<1x16xf32>,
      %get3A_218 = vector.shape_cast %get3A_217 : vector<1x16xf32> to vector<16xf32>
      %mul3A_219 = vector.broadcast %squeeze3A_210 : f32 to vector<16xf32>
      %mul3A_220 = arith.mulf %mul3A_219, %get3A_218 : vector<16xf32>
      %add3A_221 = arith.addf %add3A_159, %mul3A_220 : vector<16xf32>
      %get3A_222 = arith.index_cast %add3A_214 : i32 to index
      %get3A_223 = arith.constant 16 : index
      %get3A_224 = tpu.vector_load %arg9[%get3A_222, %get3A_223] {strides = array<i32>} : memref<640x128xf32, #tpu.memory_space<vmem>>, vector<1x16xf32>,
      %get3A_225 = vector.shape_cast %get3A_224 : vector<1x16xf32> to vector<16xf32>
      %mul3A_226 = vector.broadcast %squeeze3A_210 : f32 to vector<16xf32>
      %mul3A_227 = arith.mulf %mul3A_226, %get3A_225 : vector<16xf32>
      %add3A_228 = arith.addf %add3A_166, %mul3A_227 : vector<16xf32>
      %get3A_229 = arith.index_cast %add3A_214 : i32 to index
      %get3A_230 = arith.constant 32 : index
      %get3A_231 = tpu.vector_load %arg9[%get3A_229, %get3A_230] {strides = array<i32>} : memref<640x128xf32, #tpu.memory_space<vmem>>, vector<1x16xf32>,
      %get3A_232 = vector.shape_cast %get3A_231 : vector<1x16xf32> to vector<16xf32>
      %mul3A_233 = vector.broadcast %squeeze3A_210 : f32 to vector<16xf32>
      %mul3A_234 = arith.mulf %mul3A_233, %get3A_232 : vector<16xf32>
      %add3A_235 = arith.addf %add3A_173, %mul3A_234 : vector<16xf32>
      %get3A_236 = arith.index_cast %add3A_214 : i32 to index
      %get3A_237 = arith.constant 48 : index
      %get3A_238 = tpu.vector_load %arg9[%get3A_236, %get3A_237] {strides = array<i32>} : memref<640x128xf32, #tpu.memory_space<vmem>>, vector<1x16xf32>,
      %get3A_239 = vector.shape_cast %get3A_238 : vector<1x16xf32> to vector<16xf32>
      %mul3A_240 = vector.broadcast %squeeze3A_210 : f32 to vector<16xf32>
      %mul3A_241 = arith.mulf %mul3A_240, %get3A_239 : vector<16xf32>
      %add3A_242 = arith.addf %add3A_180, %mul3A_241 : vector<16xf32>
      %get3A_243 = arith.index_cast %add3A_214 : i32 to index
      %get3A_244 = arith.constant 64 : index
      %get3A_245 = tpu.vector_load %arg9[%get3A_243, %get3A_244] {strides = array<i32>} : memref<640x128xf32, #tpu.memory_space<vmem>>, vector<1x16xf32>,
      %get3A_246 = vector.shape_cast %get3A_245 : vector<1x16xf32> to vector<16xf32>
      %mul3A_247 = vector.broadcast %squeeze3A_210 : f32 to vector<16xf32>
      %mul3A_248 = arith.mulf %mul3A_247, %get3A_246 : vector<16xf32>
      %add3A_249 = arith.addf %add3A_187, %mul3A_248 : vector<16xf32>
      %get3A_250 = arith.index_cast %add3A_214 : i32 to index
      %get3A_251 = arith.constant 80 : index
      %get3A_252 = tpu.vector_load %arg9[%get3A_250, %get3A_251] {strides = array<i32>} : memref<640x128xf32, #tpu.memory_space<vmem>>, vector<1x16xf32>,
      %get3A_253 = vector.shape_cast %get3A_252 : vector<1x16xf32> to vector<16xf32>
      %mul3A_254 = vector.broadcast %squeeze3A_210 : f32 to vector<16xf32>
      %mul3A_255 = arith.mulf %mul3A_254, %get3A_253 : vector<16xf32>
      %add3A_256 = arith.addf %add3A_194, %mul3A_255 : vector<16xf32>
      %get3A_257 = arith.index_cast %add3A_214 : i32 to index
      %get3A_258 = arith.constant 96 : index
      %get3A_259 = tpu.vector_load %arg9[%get3A_257, %get3A_258] {strides = array<i32>} : memref<640x128xf32, #tpu.memory_space<vmem>>, vector<1x16xf32>,
      %get3A_260 = vector.shape_cast %get3A_259 : vector<1x16xf32> to vector<16xf32>
      %mul3A_261 = vector.broadcast %squeeze3A_210 : f32 to vector<16xf32>
      %mul3A_262 = arith.mulf %mul3A_261, %get3A_260 : vector<16xf32>
      %add3A_263 = arith.addf %add3A_201, %mul3A_262 : vector<16xf32>
      %get3A_264 = arith.index_cast %add3A_214 : i32 to index
      %get3A_265 = arith.constant 112 : index
      %get3A_266 = tpu.vector_load %arg9[%get3A_264, %get3A_265] {strides = array<i32>} : memref<640x128xf32, #tpu.memory_space<vmem>>, vector<1x16xf32>,
      %get3A_267 = vector.shape_cast %get3A_266 : vector<1x16xf32> to vector<16xf32>
      %mul3A_268 = vector.broadcast %squeeze3A_210 : f32 to vector<16xf32>
      %mul3A_269 = arith.mulf %mul3A_268, %get3A_267 : vector<16xf32>
      %add3A_270 = arith.addf %add3A_208, %mul3A_269 : vector<16xf32>
      %slice3A_271 = vector.extract_strided_slice %get3A_133 {offsets = [2], sizes = [1], strides = [1]} : vector<16xf32> to vector<1xf32>
      %squeeze3A_272 = vector.extract %slice3A_271[0] : f32 from vector<1xf32>
      %mul3A_273 = arith.constant 10 : i32
      %mul3A_274 = arith.muli %scan3A_130, %mul3A_273 : i32
      %add3A_275 = arith.constant 2 : i32
      %add3A_276 = arith.addi %mul3A_274, %add3A_275 : i32
      %get3A_277 = arith.index_cast %add3A_276 : i32 to index
      %get3A_278 = arith.constant 0 : index
      %get3A_279 = tpu.vector_load %arg9[%get3A_277, %get3A_278] {strides = array<i32>} : memref<640x128xf32, #tpu.memory_space<vmem>>, vector<1x16xf32>,
      %get3A_280 = vector.shape_cast %get3A_279 : vector<1x16xf32> to vector<16xf32>
      %mul3A_281 = vector.broadcast %squeeze3A_272 : f32 to vector<16xf32>
      %mul3A_282 = arith.mulf %mul3A_281, %get3A_280 : vector<16xf32>
      %add3A_283 = arith.addf %add3A_221, %mul3A_282 : vector<16xf32>
      %get3A_284 = arith.index_cast %add3A_276 : i32 to index
      %get3A_285 = arith.constant 16 : index
      %get3A_286 = tpu.vector_load %arg9[%get3A_284, %get3A_285] {strides = array<i32>} : memref<640x128xf32, #tpu.memory_space<vmem>>, vector<1x16xf32>,
      %get3A_287 = vector.shape_cast %get3A_286 : vector<1x16xf32> to vector<16xf32>
      %mul3A_288 = vector.broadcast %squeeze3A_272 : f32 to vector<16xf32>
      %mul3A_289 = arith.mulf %mul3A_288, %get3A_287 : vector<16xf32>
      %add3A_290 = arith.addf %add3A_228, %mul3A_289 : vector<16xf32>
      %get3A_291 = arith.index_cast %add3A_276 : i32 to index
      %get3A_292 = arith.constant 32 : index
      %get3A_293 = tpu.vector_load %arg9[%get3A_291, %get3A_292] {strides = array<i32>} : memref<640x128xf32, #tpu.memory_space<vmem>>, vector<1x16xf32>,
      %get3A_294 = vector.shape_cast %get3A_293 : vector<1x16xf32> to vector<16xf32>
      %mul3A_295 = vector.broadcast %squeeze3A_272 : f32 to vector<16xf32>
      %mul3A_296 = arith.mulf %mul3A_295, %get3A_294 : vector<16xf32>
      %add3A_297 = arith.addf %add3A_235, %mul3A_296 : vector<16xf32>
      %get3A_298 = arith.index_cast %add3A_276 : i32 to index
      %get3A_299 = arith.constant 48 : index
      %get3A_300 = tpu.vector_load %arg9[%get3A_298, %get3A_299] {strides = array<i32>} : memref<640x128xf32, #tpu.memory_space<vmem>>, vector<1x16xf32>,
      %get3A_301 = vector.shape_cast %get3A_300 : vector<1x16xf32> to vector<16xf32>
      %mul3A_302 = vector.broadcast %squeeze3A_272 : f32 to vector<16xf32>
      %mul3A_303 = arith.mulf %mul3A_302, %get3A_301 : vector<16xf32>
      %add3A_304 = arith.addf %add3A_242, %mul3A_303 : vector<16xf32>
      %get3A_305 = arith.index_cast %add3A_276 : i32 to index
      %get3A_306 = arith.constant 64 : index
      %get3A_307 = tpu.vector_load %arg9[%get3A_305, %get3A_306] {strides = array<i32>} : memref<640x128xf32, #tpu.memory_space<vmem>>, vector<1x16xf32>,
      %get3A_308 = vector.shape_cast %get3A_307 : vector<1x16xf32> to vector<16xf32>
      %mul3A_309 = vector.broadcast %squeeze3A_272 : f32 to vector<16xf32>
      %mul3A_310 = arith.mulf %mul3A_309, %get3A_308 : vector<16xf32>
      %add3A_311 = arith.addf %add3A_249, %mul3A_310 : vector<16xf32>
      %get3A_312 = arith.index_cast %add3A_276 : i32 to index
      %get3A_313 = arith.constant 80 : index
      %get3A_314 = tpu.vector_load %arg9[%get3A_312, %get3A_313] {strides = array<i32>} : memref<640x128xf32, #tpu.memory_space<vmem>>, vector<1x16xf32>,
      %get3A_315 = vector.shape_cast %get3A_314 : vector<1x16xf32> to vector<16xf32>
      %mul3A_316 = vector.broadcast %squeeze3A_272 : f32 to vector<16xf32>
      %mul3A_317 = arith.mulf %mul3A_316, %get3A_315 : vector<16xf32>
      %add3A_318 = arith.addf %add3A_256, %mul3A_317 : vector<16xf32>
      %get3A_319 = arith.index_cast %add3A_276 : i32 to index
      %get3A_320 = arith.constant 96 : index
      %get3A_321 = tpu.vector_load %arg9[%get3A_319, %get3A_320] {strides = array<i32>} : memref<640x128xf32, #tpu.memory_space<vmem>>, vector<1x16xf32>,
      %get3A_322 = vector.shape_cast %get3A_321 : vector<1x16xf32> to vector<16xf32>
      %mul3A_323 = vector.broadcast %squeeze3A_272 : f32 to vector<16xf32>
      %mul3A_324 = arith.mulf %mul3A_323, %get3A_322 : vector<16xf32>
      %add3A_325 = arith.addf %add3A_263, %mul3A_324 : vector<16xf32>
      %get3A_326 = arith.index_cast %add3A_276 : i32 to index
      %get3A_327 = arith.constant 112 : index
      %get3A_328 = tpu.vector_load %arg9[%get3A_326, %get3A_327] {strides = array<i32>} : memref<640x128xf32, #tpu.memory_space<vmem>>, vector<1x16xf32>,
      %get3A_329 = vector.shape_cast %get3A_328 : vector<1x16xf32> to vector<16xf32>
      %mul3A_330 = vector.broadcast %squeeze3A_272 : f32 to vector<16xf32>
      %mul3A_331 = arith.mulf %mul3A_330, %get3A_329 : vector<16xf32>
      %add3A_332 = arith.addf %add3A_270, %mul3A_331 : vector<16xf32>
      %slice3A_333 = vector.extract_strided_slice %get3A_133 {offsets = [3], sizes = [1], strides = [1]} : vector<16xf32> to vector<1xf32>
      %squeeze3A_334 = vector.extract %slice3A_333[0] : f32 from vector<1xf32>
      %mul3A_335 = arith.constant 10 : i32
      %mul3A_336 = arith.muli %scan3A_130, %mul3A_335 : i32
      %add3A_337 = arith.constant 3 : i32
      %add3A_338 = arith.addi %mul3A_336, %add3A_337 : i32
      %get3A_339 = arith.index_cast %add3A_338 : i32 to index
      %get3A_340 = arith.constant 0 : index
      %get3A_341 = tpu.vector_load %arg9[%get3A_339, %get3A_340] {strides = array<i32>} : memref<640x128xf32, #tpu.memory_space<vmem>>, vector<1x16xf32>,
      %get3A_342 = vector.shape_cast %get3A_341 : vector<1x16xf32> to vector<16xf32>
      %mul3A_343 = vector.broadcast %squeeze3A_334 : f32 to vector<16xf32>
      %mul3A_344 = arith.mulf %mul3A_343, %get3A_342 : vector<16xf32>
      %add3A_345 = arith.addf %add3A_283, %mul3A_344 : vector<16xf32>
      %get3A_346 = arith.index_cast %add3A_338 : i32 to index
      %get3A_347 = arith.constant 16 : index
      %get3A_348 = tpu.vector_load %arg9[%get3A_346, %get3A_347] {strides = array<i32>} : memref<640x128xf32, #tpu.memory_space<vmem>>, vector<1x16xf32>,
      %get3A_349 = vector.shape_cast %get3A_348 : vector<1x16xf32> to vector<16xf32>
      %mul3A_350 = vector.broadcast %squeeze3A_334 : f32 to vector<16xf32>
      %mul3A_351 = arith.mulf %mul3A_350, %get3A_349 : vector<16xf32>
      %add3A_352 = arith.addf %add3A_290, %mul3A_351 : vector<16xf32>
      %get3A_353 = arith.index_cast %add3A_338 : i32 to index
      %get3A_354 = arith.constant 32 : index
      %get3A_355 = tpu.vector_load %arg9[%get3A_353, %get3A_354] {strides = array<i32>} : memref<640x128xf32, #tpu.memory_space<vmem>>, vector<1x16xf32>,
      %get3A_356 = vector.shape_cast %get3A_355 : vector<1x16xf32> to vector<16xf32>
      %mul3A_357 = vector.broadcast %squeeze3A_334 : f32 to vector<16xf32>
      %mul3A_358 = arith.mulf %mul3A_357, %get3A_356 : vector<16xf32>
      %add3A_359 = arith.addf %add3A_297, %mul3A_358 : vector<16xf32>
      %get3A_360 = arith.index_cast %add3A_338 : i32 to index
      %get3A_361 = arith.constant 48 : index
      %get3A_362 = tpu.vector_load %arg9[%get3A_360, %get3A_361] {strides = array<i32>} : memref<640x128xf32, #tpu.memory_space<vmem>>, vector<1x16xf32>,
      %get3A_363 = vector.shape_cast %get3A_362 : vector<1x16xf32> to vector<16xf32>
      %mul3A_364 = vector.broadcast %squeeze3A_334 : f32 to vector<16xf32>
      %mul3A_365 = arith.mulf %mul3A_364, %get3A_363 : vector<16xf32>
      %add3A_366 = arith.addf %add3A_304, %mul3A_365 : vector<16xf32>
      %get3A_367 = arith.index_cast %add3A_338 : i32 to index
      %get3A_368 = arith.constant 64 : index
      %get3A_369 = tpu.vector_load %arg9[%get3A_367, %get3A_368] {strides = array<i32>} : memref<640x128xf32, #tpu.memory_space<vmem>>, vector<1x16xf32>,
      %get3A_370 = vector.shape_cast %get3A_369 : vector<1x16xf32> to vector<16xf32>
      %mul3A_371 = vector.broadcast %squeeze3A_334 : f32 to vector<16xf32>
      %mul3A_372 = arith.mulf %mul3A_371, %get3A_370 : vector<16xf32>
      %add3A_373 = arith.addf %add3A_311, %mul3A_372 : vector<16xf32>
      %get3A_374 = arith.index_cast %add3A_338 : i32 to index
      %get3A_375 = arith.constant 80 : index
      %get3A_376 = tpu.vector_load %arg9[%get3A_374, %get3A_375] {strides = array<i32>} : memref<640x128xf32, #tpu.memory_space<vmem>>, vector<1x16xf32>,
      %get3A_377 = vector.shape_cast %get3A_376 : vector<1x16xf32> to vector<16xf32>
      %mul3A_378 = vector.broadcast %squeeze3A_334 : f32 to vector<16xf32>
      %mul3A_379 = arith.mulf %mul3A_378, %get3A_377 : vector<16xf32>
      %add3A_380 = arith.addf %add3A_318, %mul3A_379 : vector<16xf32>
      %get3A_381 = arith.index_cast %add3A_338 : i32 to index
      %get3A_382 = arith.constant 96 : index
      %get3A_383 = tpu.vector_load %arg9[%get3A_381, %get3A_382] {strides = array<i32>} : memref<640x128xf32, #tpu.memory_space<vmem>>, vector<1x16xf32>,
      %get3A_384 = vector.shape_cast %get3A_383 : vector<1x16xf32> to vector<16xf32>
      %mul3A_385 = vector.broadcast %squeeze3A_334 : f32 to vector<16xf32>
      %mul3A_386 = arith.mulf %mul3A_385, %get3A_384 : vector<16xf32>
      %add3A_387 = arith.addf %add3A_325, %mul3A_386 : vector<16xf32>
      %get3A_388 = arith.index_cast %add3A_338 : i32 to index
      %get3A_389 = arith.constant 112 : index
      %get3A_390 = tpu.vector_load %arg9[%get3A_388, %get3A_389] {strides = array<i32>} : memref<640x128xf32, #tpu.memory_space<vmem>>, vector<1x16xf32>,
      %get3A_391 = vector.shape_cast %get3A_390 : vector<1x16xf32> to vector<16xf32>
      %mul3A_392 = vector.broadcast %squeeze3A_334 : f32 to vector<16xf32>
      %mul3A_393 = arith.mulf %mul3A_392, %get3A_391 : vector<16xf32>
      %add3A_394 = arith.addf %add3A_332, %mul3A_393 : vector<16xf32>
      %slice3A_395 = vector.extract_strided_slice %get3A_133 {offsets = [4], sizes = [1], strides = [1]} : vector<16xf32> to vector<1xf32>
      %squeeze3A_396 = vector.extract %slice3A_395[0] : f32 from vector<1xf32>
      %mul3A_397 = arith.constant 10 : i32
      %mul3A_398 = arith.muli %scan3A_130, %mul3A_397 : i32
      %add3A_399 = arith.constant 4 : i32
      %add3A_400 = arith.addi %mul3A_398, %add3A_399 : i32
      %get3A_401 = arith.index_cast %add3A_400 : i32 to index
      %get3A_402 = arith.constant 0 : index
      %get3A_403 = tpu.vector_load %arg9[%get3A_401, %get3A_402] {strides = array<i32>} : memref<640x128xf32, #tpu.memory_space<vmem>>, vector<1x16xf32>,
      %get3A_404 = vector.shape_cast %get3A_403 : vector<1x16xf32> to vector<16xf32>
      %mul3A_405 = vector.broadcast %squeeze3A_396 : f32 to vector<16xf32>
      %mul3A_406 = arith.mulf %mul3A_405, %get3A_404 : vector<16xf32>
      %add3A_407 = arith.addf %add3A_345, %mul3A_406 : vector<16xf32>
      %get3A_408 = arith.index_cast %add3A_400 : i32 to index
      %get3A_409 = arith.constant 16 : index
      %get3A_410 = tpu.vector_load %arg9[%get3A_408, %get3A_409] {strides = array<i32>} : memref<640x128xf32, #tpu.memory_space<vmem>>, vector<1x16xf32>,
      %get3A_411 = vector.shape_cast %get3A_410 : vector<1x16xf32> to vector<16xf32>
      %mul3A_412 = vector.broadcast %squeeze3A_396 : f32 to vector<16xf32>
      %mul3A_413 = arith.mulf %mul3A_412, %get3A_411 : vector<16xf32>
      %add3A_414 = arith.addf %add3A_352, %mul3A_413 : vector<16xf32>
      %get3A_415 = arith.index_cast %add3A_400 : i32 to index
      %get3A_416 = arith.constant 32 : index
      %get3A_417 = tpu.vector_load %arg9[%get3A_415, %get3A_416] {strides = array<i32>} : memref<640x128xf32, #tpu.memory_space<vmem>>, vector<1x16xf32>,
      %get3A_418 = vector.shape_cast %get3A_417 : vector<1x16xf32> to vector<16xf32>
      %mul3A_419 = vector.broadcast %squeeze3A_396 : f32 to vector<16xf32>
      %mul3A_420 = arith.mulf %mul3A_419, %get3A_418 : vector<16xf32>
      %add3A_421 = arith.addf %add3A_359, %mul3A_420 : vector<16xf32>
      %get3A_422 = arith.index_cast %add3A_400 : i32 to index
      %get3A_423 = arith.constant 48 : index
      %get3A_424 = tpu.vector_load %arg9[%get3A_422, %get3A_423] {strides = array<i32>} : memref<640x128xf32, #tpu.memory_space<vmem>>, vector<1x16xf32>,
      %get3A_425 = vector.shape_cast %get3A_424 : vector<1x16xf32> to vector<16xf32>
      %mul3A_426 = vector.broadcast %squeeze3A_396 : f32 to vector<16xf32>
      %mul3A_427 = arith.mulf %mul3A_426, %get3A_425 : vector<16xf32>
      %add3A_428 = arith.addf %add3A_366, %mul3A_427 : vector<16xf32>
      %get3A_429 = arith.index_cast %add3A_400 : i32 to index
      %get3A_430 = arith.constant 64 : index
      %get3A_431 = tpu.vector_load %arg9[%get3A_429, %get3A_430] {strides = array<i32>} : memref<640x128xf32, #tpu.memory_space<vmem>>, vector<1x16xf32>,
      %get3A_432 = vector.shape_cast %get3A_431 : vector<1x16xf32> to vector<16xf32>
      %mul3A_433 = vector.broadcast %squeeze3A_396 : f32 to vector<16xf32>
      %mul3A_434 = arith.mulf %mul3A_433, %get3A_432 : vector<16xf32>
      %add3A_435 = arith.addf %add3A_373, %mul3A_434 : vector<16xf32>
      %get3A_436 = arith.index_cast %add3A_400 : i32 to index
      %get3A_437 = arith.constant 80 : index
      %get3A_438 = tpu.vector_load %arg9[%get3A_436, %get3A_437] {strides = array<i32>} : memref<640x128xf32, #tpu.memory_space<vmem>>, vector<1x16xf32>,
      %get3A_439 = vector.shape_cast %get3A_438 : vector<1x16xf32> to vector<16xf32>
      %mul3A_440 = vector.broadcast %squeeze3A_396 : f32 to vector<16xf32>
      %mul3A_441 = arith.mulf %mul3A_440, %get3A_439 : vector<16xf32>
      %add3A_442 = arith.addf %add3A_380, %mul3A_441 : vector<16xf32>
      %get3A_443 = arith.index_cast %add3A_400 : i32 to index
      %get3A_444 = arith.constant 96 : index
      %get3A_445 = tpu.vector_load %arg9[%get3A_443, %get3A_444] {strides = array<i32>} : memref<640x128xf32, #tpu.memory_space<vmem>>, vector<1x16xf32>,
      %get3A_446 = vector.shape_cast %get3A_445 : vector<1x16xf32> to vector<16xf32>
      %mul3A_447 = vector.broadcast %squeeze3A_396 : f32 to vector<16xf32>
      %mul3A_448 = arith.mulf %mul3A_447, %get3A_446 : vector<16xf32>
      %add3A_449 = arith.addf %add3A_387, %mul3A_448 : vector<16xf32>
      %get3A_450 = arith.index_cast %add3A_400 : i32 to index
      %get3A_451 = arith.constant 112 : index
      %get3A_452 = tpu.vector_load %arg9[%get3A_450, %get3A_451] {strides = array<i32>} : memref<640x128xf32, #tpu.memory_space<vmem>>, vector<1x16xf32>,
      %get3A_453 = vector.shape_cast %get3A_452 : vector<1x16xf32> to vector<16xf32>
      %mul3A_454 = vector.broadcast %squeeze3A_396 : f32 to vector<16xf32>
      %mul3A_455 = arith.mulf %mul3A_454, %get3A_453 : vector<16xf32>
      %add3A_456 = arith.addf %add3A_394, %mul3A_455 : vector<16xf32>
      %slice3A_457 = vector.extract_strided_slice %get3A_133 {offsets = [5], sizes = [1], strides = [1]} : vector<16xf32> to vector<1xf32>
      %squeeze3A_458 = vector.extract %slice3A_457[0] : f32 from vector<1xf32>
      %mul3A_459 = arith.constant 10 : i32
      %mul3A_460 = arith.muli %scan3A_130, %mul3A_459 : i32
      %add3A_461 = arith.constant 5 : i32
      %add3A_462 = arith.addi %mul3A_460, %add3A_461 : i32
      %get3A_463 = arith.index_cast %add3A_462 : i32 to index
      %get3A_464 = arith.constant 0 : index
      %get3A_465 = tpu.vector_load %arg9[%get3A_463, %get3A_464] {strides = array<i32>} : memref<640x128xf32, #tpu.memory_space<vmem>>, vector<1x16xf32>,
      %get3A_466 = vector.shape_cast %get3A_465 : vector<1x16xf32> to vector<16xf32>
      %mul3A_467 = vector.broadcast %squeeze3A_458 : f32 to vector<16xf32>
      %mul3A_468 = arith.mulf %mul3A_467, %get3A_466 : vector<16xf32>
      %add3A_469 = arith.addf %add3A_407, %mul3A_468 : vector<16xf32>
      %get3A_470 = arith.index_cast %add3A_462 : i32 to index
      %get3A_471 = arith.constant 16 : index
      %get3A_472 = tpu.vector_load %arg9[%get3A_470, %get3A_471] {strides = array<i32>} : memref<640x128xf32, #tpu.memory_space<vmem>>, vector<1x16xf32>,
      %get3A_473 = vector.shape_cast %get3A_472 : vector<1x16xf32> to vector<16xf32>
      %mul3A_474 = vector.broadcast %squeeze3A_458 : f32 to vector<16xf32>
      %mul3A_475 = arith.mulf %mul3A_474, %get3A_473 : vector<16xf32>
      %add3A_476 = arith.addf %add3A_414, %mul3A_475 : vector<16xf32>
      %get3A_477 = arith.index_cast %add3A_462 : i32 to index
      %get3A_478 = arith.constant 32 : index
      %get3A_479 = tpu.vector_load %arg9[%get3A_477, %get3A_478] {strides = array<i32>} : memref<640x128xf32, #tpu.memory_space<vmem>>, vector<1x16xf32>,
      %get3A_480 = vector.shape_cast %get3A_479 : vector<1x16xf32> to vector<16xf32>
      %mul3A_481 = vector.broadcast %squeeze3A_458 : f32 to vector<16xf32>
      %mul3A_482 = arith.mulf %mul3A_481, %get3A_480 : vector<16xf32>
      %add3A_483 = arith.addf %add3A_421, %mul3A_482 : vector<16xf32>
      %get3A_484 = arith.index_cast %add3A_462 : i32 to index
      %get3A_485 = arith.constant 48 : index
      %get3A_486 = tpu.vector_load %arg9[%get3A_484, %get3A_485] {strides = array<i32>} : memref<640x128xf32, #tpu.memory_space<vmem>>, vector<1x16xf32>,
      %get3A_487 = vector.shape_cast %get3A_486 : vector<1x16xf32> to vector<16xf32>
      %mul3A_488 = vector.broadcast %squeeze3A_458 : f32 to vector<16xf32>
      %mul3A_489 = arith.mulf %mul3A_488, %get3A_487 : vector<16xf32>
      %add3A_490 = arith.addf %add3A_428, %mul3A_489 : vector<16xf32>
      %get3A_491 = arith.index_cast %add3A_462 : i32 to index
      %get3A_492 = arith.constant 64 : index
      %get3A_493 = tpu.vector_load %arg9[%get3A_491, %get3A_492] {strides = array<i32>} : memref<640x128xf32, #tpu.memory_space<vmem>>, vector<1x16xf32>,
      %get3A_494 = vector.shape_cast %get3A_493 : vector<1x16xf32> to vector<16xf32>
      %mul3A_495 = vector.broadcast %squeeze3A_458 : f32 to vector<16xf32>
      %mul3A_496 = arith.mulf %mul3A_495, %get3A_494 : vector<16xf32>
      %add3A_497 = arith.addf %add3A_435, %mul3A_496 : vector<16xf32>
      %get3A_498 = arith.index_cast %add3A_462 : i32 to index
      %get3A_499 = arith.constant 80 : index
      %get3A_500 = tpu.vector_load %arg9[%get3A_498, %get3A_499] {strides = array<i32>} : memref<640x128xf32, #tpu.memory_space<vmem>>, vector<1x16xf32>,
      %get3A_501 = vector.shape_cast %get3A_500 : vector<1x16xf32> to vector<16xf32>
      %mul3A_502 = vector.broadcast %squeeze3A_458 : f32 to vector<16xf32>
      %mul3A_503 = arith.mulf %mul3A_502, %get3A_501 : vector<16xf32>
      %add3A_504 = arith.addf %add3A_442, %mul3A_503 : vector<16xf32>
      %get3A_505 = arith.index_cast %add3A_462 : i32 to index
      %get3A_506 = arith.constant 96 : index
      %get3A_507 = tpu.vector_load %arg9[%get3A_505, %get3A_506] {strides = array<i32>} : memref<640x128xf32, #tpu.memory_space<vmem>>, vector<1x16xf32>,
      %get3A_508 = vector.shape_cast %get3A_507 : vector<1x16xf32> to vector<16xf32>
      %mul3A_509 = vector.broadcast %squeeze3A_458 : f32 to vector<16xf32>
      %mul3A_510 = arith.mulf %mul3A_509, %get3A_508 : vector<16xf32>
      %add3A_511 = arith.addf %add3A_449, %mul3A_510 : vector<16xf32>
      %get3A_512 = arith.index_cast %add3A_462 : i32 to index
      %get3A_513 = arith.constant 112 : index
      %get3A_514 = tpu.vector_load %arg9[%get3A_512, %get3A_513] {strides = array<i32>} : memref<640x128xf32, #tpu.memory_space<vmem>>, vector<1x16xf32>,
      %get3A_515 = vector.shape_cast %get3A_514 : vector<1x16xf32> to vector<16xf32>
      %mul3A_516 = vector.broadcast %squeeze3A_458 : f32 to vector<16xf32>
      %mul3A_517 = arith.mulf %mul3A_516, %get3A_515 : vector<16xf32>
      %add3A_518 = arith.addf %add3A_456, %mul3A_517 : vector<16xf32>
      %slice3A_519 = vector.extract_strided_slice %get3A_133 {offsets = [6], sizes = [1], strides = [1]} : vector<16xf32> to vector<1xf32>
      %squeeze3A_520 = vector.extract %slice3A_519[0] : f32 from vector<1xf32>
      %mul3A_521 = arith.constant 10 : i32
      %mul3A_522 = arith.muli %scan3A_130, %mul3A_521 : i32
      %add3A_523 = arith.constant 6 : i32
      %add3A_524 = arith.addi %mul3A_522, %add3A_523 : i32
      %get3A_525 = arith.index_cast %add3A_524 : i32 to index
      %get3A_526 = arith.constant 0 : index
      %get3A_527 = tpu.vector_load %arg9[%get3A_525, %get3A_526] {strides = array<i32>} : memref<640x128xf32, #tpu.memory_space<vmem>>, vector<1x16xf32>,
      %get3A_528 = vector.shape_cast %get3A_527 : vector<1x16xf32> to vector<16xf32>
      %mul3A_529 = vector.broadcast %squeeze3A_520 : f32 to vector<16xf32>
      %mul3A_530 = arith.mulf %mul3A_529, %get3A_528 : vector<16xf32>
      %add3A_531 = arith.addf %add3A_469, %mul3A_530 : vector<16xf32>
      %get3A_532 = arith.index_cast %add3A_524 : i32 to index
      %get3A_533 = arith.constant 16 : index
      %get3A_534 = tpu.vector_load %arg9[%get3A_532, %get3A_533] {strides = array<i32>} : memref<640x128xf32, #tpu.memory_space<vmem>>, vector<1x16xf32>,
      %get3A_535 = vector.shape_cast %get3A_534 : vector<1x16xf32> to vector<16xf32>
      %mul3A_536 = vector.broadcast %squeeze3A_520 : f32 to vector<16xf32>
      %mul3A_537 = arith.mulf %mul3A_536, %get3A_535 : vector<16xf32>
      %add3A_538 = arith.addf %add3A_476, %mul3A_537 : vector<16xf32>
      %get3A_539 = arith.index_cast %add3A_524 : i32 to index
      %get3A_540 = arith.constant 32 : index
      %get3A_541 = tpu.vector_load %arg9[%get3A_539, %get3A_540] {strides = array<i32>} : memref<640x128xf32, #tpu.memory_space<vmem>>, vector<1x16xf32>,
      %get3A_542 = vector.shape_cast %get3A_541 : vector<1x16xf32> to vector<16xf32>
      %mul3A_543 = vector.broadcast %squeeze3A_520 : f32 to vector<16xf32>
      %mul3A_544 = arith.mulf %mul3A_543, %get3A_542 : vector<16xf32>
      %add3A_545 = arith.addf %add3A_483, %mul3A_544 : vector<16xf32>
      %get3A_546 = arith.index_cast %add3A_524 : i32 to index
      %get3A_547 = arith.constant 48 : index
      %get3A_548 = tpu.vector_load %arg9[%get3A_546, %get3A_547] {strides = array<i32>} : memref<640x128xf32, #tpu.memory_space<vmem>>, vector<1x16xf32>,
      %get3A_549 = vector.shape_cast %get3A_548 : vector<1x16xf32> to vector<16xf32>
      %mul3A_550 = vector.broadcast %squeeze3A_520 : f32 to vector<16xf32>
      %mul3A_551 = arith.mulf %mul3A_550, %get3A_549 : vector<16xf32>
      %add3A_552 = arith.addf %add3A_490, %mul3A_551 : vector<16xf32>
      %get3A_553 = arith.index_cast %add3A_524 : i32 to index
      %get3A_554 = arith.constant 64 : index
      %get3A_555 = tpu.vector_load %arg9[%get3A_553, %get3A_554] {strides = array<i32>} : memref<640x128xf32, #tpu.memory_space<vmem>>, vector<1x16xf32>,
      %get3A_556 = vector.shape_cast %get3A_555 : vector<1x16xf32> to vector<16xf32>
      %mul3A_557 = vector.broadcast %squeeze3A_520 : f32 to vector<16xf32>
      %mul3A_558 = arith.mulf %mul3A_557, %get3A_556 : vector<16xf32>
      %add3A_559 = arith.addf %add3A_497, %mul3A_558 : vector<16xf32>
      %get3A_560 = arith.index_cast %add3A_524 : i32 to index
      %get3A_561 = arith.constant 80 : index
      %get3A_562 = tpu.vector_load %arg9[%get3A_560, %get3A_561] {strides = array<i32>} : memref<640x128xf32, #tpu.memory_space<vmem>>, vector<1x16xf32>,
      %get3A_563 = vector.shape_cast %get3A_562 : vector<1x16xf32> to vector<16xf32>
      %mul3A_564 = vector.broadcast %squeeze3A_520 : f32 to vector<16xf32>
      %mul3A_565 = arith.mulf %mul3A_564, %get3A_563 : vector<16xf32>
      %add3A_566 = arith.addf %add3A_504, %mul3A_565 : vector<16xf32>
      %get3A_567 = arith.index_cast %add3A_524 : i32 to index
      %get3A_568 = arith.constant 96 : index
      %get3A_569 = tpu.vector_load %arg9[%get3A_567, %get3A_568] {strides = array<i32>} : memref<640x128xf32, #tpu.memory_space<vmem>>, vector<1x16xf32>,
      %get3A_570 = vector.shape_cast %get3A_569 : vector<1x16xf32> to vector<16xf32>
      %mul3A_571 = vector.broadcast %squeeze3A_520 : f32 to vector<16xf32>
      %mul3A_572 = arith.mulf %mul3A_571, %get3A_570 : vector<16xf32>
      %add3A_573 = arith.addf %add3A_511, %mul3A_572 : vector<16xf32>
      %get3A_574 = arith.index_cast %add3A_524 : i32 to index
      %get3A_575 = arith.constant 112 : index
      %get3A_576 = tpu.vector_load %arg9[%get3A_574, %get3A_575] {strides = array<i32>} : memref<640x128xf32, #tpu.memory_space<vmem>>, vector<1x16xf32>,
      %get3A_577 = vector.shape_cast %get3A_576 : vector<1x16xf32> to vector<16xf32>
      %mul3A_578 = vector.broadcast %squeeze3A_520 : f32 to vector<16xf32>
      %mul3A_579 = arith.mulf %mul3A_578, %get3A_577 : vector<16xf32>
      %add3A_580 = arith.addf %add3A_518, %mul3A_579 : vector<16xf32>
      %slice3A_581 = vector.extract_strided_slice %get3A_133 {offsets = [7], sizes = [1], strides = [1]} : vector<16xf32> to vector<1xf32>
      %squeeze3A_582 = vector.extract %slice3A_581[0] : f32 from vector<1xf32>
      %mul3A_583 = arith.constant 10 : i32
      %mul3A_584 = arith.muli %scan3A_130, %mul3A_583 : i32
      %add3A_585 = arith.constant 7 : i32
      %add3A_586 = arith.addi %mul3A_584, %add3A_585 : i32
      %get3A_587 = arith.index_cast %add3A_586 : i32 to index
      %get3A_588 = arith.constant 0 : index
      %get3A_589 = tpu.vector_load %arg9[%get3A_587, %get3A_588] {strides = array<i32>} : memref<640x128xf32, #tpu.memory_space<vmem>>, vector<1x16xf32>,
      %get3A_590 = vector.shape_cast %get3A_589 : vector<1x16xf32> to vector<16xf32>
      %mul3A_591 = vector.broadcast %squeeze3A_582 : f32 to vector<16xf32>
      %mul3A_592 = arith.mulf %mul3A_591, %get3A_590 : vector<16xf32>
      %add3A_593 = arith.addf %add3A_531, %mul3A_592 : vector<16xf32>
      %get3A_594 = arith.index_cast %add3A_586 : i32 to index
      %get3A_595 = arith.constant 16 : index
      %get3A_596 = tpu.vector_load %arg9[%get3A_594, %get3A_595] {strides = array<i32>} : memref<640x128xf32, #tpu.memory_space<vmem>>, vector<1x16xf32>,
      %get3A_597 = vector.shape_cast %get3A_596 : vector<1x16xf32> to vector<16xf32>
      %mul3A_598 = vector.broadcast %squeeze3A_582 : f32 to vector<16xf32>
      %mul3A_599 = arith.mulf %mul3A_598, %get3A_597 : vector<16xf32>
      %add3A_600 = arith.addf %add3A_538, %mul3A_599 : vector<16xf32>
      %get3A_601 = arith.index_cast %add3A_586 : i32 to index
      %get3A_602 = arith.constant 32 : index
      %get3A_603 = tpu.vector_load %arg9[%get3A_601, %get3A_602] {strides = array<i32>} : memref<640x128xf32, #tpu.memory_space<vmem>>, vector<1x16xf32>,
      %get3A_604 = vector.shape_cast %get3A_603 : vector<1x16xf32> to vector<16xf32>
      %mul3A_605 = vector.broadcast %squeeze3A_582 : f32 to vector<16xf32>
      %mul3A_606 = arith.mulf %mul3A_605, %get3A_604 : vector<16xf32>
      %add3A_607 = arith.addf %add3A_545, %mul3A_606 : vector<16xf32>
      %get3A_608 = arith.index_cast %add3A_586 : i32 to index
      %get3A_609 = arith.constant 48 : index
      %get3A_610 = tpu.vector_load %arg9[%get3A_608, %get3A_609] {strides = array<i32>} : memref<640x128xf32, #tpu.memory_space<vmem>>, vector<1x16xf32>,
      %get3A_611 = vector.shape_cast %get3A_610 : vector<1x16xf32> to vector<16xf32>
      %mul3A_612 = vector.broadcast %squeeze3A_582 : f32 to vector<16xf32>
      %mul3A_613 = arith.mulf %mul3A_612, %get3A_611 : vector<16xf32>
      %add3A_614 = arith.addf %add3A_552, %mul3A_613 : vector<16xf32>
      %get3A_615 = arith.index_cast %add3A_586 : i32 to index
      %get3A_616 = arith.constant 64 : index
      %get3A_617 = tpu.vector_load %arg9[%get3A_615, %get3A_616] {strides = array<i32>} : memref<640x128xf32, #tpu.memory_space<vmem>>, vector<1x16xf32>,
      %get3A_618 = vector.shape_cast %get3A_617 : vector<1x16xf32> to vector<16xf32>
      %mul3A_619 = vector.broadcast %squeeze3A_582 : f32 to vector<16xf32>
      %mul3A_620 = arith.mulf %mul3A_619, %get3A_618 : vector<16xf32>
      %add3A_621 = arith.addf %add3A_559, %mul3A_620 : vector<16xf32>
      %get3A_622 = arith.index_cast %add3A_586 : i32 to index
      %get3A_623 = arith.constant 80 : index
      %get3A_624 = tpu.vector_load %arg9[%get3A_622, %get3A_623] {strides = array<i32>} : memref<640x128xf32, #tpu.memory_space<vmem>>, vector<1x16xf32>,
      %get3A_625 = vector.shape_cast %get3A_624 : vector<1x16xf32> to vector<16xf32>
      %mul3A_626 = vector.broadcast %squeeze3A_582 : f32 to vector<16xf32>
      %mul3A_627 = arith.mulf %mul3A_626, %get3A_625 : vector<16xf32>
      %add3A_628 = arith.addf %add3A_566, %mul3A_627 : vector<16xf32>
      %get3A_629 = arith.index_cast %add3A_586 : i32 to index
      %get3A_630 = arith.constant 96 : index
      %get3A_631 = tpu.vector_load %arg9[%get3A_629, %get3A_630] {strides = array<i32>} : memref<640x128xf32, #tpu.memory_space<vmem>>, vector<1x16xf32>,
      %get3A_632 = vector.shape_cast %get3A_631 : vector<1x16xf32> to vector<16xf32>
      %mul3A_633 = vector.broadcast %squeeze3A_582 : f32 to vector<16xf32>
      %mul3A_634 = arith.mulf %mul3A_633, %get3A_632 : vector<16xf32>
      %add3A_635 = arith.addf %add3A_573, %mul3A_634 : vector<16xf32>
      %get3A_636 = arith.index_cast %add3A_586 : i32 to index
      %get3A_637 = arith.constant 112 : index
      %get3A_638 = tpu.vector_load %arg9[%get3A_636, %get3A_637] {strides = array<i32>} : memref<640x128xf32, #tpu.memory_space<vmem>>, vector<1x16xf32>,
      %get3A_639 = vector.shape_cast %get3A_638 : vector<1x16xf32> to vector<16xf32>
      %mul3A_640 = vector.broadcast %squeeze3A_582 : f32 to vector<16xf32>
      %mul3A_641 = arith.mulf %mul3A_640, %get3A_639 : vector<16xf32>
      %add3A_642 = arith.addf %add3A_580, %mul3A_641 : vector<16xf32>
      %slice3A_643 = vector.extract_strided_slice %get3A_133 {offsets = [8], sizes = [1], strides = [1]} : vector<16xf32> to vector<1xf32>
      %squeeze3A_644 = vector.extract %slice3A_643[0] : f32 from vector<1xf32>
      %mul3A_645 = arith.constant 10 : i32
      %mul3A_646 = arith.muli %scan3A_130, %mul3A_645 : i32
      %add3A_647 = arith.constant 8 : i32
      %add3A_648 = arith.addi %mul3A_646, %add3A_647 : i32
      %get3A_649 = arith.index_cast %add3A_648 : i32 to index
      %get3A_650 = arith.constant 0 : index
      %get3A_651 = tpu.vector_load %arg9[%get3A_649, %get3A_650] {strides = array<i32>} : memref<640x128xf32, #tpu.memory_space<vmem>>, vector<1x16xf32>,
      %get3A_652 = vector.shape_cast %get3A_651 : vector<1x16xf32> to vector<16xf32>
      %mul3A_653 = vector.broadcast %squeeze3A_644 : f32 to vector<16xf32>
      %mul3A_654 = arith.mulf %mul3A_653, %get3A_652 : vector<16xf32>
      %add3A_655 = arith.addf %add3A_593, %mul3A_654 : vector<16xf32>
      %get3A_656 = arith.index_cast %add3A_648 : i32 to index
      %get3A_657 = arith.constant 16 : index
      %get3A_658 = tpu.vector_load %arg9[%get3A_656, %get3A_657] {strides = array<i32>} : memref<640x128xf32, #tpu.memory_space<vmem>>, vector<1x16xf32>,
      %get3A_659 = vector.shape_cast %get3A_658 : vector<1x16xf32> to vector<16xf32>
      %mul3A_660 = vector.broadcast %squeeze3A_644 : f32 to vector<16xf32>
      %mul3A_661 = arith.mulf %mul3A_660, %get3A_659 : vector<16xf32>
      %add3A_662 = arith.addf %add3A_600, %mul3A_661 : vector<16xf32>
      %get3A_663 = arith.index_cast %add3A_648 : i32 to index
      %get3A_664 = arith.constant 32 : index
      %get3A_665 = tpu.vector_load %arg9[%get3A_663, %get3A_664] {strides = array<i32>} : memref<640x128xf32, #tpu.memory_space<vmem>>, vector<1x16xf32>,
      %get3A_666 = vector.shape_cast %get3A_665 : vector<1x16xf32> to vector<16xf32>
      %mul3A_667 = vector.broadcast %squeeze3A_644 : f32 to vector<16xf32>
      %mul3A_668 = arith.mulf %mul3A_667, %get3A_666 : vector<16xf32>
      %add3A_669 = arith.addf %add3A_607, %mul3A_668 : vector<16xf32>
      %get3A_670 = arith.index_cast %add3A_648 : i32 to index
      %get3A_671 = arith.constant 48 : index
      %get3A_672 = tpu.vector_load %arg9[%get3A_670, %get3A_671] {strides = array<i32>} : memref<640x128xf32, #tpu.memory_space<vmem>>, vector<1x16xf32>,
      %get3A_673 = vector.shape_cast %get3A_672 : vector<1x16xf32> to vector<16xf32>
      %mul3A_674 = vector.broadcast %squeeze3A_644 : f32 to vector<16xf32>
      %mul3A_675 = arith.mulf %mul3A_674, %get3A_673 : vector<16xf32>
      %add3A_676 = arith.addf %add3A_614, %mul3A_675 : vector<16xf32>
      %get3A_677 = arith.index_cast %add3A_648 : i32 to index
      %get3A_678 = arith.constant 64 : index
      %get3A_679 = tpu.vector_load %arg9[%get3A_677, %get3A_678] {strides = array<i32>} : memref<640x128xf32, #tpu.memory_space<vmem>>, vector<1x16xf32>,
      %get3A_680 = vector.shape_cast %get3A_679 : vector<1x16xf32> to vector<16xf32>
      %mul3A_681 = vector.broadcast %squeeze3A_644 : f32 to vector<16xf32>
      %mul3A_682 = arith.mulf %mul3A_681, %get3A_680 : vector<16xf32>
      %add3A_683 = arith.addf %add3A_621, %mul3A_682 : vector<16xf32>
      %get3A_684 = arith.index_cast %add3A_648 : i32 to index
      %get3A_685 = arith.constant 80 : index
      %get3A_686 = tpu.vector_load %arg9[%get3A_684, %get3A_685] {strides = array<i32>} : memref<640x128xf32, #tpu.memory_space<vmem>>, vector<1x16xf32>,
      %get3A_687 = vector.shape_cast %get3A_686 : vector<1x16xf32> to vector<16xf32>
      %mul3A_688 = vector.broadcast %squeeze3A_644 : f32 to vector<16xf32>
      %mul3A_689 = arith.mulf %mul3A_688, %get3A_687 : vector<16xf32>
      %add3A_690 = arith.addf %add3A_628, %mul3A_689 : vector<16xf32>
      %get3A_691 = arith.index_cast %add3A_648 : i32 to index
      %get3A_692 = arith.constant 96 : index
      %get3A_693 = tpu.vector_load %arg9[%get3A_691, %get3A_692] {strides = array<i32>} : memref<640x128xf32, #tpu.memory_space<vmem>>, vector<1x16xf32>,
      %get3A_694 = vector.shape_cast %get3A_693 : vector<1x16xf32> to vector<16xf32>
      %mul3A_695 = vector.broadcast %squeeze3A_644 : f32 to vector<16xf32>
      %mul3A_696 = arith.mulf %mul3A_695, %get3A_694 : vector<16xf32>
      %add3A_697 = arith.addf %add3A_635, %mul3A_696 : vector<16xf32>
      %get3A_698 = arith.index_cast %add3A_648 : i32 to index
      %get3A_699 = arith.constant 112 : index
      %get3A_700 = tpu.vector_load %arg9[%get3A_698, %get3A_699] {strides = array<i32>} : memref<640x128xf32, #tpu.memory_space<vmem>>, vector<1x16xf32>,
      %get3A_701 = vector.shape_cast %get3A_700 : vector<1x16xf32> to vector<16xf32>
      %mul3A_702 = vector.broadcast %squeeze3A_644 : f32 to vector<16xf32>
      %mul3A_703 = arith.mulf %mul3A_702, %get3A_701 : vector<16xf32>
      %add3A_704 = arith.addf %add3A_642, %mul3A_703 : vector<16xf32>
      %slice3A_705 = vector.extract_strided_slice %get3A_133 {offsets = [9], sizes = [1], strides = [1]} : vector<16xf32> to vector<1xf32>
      %squeeze3A_706 = vector.extract %slice3A_705[0] : f32 from vector<1xf32>
      %mul3A_707 = arith.constant 10 : i32
      %mul3A_708 = arith.muli %scan3A_130, %mul3A_707 : i32
      %add3A_709 = arith.constant 9 : i32
      %add3A_710 = arith.addi %mul3A_708, %add3A_709 : i32
      %get3A_711 = arith.index_cast %add3A_710 : i32 to index
      %get3A_712 = arith.constant 0 : index
      %get3A_713 = tpu.vector_load %arg9[%get3A_711, %get3A_712] {strides = array<i32>} : memref<640x128xf32, #tpu.memory_space<vmem>>, vector<1x16xf32>,
      %get3A_714 = vector.shape_cast %get3A_713 : vector<1x16xf32> to vector<16xf32>
      %mul3A_715 = vector.broadcast %squeeze3A_706 : f32 to vector<16xf32>
      %mul3A_716 = arith.mulf %mul3A_715, %get3A_714 : vector<16xf32>
      %add3A_717 = arith.addf %add3A_655, %mul3A_716 : vector<16xf32>
      %get3A_718 = arith.index_cast %add3A_710 : i32 to index
      %get3A_719 = arith.constant 16 : index
      %get3A_720 = tpu.vector_load %arg9[%get3A_718, %get3A_719] {strides = array<i32>} : memref<640x128xf32, #tpu.memory_space<vmem>>, vector<1x16xf32>,
      %get3A_721 = vector.shape_cast %get3A_720 : vector<1x16xf32> to vector<16xf32>
      %mul3A_722 = vector.broadcast %squeeze3A_706 : f32 to vector<16xf32>
      %mul3A_723 = arith.mulf %mul3A_722, %get3A_721 : vector<16xf32>
      %add3A_724 = arith.addf %add3A_662, %mul3A_723 : vector<16xf32>
      %get3A_725 = arith.index_cast %add3A_710 : i32 to index
      %get3A_726 = arith.constant 32 : index
      %get3A_727 = tpu.vector_load %arg9[%get3A_725, %get3A_726] {strides = array<i32>} : memref<640x128xf32, #tpu.memory_space<vmem>>, vector<1x16xf32>,
      %get3A_728 = vector.shape_cast %get3A_727 : vector<1x16xf32> to vector<16xf32>
      %mul3A_729 = vector.broadcast %squeeze3A_706 : f32 to vector<16xf32>
      %mul3A_730 = arith.mulf %mul3A_729, %get3A_728 : vector<16xf32>
      %add3A_731 = arith.addf %add3A_669, %mul3A_730 : vector<16xf32>
      %get3A_732 = arith.index_cast %add3A_710 : i32 to index
      %get3A_733 = arith.constant 48 : index
      %get3A_734 = tpu.vector_load %arg9[%get3A_732, %get3A_733] {strides = array<i32>} : memref<640x128xf32, #tpu.memory_space<vmem>>, vector<1x16xf32>,
      %get3A_735 = vector.shape_cast %get3A_734 : vector<1x16xf32> to vector<16xf32>
      %mul3A_736 = vector.broadcast %squeeze3A_706 : f32 to vector<16xf32>
      %mul3A_737 = arith.mulf %mul3A_736, %get3A_735 : vector<16xf32>
      %add3A_738 = arith.addf %add3A_676, %mul3A_737 : vector<16xf32>
      %get3A_739 = arith.index_cast %add3A_710 : i32 to index
      %get3A_740 = arith.constant 64 : index
      %get3A_741 = tpu.vector_load %arg9[%get3A_739, %get3A_740] {strides = array<i32>} : memref<640x128xf32, #tpu.memory_space<vmem>>, vector<1x16xf32>,
      %get3A_742 = vector.shape_cast %get3A_741 : vector<1x16xf32> to vector<16xf32>
      %mul3A_743 = vector.broadcast %squeeze3A_706 : f32 to vector<16xf32>
      %mul3A_744 = arith.mulf %mul3A_743, %get3A_742 : vector<16xf32>
      %add3A_745 = arith.addf %add3A_683, %mul3A_744 : vector<16xf32>
      %get3A_746 = arith.index_cast %add3A_710 : i32 to index
      %get3A_747 = arith.constant 80 : index
      %get3A_748 = tpu.vector_load %arg9[%get3A_746, %get3A_747] {strides = array<i32>} : memref<640x128xf32, #tpu.memory_space<vmem>>, vector<1x16xf32>,
      %get3A_749 = vector.shape_cast %get3A_748 : vector<1x16xf32> to vector<16xf32>
      %mul3A_750 = vector.broadcast %squeeze3A_706 : f32 to vector<16xf32>
      %mul3A_751 = arith.mulf %mul3A_750, %get3A_749 : vector<16xf32>
      %add3A_752 = arith.addf %add3A_690, %mul3A_751 : vector<16xf32>
      %get3A_753 = arith.index_cast %add3A_710 : i32 to index
      %get3A_754 = arith.constant 96 : index
      %get3A_755 = tpu.vector_load %arg9[%get3A_753, %get3A_754] {strides = array<i32>} : memref<640x128xf32, #tpu.memory_space<vmem>>, vector<1x16xf32>,
      %get3A_756 = vector.shape_cast %get3A_755 : vector<1x16xf32> to vector<16xf32>
      %mul3A_757 = vector.broadcast %squeeze3A_706 : f32 to vector<16xf32>
      %mul3A_758 = arith.mulf %mul3A_757, %get3A_756 : vector<16xf32>
      %add3A_759 = arith.addf %add3A_697, %mul3A_758 : vector<16xf32>
      %get3A_760 = arith.index_cast %add3A_710 : i32 to index
      %get3A_761 = arith.constant 112 : index
      %get3A_762 = tpu.vector_load %arg9[%get3A_760, %get3A_761] {strides = array<i32>} : memref<640x128xf32, #tpu.memory_space<vmem>>, vector<1x16xf32>,
      %get3A_763 = vector.shape_cast %get3A_762 : vector<1x16xf32> to vector<16xf32>
      %mul3A_764 = vector.broadcast %squeeze3A_706 : f32 to vector<16xf32>
      %mul3A_765 = arith.mulf %mul3A_764, %get3A_763 : vector<16xf32>
      %add3A_766 = arith.addf %add3A_704, %mul3A_765 : vector<16xf32>
      %swap3A = arith.index_cast %scan3A_130 : i32 to index
      %swap3A_767 = arith.constant 0 : index
      %swap3A_768 = tpu.vector_load %arg10[%swap3A, %swap3A_767] {strides = array<i32>} : memref<64x64xf32, #tpu.memory_space<vmem>>, vector<1x16xf32>,
      %swap3A_769 = vector.shape_cast %swap3A_768 : vector<1x16xf32> to vector<16xf32>
      %swap3A_770 = vector.shape_cast %add3A_717 : vector<16xf32> to vector<1x16xf32>
      tpu.vector_store %arg10[%swap3A, %swap3A_767], %swap3A_770 {strides = array<i32>} : memref<64x64xf32, #tpu.memory_space<vmem>>, vector<1x16xf32>,
      %swap3A_771 = arith.index_cast %scan3A_130 : i32 to index
      %swap3A_772 = arith.constant 0 : index
      %swap3A_773 = tpu.vector_load %arg11[%swap3A_771, %swap3A_772] {strides = array<i32>} : memref<64x64xf32, #tpu.memory_space<vmem>>, vector<1x16xf32>,
      %swap3A_774 = vector.shape_cast %swap3A_773 : vector<1x16xf32> to vector<16xf32>
      %swap3A_775 = vector.shape_cast %add3A_745 : vector<16xf32> to vector<1x16xf32>
      tpu.vector_store %arg11[%swap3A_771, %swap3A_772], %swap3A_775 {strides = array<i32>} : memref<64x64xf32, #tpu.memory_space<vmem>>, vector<1x16xf32>,
      %swap3A_776 = arith.index_cast %scan3A_130 : i32 to index
      %swap3A_777 = arith.constant 16 : index
      %swap3A_778 = tpu.vector_load %arg10[%swap3A_776, %swap3A_777] {strides = array<i32>} : memref<64x64xf32, #tpu.memory_space<vmem>>, vector<1x16xf32>,
      %swap3A_779 = vector.shape_cast %swap3A_778 : vector<1x16xf32> to vector<16xf32>
      %swap3A_780 = vector.shape_cast %add3A_724 : vector<16xf32> to vector<1x16xf32>
      tpu.vector_store %arg10[%swap3A_776, %swap3A_777], %swap3A_780 {strides = array<i32>} : memref<64x64xf32, #tpu.memory_space<vmem>>, vector<1x16xf32>,
      %swap3A_781 = arith.index_cast %scan3A_130 : i32 to index
      %swap3A_782 = arith.constant 16 : index
      %swap3A_783 = tpu.vector_load %arg11[%swap3A_781, %swap3A_782] {strides = array<i32>} : memref<64x64xf32, #tpu.memory_space<vmem>>, vector<1x16xf32>,
      %swap3A_784 = vector.shape_cast %swap3A_783 : vector<1x16xf32> to vector<16xf32>
      %swap3A_785 = vector.shape_cast %add3A_752 : vector<16xf32> to vector<1x16xf32>
      tpu.vector_store %arg11[%swap3A_781, %swap3A_782], %swap3A_785 {strides = array<i32>} : memref<64x64xf32, #tpu.memory_space<vmem>>, vector<1x16xf32>,
      %swap3A_786 = arith.index_cast %scan3A_130 : i32 to index
      %swap3A_787 = arith.constant 32 : index
      %swap3A_788 = tpu.vector_load %arg10[%swap3A_786, %swap3A_787] {strides = array<i32>} : memref<64x64xf32, #tpu.memory_space<vmem>>, vector<1x16xf32>,
      %swap3A_789 = vector.shape_cast %swap3A_788 : vector<1x16xf32> to vector<16xf32>
      %swap3A_790 = vector.shape_cast %add3A_731 : vector<16xf32> to vector<1x16xf32>
      tpu.vector_store %arg10[%swap3A_786, %swap3A_787], %swap3A_790 {strides = array<i32>} : memref<64x64xf32, #tpu.memory_space<vmem>>, vector<1x16xf32>,
      %swap3A_791 = arith.index_cast %scan3A_130 : i32 to index
      %swap3A_792 = arith.constant 32 : index
      %swap3A_793 = tpu.vector_load %arg11[%swap3A_791, %swap3A_792] {strides = array<i32>} : memref<64x64xf32, #tpu.memory_space<vmem>>, vector<1x16xf32>,
      %swap3A_794 = vector.shape_cast %swap3A_793 : vector<1x16xf32> to vector<16xf32>
      %swap3A_795 = vector.shape_cast %add3A_759 : vector<16xf32> to vector<1x16xf32>
      tpu.vector_store %arg11[%swap3A_791, %swap3A_792], %swap3A_795 {strides = array<i32>} : memref<64x64xf32, #tpu.memory_space<vmem>>, vector<1x16xf32>,
      %swap3A_796 = arith.index_cast %scan3A_130 : i32 to index
      %swap3A_797 = arith.constant 48 : index
      %swap3A_798 = tpu.vector_load %arg10[%swap3A_796, %swap3A_797] {strides = array<i32>} : memref<64x64xf32, #tpu.memory_space<vmem>>, vector<1x16xf32>,
      %swap3A_799 = vector.shape_cast %swap3A_798 : vector<1x16xf32> to vector<16xf32>
      %swap3A_800 = vector.shape_cast %add3A_738 : vector<16xf32> to vector<1x16xf32>
      tpu.vector_store %arg10[%swap3A_796, %swap3A_797], %swap3A_800 {strides = array<i32>} : memref<64x64xf32, #tpu.memory_space<vmem>>, vector<1x16xf32>,
      %swap3A_801 = arith.index_cast %scan3A_130 : i32 to index
      %swap3A_802 = arith.constant 48 : index
      %swap3A_803 = tpu.vector_load %arg11[%swap3A_801, %swap3A_802] {strides = array<i32>} : memref<64x64xf32, #tpu.memory_space<vmem>>, vector<1x16xf32>,
      %swap3A_804 = vector.shape_cast %swap3A_803 : vector<1x16xf32> to vector<16xf32>
      %swap3A_805 = vector.shape_cast %add3A_766 : vector<16xf32> to vector<1x16xf32>
      tpu.vector_store %arg11[%swap3A_801, %swap3A_802], %swap3A_805 {strides = array<i32>} : memref<64x64xf32, #tpu.memory_space<vmem>>, vector<1x16xf32>,
    }
    %scan3A_129 = arith.constant 13 : i32
    "tpu.region"() ({
      %run_scoped3A = tpu.sem_alloc : memref<!tpu.dma_semaphore, #tpu.memory_space<semaphore_mem>>
      %dma_start3A_130 = arith.constant 0 : i32
      %dma_start3A_131 = tpu.memref_slice %arg5[%mul3A_2, %dma_start3A_130] : memref<2048x64xf32, #tpu.memory_space<hbm>> -> memref<64x64xf32, #tpu.memory_space<hbm>>
      %dma_start3A_132 = arith.constant 0 : i32
      %dma_start3A_133 = tpu.memref_slice %arg5[%mul3A_2, %dma_start3A_132] : memref<2048x64xf32, #tpu.memory_space<hbm>> -> memref<64x64xf32, #tpu.memory_space<hbm>>
      tpu.enqueue_dma source(%arg10 : memref<64x64xf32, #tpu.memory_space<vmem>>) target(%dma_start3A_133 : memref<64x64xf32, #tpu.memory_space<hbm>>) target_semaphore(%run_scoped3A : memref<!tpu.dma_semaphore, #tpu.memory_space<semaphore_mem>>)
      %dma_wait3A_134 = arith.constant 0 : i32
      %dma_wait3A_135 = tpu.memref_slice %arg5[%mul3A_2, %dma_wait3A_134] : memref<2048x64xf32, #tpu.memory_space<hbm>> -> memref<64x64xf32, #tpu.memory_space<hbm>>
      %dma_wait3A_136 = arith.constant 0 : i32
      %dma_wait3A_137 = tpu.memref_slice %arg5[%mul3A_2, %dma_wait3A_136] : memref<2048x64xf32, #tpu.memory_space<hbm>> -> memref<64x64xf32, #tpu.memory_space<hbm>>
      tpu.wait_dma2 semaphore(%run_scoped3A : memref<!tpu.dma_semaphore, #tpu.memory_space<semaphore_mem>>) src(%arg10 : memref<64x64xf32, #tpu.memory_space<vmem>>) dst(%dma_wait3A_137 : memref<64x64xf32, #tpu.memory_space<hbm>>)
      tpu.yield
    }) : () -> ()
    "tpu.region"() ({
      %run_scoped3A = tpu.sem_alloc : memref<!tpu.dma_semaphore, #tpu.memory_space<semaphore_mem>>
      %dma_start3A_130 = arith.constant 0 : i32
      %dma_start3A_131 = tpu.memref_slice %arg6[%mul3A_2, %dma_start3A_130] : memref<2048x64xf32, #tpu.memory_space<hbm>> -> memref<64x64xf32, #tpu.memory_space<hbm>>
      %dma_start3A_132 = arith.constant 0 : i32
      %dma_start3A_133 = tpu.memref_slice %arg6[%mul3A_2, %dma_start3A_132] : memref<2048x64xf32, #tpu.memory_space<hbm>> -> memref<64x64xf32, #tpu.memory_space<hbm>>
      tpu.enqueue_dma source(%arg11 : memref<64x64xf32, #tpu.memory_space<vmem>>) target(%dma_start3A_133 : memref<64x64xf32, #tpu.memory_space<hbm>>) target_semaphore(%run_scoped3A : memref<!tpu.dma_semaphore, #tpu.memory_space<semaphore_mem>>)
      %dma_wait3A_134 = arith.constant 0 : i32
      %dma_wait3A_135 = tpu.memref_slice %arg6[%mul3A_2, %dma_wait3A_134] : memref<2048x64xf32, #tpu.memory_space<hbm>> -> memref<64x64xf32, #tpu.memory_space<hbm>>
      %dma_wait3A_136 = arith.constant 0 : i32
      %dma_wait3A_137 = tpu.memref_slice %arg6[%mul3A_2, %dma_wait3A_136] : memref<2048x64xf32, #tpu.memory_space<hbm>> -> memref<64x64xf32, #tpu.memory_space<hbm>>
      tpu.wait_dma2 semaphore(%run_scoped3A : memref<!tpu.dma_semaphore, #tpu.memory_space<semaphore_mem>>) src(%arg11 : memref<64x64xf32, #tpu.memory_space<vmem>>) dst(%dma_wait3A_137 : memref<64x64xf32, #tpu.memory_space<hbm>>)
      tpu.yield
    }) : () -> ()
    return
  }
}

module attributes {stable_mosaic.version = 14 : i64} {
  func.func @_topk_body(%arg0: i32, %arg1: memref<512x384xf32, #tpu.memory_space<vmem>>, %arg2: memref<2048x384xf32, #tpu.memory_space<vmem>>, %arg3: memref<2048x1xf32, #tpu.memory_space<vmem>>, %arg4: memref<2048x64xf32, #tpu.memory_space<vmem>>, %arg5: memref<512x16xf32, #tpu.memory_space<vmem>>, %arg6: memref<512x16xi32, #tpu.memory_space<vmem>>, %arg7: memref<2048x128xf32, #tpu.memory_space<vmem>>, %arg8: memref<2048x1xf32, #tpu.memory_space<vmem>>, %arg9: memref<2048x1xf32, #tpu.memory_space<vmem>>) attributes {dimension_semantics = [#tpu.dimension_semantics<arbitrary>], iteration_bounds = array<i64: 4>, scalar_prefetch = 0 : i64, scratch_operands = 2 : i64, tpu.core_type = #tpu.core_type<tc>, window_params = [{transform_indices = @transform_0, window_bounds = array<i64: 512, 384>}, {pipeline_mode = #tpu.pipeline_mode<synchronous>, transform_indices = @transform_1, window_bounds = array<i64: 2048, 384>}, {pipeline_mode = #tpu.pipeline_mode<synchronous>, transform_indices = @transform_2, window_bounds = array<i64: 2048, 1>}, {pipeline_mode = #tpu.pipeline_mode<synchronous>, transform_indices = @transform_3, window_bounds = array<i64: 2048, 64>}, {transform_indices = @transform_4, window_bounds = array<i64: 512, 16>}, {transform_indices = @transform_5, window_bounds = array<i64: 512, 16>}, {pipeline_mode = #tpu.pipeline_mode<synchronous>, transform_indices = @transform_6, window_bounds = array<i64: 2048, 128>}]} {
    %get3A = arith.constant 0 : index
    %get3A_0 = arith.constant 0 : index
    %get3A_1 = vector.load %arg1[%get3A, %get3A_0] : memref<512x384xf32, #tpu.memory_space<vmem>>, vector<512x384xf32>
    %get3A_2 = arith.constant 0 : index
    %get3A_3 = arith.constant 0 : index
    %get3A_4 = vector.load %arg2[%get3A_2, %get3A_3] : memref<2048x384xf32, #tpu.memory_space<vmem>>, vector<2048x384xf32>
    %mul3A = arith.mulf %get3A_1, %get3A_1 : vector<512x384xf32>
    %reduce_sum3A = arith.constant dense<0.000000e+00> : vector<512xf32>
    %reduce_sum3A_5 = vector.multi_reduction <add>, %mul3A, %reduce_sum3A [1] : vector<512x384xf32> to vector<512xf32>
    %broadcast_in_dim3A = vector.shape_cast %reduce_sum3A_5 : vector<512xf32> to vector<512x1xf32>
    %sqrt3A = math.sqrt %broadcast_in_dim3A : vector<512x1xf32>
    %max3A = arith.constant 9.99999996E-13 : f32
    %max3A_6 = vector.broadcast %max3A : f32 to vector<512x1xf32>
    %max3A_7 = arith.maximumf %sqrt3A, %max3A_6 : vector<512x1xf32>
    %div3A = arith.constant 1.000000e+00 : f32
    %div3A_8 = vector.broadcast %div3A : f32 to vector<512x1xf32>
    %div3A_9 = arith.divf %div3A_8, %max3A_7 : vector<512x1xf32>
    %mul3A_10 = vector.broadcast %div3A_9 : vector<512x1xf32> to vector<512x384xf32>
    %mul3A_11 = arith.mulf %get3A_1, %mul3A_10 : vector<512x384xf32>
    %mul3A_12 = arith.mulf %get3A_4, %get3A_4 : vector<2048x384xf32>
    %reduce_sum3A_13 = arith.constant dense<0.000000e+00> : vector<2048xf32>
    %reduce_sum3A_14 = vector.multi_reduction <add>, %mul3A_12, %reduce_sum3A_13 [1] : vector<2048x384xf32> to vector<2048xf32>
    %broadcast_in_dim3A_15 = vector.shape_cast %reduce_sum3A_14 : vector<2048xf32> to vector<2048x1xf32>
    %sqrt3A_16 = math.sqrt %broadcast_in_dim3A_15 : vector<2048x1xf32>
    %max3A_17 = arith.constant 9.99999996E-13 : f32
    %max3A_18 = vector.broadcast %max3A_17 : f32 to vector<2048x1xf32>
    %max3A_19 = arith.maximumf %sqrt3A_16, %max3A_18 : vector<2048x1xf32>
    %div3A_20 = arith.constant 1.000000e+00 : f32
    %div3A_21 = vector.broadcast %div3A_20 : f32 to vector<2048x1xf32>
    %div3A_22 = arith.divf %div3A_21, %max3A_19 : vector<2048x1xf32>
    %mul3A_23 = vector.broadcast %div3A_22 : vector<2048x1xf32> to vector<2048x384xf32>
    %mul3A_24 = arith.mulf %get3A_4, %mul3A_23 : vector<2048x384xf32>
    %dot_general3A = arith.constant dense<0.000000e+00> : vector<512x2048xf32>
    %dot_general3A_25 = tpu.matmul %mul3A_11, %mul3A_24, %dot_general3A {dimension_numbers = #tpu.dot_dimension_numbers<[1], [1], [0], [0], [0, 0, 1, 0], [], []>, transpose_lhs_hint = false} : vector<512x384xf32>, vector<2048x384xf32>, vector<512x2048xf32> -> vector<512x2048xf32>
    %iota3A = tpu.iota {dimensions = array<i32: 1>} : vector<512x2048xi32>
    %iota3A_26 = tpu.iota {dimensions = array<i32: 0>} : vector<512x2048xi32>
    %mul3A_27 = arith.constant 512 : i32
    %mul3A_28 = arith.muli %arg0, %mul3A_27 : i32
    %add3A = vector.broadcast %mul3A_28 : i32 to vector<512x2048xi32>
    %add3A_29 = arith.addi %iota3A_26, %add3A : vector<512x2048xi32>
    %max3A_30 = arith.constant 0.000000e+00 : f32
    %max3A_31 = vector.broadcast %max3A_30 : f32 to vector<512x2048xf32>
    %max3A_32 = arith.maximumf %dot_general3A_25, %max3A_31 : vector<512x2048xf32>
    %eq3A = arith.cmpi eq, %iota3A, %add3A_29 : vector<512x2048xi32>
    %jit3A = arith.constant 0.000000e+00 : f32
    %broadcast_in_dim3A_33 = vector.broadcast %jit3A : f32 to vector<512x2048xf32>
    %select_n3A = arith.select %eq3A, %broadcast_in_dim3A_33, %max3A_32 : vector<512x2048xi1>, vector<512x2048xf32>
    %sub3A = arith.constant 2047 : i32
    %sub3A_34 = vector.broadcast %sub3A : i32 to vector<512x2048xi32>
    %sub3A_35 = arith.subi %sub3A_34, %iota3A : vector<512x2048xi32>
    %reduce_max3A = arith.constant dense<0xFF800000> : vector<512xf32>
    %reduce_max3A_36 = vector.multi_reduction <maximumf>, %select_n3A, %reduce_max3A [1] : vector<512x2048xf32> to vector<512xf32>
    %broadcast_in_dim3A_37 = vector.shape_cast %reduce_max3A_36 : vector<512xf32> to vector<512x1xf32>
    %eq3A_38 = vector.broadcast %broadcast_in_dim3A_37 : vector<512x1xf32> to vector<512x2048xf32>
    %eq3A_39 = arith.cmpf oeq, %select_n3A, %eq3A_38 : vector<512x2048xf32>
    %jit3A_40 = arith.constant -1 : i32
    %broadcast_in_dim3A_41 = vector.broadcast %jit3A_40 : i32 to vector<512x2048xi32>
    %select_n3A_42 = arith.select %eq3A_39, %sub3A_35, %broadcast_in_dim3A_41 : vector<512x2048xi1>, vector<512x2048xi32>
    %reduce_max3A_43 = arith.constant dense<-2147483648> : vector<512xi32>
    %reduce_max3A_44 = vector.multi_reduction <maxsi>, %select_n3A_42, %reduce_max3A_43 [1] : vector<512x2048xi32> to vector<512xi32>
    %broadcast_in_dim3A_45 = vector.shape_cast %reduce_max3A_44 : vector<512xi32> to vector<512x1xi32>
    %sub3A_46 = arith.constant 2047 : i32
    %sub3A_47 = vector.broadcast %sub3A_46 : i32 to vector<512x1xi32>
    %sub3A_48 = arith.subi %sub3A_47, %broadcast_in_dim3A_45 : vector<512x1xi32>
    %eq3A_49 = vector.broadcast %broadcast_in_dim3A_45 : vector<512x1xi32> to vector<512x2048xi32>
    %eq3A_50 = arith.cmpi eq, %sub3A_35, %eq3A_49 : vector<512x2048xi32>
    %jit3A_51 = arith.constant -1.000000e+00 : f32
    %broadcast_in_dim3A_52 = vector.broadcast %jit3A_51 : f32 to vector<512x2048xf32>
    %select_n3A_53 = arith.select %eq3A_50, %broadcast_in_dim3A_52, %select_n3A : vector<512x2048xi1>, vector<512x2048xf32>
    %reduce_max3A_54 = arith.constant dense<0xFF800000> : vector<512xf32>
    %reduce_max3A_55 = vector.multi_reduction <maximumf>, %select_n3A_53, %reduce_max3A_54 [1] : vector<512x2048xf32> to vector<512xf32>
    %broadcast_in_dim3A_56 = vector.shape_cast %reduce_max3A_55 : vector<512xf32> to vector<512x1xf32>
    %eq3A_57 = vector.broadcast %broadcast_in_dim3A_56 : vector<512x1xf32> to vector<512x2048xf32>
    %eq3A_58 = arith.cmpf oeq, %select_n3A_53, %eq3A_57 : vector<512x2048xf32>
    %jit3A_59 = arith.constant -1 : i32
    %broadcast_in_dim3A_60 = vector.broadcast %jit3A_59 : i32 to vector<512x2048xi32>
    %select_n3A_61 = arith.select %eq3A_58, %sub3A_35, %broadcast_in_dim3A_60 : vector<512x2048xi1>, vector<512x2048xi32>
    %reduce_max3A_62 = arith.constant dense<-2147483648> : vector<512xi32>
    %reduce_max3A_63 = vector.multi_reduction <maxsi>, %select_n3A_61, %reduce_max3A_62 [1] : vector<512x2048xi32> to vector<512xi32>
    %broadcast_in_dim3A_64 = vector.shape_cast %reduce_max3A_63 : vector<512xi32> to vector<512x1xi32>
    %sub3A_65 = arith.constant 2047 : i32
    %sub3A_66 = vector.broadcast %sub3A_65 : i32 to vector<512x1xi32>
    %sub3A_67 = arith.subi %sub3A_66, %broadcast_in_dim3A_64 : vector<512x1xi32>
    %eq3A_68 = vector.broadcast %broadcast_in_dim3A_64 : vector<512x1xi32> to vector<512x2048xi32>
    %eq3A_69 = arith.cmpi eq, %sub3A_35, %eq3A_68 : vector<512x2048xi32>
    %jit3A_70 = arith.constant -1.000000e+00 : f32
    %broadcast_in_dim3A_71 = vector.broadcast %jit3A_70 : f32 to vector<512x2048xf32>
    %select_n3A_72 = arith.select %eq3A_69, %broadcast_in_dim3A_71, %select_n3A_53 : vector<512x2048xi1>, vector<512x2048xf32>
    %reduce_max3A_73 = arith.constant dense<0xFF800000> : vector<512xf32>
    %reduce_max3A_74 = vector.multi_reduction <maximumf>, %select_n3A_72, %reduce_max3A_73 [1] : vector<512x2048xf32> to vector<512xf32>
    %broadcast_in_dim3A_75 = vector.shape_cast %reduce_max3A_74 : vector<512xf32> to vector<512x1xf32>
    %eq3A_76 = vector.broadcast %broadcast_in_dim3A_75 : vector<512x1xf32> to vector<512x2048xf32>
    %eq3A_77 = arith.cmpf oeq, %select_n3A_72, %eq3A_76 : vector<512x2048xf32>
    %jit3A_78 = arith.constant -1 : i32
    %broadcast_in_dim3A_79 = vector.broadcast %jit3A_78 : i32 to vector<512x2048xi32>
    %select_n3A_80 = arith.select %eq3A_77, %sub3A_35, %broadcast_in_dim3A_79 : vector<512x2048xi1>, vector<512x2048xi32>
    %reduce_max3A_81 = arith.constant dense<-2147483648> : vector<512xi32>
    %reduce_max3A_82 = vector.multi_reduction <maxsi>, %select_n3A_80, %reduce_max3A_81 [1] : vector<512x2048xi32> to vector<512xi32>
    %broadcast_in_dim3A_83 = vector.shape_cast %reduce_max3A_82 : vector<512xi32> to vector<512x1xi32>
    %sub3A_84 = arith.constant 2047 : i32
    %sub3A_85 = vector.broadcast %sub3A_84 : i32 to vector<512x1xi32>
    %sub3A_86 = arith.subi %sub3A_85, %broadcast_in_dim3A_83 : vector<512x1xi32>
    %eq3A_87 = vector.broadcast %broadcast_in_dim3A_83 : vector<512x1xi32> to vector<512x2048xi32>
    %eq3A_88 = arith.cmpi eq, %sub3A_35, %eq3A_87 : vector<512x2048xi32>
    %jit3A_89 = arith.constant -1.000000e+00 : f32
    %broadcast_in_dim3A_90 = vector.broadcast %jit3A_89 : f32 to vector<512x2048xf32>
    %select_n3A_91 = arith.select %eq3A_88, %broadcast_in_dim3A_90, %select_n3A_72 : vector<512x2048xi1>, vector<512x2048xf32>
    %reduce_max3A_92 = arith.constant dense<0xFF800000> : vector<512xf32>
    %reduce_max3A_93 = vector.multi_reduction <maximumf>, %select_n3A_91, %reduce_max3A_92 [1] : vector<512x2048xf32> to vector<512xf32>
    %broadcast_in_dim3A_94 = vector.shape_cast %reduce_max3A_93 : vector<512xf32> to vector<512x1xf32>
    %eq3A_95 = vector.broadcast %broadcast_in_dim3A_94 : vector<512x1xf32> to vector<512x2048xf32>
    %eq3A_96 = arith.cmpf oeq, %select_n3A_91, %eq3A_95 : vector<512x2048xf32>
    %jit3A_97 = arith.constant -1 : i32
    %broadcast_in_dim3A_98 = vector.broadcast %jit3A_97 : i32 to vector<512x2048xi32>
    %select_n3A_99 = arith.select %eq3A_96, %sub3A_35, %broadcast_in_dim3A_98 : vector<512x2048xi1>, vector<512x2048xi32>
    %reduce_max3A_100 = arith.constant dense<-2147483648> : vector<512xi32>
    %reduce_max3A_101 = vector.multi_reduction <maxsi>, %select_n3A_99, %reduce_max3A_100 [1] : vector<512x2048xi32> to vector<512xi32>
    %broadcast_in_dim3A_102 = vector.shape_cast %reduce_max3A_101 : vector<512xi32> to vector<512x1xi32>
    %sub3A_103 = arith.constant 2047 : i32
    %sub3A_104 = vector.broadcast %sub3A_103 : i32 to vector<512x1xi32>
    %sub3A_105 = arith.subi %sub3A_104, %broadcast_in_dim3A_102 : vector<512x1xi32>
    %eq3A_106 = vector.broadcast %broadcast_in_dim3A_102 : vector<512x1xi32> to vector<512x2048xi32>
    %eq3A_107 = arith.cmpi eq, %sub3A_35, %eq3A_106 : vector<512x2048xi32>
    %jit3A_108 = arith.constant -1.000000e+00 : f32
    %broadcast_in_dim3A_109 = vector.broadcast %jit3A_108 : f32 to vector<512x2048xf32>
    %select_n3A_110 = arith.select %eq3A_107, %broadcast_in_dim3A_109, %select_n3A_91 : vector<512x2048xi1>, vector<512x2048xf32>
    %reduce_max3A_111 = arith.constant dense<0xFF800000> : vector<512xf32>
    %reduce_max3A_112 = vector.multi_reduction <maximumf>, %select_n3A_110, %reduce_max3A_111 [1] : vector<512x2048xf32> to vector<512xf32>
    %broadcast_in_dim3A_113 = vector.shape_cast %reduce_max3A_112 : vector<512xf32> to vector<512x1xf32>
    %eq3A_114 = vector.broadcast %broadcast_in_dim3A_113 : vector<512x1xf32> to vector<512x2048xf32>
    %eq3A_115 = arith.cmpf oeq, %select_n3A_110, %eq3A_114 : vector<512x2048xf32>
    %jit3A_116 = arith.constant -1 : i32
    %broadcast_in_dim3A_117 = vector.broadcast %jit3A_116 : i32 to vector<512x2048xi32>
    %select_n3A_118 = arith.select %eq3A_115, %sub3A_35, %broadcast_in_dim3A_117 : vector<512x2048xi1>, vector<512x2048xi32>
    %reduce_max3A_119 = arith.constant dense<-2147483648> : vector<512xi32>
    %reduce_max3A_120 = vector.multi_reduction <maxsi>, %select_n3A_118, %reduce_max3A_119 [1] : vector<512x2048xi32> to vector<512xi32>
    %broadcast_in_dim3A_121 = vector.shape_cast %reduce_max3A_120 : vector<512xi32> to vector<512x1xi32>
    %sub3A_122 = arith.constant 2047 : i32
    %sub3A_123 = vector.broadcast %sub3A_122 : i32 to vector<512x1xi32>
    %sub3A_124 = arith.subi %sub3A_123, %broadcast_in_dim3A_121 : vector<512x1xi32>
    %eq3A_125 = vector.broadcast %broadcast_in_dim3A_121 : vector<512x1xi32> to vector<512x2048xi32>
    %eq3A_126 = arith.cmpi eq, %sub3A_35, %eq3A_125 : vector<512x2048xi32>
    %jit3A_127 = arith.constant -1.000000e+00 : f32
    %broadcast_in_dim3A_128 = vector.broadcast %jit3A_127 : f32 to vector<512x2048xf32>
    %select_n3A_129 = arith.select %eq3A_126, %broadcast_in_dim3A_128, %select_n3A_110 : vector<512x2048xi1>, vector<512x2048xf32>
    %reduce_max3A_130 = arith.constant dense<0xFF800000> : vector<512xf32>
    %reduce_max3A_131 = vector.multi_reduction <maximumf>, %select_n3A_129, %reduce_max3A_130 [1] : vector<512x2048xf32> to vector<512xf32>
    %broadcast_in_dim3A_132 = vector.shape_cast %reduce_max3A_131 : vector<512xf32> to vector<512x1xf32>
    %eq3A_133 = vector.broadcast %broadcast_in_dim3A_132 : vector<512x1xf32> to vector<512x2048xf32>
    %eq3A_134 = arith.cmpf oeq, %select_n3A_129, %eq3A_133 : vector<512x2048xf32>
    %jit3A_135 = arith.constant -1 : i32
    %broadcast_in_dim3A_136 = vector.broadcast %jit3A_135 : i32 to vector<512x2048xi32>
    %select_n3A_137 = arith.select %eq3A_134, %sub3A_35, %broadcast_in_dim3A_136 : vector<512x2048xi1>, vector<512x2048xi32>
    %reduce_max3A_138 = arith.constant dense<-2147483648> : vector<512xi32>
    %reduce_max3A_139 = vector.multi_reduction <maxsi>, %select_n3A_137, %reduce_max3A_138 [1] : vector<512x2048xi32> to vector<512xi32>
    %broadcast_in_dim3A_140 = vector.shape_cast %reduce_max3A_139 : vector<512xi32> to vector<512x1xi32>
    %sub3A_141 = arith.constant 2047 : i32
    %sub3A_142 = vector.broadcast %sub3A_141 : i32 to vector<512x1xi32>
    %sub3A_143 = arith.subi %sub3A_142, %broadcast_in_dim3A_140 : vector<512x1xi32>
    %eq3A_144 = vector.broadcast %broadcast_in_dim3A_140 : vector<512x1xi32> to vector<512x2048xi32>
    %eq3A_145 = arith.cmpi eq, %sub3A_35, %eq3A_144 : vector<512x2048xi32>
    %jit3A_146 = arith.constant -1.000000e+00 : f32
    %broadcast_in_dim3A_147 = vector.broadcast %jit3A_146 : f32 to vector<512x2048xf32>
    %select_n3A_148 = arith.select %eq3A_145, %broadcast_in_dim3A_147, %select_n3A_129 : vector<512x2048xi1>, vector<512x2048xf32>
    %reduce_max3A_149 = arith.constant dense<0xFF800000> : vector<512xf32>
    %reduce_max3A_150 = vector.multi_reduction <maximumf>, %select_n3A_148, %reduce_max3A_149 [1] : vector<512x2048xf32> to vector<512xf32>
    %broadcast_in_dim3A_151 = vector.shape_cast %reduce_max3A_150 : vector<512xf32> to vector<512x1xf32>
    %eq3A_152 = vector.broadcast %broadcast_in_dim3A_151 : vector<512x1xf32> to vector<512x2048xf32>
    %eq3A_153 = arith.cmpf oeq, %select_n3A_148, %eq3A_152 : vector<512x2048xf32>
    %jit3A_154 = arith.constant -1 : i32
    %broadcast_in_dim3A_155 = vector.broadcast %jit3A_154 : i32 to vector<512x2048xi32>
    %select_n3A_156 = arith.select %eq3A_153, %sub3A_35, %broadcast_in_dim3A_155 : vector<512x2048xi1>, vector<512x2048xi32>
    %reduce_max3A_157 = arith.constant dense<-2147483648> : vector<512xi32>
    %reduce_max3A_158 = vector.multi_reduction <maxsi>, %select_n3A_156, %reduce_max3A_157 [1] : vector<512x2048xi32> to vector<512xi32>
    %broadcast_in_dim3A_159 = vector.shape_cast %reduce_max3A_158 : vector<512xi32> to vector<512x1xi32>
    %sub3A_160 = arith.constant 2047 : i32
    %sub3A_161 = vector.broadcast %sub3A_160 : i32 to vector<512x1xi32>
    %sub3A_162 = arith.subi %sub3A_161, %broadcast_in_dim3A_159 : vector<512x1xi32>
    %eq3A_163 = vector.broadcast %broadcast_in_dim3A_159 : vector<512x1xi32> to vector<512x2048xi32>
    %eq3A_164 = arith.cmpi eq, %sub3A_35, %eq3A_163 : vector<512x2048xi32>
    %jit3A_165 = arith.constant -1.000000e+00 : f32
    %broadcast_in_dim3A_166 = vector.broadcast %jit3A_165 : f32 to vector<512x2048xf32>
    %select_n3A_167 = arith.select %eq3A_164, %broadcast_in_dim3A_166, %select_n3A_148 : vector<512x2048xi1>, vector<512x2048xf32>
    %reduce_max3A_168 = arith.constant dense<0xFF800000> : vector<512xf32>
    %reduce_max3A_169 = vector.multi_reduction <maximumf>, %select_n3A_167, %reduce_max3A_168 [1] : vector<512x2048xf32> to vector<512xf32>
    %broadcast_in_dim3A_170 = vector.shape_cast %reduce_max3A_169 : vector<512xf32> to vector<512x1xf32>
    %eq3A_171 = vector.broadcast %broadcast_in_dim3A_170 : vector<512x1xf32> to vector<512x2048xf32>
    %eq3A_172 = arith.cmpf oeq, %select_n3A_167, %eq3A_171 : vector<512x2048xf32>
    %jit3A_173 = arith.constant -1 : i32
    %broadcast_in_dim3A_174 = vector.broadcast %jit3A_173 : i32 to vector<512x2048xi32>
    %select_n3A_175 = arith.select %eq3A_172, %sub3A_35, %broadcast_in_dim3A_174 : vector<512x2048xi1>, vector<512x2048xi32>
    %reduce_max3A_176 = arith.constant dense<-2147483648> : vector<512xi32>
    %reduce_max3A_177 = vector.multi_reduction <maxsi>, %select_n3A_175, %reduce_max3A_176 [1] : vector<512x2048xi32> to vector<512xi32>
    %broadcast_in_dim3A_178 = vector.shape_cast %reduce_max3A_177 : vector<512xi32> to vector<512x1xi32>
    %sub3A_179 = arith.constant 2047 : i32
    %sub3A_180 = vector.broadcast %sub3A_179 : i32 to vector<512x1xi32>
    %sub3A_181 = arith.subi %sub3A_180, %broadcast_in_dim3A_178 : vector<512x1xi32>
    %eq3A_182 = vector.broadcast %broadcast_in_dim3A_178 : vector<512x1xi32> to vector<512x2048xi32>
    %eq3A_183 = arith.cmpi eq, %sub3A_35, %eq3A_182 : vector<512x2048xi32>
    %jit3A_184 = arith.constant -1.000000e+00 : f32
    %broadcast_in_dim3A_185 = vector.broadcast %jit3A_184 : f32 to vector<512x2048xf32>
    %select_n3A_186 = arith.select %eq3A_183, %broadcast_in_dim3A_185, %select_n3A_167 : vector<512x2048xi1>, vector<512x2048xf32>
    %reduce_max3A_187 = arith.constant dense<0xFF800000> : vector<512xf32>
    %reduce_max3A_188 = vector.multi_reduction <maximumf>, %select_n3A_186, %reduce_max3A_187 [1] : vector<512x2048xf32> to vector<512xf32>
    %broadcast_in_dim3A_189 = vector.shape_cast %reduce_max3A_188 : vector<512xf32> to vector<512x1xf32>
    %eq3A_190 = vector.broadcast %broadcast_in_dim3A_189 : vector<512x1xf32> to vector<512x2048xf32>
    %eq3A_191 = arith.cmpf oeq, %select_n3A_186, %eq3A_190 : vector<512x2048xf32>
    %jit3A_192 = arith.constant -1 : i32
    %broadcast_in_dim3A_193 = vector.broadcast %jit3A_192 : i32 to vector<512x2048xi32>
    %select_n3A_194 = arith.select %eq3A_191, %sub3A_35, %broadcast_in_dim3A_193 : vector<512x2048xi1>, vector<512x2048xi32>
    %reduce_max3A_195 = arith.constant dense<-2147483648> : vector<512xi32>
    %reduce_max3A_196 = vector.multi_reduction <maxsi>, %select_n3A_194, %reduce_max3A_195 [1] : vector<512x2048xi32> to vector<512xi32>
    %broadcast_in_dim3A_197 = vector.shape_cast %reduce_max3A_196 : vector<512xi32> to vector<512x1xi32>
    %sub3A_198 = arith.constant 2047 : i32
    %sub3A_199 = vector.broadcast %sub3A_198 : i32 to vector<512x1xi32>
    %sub3A_200 = arith.subi %sub3A_199, %broadcast_in_dim3A_197 : vector<512x1xi32>
    %eq3A_201 = vector.broadcast %broadcast_in_dim3A_197 : vector<512x1xi32> to vector<512x2048xi32>
    %eq3A_202 = arith.cmpi eq, %sub3A_35, %eq3A_201 : vector<512x2048xi32>
    %jit3A_203 = arith.constant -1.000000e+00 : f32
    %broadcast_in_dim3A_204 = vector.broadcast %jit3A_203 : f32 to vector<512x2048xf32>
    %select_n3A_205 = arith.select %eq3A_202, %broadcast_in_dim3A_204, %select_n3A_186 : vector<512x2048xi1>, vector<512x2048xf32>
    %reduce_max3A_206 = arith.constant dense<0xFF800000> : vector<512xf32>
    %reduce_max3A_207 = vector.multi_reduction <maximumf>, %select_n3A_205, %reduce_max3A_206 [1] : vector<512x2048xf32> to vector<512xf32>
    %broadcast_in_dim3A_208 = vector.shape_cast %reduce_max3A_207 : vector<512xf32> to vector<512x1xf32>
    %eq3A_209 = vector.broadcast %broadcast_in_dim3A_208 : vector<512x1xf32> to vector<512x2048xf32>
    %eq3A_210 = arith.cmpf oeq, %select_n3A_205, %eq3A_209 : vector<512x2048xf32>
    %jit3A_211 = arith.constant -1 : i32
    %broadcast_in_dim3A_212 = vector.broadcast %jit3A_211 : i32 to vector<512x2048xi32>
    %select_n3A_213 = arith.select %eq3A_210, %sub3A_35, %broadcast_in_dim3A_212 : vector<512x2048xi1>, vector<512x2048xi32>
    %reduce_max3A_214 = arith.constant dense<-2147483648> : vector<512xi32>
    %reduce_max3A_215 = vector.multi_reduction <maxsi>, %select_n3A_213, %reduce_max3A_214 [1] : vector<512x2048xi32> to vector<512xi32>
    %broadcast_in_dim3A_216 = vector.shape_cast %reduce_max3A_215 : vector<512xi32> to vector<512x1xi32>
    %sub3A_217 = arith.constant 2047 : i32
    %sub3A_218 = vector.broadcast %sub3A_217 : i32 to vector<512x1xi32>
    %sub3A_219 = arith.subi %sub3A_218, %broadcast_in_dim3A_216 : vector<512x1xi32>
    %eq3A_220 = vector.broadcast %broadcast_in_dim3A_216 : vector<512x1xi32> to vector<512x2048xi32>
    %eq3A_221 = arith.cmpi eq, %sub3A_35, %eq3A_220 : vector<512x2048xi32>
    %jit3A_222 = arith.constant -1.000000e+00 : f32
    %broadcast_in_dim3A_223 = vector.broadcast %jit3A_222 : f32 to vector<512x2048xf32>
    %select_n3A_224 = arith.select %eq3A_221, %broadcast_in_dim3A_223, %select_n3A_205 : vector<512x2048xi1>, vector<512x2048xf32>
    %eq3A_225 = arith.constant -1.000000e+00 : f32
    %eq3A_226 = vector.broadcast %eq3A_225 : f32 to vector<512x2048xf32>
    %eq3A_227 = arith.cmpf oeq, %select_n3A_224, %eq3A_226 : vector<512x2048xf32>
    %jit3A_228 = arith.constant 0.000000e+00 : f32
    %broadcast_in_dim3A_229 = vector.broadcast %jit3A_228 : f32 to vector<512x2048xf32>
    %select_n3A_230 = arith.select %eq3A_227, %select_n3A, %broadcast_in_dim3A_229 : vector<512x2048xi1>, vector<512x2048xf32>
    %broadcast_in_dim3A_231 = arith.constant 1.000000e+00 : f32
    %broadcast_in_dim3A_232 = vector.broadcast %broadcast_in_dim3A_231 : f32 to vector<512x1xf32>
    %dot_general3A_233 = arith.constant dense<0.000000e+00> : vector<2048x1xf32>
    %dot_general3A_234 = tpu.matmul %select_n3A_230, %broadcast_in_dim3A_232, %dot_general3A_233 {dimension_numbers = #tpu.dot_dimension_numbers<[0], [0], [1], [1], [0, 1, 1, 1], [], []>, transpose_lhs_hint = false} : vector<512x2048xf32>, vector<512x1xf32>, vector<2048x1xf32> -> vector<2048x1xf32>
    %iota3A_235 = tpu.iota {dimensions = array<i32: 0>} : vector<512x1xi32>
    %mul3A_236 = arith.constant 512 : i32
    %mul3A_237 = arith.muli %arg0, %mul3A_236 : i32
    %add3A_238 = vector.broadcast %mul3A_237 : i32 to vector<512x1xi32>
    %add3A_239 = arith.addi %iota3A_235, %add3A_238 : vector<512x1xi32>
    %broadcast_in_dim3A_240 = arith.constant 0.000000e+00 : f32
    %broadcast_in_dim3A_241 = vector.broadcast %broadcast_in_dim3A_240 : f32 to vector<512x6xf32>
    %concatenate3A = tpu.concatenate %broadcast_in_dim3A_37, %broadcast_in_dim3A_56, %broadcast_in_dim3A_75, %broadcast_in_dim3A_94, %broadcast_in_dim3A_113, %broadcast_in_dim3A_132, %broadcast_in_dim3A_151, %broadcast_in_dim3A_170, %broadcast_in_dim3A_189, %broadcast_in_dim3A_208, %broadcast_in_dim3A_241 in 1 : vector<512x1xf32>, vector<512x1xf32>, vector<512x1xf32>, vector<512x1xf32>, vector<512x1xf32>, vector<512x1xf32>, vector<512x1xf32>, vector<512x1xf32>, vector<512x1xf32>, vector<512x1xf32>, vector<512x6xf32> -> vector<512x16xf32>
    %swap3A = arith.constant 0 : index
    %swap3A_242 = arith.constant 0 : index
    %swap3A_243 = vector.load %arg5[%swap3A, %swap3A_242] : memref<512x16xf32, #tpu.memory_space<vmem>>, vector<512x16xf32>
    tpu.vector_store %arg5[%swap3A, %swap3A_242], %concatenate3A {strides = array<i32>} : memref<512x16xf32, #tpu.memory_space<vmem>>, vector<512x16xf32>,
    %concatenate3A_244 = tpu.concatenate %sub3A_48, %sub3A_67, %sub3A_86, %sub3A_105, %sub3A_124, %sub3A_143, %sub3A_162, %sub3A_181, %sub3A_200, %sub3A_219, %add3A_239, %add3A_239, %add3A_239, %add3A_239, %add3A_239, %add3A_239 in 1 : vector<512x1xi32>, vector<512x1xi32>, vector<512x1xi32>, vector<512x1xi32>, vector<512x1xi32>, vector<512x1xi32>, vector<512x1xi32>, vector<512x1xi32>, vector<512x1xi32>, vector<512x1xi32>, vector<512x1xi32>, vector<512x1xi32>, vector<512x1xi32>, vector<512x1xi32>, vector<512x1xi32>, vector<512x1xi32> -> vector<512x16xi32>
    %swap3A_245 = arith.constant 0 : index
    %swap3A_246 = arith.constant 0 : index
    %swap3A_247 = vector.load %arg6[%swap3A_245, %swap3A_246] : memref<512x16xi32, #tpu.memory_space<vmem>>, vector<512x16xi32>
    tpu.vector_store %arg6[%swap3A_245, %swap3A_246], %concatenate3A_244 {strides = array<i32>} : memref<512x16xi32, #tpu.memory_space<vmem>>, vector<512x16xi32>,
    %reduce_sum3A_248 = arith.constant dense<0.000000e+00> : vector<512xf32>
    %reduce_sum3A_249 = vector.multi_reduction <add>, %concatenate3A, %reduce_sum3A_248 [1] : vector<512x16xf32> to vector<512xf32>
    %broadcast_in_dim3A_250 = vector.shape_cast %reduce_sum3A_249 : vector<512xf32> to vector<512x1xf32>
    %mul3A_251 = arith.constant 512 : i32
    %mul3A_252 = arith.muli %arg0, %mul3A_251 : i32
    %swap3A_253 = arith.index_cast %mul3A_252 : i32 to index
    %swap3A_254 = arith.constant 0 : index
    %swap3A_255 = vector.load %arg8[%swap3A_253, %swap3A_254] : memref<2048x1xf32, #tpu.memory_space<vmem>>, vector<512x1xf32>
    tpu.vector_store %arg8[%swap3A_253, %swap3A_254], %broadcast_in_dim3A_250 {strides = array<i32>} : memref<2048x1xf32, #tpu.memory_space<vmem>>, vector<512x1xf32>,
    %eq3A_256 = arith.constant 0 : i32
    %eq3A_257 = arith.cmpi eq, %arg0, %eq3A_256 : i32
    %convert_element_type3A = arith.extui %eq3A_257 : i1 to i32
    %cond3A = arith.constant 0 : i32
    %cond3A_258 = arith.cmpi ne, %convert_element_type3A, %cond3A : i32
    scf.if %cond3A_258 {
      %swap3A_268 = arith.constant 0 : index
      %swap3A_269 = arith.constant 0 : index
      %swap3A_270 = vector.load %arg9[%swap3A_268, %swap3A_269] : memref<2048x1xf32, #tpu.memory_space<vmem>>, vector<2048x1xf32>
      tpu.vector_store %arg9[%swap3A_268, %swap3A_269], %dot_general3A_234 {strides = array<i32>} : memref<2048x1xf32, #tpu.memory_space<vmem>>, vector<2048x1xf32>,
    } else {
    }
    %gt3A = arith.constant 0 : i32
    %gt3A_259 = arith.cmpi sgt, %arg0, %gt3A : i32
    %convert_element_type3A_260 = arith.extui %gt3A_259 : i1 to i32
    %cond3A_261 = arith.constant 0 : i32
    %cond3A_262 = arith.cmpi ne, %convert_element_type3A_260, %cond3A_261 : i32
    scf.if %cond3A_262 {
      %get3A_268 = arith.constant 0 : index
      %get3A_269 = arith.constant 0 : index
      %get3A_270 = vector.load %arg9[%get3A_268, %get3A_269] : memref<2048x1xf32, #tpu.memory_space<vmem>>, vector<2048x1xf32>
      %add3A_271 = arith.addf %get3A_270, %dot_general3A_234 : vector<2048x1xf32>
      %swap3A_272 = arith.constant 0 : index
      %swap3A_273 = arith.constant 0 : index
      %swap3A_274 = vector.load %arg9[%swap3A_272, %swap3A_273] : memref<2048x1xf32, #tpu.memory_space<vmem>>, vector<2048x1xf32>
      tpu.vector_store %arg9[%swap3A_272, %swap3A_273], %add3A_271 {strides = array<i32>} : memref<2048x1xf32, #tpu.memory_space<vmem>>, vector<2048x1xf32>,
    } else {
    }
    %eq3A_263 = arith.constant 3 : i32
    %eq3A_264 = arith.cmpi eq, %arg0, %eq3A_263 : i32
    %convert_element_type3A_265 = arith.extui %eq3A_264 : i1 to i32
    %cond3A_266 = arith.constant 0 : i32
    %cond3A_267 = arith.cmpi ne, %convert_element_type3A_265, %cond3A_266 : i32
    scf.if %cond3A_267 {
      %get3A_268 = arith.constant 0 : index
      %get3A_269 = arith.constant 0 : index
      %get3A_270 = vector.load %arg8[%get3A_268, %get3A_269] : memref<2048x1xf32, #tpu.memory_space<vmem>>, vector<2048x1xf32>
      %get3A_271 = arith.constant 0 : index
      %get3A_272 = arith.constant 0 : index
      %get3A_273 = vector.load %arg9[%get3A_271, %get3A_272] : memref<2048x1xf32, #tpu.memory_space<vmem>>, vector<2048x1xf32>
      %add3A_274 = arith.addf %get3A_270, %get3A_273 : vector<2048x1xf32>
      %mul3A_275 = arith.constant 5.000000e-01 : f32
      %mul3A_276 = vector.broadcast %mul3A_275 : f32 to vector<2048x1xf32>
      %mul3A_277 = arith.mulf %mul3A_276, %add3A_274 : vector<2048x1xf32>
      %sqrt3A_278 = math.sqrt %mul3A_277 : vector<2048x1xf32>
      %div3A_279 = arith.constant 1.000000e+00 : f32
      %div3A_280 = vector.broadcast %div3A_279 : f32 to vector<2048x1xf32>
      %div3A_281 = arith.divf %div3A_280, %sqrt3A_278 : vector<2048x1xf32>
      %get3A_282 = arith.constant 0 : index
      %get3A_283 = arith.constant 0 : index
      %get3A_284 = vector.load %arg3[%get3A_282, %get3A_283] : memref<2048x1xf32, #tpu.memory_space<vmem>>, vector<2048x1xf32>
      %mul3A_285 = arith.constant 0.0698771253 : f32
      %mul3A_286 = vector.broadcast %mul3A_285 : f32 to vector<2048x1xf32>
      %mul3A_287 = arith.mulf %mul3A_286, %get3A_284 : vector<2048x1xf32>
      %mul3A_288 = arith.mulf %mul3A_287, %div3A_281 : vector<2048x1xf32>
      %mul3A_289 = arith.constant 0.0698771253 : f32
      %mul3A_290 = vector.broadcast %mul3A_289 : f32 to vector<2048x1xf32>
      %mul3A_291 = arith.mulf %mul3A_290, %div3A_281 : vector<2048x1xf32>
      %sub3A_292 = arith.subf %mul3A_291, %mul3A_288 : vector<2048x1xf32>
      %get3A_293 = arith.constant 0 : index
      %get3A_294 = arith.constant 0 : index
      %get3A_295 = vector.load %arg4[%get3A_293, %get3A_294] : memref<2048x64xf32, #tpu.memory_space<vmem>>, vector<2048x64xf32>
      %mul3A_296 = vector.broadcast %mul3A_288 : vector<2048x1xf32> to vector<2048x64xf32>
      %mul3A_297 = arith.mulf %get3A_295, %mul3A_296 : vector<2048x64xf32>
      %mul3A_298 = vector.broadcast %sub3A_292 : vector<2048x1xf32> to vector<2048x64xf32>
      %mul3A_299 = arith.mulf %get3A_295, %mul3A_298 : vector<2048x64xf32>
      %concatenate3A_300 = tpu.concatenate %mul3A_297, %mul3A_299 in 1 : vector<2048x64xf32>, vector<2048x64xf32> -> vector<2048x128xf32>
      %swap3A_301 = arith.constant 0 : index
      %swap3A_302 = arith.constant 0 : index
      %swap3A_303 = vector.load %arg7[%swap3A_301, %swap3A_302] : memref<2048x128xf32, #tpu.memory_space<vmem>>, vector<2048x128xf32>
      tpu.vector_store %arg7[%swap3A_301, %swap3A_302], %concatenate3A_300 {strides = array<i32>} : memref<2048x128xf32, #tpu.memory_space<vmem>>, vector<2048x128xf32>,
    } else {
    }
    return
  }
  func.func @transform_0(%arg0: i32) -> (i32, i32) {
    %c0_i32 = arith.constant 0 : i32
    %c0_i32_0 = arith.constant 0 : i32
    return %arg0, %c0_i32 : i32, i32
  }
  func.func @transform_1(%arg0: i32) -> (i32, i32) {
    %c0_i32 = arith.constant 0 : i32
    %c0_i32_0 = arith.constant 0 : i32
    %c0_i32_1 = arith.constant 0 : i32
    return %c0_i32, %c0_i32_0 : i32, i32
  }
  func.func @transform_2(%arg0: i32) -> (i32, i32) {
    %c0_i32 = arith.constant 0 : i32
    %c0_i32_0 = arith.constant 0 : i32
    %c0_i32_1 = arith.constant 0 : i32
    return %c0_i32, %c0_i32_0 : i32, i32
  }
  func.func @transform_3(%arg0: i32) -> (i32, i32) {
    %c0_i32 = arith.constant 0 : i32
    %c0_i32_0 = arith.constant 0 : i32
    %c0_i32_1 = arith.constant 0 : i32
    return %c0_i32, %c0_i32_0 : i32, i32
  }
  func.func @transform_4(%arg0: i32) -> (i32, i32) {
    %c0_i32 = arith.constant 0 : i32
    %c0_i32_0 = arith.constant 0 : i32
    return %arg0, %c0_i32 : i32, i32
  }
  func.func @transform_5(%arg0: i32) -> (i32, i32) {
    %c0_i32 = arith.constant 0 : i32
    %c0_i32_0 = arith.constant 0 : i32
    return %arg0, %c0_i32 : i32, i32
  }
  func.func @transform_6(%arg0: i32) -> (i32, i32) {
    %c0_i32 = arith.constant 0 : i32
    %c0_i32_0 = arith.constant 0 : i32
    %c0_i32_1 = arith.constant 0 : i32
    return %c0_i32, %c0_i32_0 : i32, i32
  }
}

module attributes {stable_mosaic.version = 14 : i64} {
  func.func @_finish_body(%arg0: memref<2048x128xf32, #tpu.memory_space<vmem>>, %arg1: memref<2048x64xf32, #tpu.memory_space<vmem>>, %arg2: memref<2048x64xf32, #tpu.memory_space<vmem>>, %arg3: memref<1x2xf32, #tpu.memory_space<vmem>>) attributes {dimension_semantics = [], scalar_prefetch = 0 : i64, scratch_operands = 0 : i64, tpu.core_type = #tpu.core_type<tc>} {
    %get3A = arith.constant 0 : index
    %get3A_0 = arith.constant 0 : index
    %get3A_1 = vector.load %arg0[%get3A, %get3A_0] : memref<2048x128xf32, #tpu.memory_space<vmem>>, vector<2048x128xf32>
    %slice3A = vector.extract_strided_slice %get3A_1 {offsets = [0, 0], sizes = [2048, 64], strides = [1, 1]} : vector<2048x128xf32> to vector<2048x64xf32>
    %slice3A_2 = vector.extract_strided_slice %get3A_1 {offsets = [0, 64], sizes = [2048, 64], strides = [1, 1]} : vector<2048x128xf32> to vector<2048x64xf32>
    %get3A_3 = arith.constant 0 : index
    %get3A_4 = arith.constant 0 : index
    %get3A_5 = vector.load %arg1[%get3A_3, %get3A_4] : memref<2048x64xf32, #tpu.memory_space<vmem>>, vector<2048x64xf32>
    %get3A_6 = arith.constant 0 : index
    %get3A_7 = arith.constant 0 : index
    %get3A_8 = vector.load %arg2[%get3A_6, %get3A_7] : memref<2048x64xf32, #tpu.memory_space<vmem>>, vector<2048x64xf32>
    %dot_general3A = arith.constant dense<0.000000e+00> : vector<64x64xf32>
    %dot_general3A_9 = tpu.matmul %slice3A, %get3A_8, %dot_general3A {dimension_numbers = #tpu.dot_dimension_numbers<[0], [0], [1], [1], [0, 1, 1, 1], [], []>, precision = #tpu.contract_precision<fp32>, transpose_lhs_hint = false} : vector<2048x64xf32>, vector<2048x64xf32>, vector<64x64xf32> -> vector<64x64xf32>
    %dot_general3A_10 = arith.constant dense<0.000000e+00> : vector<64x64xf32>
    %dot_general3A_11 = tpu.matmul %slice3A_2, %get3A_5, %dot_general3A_10 {dimension_numbers = #tpu.dot_dimension_numbers<[0], [0], [1], [1], [0, 1, 1, 1], [], []>, precision = #tpu.contract_precision<fp32>, transpose_lhs_hint = false} : vector<2048x64xf32>, vector<2048x64xf32>, vector<64x64xf32> -> vector<64x64xf32>
    %transpose3A = tpu.transpose %dot_general3A_11, [1, 0] : vector<64x64xf32> -> vector<64x64xf32>
    %add3A = arith.addf %dot_general3A_9, %transpose3A : vector<64x64xf32>
    %mul3A = arith.constant 5.000000e-01 : f32
    %mul3A_12 = vector.broadcast %mul3A : f32 to vector<64x64xf32>
    %mul3A_13 = arith.mulf %mul3A_12, %add3A : vector<64x64xf32>
    %iota3A = tpu.iota {dimensions = array<i32: 0>} : vector<64x64xi32>
    %iota3A_14 = tpu.iota {dimensions = array<i32: 1>} : vector<64x64xi32>
    %eq3A = arith.cmpi eq, %iota3A, %iota3A_14 : vector<64x64xi32>
    %jit3A = arith.constant 0.000000e+00 : f32
    %broadcast_in_dim3A = vector.broadcast %jit3A : f32 to vector<64x64xf32>
    %select_n3A = arith.select %eq3A, %mul3A_13, %broadcast_in_dim3A : vector<64x64xi1>, vector<64x64xf32>
    %reduce_sum3A = vector.shape_cast %select_n3A : vector<64x64xf32> to vector<1x64x64xf32>
    %reduce_sum3A_15 = arith.constant dense<0.000000e+00> : vector<1xf32>
    %reduce_sum3A_16 = vector.multi_reduction <add>, %reduce_sum3A, %reduce_sum3A_15 [1, 2] : vector<1x64x64xf32> to vector<1xf32>
    %reduce_sum3A_17 = vector.shape_cast %reduce_sum3A_16 : vector<1xf32> to vector<1x1x1xf32>
    %reduce_sum3A_18 = vector.extract %reduce_sum3A_17[0, 0, 0] : f32 from vector<1x1x1xf32>
    %mul3A_19 = arith.mulf %mul3A_13, %mul3A_13 : vector<64x64xf32>
    %reduce_sum3A_20 = vector.shape_cast %mul3A_19 : vector<64x64xf32> to vector<1x64x64xf32>
    %reduce_sum3A_21 = arith.constant dense<0.000000e+00> : vector<1xf32>
    %reduce_sum3A_22 = vector.multi_reduction <add>, %reduce_sum3A_20, %reduce_sum3A_21 [1, 2] : vector<1x64x64xf32> to vector<1xf32>
    %reduce_sum3A_23 = vector.shape_cast %reduce_sum3A_22 : vector<1xf32> to vector<1x1x1xf32>
    %reduce_sum3A_24 = vector.extract %reduce_sum3A_23[0, 0, 0] : f32 from vector<1x1x1xf32>
    %mul3A_25 = arith.mulf %select_n3A, %select_n3A : vector<64x64xf32>
    %reduce_sum3A_26 = vector.shape_cast %mul3A_25 : vector<64x64xf32> to vector<1x64x64xf32>
    %reduce_sum3A_27 = arith.constant dense<0.000000e+00> : vector<1xf32>
    %reduce_sum3A_28 = vector.multi_reduction <add>, %reduce_sum3A_26, %reduce_sum3A_27 [1, 2] : vector<1x64x64xf32> to vector<1xf32>
    %reduce_sum3A_29 = vector.shape_cast %reduce_sum3A_28 : vector<1xf32> to vector<1x1x1xf32>
    %reduce_sum3A_30 = vector.extract %reduce_sum3A_29[0, 0, 0] : f32 from vector<1x1x1xf32>
    %neg3A = arith.constant 0.000000e+00 : f32
    %neg3A_31 = arith.subf %neg3A, %reduce_sum3A_18 : f32
    %div3A = arith.constant 6.400000e+01 : f32
    %div3A_32 = arith.divf %neg3A_31, %div3A : f32
    %sub3A = arith.subf %reduce_sum3A_24, %reduce_sum3A_30 : f32
    %div3A_33 = arith.constant 6.400000e+01 : f32
    %div3A_34 = arith.divf %sub3A, %div3A_33 : f32
    %div3A_35 = arith.constant 2.000000e+00 : f32
    %div3A_36 = arith.divf %div3A_34, %div3A_35 : f32
    %mul3A_37 = arith.constant 5.000000e-02 : f32
    %mul3A_38 = arith.mulf %div3A_36, %mul3A_37 : f32
    %iota3A_39 = tpu.iota {dimensions = array<i32: 1>} : vector<1x2xi32>
    %eq3A_40 = arith.constant 0 : i32
    %eq3A_41 = vector.broadcast %eq3A_40 : i32 to vector<1x2xi32>
    %eq3A_42 = arith.cmpi eq, %iota3A_39, %eq3A_41 : vector<1x2xi32>
    %broadcast_in_dim3A_43 = vector.broadcast %div3A_32 : f32 to vector<1x2xf32>
    %broadcast_in_dim3A_44 = vector.broadcast %mul3A_38 : f32 to vector<1x2xf32>
    %select_n3A_45 = arith.select %eq3A_42, %broadcast_in_dim3A_43, %broadcast_in_dim3A_44 : vector<1x2xi1>, vector<1x2xf32>
    %swap3A = arith.constant 0 : index
    %swap3A_46 = arith.constant 0 : index
    %swap3A_47 = vector.load %arg3[%swap3A, %swap3A_46] : memref<1x2xf32, #tpu.memory_space<vmem>>, vector<1x2xf32>
    tpu.vector_store %arg3[%swap3A, %swap3A_46], %select_n3A_45 {strides = array<i32>} : memref<1x2xf32, #tpu.memory_space<vmem>>, vector<1x2xf32>,
    return
  }
}

</mosaic_0001>

<sc_bundles>
// kernel: kernel.5.cloned.1.call-start
scs
__scs_entry_jumppad:
0x0: {  	(pc) =	sbr.rel $0x88, $3  }
0x1: {  	(tag) =	ssettag $0x0;
	lr =	simm.s32 $0x1  }
0x2: {  	[smem:$0x3F9F] =	sst lr;
	_ =	strace $0xD0000000  }
0x3: {  	_ = 	snop  }
0x4: {  	_ = 	snop  }
0x5: {  	_ = 	snop  }
0x6: {  	_ = 	snop  }
0x7: {  	_ = 	snop  }
__scs_overlays_trampoline_lowered:
0x8: {  	[smem:$0x3FAE] =	sst s0  }
0x9: {  	[smem:$0x3FAF] =	sst s1  }
0xa: {  	[smem:$0x3FB0] =	sst s2  }
0xb: {  	[smem:$0x3FB1] =	sst s3  }
0xc: {  	[smem:$0x3FB2] =	sst s4  }
0xd: {  	[smem:$0x3FB3] =	sst s5  }
0xe: {  	[smem:$0x3FB4] =	sst s6  }
0xf: {  	[smem:$0x3FB5] =	sst s7  }
0x10: {  	[smem:$0x3FB6] =	sst s8  }
0x11: {  	[smem:$0x3FB7] =	sst s9;
	s0 =	simm.s32 @!p0 $0x0  }
0x12: {  	s1 =	sld [smem:$0x3F9D];
	s0 =	simm.s32 @p0 $0x1  }
0x13: {  	[smem:$0x3FB8] =	sst s0;
	s0 =	simm.s32 @!p1 $0x0  }
0x14: {  	s2 =	sld [smem:$0x3F9C];
	s0 =	simm.s32 @p1 $0x1  }
0x15: {  	[smem:$0x3FB9] =	sst s0;
	s0 =	simm.s32 @!p2 $0x0  }
0x16: {  	s3 =	sld [smem:$0x3FDB];
	s0 =	simm.s32 @p2 $0x1  }
0x17: {  	s4 =	simm.s32 $0x1BF5;
	[smem:$0x3FBB] =	sst s0  }
0x18: {  	s0 =	sld [smem:$0x3F9E];
	_ =	swait.ge [sflag:s4], $0x0  }
0x19: {  	s7 =	sld [smem:$0x3F9F]  }
0x1a: {  	s8 =	sadd.s32 $0xFFFFE003, lr  }
0x1b: {  	s9 =	sadd.s32 $0xFFFFFEF7, lr;
	s5 =	simm.s32 $0xFFFFFFFF;
	p2 =	slt.u32 s8, $0xFFFFF086  }
0x1c: {  	p1 =	slt.u32 s9, $0xF7A;
	s5 =	simm.s32 @!p2 $0x0  }
0x1d: {  	s5 =	simm.s32 @p1 $0x1;
	p0 =	seq.s32 s7, s2  }
0x1e: {  	s7 =	smul.u32 @!p0 $0xF7A, s2;
	p2 =	seq.s32 @!p0 s5, $0x0  }
0x1f: {  	s9 =	smul.u32 $0xF7A, s1;
	s8 =	simm.s32 @!p0 $0x1BF5;
	p2 =	por !p2, p0  }
0x20: {  	[sflag:s8] =	ssyncset.s32 @!p0 $0xFFFFF086;
	s6 =	sadd.s32 @!p0 s3, s7;
	s7 =	simm.s32 @!p0 $0x108  }
0x21: {  	s3 =	sadd.s32 s3, s9;
	s6 =	sadd.s32 @!p0 $0x88, s6;
	s7 =	simm.s32 @p2 $0x1082  }
0x22: {  	[simem:s7], [sflag:s8] =	dma.local @!p0 [hbm:s6], $0xF7A  }
0x23: {  	s9 =	sor.u32 $0xD0000000, s2;
	s6 =	simm.s32 $0x108;
	_ =	swait.ge @!p0 [sflag:s8], $0x0  }
0x24: {  	s3 =	sadd.s32 $0x88, s3;
	s6 =	simm.s32 @!p1 $0x1082;
	[sflag:s4] =	ssyncset.s32 $0xFFFFF086  }
0x25: {  	[simem:s6], [sflag:s4] =	dma.local [hbm:s3], $0xF7A  }
0x26: {  	[smem:$0x3F9F] =	sst s1;
	(tag) =	ssettag s2;
	_ =	strace s9  }
0x27: {  	s1 =	sld [smem:$0x3FAF]  }
0x28: {  	s2 =	sld [smem:$0x3FB0]  }
0x29: {  	s4 =	sld [smem:$0x3FB2]  }
0x2a: {  	p0 =	seq.s32 s5, $0x0;
	s5 =	sld [smem:$0x3FB3]  }
0x2b: {  	s6 =	sld [smem:$0x3FB4]  }
0x2c: {  	s7 =	sld [smem:$0x3FB5]  }
0x2d: {  	s3 =	simm.s32 $0x108;
	s8 =	sld [smem:$0x3FB6]  }
0x2e: {  	s3 =	simm.s32 @!p0 $0x1082;
	s9 =	sld [smem:$0x3FB7]  }
0x2f: {  	lr =	sadd.s32 s0, s3;
	s0 =	sld [smem:$0x3FAE]  }
0x30: {  	s3 =	sld [smem:$0x3FB1]  }
0x31: {  	[smem:$0x3FBA] =	sst s10  }
0x32: {  	s10 =	sld [smem:$0x3FB8];
	_ =	sdelay $0x3  }
0x33: {  	p0 =	seq.s32 s10, $0x1;
	s10 =	sld [smem:$0x3FBA];
	_ =	sdelay $0x3  }
0x34: {  	[smem:$0x3FBA] =	sst s10  }
0x35: {  	s10 =	sld [smem:$0x3FB9];
	_ =	sdelay $0x3  }
0x36: {  	p1 =	seq.s32 s10, $0x1;
	s10 =	sld [smem:$0x3FBA];
	_ =	sdelay $0x3  }
0x37: {  	[smem:$0x3FBA] =	sst s10  }
0x38: {  	s10 =	sld [smem:$0x3FBB]  }
0x39: {  	_ = 	snop;
	(pc) =	sbr.ind lr, $3  }
0x3a: {  	_ = 	snop  }
0x3b: {  	_ = 	snop  }
0x3c: {  	p2 =	seq.s32 s10, $0x1;
	s10 =	sld [smem:$0x3FBA]  }
0x3d: {  	_ =	shalt  }
0x3e: {  	_ =	shalt  }
0x3f: {  	_ =	shalt  }
0x40: {  	_ =	shalt  }
0x41: {  	_ =	shalt  }
0x42: {  	_ =	shalt  }
0x43: {  	_ =	shalt  }
0x44: {  	_ =	shalt  }
0x45: {  	_ =	shalt  }
0x46: {  	_ =	shalt  }
0x47: {  	_ =	shalt  }
0x48: {  	_ =	shalt  }
0x49: {  	_ =	shalt  }
0x4a: {  	_ =	shalt  }
0x4b: {  	_ =	shalt  }
0x4c: {  	_ =	shalt  }
0x4d: {  	_ =	shalt  }
0x4e: {  	_ =	shalt  }
0x4f: {  	_ =	shalt  }
0x50: {  	_ =	shalt  }
0x51: {  	_ =	shalt  }
0x52: {  	_ =	shalt  }
0x53: {  	_ =	shalt  }
0x54: {  	_ =	shalt  }
0x55: {  	_ =	shalt  }
0x56: {  	_ =	shalt  }
0x57: {  	_ =	shalt  }
0x58: {  	_ =	shalt  }
0x59: {  	_ =	shalt  }
0x5a: {  	_ =	shalt  }
0x5b: {  	_ =	shalt  }
0x5c: {  	_ =	shalt  }
0x5d: {  	_ =	shalt  }
0x5e: {  	_ =	shalt  }
0x5f: {  	_ =	shalt  }
0x60: {  	_ =	shalt  }
0x61: {  	_ =	shalt  }
0x62: {  	_ =	shalt  }
0x63: {  	_ =	shalt  }
0x64: {  	_ =	shalt  }
0x65: {  	_ =	shalt  }
0x66: {  	_ =	shalt  }
0x67: {  	_ =	shalt  }
0x68: {  	_ =	shalt  }
0x69: {  	_ =	shalt  }
0x6a: {  	_ =	shalt  }
0x6b: {  	_ =	shalt  }
0x6c: {  	_ =	shalt  }
0x6d: {  	_ =	shalt  }
0x6e: {  	_ =	shalt  }
0x6f: {  	_ =	shalt  }
0x70: {  	_ =	shalt  }
0x71: {  	_ =	shalt  }
0x72: {  	_ =	shalt  }
0x73: {  	_ =	shalt  }
0x74: {  	_ =	shalt  }
0x75: {  	_ =	shalt  }
0x76: {  	_ =	shalt  }
0x77: {  	_ =	shalt  }
0x78: {  	_ =	shalt  }
0x79: {  	_ =	shalt  }
0x7a: {  	_ =	shalt  }
0x7b: {  	_ =	shalt  }
0x7c: {  	_ =	shalt  }
0x7d: {  	_ =	shalt  }
0x7e: {  	_ =	shalt  }
0x7f: {  	_ =	shalt  }
0x80: {  	_ =	shalt  }
0x81: {  	_ =	shalt  }
0x82: {  	_ =	shalt  }
0x83: {  	_ =	shalt  }
0x84: {  	_ =	shalt  }
0x85: {  	_ =	shalt  }
0x86: {  	_ =	shalt  }
0x87: {  	_ =	shalt  }
.Lfunc_end0:
.L_simem_size_0:
called_computation_lowered:
.L_overlay_start_0:
0x88: {  	s2 =	sld [smem:$0x3FD9]  }
0x89: {  	s3 =	sld [smem:$0x3FFE];
	_ =	sdelay $0x1  }
0x8a: {  	s1 =	srdreg.scid  }
0x8b: {  	s0 =	sand.u32 $0x1, s1  }
0x8c: {  	s16 =	sshll.u32 s0, $0xA;
	s2 =	sadd.s32 s3, s2  }
0x8d: {  	s2 =	sadd.s32 s2, s16  }
0x8e: {  	[smem:$0x3FC6] =	sst s2  }
0x8f: {  	_ = 	snop  }
0x90: {  	(tm) =	ssettm $0x1  }
0x91: {  	s17 =	sld [smem:$0x3FFB];
	_ =	sdelay $0x3  }
0x92: {  	_ =	strace s17  }
0x93: {  	s2 =	sld [smem:$0x3FFC];
	_ =	sdelay $0x3  }
0x94: {  	_ =	strace s2  }
0x95: {  	s2 =	sld [smem:$0x3FFD];
	_ =	sdelay $0x3  }
0x96: {  	_ =	strace s2  }
0x97: {  	_ =	strace $0x8FFFFFFF  }
0x98: {  	s18 =	sld [smem:$0x3FDB];
	_ =	sdelay $0x1  }
0x99: {  	s19 =	simm.s32 $_scs_section_size  }
0x9a: {  	s4 =	simm.s32 $_size__tile_overlayer_lowered;
	s5 =	simm.s32 $_tile_overlayer_lowered  }
0x9b: {  	s22 =	simm.s32 $0x1BFF;
	s21 =	sshll.u32 s5, $0x1;
	s2 =	sadd.s32 s19, s18  }
0x9c: {  	s6 =	simm.s32 $0x0;
	s20 =	sshll.u32 s4, $0x1;
	s4 =	sadd.s32 s21, s2  }
0x9d: {  	[timem:s6], [sflag:s22] =	dma.local [hbm:s4], s20  }
0x9e: {  	_ =	swait.ge [sflag:s22], s20  }
0x9f: {  	s3 =	ssub.s32 $0x0, s20;
	[sflag:s22] =	ssyncset.done $0x0  }
0xa0: {  	[sflag:s22] =	ssyncadd.s32 s3;
	_ =	sdelay $0x1  }
0xa1: {  	s23 =	simm.s32 $0x1B8B  }
0xa2: {  	_ =	swait.ge [sflag:s23], $0x1  }
0xa3: {  	[sflag:s23] =	ssyncset.done $0x0  }
0xa4: {  	s25 =	simm.s32 $0x1B8E;
	s24 =	sld [smem:$0x3FFE];
	[sflag:s23] =	ssyncadd.s32 $0xFFFFFFFF  }
0xa5: {  	s26 =	simm.s32 $execute0_lowered;
	[smem:$0x3FD2] =	sst s25  }
0xa6: {  	s4 =	sshll.u32 s26, $0x1;
	_ =	strace $0x80000046;
	[dreg:$0x1] =	wrdreg $0xFFFFFFFF  }
0xa7: {  	s28 =	simm.s32 $_size_execute0_lowered;
	s2 =	sadd.s32 s2, s4;
	[dreg:$0x0] =	wrdreg $0x0  }
0xa8: {  	s4 =	sshll.u32 s28, $0x1;
	[dreg:$0x2] =	wrdreg s2  }
0xa9: {  	[dreg:$0x3] =	wrdreg s4  }
0xaa: {  	[dreg:$0x4] =	wrdreg $0xC0  }
0xab: {  	_ =	task [dreg:s6], $0x5FFFF  }
0xac: {  	[dreg:$0x1] =	wrdreg $0xFFFFFFFF  }
0xad: {  	[dreg:$0x0] =	wrdreg $0x60  }
0xae: {  	[dreg:$0x2] =	wrdreg s24  }
0xaf: {  	[dreg:$0x3] =	wrdreg $0x9  }
0xb0: {  	_ =	task.clear_ibuf [dreg:s6], $0x4FFFF;
	_ =	strace $0x90000046  }
0xb1: {  	s29 =	simm.s32 $0x9;
	_ =	strace $0x80000048  }
0xb2: {  	_ =	swait.ge [sflag:s29], $0x1  }
0xb3: {  	[sflag:s29] =	ssyncadd.s32 $0xFFFFFFFF  }
0xb4: {  	_ =	strace $0x90000048  }
0xb5: {  	_ =	sfence  }
0xb6: {  	s30 =	sld [smem:$0x0];
	_ =	sdelay $0x2  }
0xb7: {  	s31 =	sshll.u32 s1, $0xD;
	s1 =	sshrl.u32 s1, $0x2  }
0xb8: {  	s3 =	sand.u32 $0x4000, s31;
	s1 =	sadd.s32 s1, s30  }
0xb9: {  	s0 =	sor.u32 s3, s0;
	s1 =	sshll.u32 s1, $0x11  }
0xba: {  	s0 =	sor.u32 s1, s0  }
0xbb: {  	s0 =	sadd.s32 $0x8F2B, s0  }
0xbc: {  	[sflag:s0] =	ssyncadd.remote.s32 $0x1  }
0xbd: {  	_ =	sfence.sel $0xFFFF  }
0xbe: {  	[dreg:$0x0] =	wrdreg $0xFFFFFFFF;
	(pc) =	sbr.abs _section_cstart, $3  }
0xbf: {  	[dreg:$0x1] =	wrdreg $0xFFFFFFFF  }
0xc0: {  	_ =	task.clear_ibuf [dreg:s6], $0x2FFFF;
	_ =	strace $0x9FFFFFFF  }
0xc1: {  	(tm) =	ssettm $0x7FFFFFFF  }
tec
execute0_lowered:
.L_overlay_start_1:
0x0: {  	(tag) =	ssettag $0x1  }
0x1: {  	s0 =	rddreg [dreg:$0x0]  }
0x2: {  	s1 =	srdreg.scid;
	s2 =	simm.s32 $0x0;
	s4 =	stileid.u32  }
0x3: {  	s9 =	simm.s32 $0x6;
	s10 =	simm.s32 $0x2000;
	s11 =	simm.s32 $0x80  }
0x4: {  	s13 =	simm.s32 $0x2080;
	s14 =	simm.s32 $0x6400;
	s15 =	simm.s32 $0x2100  }
0x5: {  	s16 =	simm.s32 $0xA400;
	s17 =	simm.s32 $0x2180;
	s18 =	simm.s32 $0xE400  }
0x6: {  	s19 =	simm.s32 $0x2200;
	s20 =	simm.s32 $0x12400;
	s21 =	simm.s32 $0x1  }
0x7: {  	s22 =	simm.s32 $0x2;
	s23 =	simm.s32 $0x3;
	s24 =	simm.s32 $0x4  }
0x8: {  	s25 =	simm.s32 $0x5;
	s26 =	simm.s32 $0x16400;
	s1 =	sand.u32 $0x1, s1  }
0x9: {  	s28 =	simm.s32 $0x18400;
	s29 =	simm.s32 $0x0;
	s3 =	sshll.u32 s1, $0x4  }
0xa: {  	[smem:$0x7FF] =	sst s2;
	s1 =	ssub.s32 $0x2, s1;
	s3 =	sor.u32 s4, s3  }
0xb: {  	_ =	strace $0x80000047;
	s31 =	sshrl.u32 s1, $0x1;
	s4 =	sshll.u32 s3, $0x7  }
0xc: {  	s6 =	sshll.u32 s3, $0xA;
	s3 =	sadd.s32 $0x8000, s0;
	s1 =	ssub.s32 s1, s31  }
0xd: {  	s5 =	sadd.s32 s4, s0;
	s4 =	sadd.s32 s0, s6;
	s8 =	smax.u32 s1, $0x1  }
0xe: {  	s5 =	sadd.s32 $0x10000, s5;
	s6 =	sadd.s32 $0x11000, s4;
	s7 =	sadd.s32 $0x19000, s4  }
.LBB2_1:
0xf: {  	[tilespmem:s2], [sflag:$0x6] =	stream.linear.gather [hbm4b:s4+s2], $0x2000, $0x38;
	[tilespmem:$0x1A400] =	vst v63  }
0x10: {  	_ =	swait.ge [sflag:s9], $0x2000  }
0x11: {  	[sflag:s9] =	ssyncset.done $0x0  }
0x12: {  	[sflag:s9] =	ssyncadd.s32 $0xFFFFE000  }
0x13: {  	[tilespmem:s10], [sflag:$0x6] =	stream.linear.gather [hbm4b:s5+s2], $0x280, $0x38;
	[tilespmem:$0x1A400] =	vst v63  }
0x14: {  	_ =	swait.ge [sflag:s9], $0x280  }
0x15: {  	[sflag:s9] =	ssyncset.done $0x0  }
0x16: {  	s0 =	simm.s32 $0x2400;
	[sflag:s9] =	ssyncadd.s32 $0xFFFFFD80  }
0x17: {  	[tilespmem:s0], [sflag:$0x1] =	stream.indirect.gather [hbm4b:s3+s11], $0x80, s10, s11, $0xb8;
	[tilespmem:$0x1A400] =	vst v63  }
0x18: {  	_ = 	snop  }
0x19: {  	[tilespmem:s14], [sflag:$0x2] =	stream.indirect.gather [hbm4b:s3+s11], $0x80, s13, s11, $0xb8;
	[tilespmem:$0x1A400] =	vst v63  }
0x1a: {  	_ = 	snop  }
0x1b: {  	[tilespmem:s16], [sflag:$0x3] =	stream.indirect.gather [hbm4b:s3+s11], $0x80, s15, s11, $0xb8;
	[tilespmem:$0x1A400] =	vst v63  }
0x1c: {  	_ = 	snop  }
0x1d: {  	[tilespmem:s18], [sflag:$0x4] =	stream.indirect.gather [hbm4b:s3+s11], $0x80, s17, s11, $0xb8;
	[tilespmem:$0x1A400] =	vst v63  }
0x1e: {  	_ = 	snop  }
0x1f: {  	[tilespmem:s20], [sflag:$0x5] =	stream.indirect.gather [hbm4b:s3+s11], $0x80, s19, s11, $0xb8;
	[tilespmem:$0x1A400] =	vst v63  }
0x20: {  	_ =	swait.ge [sflag:s21], $0x4000  }
0x21: {  	[sflag:s21] =	ssyncset.done $0x0  }
0x22: {  	s1 =	simm.s32 $0x0;
	s0 =	simm.s32 $0x2680;
	[sflag:s21] =	ssyncadd.s32 $0xFFFFC000  }
.LBB2_2:
0x23: {  	v1 =	vld [tilespmem:s0+$0xFFFFFD80]  }
0x24: {  	v2 =	vld [tilespmem:s0+$0xFFFFFD90]  }
0x25: {  	v3 =	vld [tilespmem:s0+$0xFFFFFDA0]  }
0x26: {  	v4 =	vld [tilespmem:s0+$0xFFFFFDB0]  }
0x27: {  	v5 =	vld [tilespmem:s0+$0xFFFFFDC0]  }
0x28: {  	v6 =	vld [tilespmem:s0+$0xFFFFFDD0]  }
0x29: {  	v7 =	vld [tilespmem:s0+$0xFFFFFDE0]  }
0x2a: {  	v8 =	vld [tilespmem:s0+$0xFFFFFDF0]  }
0x2b: {  	v9 =	vld [tilespmem:s0+$0xFFFFFE00]  }
0x2c: {  	v10 =	vld [tilespmem:s0+$0xFFFFFE10]  }
0x2d: {  	v11 =	vld [tilespmem:s0+$0xFFFFFE20]  }
0x2e: {  	v12 =	vld [tilespmem:s0+$0xFFFFFE30]  }
0x2f: {  	v13 =	vld [tilespmem:s0+$0xFFFFFE40]  }
0x30: {  	v14 =	vld [tilespmem:s0+$0xFFFFFE50]  }
0x31: {  	v15 =	vld [tilespmem:s0+$0xFFFFFE60]  }
0x32: {  	v16 =	vld [tilespmem:s0+$0xFFFFFE70]  }
0x33: {  	v17 =	vld [tilespmem:s0+$0xFFFFFE80]  }
0x34: {  	v18 =	vld [tilespmem:s0+$0xFFFFFE90]  }
0x35: {  	v19 =	vld [tilespmem:s0+$0xFFFFFEA0]  }
0x36: {  	v20 =	vld [tilespmem:s0+$0xFFFFFEB0]  }
0x37: {  	s30 =	sshra.s32 s1, $0x2;
	v21 =	vld [tilespmem:s0+$0xFFFFFEC0]  }
0x38: {  	v0 =	vld [tilespmem:s30+$0x0]  }
0x39: {  	v22 =	vld [tilespmem:s0+$0xFFFFFED0]  }
0x3a: {  	v23 =	vld [tilespmem:s0+$0xFFFFFEE0]  }
0x3b: {  	v24 =	vld [tilespmem:s0+$0xFFFFFEF0]  }
0x3c: {  	v25 =	vld [tilespmem:s0+$0xFFFFFF00]  }
0x3d: {  	v26 =	vld [tilespmem:s0+$0xFFFFFF10];
	v27 =	vbroadcast v0, $0x0  }
0x3e: {  	v28 =	vld [tilespmem:s0+$0xFFFFFF20];
	v33 =	vbroadcast v0, $0x1;
	v60 =	vbroadcast v0, $0x2  }
0x3f: {  	v29 =	vld [tilespmem:s0+$0xFFFFFF30];
	v41 =	vbroadcast v0, $0x3;
	v52 =	vbroadcast v0, $0x4  }
0x40: {  	v30 =	vld [tilespmem:s0+$0xFFFFFF40];
	v1 =	vmul.f32 v1, v27;
	v2 =	vmul.f32 v2, v27  }
0x41: {  	v31 =	vld [tilespmem:s0+$0xFFFFFF50];
	v3 =	vmul.f32 v3, v27;
	v4 =	vmul.f32 v4, v27  }
0x42: {  	v32 =	vld [tilespmem:s0+$0xFFFFFF60];
	v5 =	vmul.f32 v5, v27;
	v6 =	vmul.f32 v6, v27  }
0x43: {  	v34 =	vld [tilespmem:s0+$0xFFFFFF70];
	v7 =	vmul.f32 v7, v27;
	v9 =	vmul.f32 v9, v33  }
0x44: {  	v35 =	vld [tilespmem:s0+$0xFFFFFF80];
	v8 =	vmul.f32 v8, v27;
	v10 =	vmul.f32 v10, v33  }
0x45: {  	v36 =	vld [tilespmem:s0+$0xFFFFFF90];
	v57 =	vmul.f32 v11, v33;
	v58 =	vmul.f32 v12, v33  }
0x46: {  	v43 =	vld [tilespmem:s0+$0x40];
	v59 =	vmul.f32 v13, v33;
	v61 =	vmul.f32 v14, v33  }
0x47: {  	v45 =	vld [tilespmem:s0+$0x50];
	v62 =	vmul.f32 v15, v33;
	v16 =	vmul.f32 v16, v33  }
0x48: {  	v48 =	vld [tilespmem:s0+$0x60];
	v17 =	vmul.f32 v17, v60;
	v63 =	vmul.f32 v18, v60  }
0x49: {  	v54 =	vld [tilespmem:s0+$0xA0];
	v37 =	vmul.f32 v19, v60;
	v38 =	vmul.f32 v20, v60  }
0x4a: {  	v27 =	vld [tilespmem:s0+$0xFFFFFFA0];
	v39 =	vmul.f32 v21, v60;
	v40 =	vmul.f32 v22, v60  }
0x4b: {  	v12 =	vld [tilespmem:s0+$0xFFFFFFB0];
	v42 =	vmul.f32 v23, v60;
	v44 =	vmul.f32 v25, v41  }
0x4c: {  	v13 =	vld [tilespmem:s0+$0xFFFFFFC0];
	v46 =	vmul.f32 v26, v41;
	v47 =	vmul.f32 v28, v41;
	v1 =	vadd.f32 $0.0e+00, v1  }
0x4d: {  	v11 =	vld [tilespmem:s0+$0xFFFFFFD0];
	v49 =	vmul.f32 v29, v41;
	v2 =	vadd.f32 $0.0e+00, v2;
	v3 =	vadd.f32 $0.0e+00, v3  }
0x4e: {  	v15 =	vld [tilespmem:s0+$0xFFFFFFE0];
	v50 =	vmul.f32 v30, v41;
	v4 =	vadd.f32 $0.0e+00, v4;
	v5 =	vadd.f32 $0.0e+00, v5  }
0x4f: {  	v33 =	vld [tilespmem:s0+$0xFFFFFFF0];
	v51 =	vmul.f32 v31, v41;
	v6 =	vadd.f32 $0.0e+00, v6;
	v7 =	vadd.f32 $0.0e+00, v7  }
0x50: {  	v14 =	vld [tilespmem:s0+$0x0];
	v53 =	vmul.f32 v32, v41;
	v8 =	vadd.f32 $0.0e+00, v8;
	v1 =	vadd.f32 v9, v1  }
0x51: {  	v19 =	vld [tilespmem:s0+$0x20];
	v20 =	vmul.f32 v34, v41;
	v2 =	vadd.f32 v10, v2;
	v3 =	vadd.f32 v57, v3  }
0x52: {  	v21 =	vld [tilespmem:s0+$0x30];
	v55 =	vmul.f32 v35, v52;
	v4 =	vadd.f32 v58, v4;
	v5 =	vadd.f32 v59, v5  }
0x53: {  	v23 =	vld [tilespmem:s0+$0x80];
	v56 =	vmul.f32 v36, v52;
	v6 =	vadd.f32 v61, v6;
	v7 =	vadd.f32 v62, v7  }
0x54: {  	v26 =	vld [tilespmem:s0+$0x90];
	v8 =	vadd.f32 v16, v8;
	v9 =	vmul.f32 v24, v60;
	v58 =	vmul.f32 v27, v52  }
0x55: {  	v31 =	vld [tilespmem:s0+$0xE0];
	v60 =	vmul.f32 v12, v52;
	v1 =	vadd.f32 v17, v1;
	v2 =	vadd.f32 v63, v2  }
0x56: {  	v35 =	vld [tilespmem:s0+$0xF0];
	v62 =	vmul.f32 v13, v52;
	v3 =	vadd.f32 v37, v3;
	v4 =	vadd.f32 v38, v4  }
0x57: {  	v41 =	vld [tilespmem:s0+$0x120];
	v32 =	vmul.f32 v11, v52;
	v5 =	vadd.f32 v39, v5;
	v6 =	vadd.f32 v40, v6  }
0x58: {  	v28 =	vld [tilespmem:s0+$0x1B0];
	v34 =	vmul.f32 v15, v52;
	v7 =	vadd.f32 v42, v7;
	v8 =	vadd.f32 v9, v8  }
0x59: {  	v30 =	vld [tilespmem:s0+$0x1C0];
	v63 =	vbroadcast v0, $0x5;
	v1 =	vadd.f32 v44, v1;
	v2 =	vadd.f32 v46, v2  }
0x5a: {  	v16 =	vld [tilespmem:s0+$0x70];
	v36 =	vmul.f32 v33, v52;
	v3 =	vadd.f32 v47, v3;
	v4 =	vadd.f32 v49, v4  }
0x5b: {  	v57 =	vld [tilespmem:s0+$0xB0];
	v5 =	vadd.f32 v50, v5;
	v6 =	vadd.f32 v51, v6;
	v14 =	vmul.f32 v14, v63  }
0x5c: {  	v59 =	vld [tilespmem:s0+$0xC0];
	v7 =	vadd.f32 v53, v7;
	v40 =	vmul.f32 v19, v63;
	v42 =	vmul.f32 v21, v63  }
0x5d: {  	v61 =	vld [tilespmem:s0+$0xD0];
	v8 =	vadd.f32 v20, v8;
	v43 =	vmul.f32 v43, v63;
	v45 =	vmul.f32 v45, v63  }
0x5e: {  	v52 =	vld [tilespmem:s0+$0x160];
	v46 =	vbroadcast v0, $0x6;
	v48 =	vmul.f32 v48, v63;
	v1 =	vadd.f32 v55, v1  }
0x5f: {  	v17 =	vld [tilespmem:s0+$0x10];
	v50 =	vmul.f32 v16, v63;
	v2 =	vadd.f32 v56, v2;
	v3 =	vadd.f32 v58, v3  }
0x60: {  	v37 =	vld [tilespmem:s0+$0x100];
	v4 =	vadd.f32 v60, v4;
	v5 =	vadd.f32 v62, v5;
	v51 =	vmul.f32 v23, v46  }
0x61: {  	v39 =	vld [tilespmem:s0+$0x110];
	v6 =	vadd.f32 v32, v6;
	v53 =	vmul.f32 v26, v46;
	v54 =	vmul.f32 v54, v46  }
0x62: {  	v44 =	vld [tilespmem:s0+$0x130];
	v7 =	vadd.f32 v34, v7;
	v56 =	vmul.f32 v57, v46;
	v58 =	vmul.f32 v59, v46  }
0x63: {  	v47 =	vld [tilespmem:s0+$0x140];
	v8 =	vadd.f32 v36, v8;
	v60 =	vmul.f32 v61, v46;
	v61 =	vbroadcast v0, $0x7  }
0x64: {  	v49 =	vld [tilespmem:s0+$0x150];
	v15 =	vmul.f32 v35, v46;
	v38 =	vmul.f32 v17, v63;
	v1 =	vadd.f32 v14, v1  }
0x65: {  	v55 =	vld [tilespmem:s0+$0x170];
	v63 =	vmul.f32 v31, v46;
	v3 =	vadd.f32 v40, v3;
	v4 =	vadd.f32 v42, v4  }
0x66: {  	v57 =	vld [tilespmem:s0+$0x180];
	v5 =	vadd.f32 v43, v5;
	v6 =	vadd.f32 v45, v6;
	v29 =	vmul.f32 v37, v61  }
0x67: {  	v59 =	vld [tilespmem:s0+$0x190];
	v7 =	vadd.f32 v48, v7;
	v11 =	vmul.f32 v39, v61;
	v31 =	vmul.f32 v41, v61  }
0x68: {  	v62 =	vld [tilespmem:s0+$0x1A0];
	v8 =	vadd.f32 v50, v8;
	v39 =	vbroadcast v0, $0x8;
	v0 =	vbroadcast v0, $0x9  }
0x69: {  	v32 =	vld [tilespmem:s0+$0x1D0];
	v2 =	vadd.f32 v38, v2;
	v33 =	vmul.f32 v44, v61;
	v35 =	vmul.f32 v47, v61  }
0x6a: {  	v34 =	vld [tilespmem:s0+$0x1E0];
	v36 =	vmul.f32 v49, v61;
	v1 =	vadd.f32 v51, v1;
	v3 =	vadd.f32 v54, v3  }
0x6b: {  	v37 =	vld [tilespmem:s0+$0x1F0];
	v38 =	vmul.f32 v52, v61;
	v4 =	vadd.f32 v56, v4;
	v5 =	vadd.f32 v58, v5  }
0x6c: {  	v40 =	vld [tilespmem:s0+$0x200];
	v6 =	vadd.f32 v60, v6;
	v7 =	vadd.f32 v63, v7;
	v48 =	vmul.f32 v30, v39  }
0x6d: {  	v42 =	vld [tilespmem:s0+$0x240];
	v8 =	vadd.f32 v15, v8;
	v58 =	vmul.f32 v28, v39;
	v41 =	vmul.f32 v55, v61  }
0x6e: {  	v45 =	vld [tilespmem:s0+$0x210];
	v2 =	vadd.f32 v53, v2;
	v43 =	vmul.f32 v57, v39;
	v44 =	vmul.f32 v59, v39  }
0x6f: {  	v47 =	vld [tilespmem:s0+$0x250];
	v46 =	vmul.f32 v62, v39;
	v1 =	vadd.f32 v29, v1;
	v3 =	vadd.f32 v31, v3  }
0x70: {  	v49 =	vld [tilespmem:s0+$0x220];
	v50 =	vmul.f32 v32, v39;
	v4 =	vadd.f32 v33, v4;
	v5 =	vadd.f32 v35, v5  }
0x71: {  	v52 =	vld [tilespmem:s0+$0x260];
	v53 =	vmul.f32 v34, v39;
	v6 =	vadd.f32 v36, v6;
	v7 =	vadd.f32 v38, v7  }
0x72: {  	v54 =	vld [tilespmem:s0+$0x230];
	v2 =	vadd.f32 v11, v2;
	v8 =	vadd.f32 v41, v8;
	v51 =	vmul.f32 v40, v0  }
0x73: {  	v56 =	vld [tilespmem:s0+$0x270];
	v12 =	vmul.f32 v42, v0;
	v55 =	vmul.f32 v45, v0;
	v1 =	vadd.f32 v43, v1  }
0x74: {  	v60 =	vmul.f32 v37, v39;
	v3 =	vadd.f32 v46, v3;
	v5 =	vadd.f32 v48, v5  }
0x75: {  	v6 =	vadd.f32 v50, v6;
	v57 =	vmul.f32 v47, v0;
	v1 =	vadd.f32 v51, v1  }
0x76: {  	v59 =	vmul.f32 v49, v0;
	v61 =	vmul.f32 v52, v0;
	v5 =	vadd.f32 v12, v5  }
0x77: {  	v2 =	vadd.f32 v44, v2;
	v62 =	vmul.f32 v54, v0;
	v6 =	vadd.f32 v57, v6;
	[tilespmem:s30+$0x16400] =	vst v1  }
0x78: {  	v63 =	vadd.f32 v60, v8;
	v0 =	vmul.f32 v56, v0;
	v3 =	vadd.f32 v59, v3;
	[tilespmem:s30+$0x18400] =	vst v5  }
0x79: {  	p0 =	sne.s32 s1, $0x1600;
	v7 =	vadd.f32 v53, v7;
	v2 =	vadd.f32 v55, v2;
	[tilespmem:s30+$0x18410] =	vst v6  }
.Ltmp0:
0x7a: {  	v0 =	vadd.f32 v0, v63;
	v1 =	vadd.f32 v58, v4;
	[tilespmem:s30+$0x16420] =	vst v3;
	(pc) =	sbr.rel @p0 .LBB2_2-.Ltmp0, $4  }
0x7b: {  	v5 =	vadd.f32 v61, v7;
	[tilespmem:s30+$0x16410] =	vst v2  }
0x7c: {  	[tilespmem:s30+$0x18430] =	vst v0;
	v1 =	vadd.f32 v62, v1  }
0x7d: {  	[tilespmem:s30+$0x18420] =	vst v5  }
0x7e: {  	s1 =	sadd.s32 $0x200, s1;
	s0 =	sadd.s32 $0x500, s0;
	[tilespmem:s30+$0x16430] =	vst v1  }
0x7f: {  	_ =	swait.ge [sflag:s22], $0x4000  }
0x80: {  	s30 =	simm.s32 $0x0;
	s31 =	simm.s32 $0x600;
	[sflag:s22] =	ssyncset.done $0x0  }
0x81: {  	s0 =	simm.s32 $0x16A30;
	s1 =	simm.s32 $0x18A30;
	[sflag:s22] =	ssyncadd.s32 $0xFFFFC000  }
.LBB2_4:
0x82: {  	v0 =	vld [tilespmem:s31+$0x0];
	s12 =	sshra.s32 s30, $0x2  }
0x83: {  	v1 =	vld [tilespmem:s12+$0x6000]  }
0x84: {  	v2 =	vld [tilespmem:s12+$0x6010]  }
0x85: {  	v3 =	vld [tilespmem:s12+$0x6020]  }
0x86: {  	v4 =	vld [tilespmem:s12+$0x6030]  }
0x87: {  	v5 =	vld [tilespmem:s12+$0x6040]  }
0x88: {  	v6 =	vld [tilespmem:s12+$0x6050]  }
0x89: {  	v7 =	vld [tilespmem:s12+$0x6060]  }
0x8a: {  	v8 =	vld [tilespmem:s12+$0x6070]  }
0x8b: {  	v9 =	vld [tilespmem:s12+$0x6080]  }
0x8c: {  	v10 =	vld [tilespmem:s12+$0x6090]  }
0x8d: {  	v11 =	vld [tilespmem:s12+$0x60A0]  }
0x8e: {  	v12 =	vld [tilespmem:s12+$0x60B0]  }
0x8f: {  	v13 =	vld [tilespmem:s12+$0x60C0]  }
0x90: {  	v14 =	vld [tilespmem:s12+$0x60D0]  }
0x91: {  	v15 =	vld [tilespmem:s12+$0x60E0]  }
0x92: {  	v16 =	vld [tilespmem:s12+$0x60F0]  }
0x93: {  	v17 =	vld [tilespmem:s12+$0x6100]  }
0x94: {  	v18 =	vld [tilespmem:s12+$0x6110]  }
0x95: {  	v19 =	vld [tilespmem:s12+$0x6120]  }
0x96: {  	v20 =	vld [tilespmem:s12+$0x6130]  }
0x97: {  	v21 =	vld [tilespmem:s12+$0x6140]  }
0x98: {  	v22 =	vld [tilespmem:s12+$0x6150]  }
0x99: {  	v23 =	vld [tilespmem:s12+$0x6160]  }
0x9a: {  	v24 =	vld [tilespmem:s12+$0x6170]  }
0x9b: {  	v25 =	vld [tilespmem:s12+$0x6180];
	v27 =	vbroadcast v0, $0x0;
	v33 =	vbroadcast v0, $0x1  }
0x9c: {  	v26 =	vld [tilespmem:s12+$0x6190];
	v60 =	vbroadcast v0, $0x2;
	v41 =	vbroadcast v0, $0x3  }
0x9d: {  	v28 =	vld [tilespmem:s12+$0x61A0];
	v52 =	vbroadcast v0, $0x4;
	v1 =	vmul.f32 v1, v27  }
0x9e: {  	v29 =	vld [tilespmem:s12+$0x61B0];
	v2 =	vmul.f32 v2, v27;
	v3 =	vmul.f32 v3, v27  }
0x9f: {  	v30 =	vld [tilespmem:s12+$0x61C0];
	v4 =	vmul.f32 v4, v27;
	v5 =	vmul.f32 v5, v27  }
0xa0: {  	v31 =	vld [tilespmem:s12+$0x61D0];
	v6 =	vmul.f32 v6, v27;
	v7 =	vmul.f32 v7, v27  }
0xa1: {  	v32 =	vld [tilespmem:s12+$0x61E0];
	v9 =	vmul.f32 v9, v33;
	v8 =	vmul.f32 v8, v27  }
0xa2: {  	v34 =	vld [tilespmem:s12+$0x61F0];
	v10 =	vmul.f32 v10, v33;
	v57 =	vmul.f32 v11, v33  }
0xa3: {  	v35 =	vld [tilespmem:s12+$0x6200];
	v58 =	vmul.f32 v12, v33;
	v59 =	vmul.f32 v13, v33  }
0xa4: {  	v36 =	vld [tilespmem:s12+$0x6210];
	v61 =	vmul.f32 v14, v33;
	v62 =	vmul.f32 v15, v33  }
0xa5: {  	v43 =	vld [tilespmem:s12+$0x62C0];
	v16 =	vmul.f32 v16, v33;
	v17 =	vmul.f32 v17, v60  }
0xa6: {  	v45 =	vld [tilespmem:s12+$0x62D0];
	v63 =	vmul.f32 v18, v60;
	v37 =	vmul.f32 v19, v60  }
0xa7: {  	v48 =	vld [tilespmem:s12+$0x62E0];
	v38 =	vmul.f32 v20, v60;
	v39 =	vmul.f32 v21, v60  }
0xa8: {  	v54 =	vld [tilespmem:s12+$0x6320];
	v40 =	vmul.f32 v22, v60;
	v42 =	vmul.f32 v23, v60  }
0xa9: {  	v27 =	vld [tilespmem:s12+$0x6220];
	v44 =	vmul.f32 v25, v41;
	v46 =	vmul.f32 v26, v41  }
0xaa: {  	v12 =	vld [tilespmem:s12+$0x6230];
	v47 =	vmul.f32 v28, v41;
	v1 =	vadd.f32 $0.0e+00, v1;
	v2 =	vadd.f32 $0.0e+00, v2  }
0xab: {  	v13 =	vld [tilespmem:s12+$0x6240];
	v49 =	vmul.f32 v29, v41;
	v3 =	vadd.f32 $0.0e+00, v3;
	v4 =	vadd.f32 $0.0e+00, v4  }
0xac: {  	v11 =	vld [tilespmem:s12+$0x6250];
	v50 =	vmul.f32 v30, v41;
	v5 =	vadd.f32 $0.0e+00, v5;
	v6 =	vadd.f32 $0.0e+00, v6  }
0xad: {  	v15 =	vld [tilespmem:s12+$0x6260];
	v51 =	vmul.f32 v31, v41;
	v7 =	vadd.f32 $0.0e+00, v7;
	v8 =	vadd.f32 $0.0e+00, v8  }
0xae: {  	v33 =	vld [tilespmem:s12+$0x6270];
	v53 =	vmul.f32 v32, v41;
	v1 =	vadd.f32 v9, v1;
	v2 =	vadd.f32 v10, v2  }
0xaf: {  	v14 =	vld [tilespmem:s12+$0x6280];
	v20 =	vmul.f32 v34, v41;
	v3 =	vadd.f32 v57, v3;
	v4 =	vadd.f32 v58, v4  }
0xb0: {  	v19 =	vld [tilespmem:s12+$0x62A0];
	v55 =	vmul.f32 v35, v52;
	v5 =	vadd.f32 v59, v5;
	v6 =	vadd.f32 v61, v6  }
0xb1: {  	v21 =	vld [tilespmem:s12+$0x62B0];
	v56 =	vmul.f32 v36, v52;
	v7 =	vadd.f32 v62, v7;
	v8 =	vadd.f32 v16, v8  }
0xb2: {  	v23 =	vld [tilespmem:s12+$0x6300];
	v9 =	vmul.f32 v24, v60;
	v58 =	vmul.f32 v27, v52;
	v1 =	vadd.f32 v17, v1  }
0xb3: {  	v26 =	vld [tilespmem:s12+$0x6310];
	v60 =	vmul.f32 v12, v52;
	v2 =	vadd.f32 v63, v2;
	v3 =	vadd.f32 v37, v3  }
0xb4: {  	v31 =	vld [tilespmem:s12+$0x6360];
	v62 =	vmul.f32 v13, v52;
	v4 =	vadd.f32 v38, v4;
	v5 =	vadd.f32 v39, v5  }
0xb5: {  	v35 =	vld [tilespmem:s12+$0x6370];
	v32 =	vmul.f32 v11, v52;
	v6 =	vadd.f32 v40, v6;
	v7 =	vadd.f32 v42, v7  }
0xb6: {  	v41 =	vld [tilespmem:s12+$0x63A0];
	v34 =	vmul.f32 v15, v52;
	v8 =	vadd.f32 v9, v8;
	v1 =	vadd.f32 v44, v1  }
0xb7: {  	v28 =	vld [tilespmem:s12+$0x6430];
	v63 =	vbroadcast v0, $0x5;
	v2 =	vadd.f32 v46, v2;
	v3 =	vadd.f32 v47, v3  }
0xb8: {  	v16 =	vld [tilespmem:s12+$0x62F0];
	v36 =	vmul.f32 v33, v52;
	v4 =	vadd.f32 v49, v4;
	v5 =	vadd.f32 v50, v5  }
0xb9: {  	v57 =	vld [tilespmem:s12+$0x6330];
	v6 =	vadd.f32 v51, v6;
	v14 =	vmul.f32 v14, v63;
	v40 =	vmul.f32 v19, v63  }
0xba: {  	v59 =	vld [tilespmem:s12+$0x6340];
	v7 =	vadd.f32 v53, v7;
	v42 =	vmul.f32 v21, v63;
	v43 =	vmul.f32 v43, v63  }
0xbb: {  	v61 =	vld [tilespmem:s12+$0x6350];
	v8 =	vadd.f32 v20, v8;
	v45 =	vmul.f32 v45, v63;
	v46 =	vbroadcast v0, $0x6  }
0xbc: {  	v30 =	vld [tilespmem:s12+$0x6440];
	v48 =	vmul.f32 v48, v63;
	v1 =	vadd.f32 v55, v1;
	v2 =	vadd.f32 v56, v2  }
0xbd: {  	v17 =	vld [tilespmem:s12+$0x6290];
	v50 =	vmul.f32 v16, v63;
	v3 =	vadd.f32 v58, v3;
	v4 =	vadd.f32 v60, v4  }
0xbe: {  	v52 =	vld [tilespmem:s12+$0x63E0];
	v5 =	vadd.f32 v62, v5;
	v51 =	vmul.f32 v23, v46;
	v53 =	vmul.f32 v26, v46  }
0xbf: {  	v37 =	vld [tilespmem:s12+$0x6380];
	v6 =	vadd.f32 v32, v6;
	v54 =	vmul.f32 v54, v46;
	v56 =	vmul.f32 v57, v46  }
0xc0: {  	v39 =	vld [tilespmem:s12+$0x6390];
	v7 =	vadd.f32 v34, v7;
	v58 =	vmul.f32 v59, v46;
	v60 =	vmul.f32 v61, v46  }
0xc1: {  	v44 =	vld [tilespmem:s12+$0x63B0];
	v8 =	vadd.f32 v36, v8;
	v61 =	vbroadcast v0, $0x7;
	v15 =	vmul.f32 v35, v46  }
0xc2: {  	v47 =	vld [tilespmem:s12+$0x63C0];
	v38 =	vmul.f32 v17, v63;
	v1 =	vadd.f32 v14, v1;
	v3 =	vadd.f32 v40, v3  }
0xc3: {  	v49 =	vld [tilespmem:s12+$0x63D0];
	v63 =	vmul.f32 v31, v46;
	v4 =	vadd.f32 v42, v4;
	v5 =	vadd.f32 v43, v5  }
0xc4: {  	v55 =	vld [tilespmem:s12+$0x63F0];
	v6 =	vadd.f32 v45, v6;
	v7 =	vadd.f32 v48, v7;
	v29 =	vmul.f32 v37, v61  }
0xc5: {  	v57 =	vld [tilespmem:s12+$0x6400];
	v8 =	vadd.f32 v50, v8;
	v11 =	vmul.f32 v39, v61;
	v31 =	vmul.f32 v41, v61  }
0xc6: {  	v59 =	vld [tilespmem:s12+$0x6410];
	v39 =	vbroadcast v0, $0x8;
	v0 =	vbroadcast v0, $0x9;
	v2 =	vadd.f32 v38, v2  }
0xc7: {  	v62 =	vld [tilespmem:s12+$0x6420];
	v33 =	vmul.f32 v44, v61;
	v35 =	vmul.f32 v47, v61;
	v1 =	vadd.f32 v51, v1  }
0xc8: {  	v32 =	vld [tilespmem:s12+$0x6450];
	v36 =	vmul.f32 v49, v61;
	v3 =	vadd.f32 v54, v3;
	v4 =	vadd.f32 v56, v4  }
0xc9: {  	v34 =	vld [tilespmem:s12+$0x6460];
	v38 =	vmul.f32 v52, v61;
	v5 =	vadd.f32 v58, v5;
	v6 =	vadd.f32 v60, v6  }
0xca: {  	v40 =	vld [tilespmem:s12+$0x6480];
	v7 =	vadd.f32 v63, v7;
	v8 =	vadd.f32 v15, v8;
	v48 =	vmul.f32 v30, v39  }
0xcb: {  	v42 =	vld [tilespmem:s12+$0x64C0];
	v58 =	vmul.f32 v28, v39;
	v2 =	vadd.f32 v53, v2;
	v41 =	vmul.f32 v55, v61  }
0xcc: {  	v45 =	vld [tilespmem:s12+$0x6490];
	v43 =	vmul.f32 v57, v39;
	v44 =	vmul.f32 v59, v39;
	v1 =	vadd.f32 v29, v1  }
0xcd: {  	v37 =	vld [tilespmem:s12+$0x6470];
	v46 =	vmul.f32 v62, v39;
	v3 =	vadd.f32 v31, v3;
	v4 =	vadd.f32 v33, v4  }
0xce: {  	v47 =	vld [tilespmem:s12+$0x64D0];
	v50 =	vmul.f32 v32, v39;
	v5 =	vadd.f32 v35, v5;
	v6 =	vadd.f32 v36, v6  }
0xcf: {  	v49 =	vld [tilespmem:s12+$0x64A0];
	v53 =	vmul.f32 v34, v39;
	v7 =	vadd.f32 v38, v7;
	v2 =	vadd.f32 v11, v2  }
0xd0: {  	v52 =	vld [tilespmem:s12+$0x64E0];
	v8 =	vadd.f32 v41, v8;
	v51 =	vmul.f32 v40, v0;
	v1 =	vadd.f32 v43, v1  }
0xd1: {  	v54 =	vld [tilespmem:s12+$0x64B0];
	v12 =	vmul.f32 v42, v0;
	v55 =	vmul.f32 v45, v0;
	v5 =	vadd.f32 v48, v5  }
0xd2: {  	v56 =	vld [tilespmem:s12+$0x64F0];
	v60 =	vmul.f32 v37, v39;
	v2 =	vadd.f32 v44, v2;
	v1 =	vadd.f32 v51, v1  }
0xd3: {  	v6 =	vadd.f32 v50, v6;
	v57 =	vmul.f32 v47, v0;
	v5 =	vadd.f32 v12, v5  }
0xd4: {  	v3 =	vadd.f32 v46, v3;
	v59 =	vmul.f32 v49, v0;
	v2 =	vadd.f32 v55, v2;
	[tilespmem:s0+$0xFFFFFFD0] =	vst v1  }
0xd5: {  	v7 =	vadd.f32 v53, v7;
	v61 =	vmul.f32 v52, v0;
	v6 =	vadd.f32 v57, v6;
	[tilespmem:s1+$0xFFFFFFD0] =	vst v5  }
0xd6: {  	p0 =	sne.s32 s30, $0xF000;
	v62 =	vmul.f32 v54, v0;
	v3 =	vadd.f32 v59, v3;
	v1 =	vadd.f32 v58, v4;
	[tilespmem:s0+$0xFFFFFFE0] =	vst v2  }
.Ltmp1:
0xd7: {  	v63 =	vadd.f32 v60, v8;
	v0 =	vmul.f32 v56, v0;
	v5 =	vadd.f32 v61, v7;
	[tilespmem:s1+$0xFFFFFFE0] =	vst v6;
	(pc) =	sbr.rel @p0 .LBB2_4-.Ltmp1, $4  }
0xd8: {  	v1 =	vadd.f32 v62, v1;
	[tilespmem:s0+$0xFFFFFFF0] =	vst v3  }
0xd9: {  	v0 =	vadd.f32 v0, v63;
	[tilespmem:s1+$0xFFFFFFF0] =	vst v5  }
0xda: {  	s31 =	sadd.s32 $0x80, s31;
	[tilespmem:s0+$0x0] =	vst v1  }
0xdb: {  	s30 =	sadd.s32 $0x1400, s30;
	s0 =	sadd.s32 $0x80, s0;
	[tilespmem:s1+$0x0] =	vst v0;
	s1 =	sadd.s32 $0x80, s1  }
0xdc: {  	_ =	swait.ge [sflag:s23], $0x4000  }
0xdd: {  	s30 =	simm.s32 $0x0;
	s31 =	simm.s32 $0xC80;
	[sflag:s23] =	ssyncset.done $0x0  }
0xde: {  	s0 =	simm.s32 $0x170B0;
	s1 =	simm.s32 $0x190B0;
	[sflag:s23] =	ssyncadd.s32 $0xFFFFC000  }
.LBB2_6:
0xdf: {  	v0 =	vld [tilespmem:s31+$0x0];
	s12 =	sshra.s32 s30, $0x2  }
0xe0: {  	v1 =	vld [tilespmem:s12+$0xA100]  }
0xe1: {  	v2 =	vld [tilespmem:s12+$0xA110]  }
0xe2: {  	v3 =	vld [tilespmem:s12+$0xA120]  }
0xe3: {  	v4 =	vld [tilespmem:s12+$0xA130]  }
0xe4: {  	v5 =	vld [tilespmem:s12+$0xA140]  }
0xe5: {  	v6 =	vld [tilespmem:s12+$0xA150]  }
0xe6: {  	v7 =	vld [tilespmem:s12+$0xA160]  }
0xe7: {  	v8 =	vld [tilespmem:s12+$0xA170]  }
0xe8: {  	v9 =	vld [tilespmem:s12+$0xA180]  }
0xe9: {  	v10 =	vld [tilespmem:s12+$0xA190]  }
0xea: {  	v11 =	vld [tilespmem:s12+$0xA1A0]  }
0xeb: {  	v12 =	vld [tilespmem:s12+$0xA1B0]  }
0xec: {  	v13 =	vld [tilespmem:s12+$0xA1C0]  }
0xed: {  	v14 =	vld [tilespmem:s12+$0xA1D0]  }
0xee: {  	v15 =	vld [tilespmem:s12+$0xA1E0]  }
0xef: {  	v16 =	vld [tilespmem:s12+$0xA1F0]  }
0xf0: {  	v17 =	vld [tilespmem:s12+$0xA200]  }
0xf1: {  	v18 =	vld [tilespmem:s12+$0xA210]  }
0xf2: {  	v19 =	vld [tilespmem:s12+$0xA220]  }
0xf3: {  	v20 =	vld [tilespmem:s12+$0xA230]  }
0xf4: {  	v21 =	vld [tilespmem:s12+$0xA240]  }
0xf5: {  	v22 =	vld [tilespmem:s12+$0xA250]  }
0xf6: {  	v23 =	vld [tilespmem:s12+$0xA260]  }
0xf7: {  	v24 =	vld [tilespmem:s12+$0xA270]  }
0xf8: {  	v25 =	vld [tilespmem:s12+$0xA280];
	v27 =	vbroadcast v0, $0x0;
	v33 =	vbroadcast v0, $0x1  }
0xf9: {  	v26 =	vld [tilespmem:s12+$0xA290];
	v60 =	vbroadcast v0, $0x2;
	v41 =	vbroadcast v0, $0x3  }
0xfa: {  	v28 =	vld [tilespmem:s12+$0xA2A0];
	v52 =	vbroadcast v0, $0x4;
	v1 =	vmul.f32 v1, v27  }
0xfb: {  	v29 =	vld [tilespmem:s12+$0xA2B0];
	v2 =	vmul.f32 v2, v27;
	v3 =	vmul.f32 v3, v27  }
0xfc: {  	v30 =	vld [tilespmem:s12+$0xA2C0];
	v4 =	vmul.f32 v4, v27;
	v5 =	vmul.f32 v5, v27  }
0xfd: {  	v31 =	vld [tilespmem:s12+$0xA2D0];
	v6 =	vmul.f32 v6, v27;
	v7 =	vmul.f32 v7, v27  }
0xfe: {  	v32 =	vld [tilespmem:s12+$0xA2E0];
	v9 =	vmul.f32 v9, v33;
	v8 =	vmul.f32 v8, v27  }
0xff: {  	v34 =	vld [tilespmem:s12+$0xA2F0];
	v10 =	vmul.f32 v10, v33;
	v57 =	vmul.f32 v11, v33  }
0x100: {  	v35 =	vld [tilespmem:s12+$0xA300];
	v58 =	vmul.f32 v12, v33;
	v59 =	vmul.f32 v13, v33  }
0x101: {  	v36 =	vld [tilespmem:s12+$0xA310];
	v61 =	vmul.f32 v14, v33;
	v62 =	vmul.f32 v15, v33  }
0x102: {  	v43 =	vld [tilespmem:s12+$0xA3C0];
	v16 =	vmul.f32 v16, v33;
	v17 =	vmul.f32 v17, v60  }
0x103: {  	v45 =	vld [tilespmem:s12+$0xA3D0];
	v63 =	vmul.f32 v18, v60;
	v37 =	vmul.f32 v19, v60  }
0x104: {  	v48 =	vld [tilespmem:s12+$0xA3E0];
	v38 =	vmul.f32 v20, v60;
	v39 =	vmul.f32 v21, v60  }
0x105: {  	v54 =	vld [tilespmem:s12+$0xA420];
	v40 =	vmul.f32 v22, v60;
	v42 =	vmul.f32 v23, v60  }
0x106: {  	v27 =	vld [tilespmem:s12+$0xA320];
	v44 =	vmul.f32 v25, v41;
	v46 =	vmul.f32 v26, v41  }
0x107: {  	v12 =	vld [tilespmem:s12+$0xA330];
	v47 =	vmul.f32 v28, v41;
	v1 =	vadd.f32 $0.0e+00, v1;
	v2 =	vadd.f32 $0.0e+00, v2  }
0x108: {  	v13 =	vld [tilespmem:s12+$0xA340];
	v49 =	vmul.f32 v29, v41;
	v3 =	vadd.f32 $0.0e+00, v3;
	v4 =	vadd.f32 $0.0e+00, v4  }
0x109: {  	v11 =	vld [tilespmem:s12+$0xA350];
	v50 =	vmul.f32 v30, v41;
	v5 =	vadd.f32 $0.0e+00, v5;
	v6 =	vadd.f32 $0.0e+00, v6  }
0x10a: {  	v15 =	vld [tilespmem:s12+$0xA360];
	v51 =	vmul.f32 v31, v41;
	v7 =	vadd.f32 $0.0e+00, v7;
	v8 =	vadd.f32 $0.0e+00, v8  }
0x10b: {  	v33 =	vld [tilespmem:s12+$0xA370];
	v53 =	vmul.f32 v32, v41;
	v1 =	vadd.f32 v9, v1;
	v2 =	vadd.f32 v10, v2  }
0x10c: {  	v14 =	vld [tilespmem:s12+$0xA380];
	v20 =	vmul.f32 v34, v41;
	v3 =	vadd.f32 v57, v3;
	v4 =	vadd.f32 v58, v4  }
0x10d: {  	v19 =	vld [tilespmem:s12+$0xA3A0];
	v55 =	vmul.f32 v35, v52;
	v5 =	vadd.f32 v59, v5;
	v6 =	vadd.f32 v61, v6  }
0x10e: {  	v21 =	vld [tilespmem:s12+$0xA3B0];
	v56 =	vmul.f32 v36, v52;
	v7 =	vadd.f32 v62, v7;
	v8 =	vadd.f32 v16, v8  }
0x10f: {  	v23 =	vld [tilespmem:s12+$0xA400];
	v9 =	vmul.f32 v24, v60;
	v58 =	vmul.f32 v27, v52;
	v1 =	vadd.f32 v17, v1  }
0x110: {  	v26 =	vld [tilespmem:s12+$0xA410];
	v60 =	vmul.f32 v12, v52;
	v2 =	vadd.f32 v63, v2;
	v3 =	vadd.f32 v37, v3  }
0x111: {  	v31 =	vld [tilespmem:s12+$0xA460];
	v62 =	vmul.f32 v13, v52;
	v4 =	vadd.f32 v38, v4;
	v5 =	vadd.f32 v39, v5  }
0x112: {  	v35 =	vld [tilespmem:s12+$0xA470];
	v32 =	vmul.f32 v11, v52;
	v6 =	vadd.f32 v40, v6;
	v7 =	vadd.f32 v42, v7  }
0x113: {  	v41 =	vld [tilespmem:s12+$0xA4A0];
	v34 =	vmul.f32 v15, v52;
	v8 =	vadd.f32 v9, v8;
	v1 =	vadd.f32 v44, v1  }
0x114: {  	v28 =	vld [tilespmem:s12+$0xA530];
	v63 =	vbroadcast v0, $0x5;
	v2 =	vadd.f32 v46, v2;
	v3 =	vadd.f32 v47, v3  }
0x115: {  	v16 =	vld [tilespmem:s12+$0xA3F0];
	v36 =	vmul.f32 v33, v52;
	v4 =	vadd.f32 v49, v4;
	v5 =	vadd.f32 v50, v5  }
0x116: {  	v57 =	vld [tilespmem:s12+$0xA430];
	v6 =	vadd.f32 v51, v6;
	v14 =	vmul.f32 v14, v63;
	v40 =	vmul.f32 v19, v63  }
0x117: {  	v59 =	vld [tilespmem:s12+$0xA440];
	v7 =	vadd.f32 v53, v7;
	v42 =	vmul.f32 v21, v63;
	v43 =	vmul.f32 v43, v63  }
0x118: {  	v61 =	vld [tilespmem:s12+$0xA450];
	v8 =	vadd.f32 v20, v8;
	v45 =	vmul.f32 v45, v63;
	v46 =	vbroadcast v0, $0x6  }
0x119: {  	v30 =	vld [tilespmem:s12+$0xA540];
	v48 =	vmul.f32 v48, v63;
	v1 =	vadd.f32 v55, v1;
	v2 =	vadd.f32 v56, v2  }
0x11a: {  	v17 =	vld [tilespmem:s12+$0xA390];
	v50 =	vmul.f32 v16, v63;
	v3 =	vadd.f32 v58, v3;
	v4 =	vadd.f32 v60, v4  }
0x11b: {  	v52 =	vld [tilespmem:s12+$0xA4E0];
	v5 =	vadd.f32 v62, v5;
	v51 =	vmul.f32 v23, v46;
	v53 =	vmul.f32 v26, v46  }
0x11c: {  	v37 =	vld [tilespmem:s12+$0xA480];
	v6 =	vadd.f32 v32, v6;
	v54 =	vmul.f32 v54, v46;
	v56 =	vmul.f32 v57, v46  }
0x11d: {  	v39 =	vld [tilespmem:s12+$0xA490];
	v7 =	vadd.f32 v34, v7;
	v58 =	vmul.f32 v59, v46;
	v60 =	vmul.f32 v61, v46  }
0x11e: {  	v44 =	vld [tilespmem:s12+$0xA4B0];
	v8 =	vadd.f32 v36, v8;
	v61 =	vbroadcast v0, $0x7;
	v15 =	vmul.f32 v35, v46  }
0x11f: {  	v47 =	vld [tilespmem:s12+$0xA4C0];
	v38 =	vmul.f32 v17, v63;
	v1 =	vadd.f32 v14, v1;
	v3 =	vadd.f32 v40, v3  }
0x120: {  	v49 =	vld [tilespmem:s12+$0xA4D0];
	v63 =	vmul.f32 v31, v46;
	v4 =	vadd.f32 v42, v4;
	v5 =	vadd.f32 v43, v5  }
0x121: {  	v55 =	vld [tilespmem:s12+$0xA4F0];
	v6 =	vadd.f32 v45, v6;
	v7 =	vadd.f32 v48, v7;
	v29 =	vmul.f32 v37, v61  }
0x122: {  	v57 =	vld [tilespmem:s12+$0xA500];
	v8 =	vadd.f32 v50, v8;
	v11 =	vmul.f32 v39, v61;
	v31 =	vmul.f32 v41, v61  }
0x123: {  	v59 =	vld [tilespmem:s12+$0xA510];
	v39 =	vbroadcast v0, $0x8;
	v0 =	vbroadcast v0, $0x9;
	v2 =	vadd.f32 v38, v2  }
0x124: {  	v62 =	vld [tilespmem:s12+$0xA520];
	v33 =	vmul.f32 v44, v61;
	v35 =	vmul.f32 v47, v61;
	v1 =	vadd.f32 v51, v1  }
0x125: {  	v32 =	vld [tilespmem:s12+$0xA550];
	v36 =	vmul.f32 v49, v61;
	v3 =	vadd.f32 v54, v3;
	v4 =	vadd.f32 v56, v4  }
0x126: {  	v34 =	vld [tilespmem:s12+$0xA560];
	v38 =	vmul.f32 v52, v61;
	v5 =	vadd.f32 v58, v5;
	v6 =	vadd.f32 v60, v6  }
0x127: {  	v40 =	vld [tilespmem:s12+$0xA580];
	v7 =	vadd.f32 v63, v7;
	v8 =	vadd.f32 v15, v8;
	v48 =	vmul.f32 v30, v39  }
0x128: {  	v42 =	vld [tilespmem:s12+$0xA5C0];
	v58 =	vmul.f32 v28, v39;
	v2 =	vadd.f32 v53, v2;
	v41 =	vmul.f32 v55, v61  }
0x129: {  	v45 =	vld [tilespmem:s12+$0xA590];
	v43 =	vmul.f32 v57, v39;
	v44 =	vmul.f32 v59, v39;
	v1 =	vadd.f32 v29, v1  }
0x12a: {  	v37 =	vld [tilespmem:s12+$0xA570];
	v46 =	vmul.f32 v62, v39;
	v3 =	vadd.f32 v31, v3;
	v4 =	vadd.f32 v33, v4  }
0x12b: {  	v47 =	vld [tilespmem:s12+$0xA5D0];
	v50 =	vmul.f32 v32, v39;
	v5 =	vadd.f32 v35, v5;
	v6 =	vadd.f32 v36, v6  }
0x12c: {  	v49 =	vld [tilespmem:s12+$0xA5A0];
	v53 =	vmul.f32 v34, v39;
	v7 =	vadd.f32 v38, v7;
	v2 =	vadd.f32 v11, v2  }
0x12d: {  	v52 =	vld [tilespmem:s12+$0xA5E0];
	v8 =	vadd.f32 v41, v8;
	v51 =	vmul.f32 v40, v0;
	v1 =	vadd.f32 v43, v1  }
0x12e: {  	v54 =	vld [tilespmem:s12+$0xA5B0];
	v12 =	vmul.f32 v42, v0;
	v55 =	vmul.f32 v45, v0;
	v5 =	vadd.f32 v48, v5  }
0x12f: {  	v56 =	vld [tilespmem:s12+$0xA5F0];
	v60 =	vmul.f32 v37, v39;
	v2 =	vadd.f32 v44, v2;
	v1 =	vadd.f32 v51, v1  }
0x130: {  	v6 =	vadd.f32 v50, v6;
	v57 =	vmul.f32 v47, v0;
	v5 =	vadd.f32 v12, v5  }
0x131: {  	v3 =	vadd.f32 v46, v3;
	v59 =	vmul.f32 v49, v0;
	v2 =	vadd.f32 v55, v2;
	[tilespmem:s0+$0xFFFFFFD0] =	vst v1  }
0x132: {  	v7 =	vadd.f32 v53, v7;
	v61 =	vmul.f32 v52, v0;
	v6 =	vadd.f32 v57, v6;
	[tilespmem:s1+$0xFFFFFFD0] =	vst v5  }
0x133: {  	p0 =	sne.s32 s30, $0xF000;
	v62 =	vmul.f32 v54, v0;
	v3 =	vadd.f32 v59, v3;
	v1 =	vadd.f32 v58, v4;
	[tilespmem:s0+$0xFFFFFFE0] =	vst v2  }
.Ltmp2:
0x134: {  	v63 =	vadd.f32 v60, v8;
	v0 =	vmul.f32 v56, v0;
	v5 =	vadd.f32 v61, v7;
	[tilespmem:s1+$0xFFFFFFE0] =	vst v6;
	(pc) =	sbr.rel @p0 .LBB2_6-.Ltmp2, $4  }
0x135: {  	v1 =	vadd.f32 v62, v1;
	[tilespmem:s0+$0xFFFFFFF0] =	vst v3  }
0x136: {  	v0 =	vadd.f32 v0, v63;
	[tilespmem:s1+$0xFFFFFFF0] =	vst v5  }
0x137: {  	s31 =	sadd.s32 $0x80, s31;
	[tilespmem:s0+$0x0] =	vst v1  }
0x138: {  	s30 =	sadd.s32 $0x1400, s30;
	s0 =	sadd.s32 $0x80, s0;
	[tilespmem:s1+$0x0] =	vst v0;
	s1 =	sadd.s32 $0x80, s1  }
0x139: {  	_ =	swait.ge [sflag:s24], $0x4000  }
0x13a: {  	s30 =	simm.s32 $0x0;
	s31 =	simm.s32 $0x1300;
	[sflag:s24] =	ssyncset.done $0x0  }
0x13b: {  	s0 =	simm.s32 $0x17730;
	s1 =	simm.s32 $0x19730;
	[sflag:s24] =	ssyncadd.s32 $0xFFFFC000  }
.LBB2_8:
0x13c: {  	v0 =	vld [tilespmem:s31+$0x0];
	s12 =	sshra.s32 s30, $0x2  }
0x13d: {  	v1 =	vld [tilespmem:s12+$0xE200]  }
0x13e: {  	v2 =	vld [tilespmem:s12+$0xE210]  }
0x13f: {  	v3 =	vld [tilespmem:s12+$0xE220]  }
0x140: {  	v4 =	vld [tilespmem:s12+$0xE230]  }
0x141: {  	v5 =	vld [tilespmem:s12+$0xE240]  }
0x142: {  	v6 =	vld [tilespmem:s12+$0xE250]  }
0x143: {  	v7 =	vld [tilespmem:s12+$0xE260]  }
0x144: {  	v8 =	vld [tilespmem:s12+$0xE270]  }
0x145: {  	v9 =	vld [tilespmem:s12+$0xE280]  }
0x146: {  	v10 =	vld [tilespmem:s12+$0xE290]  }
0x147: {  	v11 =	vld [tilespmem:s12+$0xE2A0]  }
0x148: {  	v12 =	vld [tilespmem:s12+$0xE2B0]  }
0x149: {  	v13 =	vld [tilespmem:s12+$0xE2C0]  }
0x14a: {  	v14 =	vld [tilespmem:s12+$0xE2D0]  }
0x14b: {  	v15 =	vld [tilespmem:s12+$0xE2E0]  }
0x14c: {  	v16 =	vld [tilespmem:s12+$0xE2F0]  }
0x14d: {  	v17 =	vld [tilespmem:s12+$0xE300]  }
0x14e: {  	v18 =	vld [tilespmem:s12+$0xE310]  }
0x14f: {  	v19 =	vld [tilespmem:s12+$0xE320]  }
0x150: {  	v20 =	vld [tilespmem:s12+$0xE330]  }
0x151: {  	v21 =	vld [tilespmem:s12+$0xE340]  }
0x152: {  	v22 =	vld [tilespmem:s12+$0xE350]  }
0x153: {  	v23 =	vld [tilespmem:s12+$0xE360]  }
0x154: {  	v24 =	vld [tilespmem:s12+$0xE370]  }
0x155: {  	v25 =	vld [tilespmem:s12+$0xE380];
	v27 =	vbroadcast v0, $0x0;
	v33 =	vbroadcast v0, $0x1  }
0x156: {  	v26 =	vld [tilespmem:s12+$0xE390];
	v60 =	vbroadcast v0, $0x2;
	v41 =	vbroadcast v0, $0x3  }
0x157: {  	v28 =	vld [tilespmem:s12+$0xE3A0];
	v52 =	vbroadcast v0, $0x4;
	v1 =	vmul.f32 v1, v27  }
0x158: {  	v29 =	vld [tilespmem:s12+$0xE3B0];
	v2 =	vmul.f32 v2, v27;
	v3 =	vmul.f32 v3, v27  }
0x159: {  	v30 =	vld [tilespmem:s12+$0xE3C0];
	v4 =	vmul.f32 v4, v27;
	v5 =	vmul.f32 v5, v27  }
0x15a: {  	v31 =	vld [tilespmem:s12+$0xE3D0];
	v6 =	vmul.f32 v6, v27;
	v7 =	vmul.f32 v7, v27  }
0x15b: {  	v32 =	vld [tilespmem:s12+$0xE3E0];
	v9 =	vmul.f32 v9, v33;
	v8 =	vmul.f32 v8, v27  }
0x15c: {  	v34 =	vld [tilespmem:s12+$0xE3F0];
	v10 =	vmul.f32 v10, v33;
	v57 =	vmul.f32 v11, v33  }
0x15d: {  	v35 =	vld [tilespmem:s12+$0xE400];
	v58 =	vmul.f32 v12, v33;
	v59 =	vmul.f32 v13, v33  }
0x15e: {  	v36 =	vld [tilespmem:s12+$0xE410];
	v61 =	vmul.f32 v14, v33;
	v62 =	vmul.f32 v15, v33  }
0x15f: {  	v43 =	vld [tilespmem:s12+$0xE4C0];
	v16 =	vmul.f32 v16, v33;
	v17 =	vmul.f32 v17, v60  }
0x160: {  	v45 =	vld [tilespmem:s12+$0xE4D0];
	v63 =	vmul.f32 v18, v60;
	v37 =	vmul.f32 v19, v60  }
0x161: {  	v48 =	vld [tilespmem:s12+$0xE4E0];
	v38 =	vmul.f32 v20, v60;
	v39 =	vmul.f32 v21, v60  }
0x162: {  	v54 =	vld [tilespmem:s12+$0xE520];
	v40 =	vmul.f32 v22, v60;
	v42 =	vmul.f32 v23, v60  }
0x163: {  	v27 =	vld [tilespmem:s12+$0xE420];
	v44 =	vmul.f32 v25, v41;
	v46 =	vmul.f32 v26, v41  }
0x164: {  	v12 =	vld [tilespmem:s12+$0xE430];
	v47 =	vmul.f32 v28, v41;
	v1 =	vadd.f32 $0.0e+00, v1;
	v2 =	vadd.f32 $0.0e+00, v2  }
0x165: {  	v13 =	vld [tilespmem:s12+$0xE440];
	v49 =	vmul.f32 v29, v41;
	v3 =	vadd.f32 $0.0e+00, v3;
	v4 =	vadd.f32 $0.0e+00, v4  }
0x166: {  	v11 =	vld [tilespmem:s12+$0xE450];
	v50 =	vmul.f32 v30, v41;
	v5 =	vadd.f32 $0.0e+00, v5;
	v6 =	vadd.f32 $0.0e+00, v6  }
0x167: {  	v15 =	vld [tilespmem:s12+$0xE460];
	v51 =	vmul.f32 v31, v41;
	v7 =	vadd.f32 $0.0e+00, v7;
	v8 =	vadd.f32 $0.0e+00, v8  }
0x168: {  	v33 =	vld [tilespmem:s12+$0xE470];
	v53 =	vmul.f32 v32, v41;
	v1 =	vadd.f32 v9, v1;
	v2 =	vadd.f32 v10, v2  }
0x169: {  	v14 =	vld [tilespmem:s12+$0xE480];
	v20 =	vmul.f32 v34, v41;
	v3 =	vadd.f32 v57, v3;
	v4 =	vadd.f32 v58, v4  }
0x16a: {  	v19 =	vld [tilespmem:s12+$0xE4A0];
	v55 =	vmul.f32 v35, v52;
	v5 =	vadd.f32 v59, v5;
	v6 =	vadd.f32 v61, v6  }
0x16b: {  	v21 =	vld [tilespmem:s12+$0xE4B0];
	v56 =	vmul.f32 v36, v52;
	v7 =	vadd.f32 v62, v7;
	v8 =	vadd.f32 v16, v8  }
0x16c: {  	v23 =	vld [tilespmem:s12+$0xE500];
	v9 =	vmul.f32 v24, v60;
	v58 =	vmul.f32 v27, v52;
	v1 =	vadd.f32 v17, v1  }
0x16d: {  	v26 =	vld [tilespmem:s12+$0xE510];
	v60 =	vmul.f32 v12, v52;
	v2 =	vadd.f32 v63, v2;
	v3 =	vadd.f32 v37, v3  }
0x16e: {  	v31 =	vld [tilespmem:s12+$0xE560];
	v62 =	vmul.f32 v13, v52;
	v4 =	vadd.f32 v38, v4;
	v5 =	vadd.f32 v39, v5  }
0x16f: {  	v35 =	vld [tilespmem:s12+$0xE570];
	v32 =	vmul.f32 v11, v52;
	v6 =	vadd.f32 v40, v6;
	v7 =	vadd.f32 v42, v7  }
0x170: {  	v41 =	vld [tilespmem:s12+$0xE5A0];
	v34 =	vmul.f32 v15, v52;
	v8 =	vadd.f32 v9, v8;
	v1 =	vadd.f32 v44, v1  }
0x171: {  	v28 =	vld [tilespmem:s12+$0xE630];
	v63 =	vbroadcast v0, $0x5;
	v2 =	vadd.f32 v46, v2;
	v3 =	vadd.f32 v47, v3  }
0x172: {  	v16 =	vld [tilespmem:s12+$0xE4F0];
	v36 =	vmul.f32 v33, v52;
	v4 =	vadd.f32 v49, v4;
	v5 =	vadd.f32 v50, v5  }
0x173: {  	v57 =	vld [tilespmem:s12+$0xE530];
	v6 =	vadd.f32 v51, v6;
	v14 =	vmul.f32 v14, v63;
	v40 =	vmul.f32 v19, v63  }
0x174: {  	v59 =	vld [tilespmem:s12+$0xE540];
	v7 =	vadd.f32 v53, v7;
	v42 =	vmul.f32 v21, v63;
	v43 =	vmul.f32 v43, v63  }
0x175: {  	v61 =	vld [tilespmem:s12+$0xE550];
	v8 =	vadd.f32 v20, v8;
	v45 =	vmul.f32 v45, v63;
	v46 =	vbroadcast v0, $0x6  }
0x176: {  	v30 =	vld [tilespmem:s12+$0xE640];
	v48 =	vmul.f32 v48, v63;
	v1 =	vadd.f32 v55, v1;
	v2 =	vadd.f32 v56, v2  }
0x177: {  	v17 =	vld [tilespmem:s12+$0xE490];
	v50 =	vmul.f32 v16, v63;
	v3 =	vadd.f32 v58, v3;
	v4 =	vadd.f32 v60, v4  }
0x178: {  	v52 =	vld [tilespmem:s12+$0xE5E0];
	v5 =	vadd.f32 v62, v5;
	v51 =	vmul.f32 v23, v46;
	v53 =	vmul.f32 v26, v46  }
0x179: {  	v37 =	vld [tilespmem:s12+$0xE580];
	v6 =	vadd.f32 v32, v6;
	v54 =	vmul.f32 v54, v46;
	v56 =	vmul.f32 v57, v46  }
0x17a: {  	v39 =	vld [tilespmem:s12+$0xE590];
	v7 =	vadd.f32 v34, v7;
	v58 =	vmul.f32 v59, v46;
	v60 =	vmul.f32 v61, v46  }
0x17b: {  	v44 =	vld [tilespmem:s12+$0xE5B0];
	v8 =	vadd.f32 v36, v8;
	v61 =	vbroadcast v0, $0x7;
	v15 =	vmul.f32 v35, v46  }
0x17c: {  	v47 =	vld [tilespmem:s12+$0xE5C0];
	v38 =	vmul.f32 v17, v63;
	v1 =	vadd.f32 v14, v1;
	v3 =	vadd.f32 v40, v3  }
0x17d: {  	v49 =	vld [tilespmem:s12+$0xE5D0];
	v63 =	vmul.f32 v31, v46;
	v4 =	vadd.f32 v42, v4;
	v5 =	vadd.f32 v43, v5  }
0x17e: {  	v55 =	vld [tilespmem:s12+$0xE5F0];
	v6 =	vadd.f32 v45, v6;
	v7 =	vadd.f32 v48, v7;
	v29 =	vmul.f32 v37, v61  }
0x17f: {  	v57 =	vld [tilespmem:s12+$0xE600];
	v8 =	vadd.f32 v50, v8;
	v11 =	vmul.f32 v39, v61;
	v31 =	vmul.f32 v41, v61  }
0x180: {  	v59 =	vld [tilespmem:s12+$0xE610];
	v39 =	vbroadcast v0, $0x8;
	v0 =	vbroadcast v0, $0x9;
	v2 =	vadd.f32 v38, v2  }
0x181: {  	v62 =	vld [tilespmem:s12+$0xE620];
	v33 =	vmul.f32 v44, v61;
	v35 =	vmul.f32 v47, v61;
	v1 =	vadd.f32 v51, v1  }
0x182: {  	v32 =	vld [tilespmem:s12+$0xE650];
	v36 =	vmul.f32 v49, v61;
	v3 =	vadd.f32 v54, v3;
	v4 =	vadd.f32 v56, v4  }
0x183: {  	v34 =	vld [tilespmem:s12+$0xE660];
	v38 =	vmul.f32 v52, v61;
	v5 =	vadd.f32 v58, v5;
	v6 =	vadd.f32 v60, v6  }
0x184: {  	v40 =	vld [tilespmem:s12+$0xE680];
	v7 =	vadd.f32 v63, v7;
	v8 =	vadd.f32 v15, v8;
	v48 =	vmul.f32 v30, v39  }
0x185: {  	v42 =	vld [tilespmem:s12+$0xE6C0];
	v58 =	vmul.f32 v28, v39;
	v2 =	vadd.f32 v53, v2;
	v41 =	vmul.f32 v55, v61  }
0x186: {  	v45 =	vld [tilespmem:s12+$0xE690];
	v43 =	vmul.f32 v57, v39;
	v44 =	vmul.f32 v59, v39;
	v1 =	vadd.f32 v29, v1  }
0x187: {  	v37 =	vld [tilespmem:s12+$0xE670];
	v46 =	vmul.f32 v62, v39;
	v3 =	vadd.f32 v31, v3;
	v4 =	vadd.f32 v33, v4  }
0x188: {  	v47 =	vld [tilespmem:s12+$0xE6D0];
	v50 =	vmul.f32 v32, v39;
	v5 =	vadd.f32 v35, v5;
	v6 =	vadd.f32 v36, v6  }
0x189: {  	v49 =	vld [tilespmem:s12+$0xE6A0];
	v53 =	vmul.f32 v34, v39;
	v7 =	vadd.f32 v38, v7;
	v2 =	vadd.f32 v11, v2  }
0x18a: {  	v52 =	vld [tilespmem:s12+$0xE6E0];
	v8 =	vadd.f32 v41, v8;
	v51 =	vmul.f32 v40, v0;
	v1 =	vadd.f32 v43, v1  }
0x18b: {  	v54 =	vld [tilespmem:s12+$0xE6B0];
	v12 =	vmul.f32 v42, v0;
	v55 =	vmul.f32 v45, v0;
	v5 =	vadd.f32 v48, v5  }
0x18c: {  	v56 =	vld [tilespmem:s12+$0xE6F0];
	v60 =	vmul.f32 v37, v39;
	v2 =	vadd.f32 v44, v2;
	v1 =	vadd.f32 v51, v1  }
0x18d: {  	v6 =	vadd.f32 v50, v6;
	v57 =	vmul.f32 v47, v0;
	v5 =	vadd.f32 v12, v5  }
0x18e: {  	v3 =	vadd.f32 v46, v3;
	v59 =	vmul.f32 v49, v0;
	v2 =	vadd.f32 v55, v2;
	[tilespmem:s0+$0xFFFFFFD0] =	vst v1  }
0x18f: {  	v7 =	vadd.f32 v53, v7;
	v61 =	vmul.f32 v52, v0;
	v6 =	vadd.f32 v57, v6;
	[tilespmem:s1+$0xFFFFFFD0] =	vst v5  }
0x190: {  	p0 =	sne.s32 s30, $0xF000;
	v62 =	vmul.f32 v54, v0;
	v3 =	vadd.f32 v59, v3;
	v1 =	vadd.f32 v58, v4;
	[tilespmem:s0+$0xFFFFFFE0] =	vst v2  }
.Ltmp3:
0x191: {  	v63 =	vadd.f32 v60, v8;
	v0 =	vmul.f32 v56, v0;
	v5 =	vadd.f32 v61, v7;
	[tilespmem:s1+$0xFFFFFFE0] =	vst v6;
	(pc) =	sbr.rel @p0 .LBB2_8-.Ltmp3, $4  }
0x192: {  	v1 =	vadd.f32 v62, v1;
	[tilespmem:s0+$0xFFFFFFF0] =	vst v3  }
0x193: {  	v0 =	vadd.f32 v0, v63;
	[tilespmem:s1+$0xFFFFFFF0] =	vst v5  }
0x194: {  	s31 =	sadd.s32 $0x80, s31;
	[tilespmem:s0+$0x0] =	vst v1  }
0x195: {  	s30 =	sadd.s32 $0x1400, s30;
	s0 =	sadd.s32 $0x80, s0;
	[tilespmem:s1+$0x0] =	vst v0;
	s1 =	sadd.s32 $0x80, s1  }
0x196: {  	_ =	swait.ge [sflag:s25], $0x4000  }
0x197: {  	s30 =	simm.s32 $0x0;
	s31 =	simm.s32 $0x1980;
	[sflag:s25] =	ssyncset.done $0x0  }
0x198: {  	s0 =	simm.s32 $0x17DB0;
	s1 =	simm.s32 $0x19DB0;
	[sflag:s25] =	ssyncadd.s32 $0xFFFFC000  }
.LBB2_10:
0x199: {  	v0 =	vld [tilespmem:s31+$0x0];
	s12 =	sshra.s32 s30, $0x2  }
0x19a: {  	v1 =	vld [tilespmem:s12+$0x12300]  }
0x19b: {  	v2 =	vld [tilespmem:s12+$0x12310]  }
0x19c: {  	v3 =	vld [tilespmem:s12+$0x12320]  }
0x19d: {  	v4 =	vld [tilespmem:s12+$0x12330]  }
0x19e: {  	v5 =	vld [tilespmem:s12+$0x12340]  }
0x19f: {  	v6 =	vld [tilespmem:s12+$0x12350]  }
0x1a0: {  	v7 =	vld [tilespmem:s12+$0x12360]  }
0x1a1: {  	v8 =	vld [tilespmem:s12+$0x12370]  }
0x1a2: {  	v9 =	vld [tilespmem:s12+$0x12380]  }
0x1a3: {  	v10 =	vld [tilespmem:s12+$0x12390]  }
0x1a4: {  	v11 =	vld [tilespmem:s12+$0x123A0]  }
0x1a5: {  	v12 =	vld [tilespmem:s12+$0x123B0]  }
0x1a6: {  	v13 =	vld [tilespmem:s12+$0x123C0]  }
0x1a7: {  	v14 =	vld [tilespmem:s12+$0x123D0]  }
0x1a8: {  	v15 =	vld [tilespmem:s12+$0x123E0]  }
0x1a9: {  	v16 =	vld [tilespmem:s12+$0x123F0]  }
0x1aa: {  	v17 =	vld [tilespmem:s12+$0x12400]  }
0x1ab: {  	v18 =	vld [tilespmem:s12+$0x12410]  }
0x1ac: {  	v19 =	vld [tilespmem:s12+$0x12420]  }
0x1ad: {  	v20 =	vld [tilespmem:s12+$0x12430]  }
0x1ae: {  	v21 =	vld [tilespmem:s12+$0x12440]  }
0x1af: {  	v22 =	vld [tilespmem:s12+$0x12450]  }
0x1b0: {  	v23 =	vld [tilespmem:s12+$0x12460]  }
0x1b1: {  	v24 =	vld [tilespmem:s12+$0x12470]  }
0x1b2: {  	v25 =	vld [tilespmem:s12+$0x12480];
	v27 =	vbroadcast v0, $0x0;
	v33 =	vbroadcast v0, $0x1  }
0x1b3: {  	v26 =	vld [tilespmem:s12+$0x12490];
	v60 =	vbroadcast v0, $0x2;
	v41 =	vbroadcast v0, $0x3  }
0x1b4: {  	v28 =	vld [tilespmem:s12+$0x124A0];
	v52 =	vbroadcast v0, $0x4;
	v1 =	vmul.f32 v1, v27  }
0x1b5: {  	v29 =	vld [tilespmem:s12+$0x124B0];
	v2 =	vmul.f32 v2, v27;
	v3 =	vmul.f32 v3, v27  }
0x1b6: {  	v30 =	vld [tilespmem:s12+$0x124C0];
	v4 =	vmul.f32 v4, v27;
	v5 =	vmul.f32 v5, v27  }
0x1b7: {  	v31 =	vld [tilespmem:s12+$0x124D0];
	v6 =	vmul.f32 v6, v27;
	v7 =	vmul.f32 v7, v27  }
0x1b8: {  	v32 =	vld [tilespmem:s12+$0x124E0];
	v9 =	vmul.f32 v9, v33;
	v8 =	vmul.f32 v8, v27  }
0x1b9: {  	v34 =	vld [tilespmem:s12+$0x124F0];
	v10 =	vmul.f32 v10, v33;
	v57 =	vmul.f32 v11, v33  }
0x1ba: {  	v35 =	vld [tilespmem:s12+$0x12500];
	v58 =	vmul.f32 v12, v33;
	v59 =	vmul.f32 v13, v33  }
0x1bb: {  	v36 =	vld [tilespmem:s12+$0x12510];
	v61 =	vmul.f32 v14, v33;
	v62 =	vmul.f32 v15, v33  }
0x1bc: {  	v43 =	vld [tilespmem:s12+$0x125C0];
	v16 =	vmul.f32 v16, v33;
	v17 =	vmul.f32 v17, v60  }
0x1bd: {  	v45 =	vld [tilespmem:s12+$0x125D0];
	v63 =	vmul.f32 v18, v60;
	v37 =	vmul.f32 v19, v60  }
0x1be: {  	v48 =	vld [tilespmem:s12+$0x125E0];
	v38 =	vmul.f32 v20, v60;
	v39 =	vmul.f32 v21, v60  }
0x1bf: {  	v54 =	vld [tilespmem:s12+$0x12620];
	v40 =	vmul.f32 v22, v60;
	v42 =	vmul.f32 v23, v60  }
0x1c0: {  	v27 =	vld [tilespmem:s12+$0x12520];
	v44 =	vmul.f32 v25, v41;
	v46 =	vmul.f32 v26, v41  }
0x1c1: {  	v12 =	vld [tilespmem:s12+$0x12530];
	v47 =	vmul.f32 v28, v41;
	v1 =	vadd.f32 $0.0e+00, v1;
	v2 =	vadd.f32 $0.0e+00, v2  }
0x1c2: {  	v13 =	vld [tilespmem:s12+$0x12540];
	v49 =	vmul.f32 v29, v41;
	v3 =	vadd.f32 $0.0e+00, v3;
	v4 =	vadd.f32 $0.0e+00, v4  }
0x1c3: {  	v11 =	vld [tilespmem:s12+$0x12550];
	v50 =	vmul.f32 v30, v41;
	v5 =	vadd.f32 $0.0e+00, v5;
	v6 =	vadd.f32 $0.0e+00, v6  }
0x1c4: {  	v15 =	vld [tilespmem:s12+$0x12560];
	v51 =	vmul.f32 v31, v41;
	v7 =	vadd.f32 $0.0e+00, v7;
	v8 =	vadd.f32 $0.0e+00, v8  }
0x1c5: {  	v33 =	vld [tilespmem:s12+$0x12570];
	v53 =	vmul.f32 v32, v41;
	v1 =	vadd.f32 v9, v1;
	v2 =	vadd.f32 v10, v2  }
0x1c6: {  	v14 =	vld [tilespmem:s12+$0x12580];
	v20 =	vmul.f32 v34, v41;
	v3 =	vadd.f32 v57, v3;
	v4 =	vadd.f32 v58, v4  }
0x1c7: {  	v19 =	vld [tilespmem:s12+$0x125A0];
	v55 =	vmul.f32 v35, v52;
	v5 =	vadd.f32 v59, v5;
	v6 =	vadd.f32 v61, v6  }
0x1c8: {  	v21 =	vld [tilespmem:s12+$0x125B0];
	v56 =	vmul.f32 v36, v52;
	v7 =	vadd.f32 v62, v7;
	v8 =	vadd.f32 v16, v8  }
0x1c9: {  	v23 =	vld [tilespmem:s12+$0x12600];
	v9 =	vmul.f32 v24, v60;
	v58 =	vmul.f32 v27, v52;
	v1 =	vadd.f32 v17, v1  }
0x1ca: {  	v26 =	vld [tilespmem:s12+$0x12610];
	v60 =	vmul.f32 v12, v52;
	v2 =	vadd.f32 v63, v2;
	v3 =	vadd.f32 v37, v3  }
0x1cb: {  	v31 =	vld [tilespmem:s12+$0x12660];
	v62 =	vmul.f32 v13, v52;
	v4 =	vadd.f32 v38, v4;
	v5 =	vadd.f32 v39, v5  }
0x1cc: {  	v35 =	vld [tilespmem:s12+$0x12670];
	v32 =	vmul.f32 v11, v52;
	v6 =	vadd.f32 v40, v6;
	v7 =	vadd.f32 v42, v7  }
0x1cd: {  	v41 =	vld [tilespmem:s12+$0x126A0];
	v34 =	vmul.f32 v15, v52;
	v8 =	vadd.f32 v9, v8;
	v1 =	vadd.f32 v44, v1  }
0x1ce: {  	v28 =	vld [tilespmem:s12+$0x12730];
	v63 =	vbroadcast v0, $0x5;
	v2 =	vadd.f32 v46, v2;
	v3 =	vadd.f32 v47, v3  }
0x1cf: {  	v16 =	vld [tilespmem:s12+$0x125F0];
	v36 =	vmul.f32 v33, v52;
	v4 =	vadd.f32 v49, v4;
	v5 =	vadd.f32 v50, v5  }
0x1d0: {  	v57 =	vld [tilespmem:s12+$0x12630];
	v6 =	vadd.f32 v51, v6;
	v14 =	vmul.f32 v14, v63;
	v40 =	vmul.f32 v19, v63  }
0x1d1: {  	v59 =	vld [tilespmem:s12+$0x12640];
	v7 =	vadd.f32 v53, v7;
	v42 =	vmul.f32 v21, v63;
	v43 =	vmul.f32 v43, v63  }
0x1d2: {  	v61 =	vld [tilespmem:s12+$0x12650];
	v8 =	vadd.f32 v20, v8;
	v45 =	vmul.f32 v45, v63;
	v46 =	vbroadcast v0, $0x6  }
0x1d3: {  	v30 =	vld [tilespmem:s12+$0x12740];
	v48 =	vmul.f32 v48, v63;
	v1 =	vadd.f32 v55, v1;
	v2 =	vadd.f32 v56, v2  }
0x1d4: {  	v17 =	vld [tilespmem:s12+$0x12590];
	v50 =	vmul.f32 v16, v63;
	v3 =	vadd.f32 v58, v3;
	v4 =	vadd.f32 v60, v4  }
0x1d5: {  	v52 =	vld [tilespmem:s12+$0x126E0];
	v5 =	vadd.f32 v62, v5;
	v51 =	vmul.f32 v23, v46;
	v53 =	vmul.f32 v26, v46  }
0x1d6: {  	v37 =	vld [tilespmem:s12+$0x12680];
	v6 =	vadd.f32 v32, v6;
	v54 =	vmul.f32 v54, v46;
	v56 =	vmul.f32 v57, v46  }
0x1d7: {  	v39 =	vld [tilespmem:s12+$0x12690];
	v7 =	vadd.f32 v34, v7;
	v58 =	vmul.f32 v59, v46;
	v60 =	vmul.f32 v61, v46  }
0x1d8: {  	v44 =	vld [tilespmem:s12+$0x126B0];
	v8 =	vadd.f32 v36, v8;
	v61 =	vbroadcast v0, $0x7;
	v15 =	vmul.f32 v35, v46  }
0x1d9: {  	v47 =	vld [tilespmem:s12+$0x126C0];
	v38 =	vmul.f32 v17, v63;
	v1 =	vadd.f32 v14, v1;
	v3 =	vadd.f32 v40, v3  }
0x1da: {  	v49 =	vld [tilespmem:s12+$0x126D0];
	v63 =	vmul.f32 v31, v46;
	v4 =	vadd.f32 v42, v4;
	v5 =	vadd.f32 v43, v5  }
0x1db: {  	v55 =	vld [tilespmem:s12+$0x126F0];
	v6 =	vadd.f32 v45, v6;
	v7 =	vadd.f32 v48, v7;
	v29 =	vmul.f32 v37, v61  }
0x1dc: {  	v57 =	vld [tilespmem:s12+$0x12700];
	v8 =	vadd.f32 v50, v8;
	v11 =	vmul.f32 v39, v61;
	v31 =	vmul.f32 v41, v61  }
0x1dd: {  	v59 =	vld [tilespmem:s12+$0x12710];
	v39 =	vbroadcast v0, $0x8;
	v0 =	vbroadcast v0, $0x9;
	v2 =	vadd.f32 v38, v2  }
0x1de: {  	v62 =	vld [tilespmem:s12+$0x12720];
	v33 =	vmul.f32 v44, v61;
	v35 =	vmul.f32 v47, v61;
	v1 =	vadd.f32 v51, v1  }
0x1df: {  	v32 =	vld [tilespmem:s12+$0x12750];
	v36 =	vmul.f32 v49, v61;
	v3 =	vadd.f32 v54, v3;
	v4 =	vadd.f32 v56, v4  }
0x1e0: {  	v34 =	vld [tilespmem:s12+$0x12760];
	v38 =	vmul.f32 v52, v61;
	v5 =	vadd.f32 v58, v5;
	v6 =	vadd.f32 v60, v6  }
0x1e1: {  	v40 =	vld [tilespmem:s12+$0x12780];
	v7 =	vadd.f32 v63, v7;
	v8 =	vadd.f32 v15, v8;
	v48 =	vmul.f32 v30, v39  }
0x1e2: {  	v42 =	vld [tilespmem:s12+$0x127C0];
	v58 =	vmul.f32 v28, v39;
	v2 =	vadd.f32 v53, v2;
	v41 =	vmul.f32 v55, v61  }
0x1e3: {  	v45 =	vld [tilespmem:s12+$0x12790];
	v43 =	vmul.f32 v57, v39;
	v44 =	vmul.f32 v59, v39;
	v1 =	vadd.f32 v29, v1  }
0x1e4: {  	v37 =	vld [tilespmem:s12+$0x12770];
	v46 =	vmul.f32 v62, v39;
	v3 =	vadd.f32 v31, v3;
	v4 =	vadd.f32 v33, v4  }
0x1e5: {  	v47 =	vld [tilespmem:s12+$0x127D0];
	v50 =	vmul.f32 v32, v39;
	v5 =	vadd.f32 v35, v5;
	v6 =	vadd.f32 v36, v6  }
0x1e6: {  	v49 =	vld [tilespmem:s12+$0x127A0];
	v53 =	vmul.f32 v34, v39;
	v7 =	vadd.f32 v38, v7;
	v2 =	vadd.f32 v11, v2  }
0x1e7: {  	v52 =	vld [tilespmem:s12+$0x127E0];
	v8 =	vadd.f32 v41, v8;
	v51 =	vmul.f32 v40, v0;
	v1 =	vadd.f32 v43, v1  }
0x1e8: {  	v54 =	vld [tilespmem:s12+$0x127B0];
	v12 =	vmul.f32 v42, v0;
	v55 =	vmul.f32 v45, v0;
	v5 =	vadd.f32 v48, v5  }
0x1e9: {  	v56 =	vld [tilespmem:s12+$0x127F0];
	v60 =	vmul.f32 v37, v39;
	v2 =	vadd.f32 v44, v2;
	v1 =	vadd.f32 v51, v1  }
0x1ea: {  	v6 =	vadd.f32 v50, v6;
	v57 =	vmul.f32 v47, v0;
	v5 =	vadd.f32 v12, v5  }
0x1eb: {  	v3 =	vadd.f32 v46, v3;
	v59 =	vmul.f32 v49, v0;
	v2 =	vadd.f32 v55, v2;
	[tilespmem:s0+$0xFFFFFFD0] =	vst v1  }
0x1ec: {  	v7 =	vadd.f32 v53, v7;
	v61 =	vmul.f32 v52, v0;
	v6 =	vadd.f32 v57, v6;
	[tilespmem:s1+$0xFFFFFFD0] =	vst v5  }
0x1ed: {  	p0 =	sne.s32 s30, $0xF000;
	v62 =	vmul.f32 v54, v0;
	v3 =	vadd.f32 v59, v3;
	v1 =	vadd.f32 v58, v4;
	[tilespmem:s0+$0xFFFFFFE0] =	vst v2  }
.Ltmp4:
0x1ee: {  	v63 =	vadd.f32 v60, v8;
	v0 =	vmul.f32 v56, v0;
	v5 =	vadd.f32 v61, v7;
	[tilespmem:s1+$0xFFFFFFE0] =	vst v6;
	(pc) =	sbr.rel @p0 .LBB2_10-.Ltmp4, $4  }
0x1ef: {  	v1 =	vadd.f32 v62, v1;
	[tilespmem:s0+$0xFFFFFFF0] =	vst v3  }
0x1f0: {  	v0 =	vadd.f32 v0, v63;
	[tilespmem:s1+$0xFFFFFFF0] =	vst v5  }
0x1f1: {  	s31 =	sadd.s32 $0x80, s31;
	[tilespmem:s0+$0x0] =	vst v1  }
0x1f2: {  	s30 =	sadd.s32 $0x1400, s30;
	s0 =	sadd.s32 $0x80, s0;
	[tilespmem:s1+$0x0] =	vst v0;
	s1 =	sadd.s32 $0x80, s1  }
0x1f3: {  	[hbm4b:s6+s2] =	stream.linear.scatter [tilespmem:s26], [sflag:$0x6], $0x2000, $0x38;
	[tilespmem:$0x1A400] =	vst v63  }
0x1f4: {  	s29 =	sadd.s32 $0x1, s29;
	_ =	swait.ge [sflag:s9], $0x2000  }
0x1f5: {  	p0 =	sne.s32 s29, s8;
	[sflag:s9] =	ssyncset.done $0x0  }
.Ltmp5:
0x1f6: {  	[sflag:s9] =	ssyncadd.s32 $0xFFFFE000;
	(pc) =	sbr.rel @p0 .LBB2_1-.Ltmp5, $4  }
0x1f7: {  	[hbm4b:s7+s2] =	stream.linear.scatter [tilespmem:s28], [sflag:$0x6], $0x2000, $0x38;
	[tilespmem:$0x1A400] =	vst v63  }
0x1f8: {  	_ =	swait.ge [sflag:s9], $0x2000  }
0x1f9: {  	[sflag:s9] =	ssyncset.done $0x0  }
0x1fa: {  	[sflag:s9] =	ssyncadd.s32 $0xFFFFE000  }
0x1fb: {  	_ =	sfence.sel $0x180000  }
0x1fc: {  	[bflag:$0x0] =	sbarrier.arrive $0xFFFF  }
0x1fd: {  	_ =	strace $0x90000047  }
0x1fe: {  	s0 =	stileid.u32;
	[bflag:$0x2] =	sbarrier.arrive $0xFFFF  }
0x1ff: {  	p0 =	sne.s32 s0, $0x0;
	s0 =	rddreg [dreg:$0x1]  }
0x200: {  	s0 =	sadd.s32 @!p0 $0x100000, s0  }
0x201: {  	[sflag:s0] =	ssyncadd.tile.s32 @!p0 $0x1;
	_ =	shalt  }
.Lfunc_end2:
_tile_overlayer_lowered:
.L_overlay_start_2:
0x202: {  	(tag) =	ssettag $0x2  }
0x203: {  	s0 =	rddreg [dreg:$0x0];
	s2 =	stileid.u32  }
0x204: {  	s1 =	rddreg [dreg:$0x1];
	p0 =	sne.s32 s2, $0x0  }
0x205: {  	s3 =	rddreg [dreg:$0x2];
	[bflag:$0x3] =	sbarrier.arrive $0xFFFF;
	s2 =	simm.s32 @!p0 $0x1C06  }
0x206: {  	[timem:s3], [sflag:s2] =	dma.local @!p0 [hbm:s0], s1  }
0x207: {  	s0 =	simm.s32 @!p0 $0x6  }
0x208: {  	_ =	swait.ge @!p0 [sflag:s0], s1  }
0x209: {  	s1 =	ssub.s32 @!p0 $0x0, s1;
	[sflag:s0] =	ssyncset.done @!p0 $0x0  }
0x20a: {  	[sflag:s0] =	ssyncadd.s32 @!p0 s1  }
0x20b: {  	[bflag:$0x3] =	sbarrier.arrive $0xFFFF  }
0x20c: {  	_ =	shalt  }

</sc_bundles>
